<compile_context>
chip_gen: v7x
topology: tpu7x:2x2x1
jax: 0.10.2.dev20260603
libtpu: 0.0.44.dev20260713+nightly
codegen_flags: <defaults>
</compile_context>

<pallas_src>
import jax
import jax.numpy as jnp
from jax import lax
from jax.experimental import pallas as pl
from jax.experimental.pallas import tpu as pltpu
from jax.experimental.pallas import tpu_sc as plsc

NC, NS, L = 2, 16, 16
NW = NC * NS
B, NAT, NBH = 8, 4096, 32
ATOMS_PER_W = (B * NAT) // NW
WPB = NAT // ATOMS_PER_W
CHUNK = 128
NCHUNK = ATOMS_PER_W // CHUNK


def _dist_body(pos_hbm, nbr_hbm, out_hbm, pos_v, nbr_v0, nbr_v1,
               out_v0, out_v1, pos_sem, in_sem0, in_sem1,
               out_sem0, out_sem1):
    nbufs = (nbr_v0, nbr_v1)
    obufs = (out_v0, out_v1)
    isems = (in_sem0, in_sem1)
    osems = (out_sem0, out_sem1)
    wid = lax.axis_index("s") * NC + lax.axis_index("c")
    b = wid // WPB
    atom_base = (wid % WPB) * ATOMS_PER_W
    row_base = wid * ATOMS_PER_W

    pos_h = pltpu.async_copy(pos_hbm.at[pl.ds(b * NAT * 3, NAT * 3)],
                             pos_v.at[pl.ds(0, NAT * 3)], pos_sem)

    def start_in(c):
        return pltpu.async_copy(
            nbr_hbm.at[pl.ds(row_base + c * CHUNK, CHUNK)],
            nbufs[c % 2], isems[c % 2])

    def start_out(c):
        return pltpu.async_copy(
            obufs[c % 2],
            out_hbm.at[pl.ds(row_base + c * CHUNK, CHUNK)],
            osems[c % 2])

    handles_in = {0: start_in(0)}
    pos_h.wait()
    handles_out = {}
    for c in range(NCHUNK):
        if c + 1 < NCHUNK:
            handles_in[c + 1] = start_in(c + 1)
        handles_in.pop(c).wait()
        if c - 2 in handles_out:
            handles_out.pop(c - 2).wait()
        nv = nbufs[c % 2]
        ov = obufs[c % 2]
        cbase = (atom_base + c * CHUNK) * 3

        @plsc.parallel_loop(0, CHUNK, unroll=4)
        def atom(a):
            cv = pos_v[pl.ds(cbase + a * 3, L)]
            cx = cv[0]
            cy = cv[1]
            cz = cv[2]
            for h in range(NBH // L):
                nbr3 = nv[a, pl.ds(h * L, L)] * 3
                gx = plsc.load_gather(pos_v, [nbr3])
                gy = plsc.load_gather(pos_v, [nbr3 + 1])
                gz = plsc.load_gather(pos_v, [nbr3 + 2])
                dx = gx - cx
                dy = gy - cy
                dz = gz - cz
                s = dx * dx + dy * dy + dz * dz
                sc = jnp.maximum(s, 1e-30)
                bits = plsc.bitcast(sc, jnp.int32)
                y = plsc.bitcast(
                    0x5F3759DF - lax.shift_right_logical(bits, 1),
                    jnp.float32)
                half_s = 0.5 * sc
                y = y * (1.5 - half_s * y * y)
                y = y * (1.5 - half_s * y * y)
                ov[a, pl.ds(h * L, L)] = s * y

        handles_out[c] = start_out(c)
    for c in sorted(handles_out):
        handles_out.pop(c).wait()


def kernel(positions, neighbors):
    pos = positions.reshape(B * NAT * 3)
    nbr = neighbors.astype(jnp.int32).reshape(B * NAT, NBH)
    mesh = plsc.VectorSubcoreMesh(
        core_axis_name="c", subcore_axis_name="s",
        num_cores=NC, num_subcores=NS,
    )
    out = pl.kernel(
        _dist_body,
        out_type=jax.ShapeDtypeStruct((B * NAT, NBH), jnp.float32),
        mesh=mesh,
        scratch_types=[
            pltpu.VMEM((NAT * 3 + L,), jnp.float32),
            pltpu.VMEM((CHUNK, NBH), jnp.int32),
            pltpu.VMEM((CHUNK, NBH), jnp.int32),
            pltpu.VMEM((CHUNK, NBH), jnp.float32),
            pltpu.VMEM((CHUNK, NBH), jnp.float32),
            pltpu.SemaphoreType.DMA,
            pltpu.SemaphoreType.DMA,
            pltpu.SemaphoreType.DMA,
            pltpu.SemaphoreType.DMA,
            pltpu.SemaphoreType.DMA,
        ],
        compiler_params=pltpu.CompilerParams(
            needs_layout_passes=False, use_tc_tiling_on_sc=True),
    )(pos, nbr)
    return out.reshape(B, NAT, NBH)

# --- scband reference (transcript-rebuilt; emitter-appended) ---
"""Pipeline reference for scband-atom-distances-16234976379048 (READ-ONLY COPY).

The authoritative reference and input builder live on the scoring server;
editing this copy changes nothing except your own understanding.
"""

import jax, jax.numpy as jnp
import numpy as np


def setup_inputs(seed: int = 0) -> dict:
    key = jax.random.key(seed)
    k1, k2 = jax.random.split(key)
    positions = jax.random.normal(k1, (8, 4096, 3), dtype=jnp.float32)
    neighbors = jax.random.randint(k2, (8, 4096, 32), 0, 4096, dtype=jnp.int64)
    return {"positions": positions, "neighbors": neighbors}


def reference(positions, neighbors):
    # positions: (B, N_at, 3) float32
    # neighbors: (B, N_at, N_nbh) int64
    n_batch = positions.shape[0]
    idx_m = jnp.arange(n_batch, dtype=jnp.int64)[:, None, None]
    # advanced indexing gather: (B, N_at, N_nbh, 3)
    pos_xyz = positions[idx_m, neighbors, :]
    dist_vec = pos_xyz - positions[:, :, None, :]
    # torch.norm(dist_vec, 2, 3): L2 norm along last axis -> (B, N_at, N_nbh)
    distances = jnp.sqrt(jnp.sum(dist_vec * dist_vec, axis=3))
    return distances

if __name__ == "__main__":
    import jax
    _d = setup_inputs()
    print(jax.jit(kernel)(*tuple(_d.values())))

</pallas_src>

<mosaic_0001>
#map = affine_map<(d0, d1) -> (0)>
#map1 = affine_map<(d0, d1) -> (0, 0)>
module attributes {stable_mosaic.version = 14 : i64} {
  func.func @_dist_body(%arg0: i32, %arg1: i32, %arg2: memref<98304xf32, #tpu.memory_space<hbm>>, %arg3: memref<32768x32xi32, #tpu.memory_space<hbm>>, %arg4: memref<32768x32xf32, #tpu.memory_space<hbm>>, %arg5: memref<12304xf32, #tpu.memory_space<vmem>>, %arg6: memref<128x32xi32, #tpu.memory_space<vmem>>, %arg7: memref<128x32xi32, #tpu.memory_space<vmem>>, %arg8: memref<128x32xf32, #tpu.memory_space<vmem>>, %arg9: memref<128x32xf32, #tpu.memory_space<vmem>>, %arg10: memref<!tpu.dma_semaphore, #tpu.memory_space<semaphore_mem>>, %arg11: memref<!tpu.dma_semaphore, #tpu.memory_space<semaphore_mem>>, %arg12: memref<!tpu.dma_semaphore, #tpu.memory_space<semaphore_mem>>, %arg13: memref<!tpu.dma_semaphore, #tpu.memory_space<semaphore_mem>>, %arg14: memref<!tpu.dma_semaphore, #tpu.memory_space<semaphore_mem>>) attributes {dimension_semantics = [#tpu.dimension_semantics<core_parallel>, #tpu.dimension_semantics<subcore_parallel>], iteration_bounds = array<i64: 2, 16>, scalar_prefetch = 0 : i64, scratch_operands = 10 : i64, tpu.core_type = #tpu.core_type<sc_vector_subcore>, window_params = [{transform_indices = #map}, {transform_indices = #map1}, {transform_indices = #map1}]} {
    %mul3A = arith.constant 2 : i32
    %mul3A_0 = arith.muli %arg1, %mul3A : i32
    %add3A = arith.addi %mul3A_0, %arg0 : i32
    %jit3A = arith.constant 4 : i32
    %div3A = arith.divsi %add3A, %jit3A : i32
    %sign3A = arith.constant 0 : i32
    %sign3A_1 = arith.cmpi sgt, %add3A, %sign3A : i32
    %sign3A_2 = arith.extui %sign3A_1 : i1 to i32
    %sign3A_3 = arith.constant 0 : i32
    %sign3A_4 = arith.cmpi slt, %add3A, %sign3A_3 : i32
    %sign3A_5 = arith.extui %sign3A_4 : i1 to i32
    %sign3A_6 = arith.subi %sign3A_2, %sign3A_5 : i32
    %sign3A_7 = arith.constant 0 : i32
    %sign3A_8 = arith.cmpi sgt, %jit3A, %sign3A_7 : i32
    %sign3A_9 = arith.extui %sign3A_8 : i1 to i32
    %sign3A_10 = arith.constant 0 : i32
    %sign3A_11 = arith.cmpi slt, %jit3A, %sign3A_10 : i32
    %sign3A_12 = arith.extui %sign3A_11 : i1 to i32
    %sign3A_13 = arith.subi %sign3A_9, %sign3A_12 : i32
    %ne3A = arith.cmpi ne, %sign3A_6, %sign3A_13 : i32
    %rem3A = arith.remsi %add3A, %jit3A : i32
    %ne3A_14 = arith.constant 0 : i32
    %ne3A_15 = arith.cmpi ne, %rem3A, %ne3A_14 : i32
    %and3A = arith.andi %ne3A, %ne3A_15 : i1
    %sub3A = arith.constant 1 : i32
    %sub3A_16 = arith.subi %div3A, %sub3A : i32
    %select_n3A = arith.select %and3A, %sub3A_16, %div3A : i32
    %jit3A_17 = arith.constant 4 : i32
    %eq3A = arith.constant 0 : i32
    %eq3A_18 = arith.cmpi eq, %jit3A_17, %eq3A : i32
    %jit3A_19 = arith.constant 1 : i32
    %select_n3A_20 = arith.select %eq3A_18, %jit3A_19, %jit3A_17 : i32
    %rem3A_21 = arith.remsi %add3A, %select_n3A_20 : i32
    %ne3A_22 = arith.constant 0 : i32
    %ne3A_23 = arith.cmpi ne, %rem3A_21, %ne3A_22 : i32
    %lt3A = arith.constant 0 : i32
    %lt3A_24 = arith.cmpi slt, %rem3A_21, %lt3A : i32
    %lt3A_25 = arith.constant 0 : i32
    %lt3A_26 = arith.cmpi slt, %select_n3A_20, %lt3A_25 : i32
    %ne3A_27 = arith.xori %lt3A_24, %lt3A_26 : i1
    %and3A_28 = arith.andi %ne3A_27, %ne3A_23 : i1
    %add3A_29 = arith.addi %rem3A_21, %select_n3A_20 : i32
    %select_n3A_30 = arith.select %and3A_28, %add3A_29, %rem3A_21 : i32
    %mul3A_31 = arith.constant 1024 : i32
    %mul3A_32 = arith.muli %select_n3A_30, %mul3A_31 : i32
    %mul3A_33 = arith.constant 1024 : i32
    %mul3A_34 = arith.muli %add3A, %mul3A_33 : i32
    %mul3A_35 = arith.constant 4096 : i32
    %mul3A_36 = arith.muli %select_n3A, %mul3A_35 : i32
    %mul3A_37 = arith.constant 3 : i32
    %mul3A_38 = arith.muli %mul3A_36, %mul3A_37 : i32
    %dma_start3A = arith.constant 0 : i32
    %dma_start3A_39 = tpu.memref_slice %arg5[%dma_start3A] : memref<12304xf32, #tpu.memory_space<vmem>> -> memref<12288xf32, #tpu.memory_space<vmem>>
    %dma_start3A_40 = tpu.memref_slice %arg2[%mul3A_38] : memref<98304xf32, #tpu.memory_space<hbm>> -> memref<12288xf32, #tpu.memory_space<hbm>>
    %dma_start3A_41 = arith.constant 0 : i32
    %dma_start3A_42 = tpu.memref_slice %arg5[%dma_start3A_41] : memref<12304xf32, #tpu.memory_space<vmem>> -> memref<12288xf32, #tpu.memory_space<vmem>>
    %dma_start3A_43 = tpu.memref_slice %arg2[%mul3A_38] : memref<98304xf32, #tpu.memory_space<hbm>> -> memref<12288xf32, #tpu.memory_space<hbm>>
    tpu.enqueue_dma source(%dma_start3A_43 : memref<12288xf32, #tpu.memory_space<hbm>>) target(%dma_start3A_42 : memref<12288xf32, #tpu.memory_space<vmem>>) target_semaphore(%arg10 : memref<!tpu.dma_semaphore, #tpu.memory_space<semaphore_mem>>)
    %add3A_44 = arith.constant 0 : i32
    %add3A_45 = arith.addi %mul3A_34, %add3A_44 : i32
    %dma_start3A_46 = arith.constant 0 : i32
    %dma_start3A_47 = tpu.memref_slice %arg3[%add3A_45, %dma_start3A_46] : memref<32768x32xi32, #tpu.memory_space<hbm>> -> memref<128x32xi32, #tpu.memory_space<hbm>>
    %dma_start3A_48 = arith.constant 0 : i32
    %dma_start3A_49 = tpu.memref_slice %arg3[%add3A_45, %dma_start3A_48] : memref<32768x32xi32, #tpu.memory_space<hbm>> -> memref<128x32xi32, #tpu.memory_space<hbm>>
    tpu.enqueue_dma source(%dma_start3A_49 : memref<128x32xi32, #tpu.memory_space<hbm>>) target(%arg6 : memref<128x32xi32, #tpu.memory_space<vmem>>) target_semaphore(%arg11 : memref<!tpu.dma_semaphore, #tpu.memory_space<semaphore_mem>>)
    %dma_wait3A = arith.constant 0 : i32
    %dma_wait3A_50 = tpu.memref_slice %arg5[%dma_wait3A] : memref<12304xf32, #tpu.memory_space<vmem>> -> memref<12288xf32, #tpu.memory_space<vmem>>
    %dma_wait3A_51 = tpu.memref_slice %arg2[%mul3A_38] : memref<98304xf32, #tpu.memory_space<hbm>> -> memref<12288xf32, #tpu.memory_space<hbm>>
    %dma_wait3A_52 = arith.constant 0 : i32
    %dma_wait3A_53 = tpu.memref_slice %arg5[%dma_wait3A_52] : memref<12304xf32, #tpu.memory_space<vmem>> -> memref<12288xf32, #tpu.memory_space<vmem>>
    %dma_wait3A_54 = tpu.memref_slice %arg2[%mul3A_38] : memref<98304xf32, #tpu.memory_space<hbm>> -> memref<12288xf32, #tpu.memory_space<hbm>>
    tpu.wait_dma2 semaphore(%arg10 : memref<!tpu.dma_semaphore, #tpu.memory_space<semaphore_mem>>) src(%dma_wait3A_54 : memref<12288xf32, #tpu.memory_space<hbm>>) dst(%dma_wait3A_53 : memref<12288xf32, #tpu.memory_space<vmem>>)
    %add3A_55 = arith.constant 128 : i32
    %add3A_56 = arith.addi %mul3A_34, %add3A_55 : i32
    %dma_start3A_57 = arith.constant 0 : i32
    %dma_start3A_58 = tpu.memref_slice %arg3[%add3A_56, %dma_start3A_57] : memref<32768x32xi32, #tpu.memory_space<hbm>> -> memref<128x32xi32, #tpu.memory_space<hbm>>
    %dma_start3A_59 = arith.constant 0 : i32
    %dma_start3A_60 = tpu.memref_slice %arg3[%add3A_56, %dma_start3A_59] : memref<32768x32xi32, #tpu.memory_space<hbm>> -> memref<128x32xi32, #tpu.memory_space<hbm>>
    tpu.enqueue_dma source(%dma_start3A_60 : memref<128x32xi32, #tpu.memory_space<hbm>>) target(%arg7 : memref<128x32xi32, #tpu.memory_space<vmem>>) target_semaphore(%arg12 : memref<!tpu.dma_semaphore, #tpu.memory_space<semaphore_mem>>)
    %dma_wait3A_61 = arith.constant 0 : i32
    %dma_wait3A_62 = tpu.memref_slice %arg3[%add3A_45, %dma_wait3A_61] : memref<32768x32xi32, #tpu.memory_space<hbm>> -> memref<128x32xi32, #tpu.memory_space<hbm>>
    %dma_wait3A_63 = arith.constant 0 : i32
    %dma_wait3A_64 = tpu.memref_slice %arg3[%add3A_45, %dma_wait3A_63] : memref<32768x32xi32, #tpu.memory_space<hbm>> -> memref<128x32xi32, #tpu.memory_space<hbm>>
    tpu.wait_dma2 semaphore(%arg11 : memref<!tpu.dma_semaphore, #tpu.memory_space<semaphore_mem>>) src(%dma_wait3A_64 : memref<128x32xi32, #tpu.memory_space<hbm>>) dst(%arg6 : memref<128x32xi32, #tpu.memory_space<vmem>>)
    %add3A_65 = arith.constant 0 : i32
    %add3A_66 = arith.addi %mul3A_32, %add3A_65 : i32
    %mul3A_67 = arith.constant 3 : i32
    %mul3A_68 = arith.muli %add3A_66, %mul3A_67 : i32
    %parallel_loop3A = arith.constant 0 : i32
    %parallel_loop3A_69 = arith.constant 128 : i32
    %parallel_loop3A_70 = arith.constant 1 : i32
    scf.for %parallel_loop3A_264 = %parallel_loop3A to %parallel_loop3A_69 step %parallel_loop3A_70  : i32 {
      %parallel_loop3A_265 = arith.constant 3 : i32
      %parallel_loop3A_266 = arith.muli %parallel_loop3A_264, %parallel_loop3A_265 : i32
      %parallel_loop3A_267 = arith.addi %mul3A_68, %parallel_loop3A_266 : i32
      %parallel_loop3A_268 = arith.index_cast %parallel_loop3A_267 : i32 to index
      %parallel_loop3A_269 = tpu.vector_load %arg5[%parallel_loop3A_268] {strides = array<i32>} : memref<12304xf32, #tpu.memory_space<vmem>>, vector<16xf32>,
      %parallel_loop3A_270 = vector.extract_strided_slice %parallel_loop3A_269 {offsets = [0], sizes = [1], strides = [1]} : vector<16xf32> to vector<1xf32>
      %parallel_loop3A_271 = vector.extract %parallel_loop3A_270[0] : f32 from vector<1xf32>
      %parallel_loop3A_272 = vector.extract_strided_slice %parallel_loop3A_269 {offsets = [1], sizes = [1], strides = [1]} : vector<16xf32> to vector<1xf32>
      %parallel_loop3A_273 = vector.extract %parallel_loop3A_272[0] : f32 from vector<1xf32>
      %parallel_loop3A_274 = vector.extract_strided_slice %parallel_loop3A_269 {offsets = [2], sizes = [1], strides = [1]} : vector<16xf32> to vector<1xf32>
      %parallel_loop3A_275 = vector.extract %parallel_loop3A_274[0] : f32 from vector<1xf32>
      %parallel_loop3A_276 = arith.index_cast %parallel_loop3A_264 : i32 to index
      %parallel_loop3A_277 = arith.constant 0 : index
      %parallel_loop3A_278 = tpu.vector_load %arg6[%parallel_loop3A_276, %parallel_loop3A_277] {strides = array<i32>} : memref<128x32xi32, #tpu.memory_space<vmem>>, vector<16xi32>,
      %parallel_loop3A_279 = arith.constant 3 : i32
      %parallel_loop3A_280 = vector.broadcast %parallel_loop3A_279 : i32 to vector<16xi32>
      %parallel_loop3A_281 = arith.muli %parallel_loop3A_278, %parallel_loop3A_280 : vector<16xi32>
      %parallel_loop3A_282 = tpu.vector_load_idx %arg5[%parallel_loop3A_281] : memref<12304xf32, #tpu.memory_space<vmem>>[vector<16xi32>], vector<16xf32>,
      %parallel_loop3A_283 = arith.constant 1 : i32
      %parallel_loop3A_284 = vector.broadcast %parallel_loop3A_283 : i32 to vector<16xi32>
      %parallel_loop3A_285 = arith.addi %parallel_loop3A_281, %parallel_loop3A_284 : vector<16xi32>
      %parallel_loop3A_286 = tpu.vector_load_idx %arg5[%parallel_loop3A_285] : memref<12304xf32, #tpu.memory_space<vmem>>[vector<16xi32>], vector<16xf32>,
      %parallel_loop3A_287 = arith.constant 2 : i32
      %parallel_loop3A_288 = vector.broadcast %parallel_loop3A_287 : i32 to vector<16xi32>
      %parallel_loop3A_289 = arith.addi %parallel_loop3A_281, %parallel_loop3A_288 : vector<16xi32>
      %parallel_loop3A_290 = tpu.vector_load_idx %arg5[%parallel_loop3A_289] : memref<12304xf32, #tpu.memory_space<vmem>>[vector<16xi32>], vector<16xf32>,
      %parallel_loop3A_291 = vector.broadcast %parallel_loop3A_271 : f32 to vector<16xf32>
      %parallel_loop3A_292 = arith.subf %parallel_loop3A_282, %parallel_loop3A_291 : vector<16xf32>
      %parallel_loop3A_293 = vector.broadcast %parallel_loop3A_273 : f32 to vector<16xf32>
      %parallel_loop3A_294 = arith.subf %parallel_loop3A_286, %parallel_loop3A_293 : vector<16xf32>
      %parallel_loop3A_295 = vector.broadcast %parallel_loop3A_275 : f32 to vector<16xf32>
      %parallel_loop3A_296 = arith.subf %parallel_loop3A_290, %parallel_loop3A_295 : vector<16xf32>
      %parallel_loop3A_297 = arith.mulf %parallel_loop3A_292, %parallel_loop3A_292 : vector<16xf32>
      %parallel_loop3A_298 = arith.mulf %parallel_loop3A_294, %parallel_loop3A_294 : vector<16xf32>
      %parallel_loop3A_299 = arith.addf %parallel_loop3A_297, %parallel_loop3A_298 : vector<16xf32>
      %parallel_loop3A_300 = arith.mulf %parallel_loop3A_296, %parallel_loop3A_296 : vector<16xf32>
      %parallel_loop3A_301 = arith.addf %parallel_loop3A_299, %parallel_loop3A_300 : vector<16xf32>
      %parallel_loop3A_302 = arith.constant 1.000000e-30 : f32
      %parallel_loop3A_303 = vector.broadcast %parallel_loop3A_302 : f32 to vector<16xf32>
      %parallel_loop3A_304 = arith.maximumf %parallel_loop3A_301, %parallel_loop3A_303 : vector<16xf32>
      %parallel_loop3A_305 = vector.bitcast %parallel_loop3A_304 : vector<16xf32> to vector<16xi32>
      %parallel_loop3A_306 = arith.constant 1 : i32
      %parallel_loop3A_307 = vector.broadcast %parallel_loop3A_306 : i32 to vector<16xi32>
      %parallel_loop3A_308 = arith.shrui %parallel_loop3A_305, %parallel_loop3A_307 : vector<16xi32>
      %parallel_loop3A_309 = arith.constant 1597463007 : i32
      %parallel_loop3A_310 = vector.broadcast %parallel_loop3A_309 : i32 to vector<16xi32>
      %parallel_loop3A_311 = arith.subi %parallel_loop3A_310, %parallel_loop3A_308 : vector<16xi32>
      %parallel_loop3A_312 = vector.bitcast %parallel_loop3A_311 : vector<16xi32> to vector<16xf32>
      %parallel_loop3A_313 = arith.constant 5.000000e-01 : f32
      %parallel_loop3A_314 = vector.broadcast %parallel_loop3A_313 : f32 to vector<16xf32>
      %parallel_loop3A_315 = arith.mulf %parallel_loop3A_314, %parallel_loop3A_304 : vector<16xf32>
      %parallel_loop3A_316 = arith.mulf %parallel_loop3A_315, %parallel_loop3A_312 : vector<16xf32>
      %parallel_loop3A_317 = arith.mulf %parallel_loop3A_316, %parallel_loop3A_312 : vector<16xf32>
      %parallel_loop3A_318 = arith.constant 1.500000e+00 : f32
      %parallel_loop3A_319 = vector.broadcast %parallel_loop3A_318 : f32 to vector<16xf32>
      %parallel_loop3A_320 = arith.subf %parallel_loop3A_319, %parallel_loop3A_317 : vector<16xf32>
      %parallel_loop3A_321 = arith.mulf %parallel_loop3A_312, %parallel_loop3A_320 : vector<16xf32>
      %parallel_loop3A_322 = arith.mulf %parallel_loop3A_315, %parallel_loop3A_321 : vector<16xf32>
      %parallel_loop3A_323 = arith.mulf %parallel_loop3A_322, %parallel_loop3A_321 : vector<16xf32>
      %parallel_loop3A_324 = arith.constant 1.500000e+00 : f32
      %parallel_loop3A_325 = vector.broadcast %parallel_loop3A_324 : f32 to vector<16xf32>
      %parallel_loop3A_326 = arith.subf %parallel_loop3A_325, %parallel_loop3A_323 : vector<16xf32>
      %parallel_loop3A_327 = arith.mulf %parallel_loop3A_321, %parallel_loop3A_326 : vector<16xf32>
      %parallel_loop3A_328 = arith.mulf %parallel_loop3A_301, %parallel_loop3A_327 : vector<16xf32>
      %parallel_loop3A_329 = arith.index_cast %parallel_loop3A_264 : i32 to index
      %parallel_loop3A_330 = arith.constant 0 : index
      %parallel_loop3A_331 = tpu.vector_load %arg8[%parallel_loop3A_329, %parallel_loop3A_330] {strides = array<i32>} : memref<128x32xf32, #tpu.memory_space<vmem>>, vector<16xf32>,
      tpu.vector_store %arg8[%parallel_loop3A_329, %parallel_loop3A_330], %parallel_loop3A_328 {strides = array<i32>} : memref<128x32xf32, #tpu.memory_space<vmem>>, vector<16xf32>,
      %parallel_loop3A_332 = arith.index_cast %parallel_loop3A_264 : i32 to index
      %parallel_loop3A_333 = arith.constant 16 : index
      %parallel_loop3A_334 = tpu.vector_load %arg6[%parallel_loop3A_332, %parallel_loop3A_333] {strides = array<i32>} : memref<128x32xi32, #tpu.memory_space<vmem>>, vector<16xi32>,
      %parallel_loop3A_335 = arith.constant 3 : i32
      %parallel_loop3A_336 = vector.broadcast %parallel_loop3A_335 : i32 to vector<16xi32>
      %parallel_loop3A_337 = arith.muli %parallel_loop3A_334, %parallel_loop3A_336 : vector<16xi32>
      %parallel_loop3A_338 = tpu.vector_load_idx %arg5[%parallel_loop3A_337] : memref<12304xf32, #tpu.memory_space<vmem>>[vector<16xi32>], vector<16xf32>,
      %parallel_loop3A_339 = arith.constant 1 : i32
      %parallel_loop3A_340 = vector.broadcast %parallel_loop3A_339 : i32 to vector<16xi32>
      %parallel_loop3A_341 = arith.addi %parallel_loop3A_337, %parallel_loop3A_340 : vector<16xi32>
      %parallel_loop3A_342 = tpu.vector_load_idx %arg5[%parallel_loop3A_341] : memref<12304xf32, #tpu.memory_space<vmem>>[vector<16xi32>], vector<16xf32>,
      %parallel_loop3A_343 = arith.constant 2 : i32
      %parallel_loop3A_344 = vector.broadcast %parallel_loop3A_343 : i32 to vector<16xi32>
      %parallel_loop3A_345 = arith.addi %parallel_loop3A_337, %parallel_loop3A_344 : vector<16xi32>
      %parallel_loop3A_346 = tpu.vector_load_idx %arg5[%parallel_loop3A_345] : memref<12304xf32, #tpu.memory_space<vmem>>[vector<16xi32>], vector<16xf32>,
      %parallel_loop3A_347 = vector.broadcast %parallel_loop3A_271 : f32 to vector<16xf32>
      %parallel_loop3A_348 = arith.subf %parallel_loop3A_338, %parallel_loop3A_347 : vector<16xf32>
      %parallel_loop3A_349 = vector.broadcast %parallel_loop3A_273 : f32 to vector<16xf32>
      %parallel_loop3A_350 = arith.subf %parallel_loop3A_342, %parallel_loop3A_349 : vector<16xf32>
      %parallel_loop3A_351 = vector.broadcast %parallel_loop3A_275 : f32 to vector<16xf32>
      %parallel_loop3A_352 = arith.subf %parallel_loop3A_346, %parallel_loop3A_351 : vector<16xf32>
      %parallel_loop3A_353 = arith.mulf %parallel_loop3A_348, %parallel_loop3A_348 : vector<16xf32>
      %parallel_loop3A_354 = arith.mulf %parallel_loop3A_350, %parallel_loop3A_350 : vector<16xf32>
      %parallel_loop3A_355 = arith.addf %parallel_loop3A_353, %parallel_loop3A_354 : vector<16xf32>
      %parallel_loop3A_356 = arith.mulf %parallel_loop3A_352, %parallel_loop3A_352 : vector<16xf32>
      %parallel_loop3A_357 = arith.addf %parallel_loop3A_355, %parallel_loop3A_356 : vector<16xf32>
      %parallel_loop3A_358 = arith.constant 1.000000e-30 : f32
      %parallel_loop3A_359 = vector.broadcast %parallel_loop3A_358 : f32 to vector<16xf32>
      %parallel_loop3A_360 = arith.maximumf %parallel_loop3A_357, %parallel_loop3A_359 : vector<16xf32>
      %parallel_loop3A_361 = vector.bitcast %parallel_loop3A_360 : vector<16xf32> to vector<16xi32>
      %parallel_loop3A_362 = arith.constant 1 : i32
      %parallel_loop3A_363 = vector.broadcast %parallel_loop3A_362 : i32 to vector<16xi32>
      %parallel_loop3A_364 = arith.shrui %parallel_loop3A_361, %parallel_loop3A_363 : vector<16xi32>
      %parallel_loop3A_365 = arith.constant 1597463007 : i32
      %parallel_loop3A_366 = vector.broadcast %parallel_loop3A_365 : i32 to vector<16xi32>
      %parallel_loop3A_367 = arith.subi %parallel_loop3A_366, %parallel_loop3A_364 : vector<16xi32>
      %parallel_loop3A_368 = vector.bitcast %parallel_loop3A_367 : vector<16xi32> to vector<16xf32>
      %parallel_loop3A_369 = arith.constant 5.000000e-01 : f32
      %parallel_loop3A_370 = vector.broadcast %parallel_loop3A_369 : f32 to vector<16xf32>
      %parallel_loop3A_371 = arith.mulf %parallel_loop3A_370, %parallel_loop3A_360 : vector<16xf32>
      %parallel_loop3A_372 = arith.mulf %parallel_loop3A_371, %parallel_loop3A_368 : vector<16xf32>
      %parallel_loop3A_373 = arith.mulf %parallel_loop3A_372, %parallel_loop3A_368 : vector<16xf32>
      %parallel_loop3A_374 = arith.constant 1.500000e+00 : f32
      %parallel_loop3A_375 = vector.broadcast %parallel_loop3A_374 : f32 to vector<16xf32>
      %parallel_loop3A_376 = arith.subf %parallel_loop3A_375, %parallel_loop3A_373 : vector<16xf32>
      %parallel_loop3A_377 = arith.mulf %parallel_loop3A_368, %parallel_loop3A_376 : vector<16xf32>
      %parallel_loop3A_378 = arith.mulf %parallel_loop3A_371, %parallel_loop3A_377 : vector<16xf32>
      %parallel_loop3A_379 = arith.mulf %parallel_loop3A_378, %parallel_loop3A_377 : vector<16xf32>
      %parallel_loop3A_380 = arith.constant 1.500000e+00 : f32
      %parallel_loop3A_381 = vector.broadcast %parallel_loop3A_380 : f32 to vector<16xf32>
      %parallel_loop3A_382 = arith.subf %parallel_loop3A_381, %parallel_loop3A_379 : vector<16xf32>
      %parallel_loop3A_383 = arith.mulf %parallel_loop3A_377, %parallel_loop3A_382 : vector<16xf32>
      %parallel_loop3A_384 = arith.mulf %parallel_loop3A_357, %parallel_loop3A_383 : vector<16xf32>
      %parallel_loop3A_385 = arith.index_cast %parallel_loop3A_264 : i32 to index
      %parallel_loop3A_386 = arith.constant 16 : index
      %parallel_loop3A_387 = tpu.vector_load %arg8[%parallel_loop3A_385, %parallel_loop3A_386] {strides = array<i32>} : memref<128x32xf32, #tpu.memory_space<vmem>>, vector<16xf32>,
      tpu.vector_store %arg8[%parallel_loop3A_385, %parallel_loop3A_386], %parallel_loop3A_384 {strides = array<i32>} : memref<128x32xf32, #tpu.memory_space<vmem>>, vector<16xf32>,
    } {sc.loop_unroll_factor = 4 : i64, sc.parallel_access}
    %add3A_71 = arith.constant 0 : i32
    %add3A_72 = arith.addi %mul3A_34, %add3A_71 : i32
    %dma_start3A_73 = arith.constant 0 : i32
    %dma_start3A_74 = tpu.memref_slice %arg4[%add3A_72, %dma_start3A_73] : memref<32768x32xf32, #tpu.memory_space<hbm>> -> memref<128x32xf32, #tpu.memory_space<hbm>>
    %dma_start3A_75 = arith.constant 0 : i32
    %dma_start3A_76 = tpu.memref_slice %arg4[%add3A_72, %dma_start3A_75] : memref<32768x32xf32, #tpu.memory_space<hbm>> -> memref<128x32xf32, #tpu.memory_space<hbm>>
    tpu.enqueue_dma source(%arg8 : memref<128x32xf32, #tpu.memory_space<vmem>>) target(%dma_start3A_76 : memref<128x32xf32, #tpu.memory_space<hbm>>) target_semaphore(%arg13 : memref<!tpu.dma_semaphore, #tpu.memory_space<semaphore_mem>>)
    %add3A_77 = arith.constant 256 : i32
    %add3A_78 = arith.addi %mul3A_34, %add3A_77 : i32
    %dma_start3A_79 = arith.constant 0 : i32
    %dma_start3A_80 = tpu.memref_slice %arg3[%add3A_78, %dma_start3A_79] : memref<32768x32xi32, #tpu.memory_space<hbm>> -> memref<128x32xi32, #tpu.memory_space<hbm>>
    %dma_start3A_81 = arith.constant 0 : i32
    %dma_start3A_82 = tpu.memref_slice %arg3[%add3A_78, %dma_start3A_81] : memref<32768x32xi32, #tpu.memory_space<hbm>> -> memref<128x32xi32, #tpu.memory_space<hbm>>
    tpu.enqueue_dma source(%dma_start3A_82 : memref<128x32xi32, #tpu.memory_space<hbm>>) target(%arg6 : memref<128x32xi32, #tpu.memory_space<vmem>>) target_semaphore(%arg11 : memref<!tpu.dma_semaphore, #tpu.memory_space<semaphore_mem>>)
    %dma_wait3A_83 = arith.constant 0 : i32
    %dma_wait3A_84 = tpu.memref_slice %arg3[%add3A_56, %dma_wait3A_83] : memref<32768x32xi32, #tpu.memory_space<hbm>> -> memref<128x32xi32, #tpu.memory_space<hbm>>
    %dma_wait3A_85 = arith.constant 0 : i32
    %dma_wait3A_86 = tpu.memref_slice %arg3[%add3A_56, %dma_wait3A_85] : memref<32768x32xi32, #tpu.memory_space<hbm>> -> memref<128x32xi32, #tpu.memory_space<hbm>>
    tpu.wait_dma2 semaphore(%arg12 : memref<!tpu.dma_semaphore, #tpu.memory_space<semaphore_mem>>) src(%dma_wait3A_86 : memref<128x32xi32, #tpu.memory_space<hbm>>) dst(%arg7 : memref<128x32xi32, #tpu.memory_space<vmem>>)
    %add3A_87 = arith.constant 128 : i32
    %add3A_88 = arith.addi %mul3A_32, %add3A_87 : i32
    %mul3A_89 = arith.constant 3 : i32
    %mul3A_90 = arith.muli %add3A_88, %mul3A_89 : i32
    %parallel_loop3A_91 = arith.constant 0 : i32
    %parallel_loop3A_92 = arith.constant 128 : i32
    %parallel_loop3A_93 = arith.constant 1 : i32
    scf.for %parallel_loop3A_264 = %parallel_loop3A_91 to %parallel_loop3A_92 step %parallel_loop3A_93  : i32 {
      %parallel_loop3A_265 = arith.constant 3 : i32
      %parallel_loop3A_266 = arith.muli %parallel_loop3A_264, %parallel_loop3A_265 : i32
      %parallel_loop3A_267 = arith.addi %mul3A_90, %parallel_loop3A_266 : i32
      %parallel_loop3A_268 = arith.index_cast %parallel_loop3A_267 : i32 to index
      %parallel_loop3A_269 = tpu.vector_load %arg5[%parallel_loop3A_268] {strides = array<i32>} : memref<12304xf32, #tpu.memory_space<vmem>>, vector<16xf32>,
      %parallel_loop3A_270 = vector.extract_strided_slice %parallel_loop3A_269 {offsets = [0], sizes = [1], strides = [1]} : vector<16xf32> to vector<1xf32>
      %parallel_loop3A_271 = vector.extract %parallel_loop3A_270[0] : f32 from vector<1xf32>
      %parallel_loop3A_272 = vector.extract_strided_slice %parallel_loop3A_269 {offsets = [1], sizes = [1], strides = [1]} : vector<16xf32> to vector<1xf32>
      %parallel_loop3A_273 = vector.extract %parallel_loop3A_272[0] : f32 from vector<1xf32>
      %parallel_loop3A_274 = vector.extract_strided_slice %parallel_loop3A_269 {offsets = [2], sizes = [1], strides = [1]} : vector<16xf32> to vector<1xf32>
      %parallel_loop3A_275 = vector.extract %parallel_loop3A_274[0] : f32 from vector<1xf32>
      %parallel_loop3A_276 = arith.index_cast %parallel_loop3A_264 : i32 to index
      %parallel_loop3A_277 = arith.constant 0 : index
      %parallel_loop3A_278 = tpu.vector_load %arg7[%parallel_loop3A_276, %parallel_loop3A_277] {strides = array<i32>} : memref<128x32xi32, #tpu.memory_space<vmem>>, vector<16xi32>,
      %parallel_loop3A_279 = arith.constant 3 : i32
      %parallel_loop3A_280 = vector.broadcast %parallel_loop3A_279 : i32 to vector<16xi32>
      %parallel_loop3A_281 = arith.muli %parallel_loop3A_278, %parallel_loop3A_280 : vector<16xi32>
      %parallel_loop3A_282 = tpu.vector_load_idx %arg5[%parallel_loop3A_281] : memref<12304xf32, #tpu.memory_space<vmem>>[vector<16xi32>], vector<16xf32>,
      %parallel_loop3A_283 = arith.constant 1 : i32
      %parallel_loop3A_284 = vector.broadcast %parallel_loop3A_283 : i32 to vector<16xi32>
      %parallel_loop3A_285 = arith.addi %parallel_loop3A_281, %parallel_loop3A_284 : vector<16xi32>
      %parallel_loop3A_286 = tpu.vector_load_idx %arg5[%parallel_loop3A_285] : memref<12304xf32, #tpu.memory_space<vmem>>[vector<16xi32>], vector<16xf32>,
      %parallel_loop3A_287 = arith.constant 2 : i32
      %parallel_loop3A_288 = vector.broadcast %parallel_loop3A_287 : i32 to vector<16xi32>
      %parallel_loop3A_289 = arith.addi %parallel_loop3A_281, %parallel_loop3A_288 : vector<16xi32>
      %parallel_loop3A_290 = tpu.vector_load_idx %arg5[%parallel_loop3A_289] : memref<12304xf32, #tpu.memory_space<vmem>>[vector<16xi32>], vector<16xf32>,
      %parallel_loop3A_291 = vector.broadcast %parallel_loop3A_271 : f32 to vector<16xf32>
      %parallel_loop3A_292 = arith.subf %parallel_loop3A_282, %parallel_loop3A_291 : vector<16xf32>
      %parallel_loop3A_293 = vector.broadcast %parallel_loop3A_273 : f32 to vector<16xf32>
      %parallel_loop3A_294 = arith.subf %parallel_loop3A_286, %parallel_loop3A_293 : vector<16xf32>
      %parallel_loop3A_295 = vector.broadcast %parallel_loop3A_275 : f32 to vector<16xf32>
      %parallel_loop3A_296 = arith.subf %parallel_loop3A_290, %parallel_loop3A_295 : vector<16xf32>
      %parallel_loop3A_297 = arith.mulf %parallel_loop3A_292, %parallel_loop3A_292 : vector<16xf32>
      %parallel_loop3A_298 = arith.mulf %parallel_loop3A_294, %parallel_loop3A_294 : vector<16xf32>
      %parallel_loop3A_299 = arith.addf %parallel_loop3A_297, %parallel_loop3A_298 : vector<16xf32>
      %parallel_loop3A_300 = arith.mulf %parallel_loop3A_296, %parallel_loop3A_296 : vector<16xf32>
      %parallel_loop3A_301 = arith.addf %parallel_loop3A_299, %parallel_loop3A_300 : vector<16xf32>
      %parallel_loop3A_302 = arith.constant 1.000000e-30 : f32
      %parallel_loop3A_303 = vector.broadcast %parallel_loop3A_302 : f32 to vector<16xf32>
      %parallel_loop3A_304 = arith.maximumf %parallel_loop3A_301, %parallel_loop3A_303 : vector<16xf32>
      %parallel_loop3A_305 = vector.bitcast %parallel_loop3A_304 : vector<16xf32> to vector<16xi32>
      %parallel_loop3A_306 = arith.constant 1 : i32
      %parallel_loop3A_307 = vector.broadcast %parallel_loop3A_306 : i32 to vector<16xi32>
      %parallel_loop3A_308 = arith.shrui %parallel_loop3A_305, %parallel_loop3A_307 : vector<16xi32>
      %parallel_loop3A_309 = arith.constant 1597463007 : i32
      %parallel_loop3A_310 = vector.broadcast %parallel_loop3A_309 : i32 to vector<16xi32>
      %parallel_loop3A_311 = arith.subi %parallel_loop3A_310, %parallel_loop3A_308 : vector<16xi32>
      %parallel_loop3A_312 = vector.bitcast %parallel_loop3A_311 : vector<16xi32> to vector<16xf32>
      %parallel_loop3A_313 = arith.constant 5.000000e-01 : f32
      %parallel_loop3A_314 = vector.broadcast %parallel_loop3A_313 : f32 to vector<16xf32>
      %parallel_loop3A_315 = arith.mulf %parallel_loop3A_314, %parallel_loop3A_304 : vector<16xf32>
      %parallel_loop3A_316 = arith.mulf %parallel_loop3A_315, %parallel_loop3A_312 : vector<16xf32>
      %parallel_loop3A_317 = arith.mulf %parallel_loop3A_316, %parallel_loop3A_312 : vector<16xf32>
      %parallel_loop3A_318 = arith.constant 1.500000e+00 : f32
      %parallel_loop3A_319 = vector.broadcast %parallel_loop3A_318 : f32 to vector<16xf32>
      %parallel_loop3A_320 = arith.subf %parallel_loop3A_319, %parallel_loop3A_317 : vector<16xf32>
      %parallel_loop3A_321 = arith.mulf %parallel_loop3A_312, %parallel_loop3A_320 : vector<16xf32>
      %parallel_loop3A_322 = arith.mulf %parallel_loop3A_315, %parallel_loop3A_321 : vector<16xf32>
      %parallel_loop3A_323 = arith.mulf %parallel_loop3A_322, %parallel_loop3A_321 : vector<16xf32>
      %parallel_loop3A_324 = arith.constant 1.500000e+00 : f32
      %parallel_loop3A_325 = vector.broadcast %parallel_loop3A_324 : f32 to vector<16xf32>
      %parallel_loop3A_326 = arith.subf %parallel_loop3A_325, %parallel_loop3A_323 : vector<16xf32>
      %parallel_loop3A_327 = arith.mulf %parallel_loop3A_321, %parallel_loop3A_326 : vector<16xf32>
      %parallel_loop3A_328 = arith.mulf %parallel_loop3A_301, %parallel_loop3A_327 : vector<16xf32>
      %parallel_loop3A_329 = arith.index_cast %parallel_loop3A_264 : i32 to index
      %parallel_loop3A_330 = arith.constant 0 : index
      %parallel_loop3A_331 = tpu.vector_load %arg9[%parallel_loop3A_329, %parallel_loop3A_330] {strides = array<i32>} : memref<128x32xf32, #tpu.memory_space<vmem>>, vector<16xf32>,
      tpu.vector_store %arg9[%parallel_loop3A_329, %parallel_loop3A_330], %parallel_loop3A_328 {strides = array<i32>} : memref<128x32xf32, #tpu.memory_space<vmem>>, vector<16xf32>,
      %parallel_loop3A_332 = arith.index_cast %parallel_loop3A_264 : i32 to index
      %parallel_loop3A_333 = arith.constant 16 : index
      %parallel_loop3A_334 = tpu.vector_load %arg7[%parallel_loop3A_332, %parallel_loop3A_333] {strides = array<i32>} : memref<128x32xi32, #tpu.memory_space<vmem>>, vector<16xi32>,
      %parallel_loop3A_335 = arith.constant 3 : i32
      %parallel_loop3A_336 = vector.broadcast %parallel_loop3A_335 : i32 to vector<16xi32>
      %parallel_loop3A_337 = arith.muli %parallel_loop3A_334, %parallel_loop3A_336 : vector<16xi32>
      %parallel_loop3A_338 = tpu.vector_load_idx %arg5[%parallel_loop3A_337] : memref<12304xf32, #tpu.memory_space<vmem>>[vector<16xi32>], vector<16xf32>,
      %parallel_loop3A_339 = arith.constant 1 : i32
      %parallel_loop3A_340 = vector.broadcast %parallel_loop3A_339 : i32 to vector<16xi32>
      %parallel_loop3A_341 = arith.addi %parallel_loop3A_337, %parallel_loop3A_340 : vector<16xi32>
      %parallel_loop3A_342 = tpu.vector_load_idx %arg5[%parallel_loop3A_341] : memref<12304xf32, #tpu.memory_space<vmem>>[vector<16xi32>], vector<16xf32>,
      %parallel_loop3A_343 = arith.constant 2 : i32
      %parallel_loop3A_344 = vector.broadcast %parallel_loop3A_343 : i32 to vector<16xi32>
      %parallel_loop3A_345 = arith.addi %parallel_loop3A_337, %parallel_loop3A_344 : vector<16xi32>
      %parallel_loop3A_346 = tpu.vector_load_idx %arg5[%parallel_loop3A_345] : memref<12304xf32, #tpu.memory_space<vmem>>[vector<16xi32>], vector<16xf32>,
      %parallel_loop3A_347 = vector.broadcast %parallel_loop3A_271 : f32 to vector<16xf32>
      %parallel_loop3A_348 = arith.subf %parallel_loop3A_338, %parallel_loop3A_347 : vector<16xf32>
      %parallel_loop3A_349 = vector.broadcast %parallel_loop3A_273 : f32 to vector<16xf32>
      %parallel_loop3A_350 = arith.subf %parallel_loop3A_342, %parallel_loop3A_349 : vector<16xf32>
      %parallel_loop3A_351 = vector.broadcast %parallel_loop3A_275 : f32 to vector<16xf32>
      %parallel_loop3A_352 = arith.subf %parallel_loop3A_346, %parallel_loop3A_351 : vector<16xf32>
      %parallel_loop3A_353 = arith.mulf %parallel_loop3A_348, %parallel_loop3A_348 : vector<16xf32>
      %parallel_loop3A_354 = arith.mulf %parallel_loop3A_350, %parallel_loop3A_350 : vector<16xf32>
      %parallel_loop3A_355 = arith.addf %parallel_loop3A_353, %parallel_loop3A_354 : vector<16xf32>
      %parallel_loop3A_356 = arith.mulf %parallel_loop3A_352, %parallel_loop3A_352 : vector<16xf32>
      %parallel_loop3A_357 = arith.addf %parallel_loop3A_355, %parallel_loop3A_356 : vector<16xf32>
      %parallel_loop3A_358 = arith.constant 1.000000e-30 : f32
      %parallel_loop3A_359 = vector.broadcast %parallel_loop3A_358 : f32 to vector<16xf32>
      %parallel_loop3A_360 = arith.maximumf %parallel_loop3A_357, %parallel_loop3A_359 : vector<16xf32>
      %parallel_loop3A_361 = vector.bitcast %parallel_loop3A_360 : vector<16xf32> to vector<16xi32>
      %parallel_loop3A_362 = arith.constant 1 : i32
      %parallel_loop3A_363 = vector.broadcast %parallel_loop3A_362 : i32 to vector<16xi32>
      %parallel_loop3A_364 = arith.shrui %parallel_loop3A_361, %parallel_loop3A_363 : vector<16xi32>
      %parallel_loop3A_365 = arith.constant 1597463007 : i32
      %parallel_loop3A_366 = vector.broadcast %parallel_loop3A_365 : i32 to vector<16xi32>
      %parallel_loop3A_367 = arith.subi %parallel_loop3A_366, %parallel_loop3A_364 : vector<16xi32>
      %parallel_loop3A_368 = vector.bitcast %parallel_loop3A_367 : vector<16xi32> to vector<16xf32>
      %parallel_loop3A_369 = arith.constant 5.000000e-01 : f32
      %parallel_loop3A_370 = vector.broadcast %parallel_loop3A_369 : f32 to vector<16xf32>
      %parallel_loop3A_371 = arith.mulf %parallel_loop3A_370, %parallel_loop3A_360 : vector<16xf32>
      %parallel_loop3A_372 = arith.mulf %parallel_loop3A_371, %parallel_loop3A_368 : vector<16xf32>
      %parallel_loop3A_373 = arith.mulf %parallel_loop3A_372, %parallel_loop3A_368 : vector<16xf32>
      %parallel_loop3A_374 = arith.constant 1.500000e+00 : f32
      %parallel_loop3A_375 = vector.broadcast %parallel_loop3A_374 : f32 to vector<16xf32>
      %parallel_loop3A_376 = arith.subf %parallel_loop3A_375, %parallel_loop3A_373 : vector<16xf32>
      %parallel_loop3A_377 = arith.mulf %parallel_loop3A_368, %parallel_loop3A_376 : vector<16xf32>
      %parallel_loop3A_378 = arith.mulf %parallel_loop3A_371, %parallel_loop3A_377 : vector<16xf32>
      %parallel_loop3A_379 = arith.mulf %parallel_loop3A_378, %parallel_loop3A_377 : vector<16xf32>
      %parallel_loop3A_380 = arith.constant 1.500000e+00 : f32
      %parallel_loop3A_381 = vector.broadcast %parallel_loop3A_380 : f32 to vector<16xf32>
      %parallel_loop3A_382 = arith.subf %parallel_loop3A_381, %parallel_loop3A_379 : vector<16xf32>
      %parallel_loop3A_383 = arith.mulf %parallel_loop3A_377, %parallel_loop3A_382 : vector<16xf32>
      %parallel_loop3A_384 = arith.mulf %parallel_loop3A_357, %parallel_loop3A_383 : vector<16xf32>
      %parallel_loop3A_385 = arith.index_cast %parallel_loop3A_264 : i32 to index
      %parallel_loop3A_386 = arith.constant 16 : index
      %parallel_loop3A_387 = tpu.vector_load %arg9[%parallel_loop3A_385, %parallel_loop3A_386] {strides = array<i32>} : memref<128x32xf32, #tpu.memory_space<vmem>>, vector<16xf32>,
      tpu.vector_store %arg9[%parallel_loop3A_385, %parallel_loop3A_386], %parallel_loop3A_384 {strides = array<i32>} : memref<128x32xf32, #tpu.memory_space<vmem>>, vector<16xf32>,
    } {sc.loop_unroll_factor = 4 : i64, sc.parallel_access}
    %add3A_94 = arith.constant 128 : i32
    %add3A_95 = arith.addi %mul3A_34, %add3A_94 : i32
    %dma_start3A_96 = arith.constant 0 : i32
    %dma_start3A_97 = tpu.memref_slice %arg4[%add3A_95, %dma_start3A_96] : memref<32768x32xf32, #tpu.memory_space<hbm>> -> memref<128x32xf32, #tpu.memory_space<hbm>>
    %dma_start3A_98 = arith.constant 0 : i32
    %dma_start3A_99 = tpu.memref_slice %arg4[%add3A_95, %dma_start3A_98] : memref<32768x32xf32, #tpu.memory_space<hbm>> -> memref<128x32xf32, #tpu.memory_space<hbm>>
    tpu.enqueue_dma source(%arg9 : memref<128x32xf32, #tpu.memory_space<vmem>>) target(%dma_start3A_99 : memref<128x32xf32, #tpu.memory_space<hbm>>) target_semaphore(%arg14 : memref<!tpu.dma_semaphore, #tpu.memory_space<semaphore_mem>>)
    %add3A_100 = arith.constant 384 : i32
    %add3A_101 = arith.addi %mul3A_34, %add3A_100 : i32
    %dma_start3A_102 = arith.constant 0 : i32
    %dma_start3A_103 = tpu.memref_slice %arg3[%add3A_101, %dma_start3A_102] : memref<32768x32xi32, #tpu.memory_space<hbm>> -> memref<128x32xi32, #tpu.memory_space<hbm>>
    %dma_start3A_104 = arith.constant 0 : i32
    %dma_start3A_105 = tpu.memref_slice %arg3[%add3A_101, %dma_start3A_104] : memref<32768x32xi32, #tpu.memory_space<hbm>> -> memref<128x32xi32, #tpu.memory_space<hbm>>
    tpu.enqueue_dma source(%dma_start3A_105 : memref<128x32xi32, #tpu.memory_space<hbm>>) target(%arg7 : memref<128x32xi32, #tpu.memory_space<vmem>>) target_semaphore(%arg12 : memref<!tpu.dma_semaphore, #tpu.memory_space<semaphore_mem>>)
    %dma_wait3A_106 = arith.constant 0 : i32
    %dma_wait3A_107 = tpu.memref_slice %arg3[%add3A_78, %dma_wait3A_106] : memref<32768x32xi32, #tpu.memory_space<hbm>> -> memref<128x32xi32, #tpu.memory_space<hbm>>
    %dma_wait3A_108 = arith.constant 0 : i32
    %dma_wait3A_109 = tpu.memref_slice %arg3[%add3A_78, %dma_wait3A_108] : memref<32768x32xi32, #tpu.memory_space<hbm>> -> memref<128x32xi32, #tpu.memory_space<hbm>>
    tpu.wait_dma2 semaphore(%arg11 : memref<!tpu.dma_semaphore, #tpu.memory_space<semaphore_mem>>) src(%dma_wait3A_109 : memref<128x32xi32, #tpu.memory_space<hbm>>) dst(%arg6 : memref<128x32xi32, #tpu.memory_space<vmem>>)
    %dma_wait3A_110 = arith.constant 0 : i32
    %dma_wait3A_111 = tpu.memref_slice %arg4[%add3A_72, %dma_wait3A_110] : memref<32768x32xf32, #tpu.memory_space<hbm>> -> memref<128x32xf32, #tpu.memory_space<hbm>>
    %dma_wait3A_112 = arith.constant 0 : i32
    %dma_wait3A_113 = tpu.memref_slice %arg4[%add3A_72, %dma_wait3A_112] : memref<32768x32xf32, #tpu.memory_space<hbm>> -> memref<128x32xf32, #tpu.memory_space<hbm>>
    tpu.wait_dma2 semaphore(%arg13 : memref<!tpu.dma_semaphore, #tpu.memory_space<semaphore_mem>>) src(%arg8 : memref<128x32xf32, #tpu.memory_space<vmem>>) dst(%dma_wait3A_113 : memref<128x32xf32, #tpu.memory_space<hbm>>)
    %add3A_114 = arith.constant 256 : i32
    %add3A_115 = arith.addi %mul3A_32, %add3A_114 : i32
    %mul3A_116 = arith.constant 3 : i32
    %mul3A_117 = arith.muli %add3A_115, %mul3A_116 : i32
    %parallel_loop3A_118 = arith.constant 0 : i32
    %parallel_loop3A_119 = arith.constant 128 : i32
    %parallel_loop3A_120 = arith.constant 1 : i32
    scf.for %parallel_loop3A_264 = %parallel_loop3A_118 to %parallel_loop3A_119 step %parallel_loop3A_120  : i32 {
      %parallel_loop3A_265 = arith.constant 3 : i32
      %parallel_loop3A_266 = arith.muli %parallel_loop3A_264, %parallel_loop3A_265 : i32
      %parallel_loop3A_267 = arith.addi %mul3A_117, %parallel_loop3A_266 : i32
      %parallel_loop3A_268 = arith.index_cast %parallel_loop3A_267 : i32 to index
      %parallel_loop3A_269 = tpu.vector_load %arg5[%parallel_loop3A_268] {strides = array<i32>} : memref<12304xf32, #tpu.memory_space<vmem>>, vector<16xf32>,
      %parallel_loop3A_270 = vector.extract_strided_slice %parallel_loop3A_269 {offsets = [0], sizes = [1], strides = [1]} : vector<16xf32> to vector<1xf32>
      %parallel_loop3A_271 = vector.extract %parallel_loop3A_270[0] : f32 from vector<1xf32>
      %parallel_loop3A_272 = vector.extract_strided_slice %parallel_loop3A_269 {offsets = [1], sizes = [1], strides = [1]} : vector<16xf32> to vector<1xf32>
      %parallel_loop3A_273 = vector.extract %parallel_loop3A_272[0] : f32 from vector<1xf32>
      %parallel_loop3A_274 = vector.extract_strided_slice %parallel_loop3A_269 {offsets = [2], sizes = [1], strides = [1]} : vector<16xf32> to vector<1xf32>
      %parallel_loop3A_275 = vector.extract %parallel_loop3A_274[0] : f32 from vector<1xf32>
      %parallel_loop3A_276 = arith.index_cast %parallel_loop3A_264 : i32 to index
      %parallel_loop3A_277 = arith.constant 0 : index
      %parallel_loop3A_278 = tpu.vector_load %arg6[%parallel_loop3A_276, %parallel_loop3A_277] {strides = array<i32>} : memref<128x32xi32, #tpu.memory_space<vmem>>, vector<16xi32>,
      %parallel_loop3A_279 = arith.constant 3 : i32
      %parallel_loop3A_280 = vector.broadcast %parallel_loop3A_279 : i32 to vector<16xi32>
      %parallel_loop3A_281 = arith.muli %parallel_loop3A_278, %parallel_loop3A_280 : vector<16xi32>
      %parallel_loop3A_282 = tpu.vector_load_idx %arg5[%parallel_loop3A_281] : memref<12304xf32, #tpu.memory_space<vmem>>[vector<16xi32>], vector<16xf32>,
      %parallel_loop3A_283 = arith.constant 1 : i32
      %parallel_loop3A_284 = vector.broadcast %parallel_loop3A_283 : i32 to vector<16xi32>
      %parallel_loop3A_285 = arith.addi %parallel_loop3A_281, %parallel_loop3A_284 : vector<16xi32>
      %parallel_loop3A_286 = tpu.vector_load_idx %arg5[%parallel_loop3A_285] : memref<12304xf32, #tpu.memory_space<vmem>>[vector<16xi32>], vector<16xf32>,
      %parallel_loop3A_287 = arith.constant 2 : i32
      %parallel_loop3A_288 = vector.broadcast %parallel_loop3A_287 : i32 to vector<16xi32>
      %parallel_loop3A_289 = arith.addi %parallel_loop3A_281, %parallel_loop3A_288 : vector<16xi32>
      %parallel_loop3A_290 = tpu.vector_load_idx %arg5[%parallel_loop3A_289] : memref<12304xf32, #tpu.memory_space<vmem>>[vector<16xi32>], vector<16xf32>,
      %parallel_loop3A_291 = vector.broadcast %parallel_loop3A_271 : f32 to vector<16xf32>
      %parallel_loop3A_292 = arith.subf %parallel_loop3A_282, %parallel_loop3A_291 : vector<16xf32>
      %parallel_loop3A_293 = vector.broadcast %parallel_loop3A_273 : f32 to vector<16xf32>
      %parallel_loop3A_294 = arith.subf %parallel_loop3A_286, %parallel_loop3A_293 : vector<16xf32>
      %parallel_loop3A_295 = vector.broadcast %parallel_loop3A_275 : f32 to vector<16xf32>
      %parallel_loop3A_296 = arith.subf %parallel_loop3A_290, %parallel_loop3A_295 : vector<16xf32>
      %parallel_loop3A_297 = arith.mulf %parallel_loop3A_292, %parallel_loop3A_292 : vector<16xf32>
      %parallel_loop3A_298 = arith.mulf %parallel_loop3A_294, %parallel_loop3A_294 : vector<16xf32>
      %parallel_loop3A_299 = arith.addf %parallel_loop3A_297, %parallel_loop3A_298 : vector<16xf32>
      %parallel_loop3A_300 = arith.mulf %parallel_loop3A_296, %parallel_loop3A_296 : vector<16xf32>
      %parallel_loop3A_301 = arith.addf %parallel_loop3A_299, %parallel_loop3A_300 : vector<16xf32>
      %parallel_loop3A_302 = arith.constant 1.000000e-30 : f32
      %parallel_loop3A_303 = vector.broadcast %parallel_loop3A_302 : f32 to vector<16xf32>
      %parallel_loop3A_304 = arith.maximumf %parallel_loop3A_301, %parallel_loop3A_303 : vector<16xf32>
      %parallel_loop3A_305 = vector.bitcast %parallel_loop3A_304 : vector<16xf32> to vector<16xi32>
      %parallel_loop3A_306 = arith.constant 1 : i32
      %parallel_loop3A_307 = vector.broadcast %parallel_loop3A_306 : i32 to vector<16xi32>
      %parallel_loop3A_308 = arith.shrui %parallel_loop3A_305, %parallel_loop3A_307 : vector<16xi32>
      %parallel_loop3A_309 = arith.constant 1597463007 : i32
      %parallel_loop3A_310 = vector.broadcast %parallel_loop3A_309 : i32 to vector<16xi32>
      %parallel_loop3A_311 = arith.subi %parallel_loop3A_310, %parallel_loop3A_308 : vector<16xi32>
      %parallel_loop3A_312 = vector.bitcast %parallel_loop3A_311 : vector<16xi32> to vector<16xf32>
      %parallel_loop3A_313 = arith.constant 5.000000e-01 : f32
      %parallel_loop3A_314 = vector.broadcast %parallel_loop3A_313 : f32 to vector<16xf32>
      %parallel_loop3A_315 = arith.mulf %parallel_loop3A_314, %parallel_loop3A_304 : vector<16xf32>
      %parallel_loop3A_316 = arith.mulf %parallel_loop3A_315, %parallel_loop3A_312 : vector<16xf32>
      %parallel_loop3A_317 = arith.mulf %parallel_loop3A_316, %parallel_loop3A_312 : vector<16xf32>
      %parallel_loop3A_318 = arith.constant 1.500000e+00 : f32
      %parallel_loop3A_319 = vector.broadcast %parallel_loop3A_318 : f32 to vector<16xf32>
      %parallel_loop3A_320 = arith.subf %parallel_loop3A_319, %parallel_loop3A_317 : vector<16xf32>
      %parallel_loop3A_321 = arith.mulf %parallel_loop3A_312, %parallel_loop3A_320 : vector<16xf32>
      %parallel_loop3A_322 = arith.mulf %parallel_loop3A_315, %parallel_loop3A_321 : vector<16xf32>
      %parallel_loop3A_323 = arith.mulf %parallel_loop3A_322, %parallel_loop3A_321 : vector<16xf32>
      %parallel_loop3A_324 = arith.constant 1.500000e+00 : f32
      %parallel_loop3A_325 = vector.broadcast %parallel_loop3A_324 : f32 to vector<16xf32>
      %parallel_loop3A_326 = arith.subf %parallel_loop3A_325, %parallel_loop3A_323 : vector<16xf32>
      %parallel_loop3A_327 = arith.mulf %parallel_loop3A_321, %parallel_loop3A_326 : vector<16xf32>
      %parallel_loop3A_328 = arith.mulf %parallel_loop3A_301, %parallel_loop3A_327 : vector<16xf32>
      %parallel_loop3A_329 = arith.index_cast %parallel_loop3A_264 : i32 to index
      %parallel_loop3A_330 = arith.constant 0 : index
      %parallel_loop3A_331 = tpu.vector_load %arg8[%parallel_loop3A_329, %parallel_loop3A_330] {strides = array<i32>} : memref<128x32xf32, #tpu.memory_space<vmem>>, vector<16xf32>,
      tpu.vector_store %arg8[%parallel_loop3A_329, %parallel_loop3A_330], %parallel_loop3A_328 {strides = array<i32>} : memref<128x32xf32, #tpu.memory_space<vmem>>, vector<16xf32>,
      %parallel_loop3A_332 = arith.index_cast %parallel_loop3A_264 : i32 to index
      %parallel_loop3A_333 = arith.constant 16 : index
      %parallel_loop3A_334 = tpu.vector_load %arg6[%parallel_loop3A_332, %parallel_loop3A_333] {strides = array<i32>} : memref<128x32xi32, #tpu.memory_space<vmem>>, vector<16xi32>,
      %parallel_loop3A_335 = arith.constant 3 : i32
      %parallel_loop3A_336 = vector.broadcast %parallel_loop3A_335 : i32 to vector<16xi32>
      %parallel_loop3A_337 = arith.muli %parallel_loop3A_334, %parallel_loop3A_336 : vector<16xi32>
      %parallel_loop3A_338 = tpu.vector_load_idx %arg5[%parallel_loop3A_337] : memref<12304xf32, #tpu.memory_space<vmem>>[vector<16xi32>], vector<16xf32>,
      %parallel_loop3A_339 = arith.constant 1 : i32
      %parallel_loop3A_340 = vector.broadcast %parallel_loop3A_339 : i32 to vector<16xi32>
      %parallel_loop3A_341 = arith.addi %parallel_loop3A_337, %parallel_loop3A_340 : vector<16xi32>
      %parallel_loop3A_342 = tpu.vector_load_idx %arg5[%parallel_loop3A_341] : memref<12304xf32, #tpu.memory_space<vmem>>[vector<16xi32>], vector<16xf32>,
      %parallel_loop3A_343 = arith.constant 2 : i32
      %parallel_loop3A_344 = vector.broadcast %parallel_loop3A_343 : i32 to vector<16xi32>
      %parallel_loop3A_345 = arith.addi %parallel_loop3A_337, %parallel_loop3A_344 : vector<16xi32>
      %parallel_loop3A_346 = tpu.vector_load_idx %arg5[%parallel_loop3A_345] : memref<12304xf32, #tpu.memory_space<vmem>>[vector<16xi32>], vector<16xf32>,
      %parallel_loop3A_347 = vector.broadcast %parallel_loop3A_271 : f32 to vector<16xf32>
      %parallel_loop3A_348 = arith.subf %parallel_loop3A_338, %parallel_loop3A_347 : vector<16xf32>
      %parallel_loop3A_349 = vector.broadcast %parallel_loop3A_273 : f32 to vector<16xf32>
      %parallel_loop3A_350 = arith.subf %parallel_loop3A_342, %parallel_loop3A_349 : vector<16xf32>
      %parallel_loop3A_351 = vector.broadcast %parallel_loop3A_275 : f32 to vector<16xf32>
      %parallel_loop3A_352 = arith.subf %parallel_loop3A_346, %parallel_loop3A_351 : vector<16xf32>
      %parallel_loop3A_353 = arith.mulf %parallel_loop3A_348, %parallel_loop3A_348 : vector<16xf32>
      %parallel_loop3A_354 = arith.mulf %parallel_loop3A_350, %parallel_loop3A_350 : vector<16xf32>
      %parallel_loop3A_355 = arith.addf %parallel_loop3A_353, %parallel_loop3A_354 : vector<16xf32>
      %parallel_loop3A_356 = arith.mulf %parallel_loop3A_352, %parallel_loop3A_352 : vector<16xf32>
      %parallel_loop3A_357 = arith.addf %parallel_loop3A_355, %parallel_loop3A_356 : vector<16xf32>
      %parallel_loop3A_358 = arith.constant 1.000000e-30 : f32
      %parallel_loop3A_359 = vector.broadcast %parallel_loop3A_358 : f32 to vector<16xf32>
      %parallel_loop3A_360 = arith.maximumf %parallel_loop3A_357, %parallel_loop3A_359 : vector<16xf32>
      %parallel_loop3A_361 = vector.bitcast %parallel_loop3A_360 : vector<16xf32> to vector<16xi32>
      %parallel_loop3A_362 = arith.constant 1 : i32
      %parallel_loop3A_363 = vector.broadcast %parallel_loop3A_362 : i32 to vector<16xi32>
      %parallel_loop3A_364 = arith.shrui %parallel_loop3A_361, %parallel_loop3A_363 : vector<16xi32>
      %parallel_loop3A_365 = arith.constant 1597463007 : i32
      %parallel_loop3A_366 = vector.broadcast %parallel_loop3A_365 : i32 to vector<16xi32>
      %parallel_loop3A_367 = arith.subi %parallel_loop3A_366, %parallel_loop3A_364 : vector<16xi32>
      %parallel_loop3A_368 = vector.bitcast %parallel_loop3A_367 : vector<16xi32> to vector<16xf32>
      %parallel_loop3A_369 = arith.constant 5.000000e-01 : f32
      %parallel_loop3A_370 = vector.broadcast %parallel_loop3A_369 : f32 to vector<16xf32>
      %parallel_loop3A_371 = arith.mulf %parallel_loop3A_370, %parallel_loop3A_360 : vector<16xf32>
      %parallel_loop3A_372 = arith.mulf %parallel_loop3A_371, %parallel_loop3A_368 : vector<16xf32>
      %parallel_loop3A_373 = arith.mulf %parallel_loop3A_372, %parallel_loop3A_368 : vector<16xf32>
      %parallel_loop3A_374 = arith.constant 1.500000e+00 : f32
      %parallel_loop3A_375 = vector.broadcast %parallel_loop3A_374 : f32 to vector<16xf32>
      %parallel_loop3A_376 = arith.subf %parallel_loop3A_375, %parallel_loop3A_373 : vector<16xf32>
      %parallel_loop3A_377 = arith.mulf %parallel_loop3A_368, %parallel_loop3A_376 : vector<16xf32>
      %parallel_loop3A_378 = arith.mulf %parallel_loop3A_371, %parallel_loop3A_377 : vector<16xf32>
      %parallel_loop3A_379 = arith.mulf %parallel_loop3A_378, %parallel_loop3A_377 : vector<16xf32>
      %parallel_loop3A_380 = arith.constant 1.500000e+00 : f32
      %parallel_loop3A_381 = vector.broadcast %parallel_loop3A_380 : f32 to vector<16xf32>
      %parallel_loop3A_382 = arith.subf %parallel_loop3A_381, %parallel_loop3A_379 : vector<16xf32>
      %parallel_loop3A_383 = arith.mulf %parallel_loop3A_377, %parallel_loop3A_382 : vector<16xf32>
      %parallel_loop3A_384 = arith.mulf %parallel_loop3A_357, %parallel_loop3A_383 : vector<16xf32>
      %parallel_loop3A_385 = arith.index_cast %parallel_loop3A_264 : i32 to index
      %parallel_loop3A_386 = arith.constant 16 : index
      %parallel_loop3A_387 = tpu.vector_load %arg8[%parallel_loop3A_385, %parallel_loop3A_386] {strides = array<i32>} : memref<128x32xf32, #tpu.memory_space<vmem>>, vector<16xf32>,
      tpu.vector_store %arg8[%parallel_loop3A_385, %parallel_loop3A_386], %parallel_loop3A_384 {strides = array<i32>} : memref<128x32xf32, #tpu.memory_space<vmem>>, vector<16xf32>,
    } {sc.loop_unroll_factor = 4 : i64, sc.parallel_access}
    %add3A_121 = arith.constant 256 : i32
    %add3A_122 = arith.addi %mul3A_34, %add3A_121 : i32
    %dma_start3A_123 = arith.constant 0 : i32
    %dma_start3A_124 = tpu.memref_slice %arg4[%add3A_122, %dma_start3A_123] : memref<32768x32xf32, #tpu.memory_space<hbm>> -> memref<128x32xf32, #tpu.memory_space<hbm>>
    %dma_start3A_125 = arith.constant 0 : i32
    %dma_start3A_126 = tpu.memref_slice %arg4[%add3A_122, %dma_start3A_125] : memref<32768x32xf32, #tpu.memory_space<hbm>> -> memref<128x32xf32, #tpu.memory_space<hbm>>
    tpu.enqueue_dma source(%arg8 : memref<128x32xf32, #tpu.memory_space<vmem>>) target(%dma_start3A_126 : memref<128x32xf32, #tpu.memory_space<hbm>>) target_semaphore(%arg13 : memref<!tpu.dma_semaphore, #tpu.memory_space<semaphore_mem>>)
    %add3A_127 = arith.constant 512 : i32
    %add3A_128 = arith.addi %mul3A_34, %add3A_127 : i32
    %dma_start3A_129 = arith.constant 0 : i32
    %dma_start3A_130 = tpu.memref_slice %arg3[%add3A_128, %dma_start3A_129] : memref<32768x32xi32, #tpu.memory_space<hbm>> -> memref<128x32xi32, #tpu.memory_space<hbm>>
    %dma_start3A_131 = arith.constant 0 : i32
    %dma_start3A_132 = tpu.memref_slice %arg3[%add3A_128, %dma_start3A_131] : memref<32768x32xi32, #tpu.memory_space<hbm>> -> memref<128x32xi32, #tpu.memory_space<hbm>>
    tpu.enqueue_dma source(%dma_start3A_132 : memref<128x32xi32, #tpu.memory_space<hbm>>) target(%arg6 : memref<128x32xi32, #tpu.memory_space<vmem>>) target_semaphore(%arg11 : memref<!tpu.dma_semaphore, #tpu.memory_space<semaphore_mem>>)
    %dma_wait3A_133 = arith.constant 0 : i32
    %dma_wait3A_134 = tpu.memref_slice %arg3[%add3A_101, %dma_wait3A_133] : memref<32768x32xi32, #tpu.memory_space<hbm>> -> memref<128x32xi32, #tpu.memory_space<hbm>>
    %dma_wait3A_135 = arith.constant 0 : i32
    %dma_wait3A_136 = tpu.memref_slice %arg3[%add3A_101, %dma_wait3A_135] : memref<32768x32xi32, #tpu.memory_space<hbm>> -> memref<128x32xi32, #tpu.memory_space<hbm>>
    tpu.wait_dma2 semaphore(%arg12 : memref<!tpu.dma_semaphore, #tpu.memory_space<semaphore_mem>>) src(%dma_wait3A_136 : memref<128x32xi32, #tpu.memory_space<hbm>>) dst(%arg7 : memref<128x32xi32, #tpu.memory_space<vmem>>)
    %dma_wait3A_137 = arith.constant 0 : i32
    %dma_wait3A_138 = tpu.memref_slice %arg4[%add3A_95, %dma_wait3A_137] : memref<32768x32xf32, #tpu.memory_space<hbm>> -> memref<128x32xf32, #tpu.memory_space<hbm>>
    %dma_wait3A_139 = arith.constant 0 : i32
    %dma_wait3A_140 = tpu.memref_slice %arg4[%add3A_95, %dma_wait3A_139] : memref<32768x32xf32, #tpu.memory_space<hbm>> -> memref<128x32xf32, #tpu.memory_space<hbm>>
    tpu.wait_dma2 semaphore(%arg14 : memref<!tpu.dma_semaphore, #tpu.memory_space<semaphore_mem>>) src(%arg9 : memref<128x32xf32, #tpu.memory_space<vmem>>) dst(%dma_wait3A_140 : memref<128x32xf32, #tpu.memory_space<hbm>>)
    %add3A_141 = arith.constant 384 : i32
    %add3A_142 = arith.addi %mul3A_32, %add3A_141 : i32
    %mul3A_143 = arith.constant 3 : i32
    %mul3A_144 = arith.muli %add3A_142, %mul3A_143 : i32
    %parallel_loop3A_145 = arith.constant 0 : i32
    %parallel_loop3A_146 = arith.constant 128 : i32
    %parallel_loop3A_147 = arith.constant 1 : i32
    scf.for %parallel_loop3A_264 = %parallel_loop3A_145 to %parallel_loop3A_146 step %parallel_loop3A_147  : i32 {
      %parallel_loop3A_265 = arith.constant 3 : i32
      %parallel_loop3A_266 = arith.muli %parallel_loop3A_264, %parallel_loop3A_265 : i32
      %parallel_loop3A_267 = arith.addi %mul3A_144, %parallel_loop3A_266 : i32
      %parallel_loop3A_268 = arith.index_cast %parallel_loop3A_267 : i32 to index
      %parallel_loop3A_269 = tpu.vector_load %arg5[%parallel_loop3A_268] {strides = array<i32>} : memref<12304xf32, #tpu.memory_space<vmem>>, vector<16xf32>,
      %parallel_loop3A_270 = vector.extract_strided_slice %parallel_loop3A_269 {offsets = [0], sizes = [1], strides = [1]} : vector<16xf32> to vector<1xf32>
      %parallel_loop3A_271 = vector.extract %parallel_loop3A_270[0] : f32 from vector<1xf32>
      %parallel_loop3A_272 = vector.extract_strided_slice %parallel_loop3A_269 {offsets = [1], sizes = [1], strides = [1]} : vector<16xf32> to vector<1xf32>
      %parallel_loop3A_273 = vector.extract %parallel_loop3A_272[0] : f32 from vector<1xf32>
      %parallel_loop3A_274 = vector.extract_strided_slice %parallel_loop3A_269 {offsets = [2], sizes = [1], strides = [1]} : vector<16xf32> to vector<1xf32>
      %parallel_loop3A_275 = vector.extract %parallel_loop3A_274[0] : f32 from vector<1xf32>
      %parallel_loop3A_276 = arith.index_cast %parallel_loop3A_264 : i32 to index
      %parallel_loop3A_277 = arith.constant 0 : index
      %parallel_loop3A_278 = tpu.vector_load %arg7[%parallel_loop3A_276, %parallel_loop3A_277] {strides = array<i32>} : memref<128x32xi32, #tpu.memory_space<vmem>>, vector<16xi32>,
      %parallel_loop3A_279 = arith.constant 3 : i32
      %parallel_loop3A_280 = vector.broadcast %parallel_loop3A_279 : i32 to vector<16xi32>
      %parallel_loop3A_281 = arith.muli %parallel_loop3A_278, %parallel_loop3A_280 : vector<16xi32>
      %parallel_loop3A_282 = tpu.vector_load_idx %arg5[%parallel_loop3A_281] : memref<12304xf32, #tpu.memory_space<vmem>>[vector<16xi32>], vector<16xf32>,
      %parallel_loop3A_283 = arith.constant 1 : i32
      %parallel_loop3A_284 = vector.broadcast %parallel_loop3A_283 : i32 to vector<16xi32>
      %parallel_loop3A_285 = arith.addi %parallel_loop3A_281, %parallel_loop3A_284 : vector<16xi32>
      %parallel_loop3A_286 = tpu.vector_load_idx %arg5[%parallel_loop3A_285] : memref<12304xf32, #tpu.memory_space<vmem>>[vector<16xi32>], vector<16xf32>,
      %parallel_loop3A_287 = arith.constant 2 : i32
      %parallel_loop3A_288 = vector.broadcast %parallel_loop3A_287 : i32 to vector<16xi32>
      %parallel_loop3A_289 = arith.addi %parallel_loop3A_281, %parallel_loop3A_288 : vector<16xi32>
      %parallel_loop3A_290 = tpu.vector_load_idx %arg5[%parallel_loop3A_289] : memref<12304xf32, #tpu.memory_space<vmem>>[vector<16xi32>], vector<16xf32>,
      %parallel_loop3A_291 = vector.broadcast %parallel_loop3A_271 : f32 to vector<16xf32>
      %parallel_loop3A_292 = arith.subf %parallel_loop3A_282, %parallel_loop3A_291 : vector<16xf32>
      %parallel_loop3A_293 = vector.broadcast %parallel_loop3A_273 : f32 to vector<16xf32>
      %parallel_loop3A_294 = arith.subf %parallel_loop3A_286, %parallel_loop3A_293 : vector<16xf32>
      %parallel_loop3A_295 = vector.broadcast %parallel_loop3A_275 : f32 to vector<16xf32>
      %parallel_loop3A_296 = arith.subf %parallel_loop3A_290, %parallel_loop3A_295 : vector<16xf32>
      %parallel_loop3A_297 = arith.mulf %parallel_loop3A_292, %parallel_loop3A_292 : vector<16xf32>
      %parallel_loop3A_298 = arith.mulf %parallel_loop3A_294, %parallel_loop3A_294 : vector<16xf32>
      %parallel_loop3A_299 = arith.addf %parallel_loop3A_297, %parallel_loop3A_298 : vector<16xf32>
      %parallel_loop3A_300 = arith.mulf %parallel_loop3A_296, %parallel_loop3A_296 : vector<16xf32>
      %parallel_loop3A_301 = arith.addf %parallel_loop3A_299, %parallel_loop3A_300 : vector<16xf32>
      %parallel_loop3A_302 = arith.constant 1.000000e-30 : f32
      %parallel_loop3A_303 = vector.broadcast %parallel_loop3A_302 : f32 to vector<16xf32>
      %parallel_loop3A_304 = arith.maximumf %parallel_loop3A_301, %parallel_loop3A_303 : vector<16xf32>
      %parallel_loop3A_305 = vector.bitcast %parallel_loop3A_304 : vector<16xf32> to vector<16xi32>
      %parallel_loop3A_306 = arith.constant 1 : i32
      %parallel_loop3A_307 = vector.broadcast %parallel_loop3A_306 : i32 to vector<16xi32>
      %parallel_loop3A_308 = arith.shrui %parallel_loop3A_305, %parallel_loop3A_307 : vector<16xi32>
      %parallel_loop3A_309 = arith.constant 1597463007 : i32
      %parallel_loop3A_310 = vector.broadcast %parallel_loop3A_309 : i32 to vector<16xi32>
      %parallel_loop3A_311 = arith.subi %parallel_loop3A_310, %parallel_loop3A_308 : vector<16xi32>
      %parallel_loop3A_312 = vector.bitcast %parallel_loop3A_311 : vector<16xi32> to vector<16xf32>
      %parallel_loop3A_313 = arith.constant 5.000000e-01 : f32
      %parallel_loop3A_314 = vector.broadcast %parallel_loop3A_313 : f32 to vector<16xf32>
      %parallel_loop3A_315 = arith.mulf %parallel_loop3A_314, %parallel_loop3A_304 : vector<16xf32>
      %parallel_loop3A_316 = arith.mulf %parallel_loop3A_315, %parallel_loop3A_312 : vector<16xf32>
      %parallel_loop3A_317 = arith.mulf %parallel_loop3A_316, %parallel_loop3A_312 : vector<16xf32>
      %parallel_loop3A_318 = arith.constant 1.500000e+00 : f32
      %parallel_loop3A_319 = vector.broadcast %parallel_loop3A_318 : f32 to vector<16xf32>
      %parallel_loop3A_320 = arith.subf %parallel_loop3A_319, %parallel_loop3A_317 : vector<16xf32>
      %parallel_loop3A_321 = arith.mulf %parallel_loop3A_312, %parallel_loop3A_320 : vector<16xf32>
      %parallel_loop3A_322 = arith.mulf %parallel_loop3A_315, %parallel_loop3A_321 : vector<16xf32>
      %parallel_loop3A_323 = arith.mulf %parallel_loop3A_322, %parallel_loop3A_321 : vector<16xf32>
      %parallel_loop3A_324 = arith.constant 1.500000e+00 : f32
      %parallel_loop3A_325 = vector.broadcast %parallel_loop3A_324 : f32 to vector<16xf32>
      %parallel_loop3A_326 = arith.subf %parallel_loop3A_325, %parallel_loop3A_323 : vector<16xf32>
      %parallel_loop3A_327 = arith.mulf %parallel_loop3A_321, %parallel_loop3A_326 : vector<16xf32>
      %parallel_loop3A_328 = arith.mulf %parallel_loop3A_301, %parallel_loop3A_327 : vector<16xf32>
      %parallel_loop3A_329 = arith.index_cast %parallel_loop3A_264 : i32 to index
      %parallel_loop3A_330 = arith.constant 0 : index
      %parallel_loop3A_331 = tpu.vector_load %arg9[%parallel_loop3A_329, %parallel_loop3A_330] {strides = array<i32>} : memref<128x32xf32, #tpu.memory_space<vmem>>, vector<16xf32>,
      tpu.vector_store %arg9[%parallel_loop3A_329, %parallel_loop3A_330], %parallel_loop3A_328 {strides = array<i32>} : memref<128x32xf32, #tpu.memory_space<vmem>>, vector<16xf32>,
      %parallel_loop3A_332 = arith.index_cast %parallel_loop3A_264 : i32 to index
      %parallel_loop3A_333 = arith.constant 16 : index
      %parallel_loop3A_334 = tpu.vector_load %arg7[%parallel_loop3A_332, %parallel_loop3A_333] {strides = array<i32>} : memref<128x32xi32, #tpu.memory_space<vmem>>, vector<16xi32>,
      %parallel_loop3A_335 = arith.constant 3 : i32
      %parallel_loop3A_336 = vector.broadcast %parallel_loop3A_335 : i32 to vector<16xi32>
      %parallel_loop3A_337 = arith.muli %parallel_loop3A_334, %parallel_loop3A_336 : vector<16xi32>
      %parallel_loop3A_338 = tpu.vector_load_idx %arg5[%parallel_loop3A_337] : memref<12304xf32, #tpu.memory_space<vmem>>[vector<16xi32>], vector<16xf32>,
      %parallel_loop3A_339 = arith.constant 1 : i32
      %parallel_loop3A_340 = vector.broadcast %parallel_loop3A_339 : i32 to vector<16xi32>
      %parallel_loop3A_341 = arith.addi %parallel_loop3A_337, %parallel_loop3A_340 : vector<16xi32>
      %parallel_loop3A_342 = tpu.vector_load_idx %arg5[%parallel_loop3A_341] : memref<12304xf32, #tpu.memory_space<vmem>>[vector<16xi32>], vector<16xf32>,
      %parallel_loop3A_343 = arith.constant 2 : i32
      %parallel_loop3A_344 = vector.broadcast %parallel_loop3A_343 : i32 to vector<16xi32>
      %parallel_loop3A_345 = arith.addi %parallel_loop3A_337, %parallel_loop3A_344 : vector<16xi32>
      %parallel_loop3A_346 = tpu.vector_load_idx %arg5[%parallel_loop3A_345] : memref<12304xf32, #tpu.memory_space<vmem>>[vector<16xi32>], vector<16xf32>,
      %parallel_loop3A_347 = vector.broadcast %parallel_loop3A_271 : f32 to vector<16xf32>
      %parallel_loop3A_348 = arith.subf %parallel_loop3A_338, %parallel_loop3A_347 : vector<16xf32>
      %parallel_loop3A_349 = vector.broadcast %parallel_loop3A_273 : f32 to vector<16xf32>
      %parallel_loop3A_350 = arith.subf %parallel_loop3A_342, %parallel_loop3A_349 : vector<16xf32>
      %parallel_loop3A_351 = vector.broadcast %parallel_loop3A_275 : f32 to vector<16xf32>
      %parallel_loop3A_352 = arith.subf %parallel_loop3A_346, %parallel_loop3A_351 : vector<16xf32>
      %parallel_loop3A_353 = arith.mulf %parallel_loop3A_348, %parallel_loop3A_348 : vector<16xf32>
      %parallel_loop3A_354 = arith.mulf %parallel_loop3A_350, %parallel_loop3A_350 : vector<16xf32>
      %parallel_loop3A_355 = arith.addf %parallel_loop3A_353, %parallel_loop3A_354 : vector<16xf32>
      %parallel_loop3A_356 = arith.mulf %parallel_loop3A_352, %parallel_loop3A_352 : vector<16xf32>
      %parallel_loop3A_357 = arith.addf %parallel_loop3A_355, %parallel_loop3A_356 : vector<16xf32>
      %parallel_loop3A_358 = arith.constant 1.000000e-30 : f32
      %parallel_loop3A_359 = vector.broadcast %parallel_loop3A_358 : f32 to vector<16xf32>
      %parallel_loop3A_360 = arith.maximumf %parallel_loop3A_357, %parallel_loop3A_359 : vector<16xf32>
      %parallel_loop3A_361 = vector.bitcast %parallel_loop3A_360 : vector<16xf32> to vector<16xi32>
      %parallel_loop3A_362 = arith.constant 1 : i32
      %parallel_loop3A_363 = vector.broadcast %parallel_loop3A_362 : i32 to vector<16xi32>
      %parallel_loop3A_364 = arith.shrui %parallel_loop3A_361, %parallel_loop3A_363 : vector<16xi32>
      %parallel_loop3A_365 = arith.constant 1597463007 : i32
      %parallel_loop3A_366 = vector.broadcast %parallel_loop3A_365 : i32 to vector<16xi32>
      %parallel_loop3A_367 = arith.subi %parallel_loop3A_366, %parallel_loop3A_364 : vector<16xi32>
      %parallel_loop3A_368 = vector.bitcast %parallel_loop3A_367 : vector<16xi32> to vector<16xf32>
      %parallel_loop3A_369 = arith.constant 5.000000e-01 : f32
      %parallel_loop3A_370 = vector.broadcast %parallel_loop3A_369 : f32 to vector<16xf32>
      %parallel_loop3A_371 = arith.mulf %parallel_loop3A_370, %parallel_loop3A_360 : vector<16xf32>
      %parallel_loop3A_372 = arith.mulf %parallel_loop3A_371, %parallel_loop3A_368 : vector<16xf32>
      %parallel_loop3A_373 = arith.mulf %parallel_loop3A_372, %parallel_loop3A_368 : vector<16xf32>
      %parallel_loop3A_374 = arith.constant 1.500000e+00 : f32
      %parallel_loop3A_375 = vector.broadcast %parallel_loop3A_374 : f32 to vector<16xf32>
      %parallel_loop3A_376 = arith.subf %parallel_loop3A_375, %parallel_loop3A_373 : vector<16xf32>
      %parallel_loop3A_377 = arith.mulf %parallel_loop3A_368, %parallel_loop3A_376 : vector<16xf32>
      %parallel_loop3A_378 = arith.mulf %parallel_loop3A_371, %parallel_loop3A_377 : vector<16xf32>
      %parallel_loop3A_379 = arith.mulf %parallel_loop3A_378, %parallel_loop3A_377 : vector<16xf32>
      %parallel_loop3A_380 = arith.constant 1.500000e+00 : f32
      %parallel_loop3A_381 = vector.broadcast %parallel_loop3A_380 : f32 to vector<16xf32>
      %parallel_loop3A_382 = arith.subf %parallel_loop3A_381, %parallel_loop3A_379 : vector<16xf32>
      %parallel_loop3A_383 = arith.mulf %parallel_loop3A_377, %parallel_loop3A_382 : vector<16xf32>
      %parallel_loop3A_384 = arith.mulf %parallel_loop3A_357, %parallel_loop3A_383 : vector<16xf32>
      %parallel_loop3A_385 = arith.index_cast %parallel_loop3A_264 : i32 to index
      %parallel_loop3A_386 = arith.constant 16 : index
      %parallel_loop3A_387 = tpu.vector_load %arg9[%parallel_loop3A_385, %parallel_loop3A_386] {strides = array<i32>} : memref<128x32xf32, #tpu.memory_space<vmem>>, vector<16xf32>,
      tpu.vector_store %arg9[%parallel_loop3A_385, %parallel_loop3A_386], %parallel_loop3A_384 {strides = array<i32>} : memref<128x32xf32, #tpu.memory_space<vmem>>, vector<16xf32>,
    } {sc.loop_unroll_factor = 4 : i64, sc.parallel_access}
    %add3A_148 = arith.constant 384 : i32
    %add3A_149 = arith.addi %mul3A_34, %add3A_148 : i32
    %dma_start3A_150 = arith.constant 0 : i32
    %dma_start3A_151 = tpu.memref_slice %arg4[%add3A_149, %dma_start3A_150] : memref<32768x32xf32, #tpu.memory_space<hbm>> -> memref<128x32xf32, #tpu.memory_space<hbm>>
    %dma_start3A_152 = arith.constant 0 : i32
    %dma_start3A_153 = tpu.memref_slice %arg4[%add3A_149, %dma_start3A_152] : memref<32768x32xf32, #tpu.memory_space<hbm>> -> memref<128x32xf32, #tpu.memory_space<hbm>>
    tpu.enqueue_dma source(%arg9 : memref<128x32xf32, #tpu.memory_space<vmem>>) target(%dma_start3A_153 : memref<128x32xf32, #tpu.memory_space<hbm>>) target_semaphore(%arg14 : memref<!tpu.dma_semaphore, #tpu.memory_space<semaphore_mem>>)
    %add3A_154 = arith.constant 640 : i32
    %add3A_155 = arith.addi %mul3A_34, %add3A_154 : i32
    %dma_start3A_156 = arith.constant 0 : i32
    %dma_start3A_157 = tpu.memref_slice %arg3[%add3A_155, %dma_start3A_156] : memref<32768x32xi32, #tpu.memory_space<hbm>> -> memref<128x32xi32, #tpu.memory_space<hbm>>
    %dma_start3A_158 = arith.constant 0 : i32
    %dma_start3A_159 = tpu.memref_slice %arg3[%add3A_155, %dma_start3A_158] : memref<32768x32xi32, #tpu.memory_space<hbm>> -> memref<128x32xi32, #tpu.memory_space<hbm>>
    tpu.enqueue_dma source(%dma_start3A_159 : memref<128x32xi32, #tpu.memory_space<hbm>>) target(%arg7 : memref<128x32xi32, #tpu.memory_space<vmem>>) target_semaphore(%arg12 : memref<!tpu.dma_semaphore, #tpu.memory_space<semaphore_mem>>)
    %dma_wait3A_160 = arith.constant 0 : i32
    %dma_wait3A_161 = tpu.memref_slice %arg3[%add3A_128, %dma_wait3A_160] : memref<32768x32xi32, #tpu.memory_space<hbm>> -> memref<128x32xi32, #tpu.memory_space<hbm>>
    %dma_wait3A_162 = arith.constant 0 : i32
    %dma_wait3A_163 = tpu.memref_slice %arg3[%add3A_128, %dma_wait3A_162] : memref<32768x32xi32, #tpu.memory_space<hbm>> -> memref<128x32xi32, #tpu.memory_space<hbm>>
    tpu.wait_dma2 semaphore(%arg11 : memref<!tpu.dma_semaphore, #tpu.memory_space<semaphore_mem>>) src(%dma_wait3A_163 : memref<128x32xi32, #tpu.memory_space<hbm>>) dst(%arg6 : memref<128x32xi32, #tpu.memory_space<vmem>>)
    %dma_wait3A_164 = arith.constant 0 : i32
    %dma_wait3A_165 = tpu.memref_slice %arg4[%add3A_122, %dma_wait3A_164] : memref<32768x32xf32, #tpu.memory_space<hbm>> -> memref<128x32xf32, #tpu.memory_space<hbm>>
    %dma_wait3A_166 = arith.constant 0 : i32
    %dma_wait3A_167 = tpu.memref_slice %arg4[%add3A_122, %dma_wait3A_166] : memref<32768x32xf32, #tpu.memory_space<hbm>> -> memref<128x32xf32, #tpu.memory_space<hbm>>
    tpu.wait_dma2 semaphore(%arg13 : memref<!tpu.dma_semaphore, #tpu.memory_space<semaphore_mem>>) src(%arg8 : memref<128x32xf32, #tpu.memory_space<vmem>>) dst(%dma_wait3A_167 : memref<128x32xf32, #tpu.memory_space<hbm>>)
    %add3A_168 = arith.constant 512 : i32
    %add3A_169 = arith.addi %mul3A_32, %add3A_168 : i32
    %mul3A_170 = arith.constant 3 : i32
    %mul3A_171 = arith.muli %add3A_169, %mul3A_170 : i32
    %parallel_loop3A_172 = arith.constant 0 : i32
    %parallel_loop3A_173 = arith.constant 128 : i32
    %parallel_loop3A_174 = arith.constant 1 : i32
    scf.for %parallel_loop3A_264 = %parallel_loop3A_172 to %parallel_loop3A_173 step %parallel_loop3A_174  : i32 {
      %parallel_loop3A_265 = arith.constant 3 : i32
      %parallel_loop3A_266 = arith.muli %parallel_loop3A_264, %parallel_loop3A_265 : i32
      %parallel_loop3A_267 = arith.addi %mul3A_171, %parallel_loop3A_266 : i32
      %parallel_loop3A_268 = arith.index_cast %parallel_loop3A_267 : i32 to index
      %parallel_loop3A_269 = tpu.vector_load %arg5[%parallel_loop3A_268] {strides = array<i32>} : memref<12304xf32, #tpu.memory_space<vmem>>, vector<16xf32>,
      %parallel_loop3A_270 = vector.extract_strided_slice %parallel_loop3A_269 {offsets = [0], sizes = [1], strides = [1]} : vector<16xf32> to vector<1xf32>
      %parallel_loop3A_271 = vector.extract %parallel_loop3A_270[0] : f32 from vector<1xf32>
      %parallel_loop3A_272 = vector.extract_strided_slice %parallel_loop3A_269 {offsets = [1], sizes = [1], strides = [1]} : vector<16xf32> to vector<1xf32>
      %parallel_loop3A_273 = vector.extract %parallel_loop3A_272[0] : f32 from vector<1xf32>
      %parallel_loop3A_274 = vector.extract_strided_slice %parallel_loop3A_269 {offsets = [2], sizes = [1], strides = [1]} : vector<16xf32> to vector<1xf32>
      %parallel_loop3A_275 = vector.extract %parallel_loop3A_274[0] : f32 from vector<1xf32>
      %parallel_loop3A_276 = arith.index_cast %parallel_loop3A_264 : i32 to index
      %parallel_loop3A_277 = arith.constant 0 : index
      %parallel_loop3A_278 = tpu.vector_load %arg6[%parallel_loop3A_276, %parallel_loop3A_277] {strides = array<i32>} : memref<128x32xi32, #tpu.memory_space<vmem>>, vector<16xi32>,
      %parallel_loop3A_279 = arith.constant 3 : i32
      %parallel_loop3A_280 = vector.broadcast %parallel_loop3A_279 : i32 to vector<16xi32>
      %parallel_loop3A_281 = arith.muli %parallel_loop3A_278, %parallel_loop3A_280 : vector<16xi32>
      %parallel_loop3A_282 = tpu.vector_load_idx %arg5[%parallel_loop3A_281] : memref<12304xf32, #tpu.memory_space<vmem>>[vector<16xi32>], vector<16xf32>,
      %parallel_loop3A_283 = arith.constant 1 : i32
      %parallel_loop3A_284 = vector.broadcast %parallel_loop3A_283 : i32 to vector<16xi32>
      %parallel_loop3A_285 = arith.addi %parallel_loop3A_281, %parallel_loop3A_284 : vector<16xi32>
      %parallel_loop3A_286 = tpu.vector_load_idx %arg5[%parallel_loop3A_285] : memref<12304xf32, #tpu.memory_space<vmem>>[vector<16xi32>], vector<16xf32>,
      %parallel_loop3A_287 = arith.constant 2 : i32
      %parallel_loop3A_288 = vector.broadcast %parallel_loop3A_287 : i32 to vector<16xi32>
      %parallel_loop3A_289 = arith.addi %parallel_loop3A_281, %parallel_loop3A_288 : vector<16xi32>
      %parallel_loop3A_290 = tpu.vector_load_idx %arg5[%parallel_loop3A_289] : memref<12304xf32, #tpu.memory_space<vmem>>[vector<16xi32>], vector<16xf32>,
      %parallel_loop3A_291 = vector.broadcast %parallel_loop3A_271 : f32 to vector<16xf32>
      %parallel_loop3A_292 = arith.subf %parallel_loop3A_282, %parallel_loop3A_291 : vector<16xf32>
      %parallel_loop3A_293 = vector.broadcast %parallel_loop3A_273 : f32 to vector<16xf32>
      %parallel_loop3A_294 = arith.subf %parallel_loop3A_286, %parallel_loop3A_293 : vector<16xf32>
      %parallel_loop3A_295 = vector.broadcast %parallel_loop3A_275 : f32 to vector<16xf32>
      %parallel_loop3A_296 = arith.subf %parallel_loop3A_290, %parallel_loop3A_295 : vector<16xf32>
      %parallel_loop3A_297 = arith.mulf %parallel_loop3A_292, %parallel_loop3A_292 : vector<16xf32>
      %parallel_loop3A_298 = arith.mulf %parallel_loop3A_294, %parallel_loop3A_294 : vector<16xf32>
      %parallel_loop3A_299 = arith.addf %parallel_loop3A_297, %parallel_loop3A_298 : vector<16xf32>
      %parallel_loop3A_300 = arith.mulf %parallel_loop3A_296, %parallel_loop3A_296 : vector<16xf32>
      %parallel_loop3A_301 = arith.addf %parallel_loop3A_299, %parallel_loop3A_300 : vector<16xf32>
      %parallel_loop3A_302 = arith.constant 1.000000e-30 : f32
      %parallel_loop3A_303 = vector.broadcast %parallel_loop3A_302 : f32 to vector<16xf32>
      %parallel_loop3A_304 = arith.maximumf %parallel_loop3A_301, %parallel_loop3A_303 : vector<16xf32>
      %parallel_loop3A_305 = vector.bitcast %parallel_loop3A_304 : vector<16xf32> to vector<16xi32>
      %parallel_loop3A_306 = arith.constant 1 : i32
      %parallel_loop3A_307 = vector.broadcast %parallel_loop3A_306 : i32 to vector<16xi32>
      %parallel_loop3A_308 = arith.shrui %parallel_loop3A_305, %parallel_loop3A_307 : vector<16xi32>
      %parallel_loop3A_309 = arith.constant 1597463007 : i32
      %parallel_loop3A_310 = vector.broadcast %parallel_loop3A_309 : i32 to vector<16xi32>
      %parallel_loop3A_311 = arith.subi %parallel_loop3A_310, %parallel_loop3A_308 : vector<16xi32>
      %parallel_loop3A_312 = vector.bitcast %parallel_loop3A_311 : vector<16xi32> to vector<16xf32>
      %parallel_loop3A_313 = arith.constant 5.000000e-01 : f32
      %parallel_loop3A_314 = vector.broadcast %parallel_loop3A_313 : f32 to vector<16xf32>
      %parallel_loop3A_315 = arith.mulf %parallel_loop3A_314, %parallel_loop3A_304 : vector<16xf32>
      %parallel_loop3A_316 = arith.mulf %parallel_loop3A_315, %parallel_loop3A_312 : vector<16xf32>
      %parallel_loop3A_317 = arith.mulf %parallel_loop3A_316, %parallel_loop3A_312 : vector<16xf32>
      %parallel_loop3A_318 = arith.constant 1.500000e+00 : f32
      %parallel_loop3A_319 = vector.broadcast %parallel_loop3A_318 : f32 to vector<16xf32>
      %parallel_loop3A_320 = arith.subf %parallel_loop3A_319, %parallel_loop3A_317 : vector<16xf32>
      %parallel_loop3A_321 = arith.mulf %parallel_loop3A_312, %parallel_loop3A_320 : vector<16xf32>
      %parallel_loop3A_322 = arith.mulf %parallel_loop3A_315, %parallel_loop3A_321 : vector<16xf32>
      %parallel_loop3A_323 = arith.mulf %parallel_loop3A_322, %parallel_loop3A_321 : vector<16xf32>
      %parallel_loop3A_324 = arith.constant 1.500000e+00 : f32
      %parallel_loop3A_325 = vector.broadcast %parallel_loop3A_324 : f32 to vector<16xf32>
      %parallel_loop3A_326 = arith.subf %parallel_loop3A_325, %parallel_loop3A_323 : vector<16xf32>
      %parallel_loop3A_327 = arith.mulf %parallel_loop3A_321, %parallel_loop3A_326 : vector<16xf32>
      %parallel_loop3A_328 = arith.mulf %parallel_loop3A_301, %parallel_loop3A_327 : vector<16xf32>
      %parallel_loop3A_329 = arith.index_cast %parallel_loop3A_264 : i32 to index
      %parallel_loop3A_330 = arith.constant 0 : index
      %parallel_loop3A_331 = tpu.vector_load %arg8[%parallel_loop3A_329, %parallel_loop3A_330] {strides = array<i32>} : memref<128x32xf32, #tpu.memory_space<vmem>>, vector<16xf32>,
      tpu.vector_store %arg8[%parallel_loop3A_329, %parallel_loop3A_330], %parallel_loop3A_328 {strides = array<i32>} : memref<128x32xf32, #tpu.memory_space<vmem>>, vector<16xf32>,
      %parallel_loop3A_332 = arith.index_cast %parallel_loop3A_264 : i32 to index
      %parallel_loop3A_333 = arith.constant 16 : index
      %parallel_loop3A_334 = tpu.vector_load %arg6[%parallel_loop3A_332, %parallel_loop3A_333] {strides = array<i32>} : memref<128x32xi32, #tpu.memory_space<vmem>>, vector<16xi32>,
      %parallel_loop3A_335 = arith.constant 3 : i32
      %parallel_loop3A_336 = vector.broadcast %parallel_loop3A_335 : i32 to vector<16xi32>
      %parallel_loop3A_337 = arith.muli %parallel_loop3A_334, %parallel_loop3A_336 : vector<16xi32>
      %parallel_loop3A_338 = tpu.vector_load_idx %arg5[%parallel_loop3A_337] : memref<12304xf32, #tpu.memory_space<vmem>>[vector<16xi32>], vector<16xf32>,
      %parallel_loop3A_339 = arith.constant 1 : i32
      %parallel_loop3A_340 = vector.broadcast %parallel_loop3A_339 : i32 to vector<16xi32>
      %parallel_loop3A_341 = arith.addi %parallel_loop3A_337, %parallel_loop3A_340 : vector<16xi32>
      %parallel_loop3A_342 = tpu.vector_load_idx %arg5[%parallel_loop3A_341] : memref<12304xf32, #tpu.memory_space<vmem>>[vector<16xi32>], vector<16xf32>,
      %parallel_loop3A_343 = arith.constant 2 : i32
      %parallel_loop3A_344 = vector.broadcast %parallel_loop3A_343 : i32 to vector<16xi32>
      %parallel_loop3A_345 = arith.addi %parallel_loop3A_337, %parallel_loop3A_344 : vector<16xi32>
      %parallel_loop3A_346 = tpu.vector_load_idx %arg5[%parallel_loop3A_345] : memref<12304xf32, #tpu.memory_space<vmem>>[vector<16xi32>], vector<16xf32>,
      %parallel_loop3A_347 = vector.broadcast %parallel_loop3A_271 : f32 to vector<16xf32>
      %parallel_loop3A_348 = arith.subf %parallel_loop3A_338, %parallel_loop3A_347 : vector<16xf32>
      %parallel_loop3A_349 = vector.broadcast %parallel_loop3A_273 : f32 to vector<16xf32>
      %parallel_loop3A_350 = arith.subf %parallel_loop3A_342, %parallel_loop3A_349 : vector<16xf32>
      %parallel_loop3A_351 = vector.broadcast %parallel_loop3A_275 : f32 to vector<16xf32>
      %parallel_loop3A_352 = arith.subf %parallel_loop3A_346, %parallel_loop3A_351 : vector<16xf32>
      %parallel_loop3A_353 = arith.mulf %parallel_loop3A_348, %parallel_loop3A_348 : vector<16xf32>
      %parallel_loop3A_354 = arith.mulf %parallel_loop3A_350, %parallel_loop3A_350 : vector<16xf32>
      %parallel_loop3A_355 = arith.addf %parallel_loop3A_353, %parallel_loop3A_354 : vector<16xf32>
      %parallel_loop3A_356 = arith.mulf %parallel_loop3A_352, %parallel_loop3A_352 : vector<16xf32>
      %parallel_loop3A_357 = arith.addf %parallel_loop3A_355, %parallel_loop3A_356 : vector<16xf32>
      %parallel_loop3A_358 = arith.constant 1.000000e-30 : f32
      %parallel_loop3A_359 = vector.broadcast %parallel_loop3A_358 : f32 to vector<16xf32>
      %parallel_loop3A_360 = arith.maximumf %parallel_loop3A_357, %parallel_loop3A_359 : vector<16xf32>
      %parallel_loop3A_361 = vector.bitcast %parallel_loop3A_360 : vector<16xf32> to vector<16xi32>
      %parallel_loop3A_362 = arith.constant 1 : i32
      %parallel_loop3A_363 = vector.broadcast %parallel_loop3A_362 : i32 to vector<16xi32>
      %parallel_loop3A_364 = arith.shrui %parallel_loop3A_361, %parallel_loop3A_363 : vector<16xi32>
      %parallel_loop3A_365 = arith.constant 1597463007 : i32
      %parallel_loop3A_366 = vector.broadcast %parallel_loop3A_365 : i32 to vector<16xi32>
      %parallel_loop3A_367 = arith.subi %parallel_loop3A_366, %parallel_loop3A_364 : vector<16xi32>
      %parallel_loop3A_368 = vector.bitcast %parallel_loop3A_367 : vector<16xi32> to vector<16xf32>
      %parallel_loop3A_369 = arith.constant 5.000000e-01 : f32
      %parallel_loop3A_370 = vector.broadcast %parallel_loop3A_369 : f32 to vector<16xf32>
      %parallel_loop3A_371 = arith.mulf %parallel_loop3A_370, %parallel_loop3A_360 : vector<16xf32>
      %parallel_loop3A_372 = arith.mulf %parallel_loop3A_371, %parallel_loop3A_368 : vector<16xf32>
      %parallel_loop3A_373 = arith.mulf %parallel_loop3A_372, %parallel_loop3A_368 : vector<16xf32>
      %parallel_loop3A_374 = arith.constant 1.500000e+00 : f32
      %parallel_loop3A_375 = vector.broadcast %parallel_loop3A_374 : f32 to vector<16xf32>
      %parallel_loop3A_376 = arith.subf %parallel_loop3A_375, %parallel_loop3A_373 : vector<16xf32>
      %parallel_loop3A_377 = arith.mulf %parallel_loop3A_368, %parallel_loop3A_376 : vector<16xf32>
      %parallel_loop3A_378 = arith.mulf %parallel_loop3A_371, %parallel_loop3A_377 : vector<16xf32>
      %parallel_loop3A_379 = arith.mulf %parallel_loop3A_378, %parallel_loop3A_377 : vector<16xf32>
      %parallel_loop3A_380 = arith.constant 1.500000e+00 : f32
      %parallel_loop3A_381 = vector.broadcast %parallel_loop3A_380 : f32 to vector<16xf32>
      %parallel_loop3A_382 = arith.subf %parallel_loop3A_381, %parallel_loop3A_379 : vector<16xf32>
      %parallel_loop3A_383 = arith.mulf %parallel_loop3A_377, %parallel_loop3A_382 : vector<16xf32>
      %parallel_loop3A_384 = arith.mulf %parallel_loop3A_357, %parallel_loop3A_383 : vector<16xf32>
      %parallel_loop3A_385 = arith.index_cast %parallel_loop3A_264 : i32 to index
      %parallel_loop3A_386 = arith.constant 16 : index
      %parallel_loop3A_387 = tpu.vector_load %arg8[%parallel_loop3A_385, %parallel_loop3A_386] {strides = array<i32>} : memref<128x32xf32, #tpu.memory_space<vmem>>, vector<16xf32>,
      tpu.vector_store %arg8[%parallel_loop3A_385, %parallel_loop3A_386], %parallel_loop3A_384 {strides = array<i32>} : memref<128x32xf32, #tpu.memory_space<vmem>>, vector<16xf32>,
    } {sc.loop_unroll_factor = 4 : i64, sc.parallel_access}
    %add3A_175 = arith.constant 512 : i32
    %add3A_176 = arith.addi %mul3A_34, %add3A_175 : i32
    %dma_start3A_177 = arith.constant 0 : i32
    %dma_start3A_178 = tpu.memref_slice %arg4[%add3A_176, %dma_start3A_177] : memref<32768x32xf32, #tpu.memory_space<hbm>> -> memref<128x32xf32, #tpu.memory_space<hbm>>
    %dma_start3A_179 = arith.constant 0 : i32
    %dma_start3A_180 = tpu.memref_slice %arg4[%add3A_176, %dma_start3A_179] : memref<32768x32xf32, #tpu.memory_space<hbm>> -> memref<128x32xf32, #tpu.memory_space<hbm>>
    tpu.enqueue_dma source(%arg8 : memref<128x32xf32, #tpu.memory_space<vmem>>) target(%dma_start3A_180 : memref<128x32xf32, #tpu.memory_space<hbm>>) target_semaphore(%arg13 : memref<!tpu.dma_semaphore, #tpu.memory_space<semaphore_mem>>)
    %add3A_181 = arith.constant 768 : i32
    %add3A_182 = arith.addi %mul3A_34, %add3A_181 : i32
    %dma_start3A_183 = arith.constant 0 : i32
    %dma_start3A_184 = tpu.memref_slice %arg3[%add3A_182, %dma_start3A_183] : memref<32768x32xi32, #tpu.memory_space<hbm>> -> memref<128x32xi32, #tpu.memory_space<hbm>>
    %dma_start3A_185 = arith.constant 0 : i32
    %dma_start3A_186 = tpu.memref_slice %arg3[%add3A_182, %dma_start3A_185] : memref<32768x32xi32, #tpu.memory_space<hbm>> -> memref<128x32xi32, #tpu.memory_space<hbm>>
    tpu.enqueue_dma source(%dma_start3A_186 : memref<128x32xi32, #tpu.memory_space<hbm>>) target(%arg6 : memref<128x32xi32, #tpu.memory_space<vmem>>) target_semaphore(%arg11 : memref<!tpu.dma_semaphore, #tpu.memory_space<semaphore_mem>>)
    %dma_wait3A_187 = arith.constant 0 : i32
    %dma_wait3A_188 = tpu.memref_slice %arg3[%add3A_155, %dma_wait3A_187] : memref<32768x32xi32, #tpu.memory_space<hbm>> -> memref<128x32xi32, #tpu.memory_space<hbm>>
    %dma_wait3A_189 = arith.constant 0 : i32
    %dma_wait3A_190 = tpu.memref_slice %arg3[%add3A_155, %dma_wait3A_189] : memref<32768x32xi32, #tpu.memory_space<hbm>> -> memref<128x32xi32, #tpu.memory_space<hbm>>
    tpu.wait_dma2 semaphore(%arg12 : memref<!tpu.dma_semaphore, #tpu.memory_space<semaphore_mem>>) src(%dma_wait3A_190 : memref<128x32xi32, #tpu.memory_space<hbm>>) dst(%arg7 : memref<128x32xi32, #tpu.memory_space<vmem>>)
    %dma_wait3A_191 = arith.constant 0 : i32
    %dma_wait3A_192 = tpu.memref_slice %arg4[%add3A_149, %dma_wait3A_191] : memref<32768x32xf32, #tpu.memory_space<hbm>> -> memref<128x32xf32, #tpu.memory_space<hbm>>
    %dma_wait3A_193 = arith.constant 0 : i32
    %dma_wait3A_194 = tpu.memref_slice %arg4[%add3A_149, %dma_wait3A_193] : memref<32768x32xf32, #tpu.memory_space<hbm>> -> memref<128x32xf32, #tpu.memory_space<hbm>>
    tpu.wait_dma2 semaphore(%arg14 : memref<!tpu.dma_semaphore, #tpu.memory_space<semaphore_mem>>) src(%arg9 : memref<128x32xf32, #tpu.memory_space<vmem>>) dst(%dma_wait3A_194 : memref<128x32xf32, #tpu.memory_space<hbm>>)
    %add3A_195 = arith.constant 640 : i32
    %add3A_196 = arith.addi %mul3A_32, %add3A_195 : i32
    %mul3A_197 = arith.constant 3 : i32
    %mul3A_198 = arith.muli %add3A_196, %mul3A_197 : i32
    %parallel_loop3A_199 = arith.constant 0 : i32
    %parallel_loop3A_200 = arith.constant 128 : i32
    %parallel_loop3A_201 = arith.constant 1 : i32
    scf.for %parallel_loop3A_264 = %parallel_loop3A_199 to %parallel_loop3A_200 step %parallel_loop3A_201  : i32 {
      %parallel_loop3A_265 = arith.constant 3 : i32
      %parallel_loop3A_266 = arith.muli %parallel_loop3A_264, %parallel_loop3A_265 : i32
      %parallel_loop3A_267 = arith.addi %mul3A_198, %parallel_loop3A_266 : i32
      %parallel_loop3A_268 = arith.index_cast %parallel_loop3A_267 : i32 to index
      %parallel_loop3A_269 = tpu.vector_load %arg5[%parallel_loop3A_268] {strides = array<i32>} : memref<12304xf32, #tpu.memory_space<vmem>>, vector<16xf32>,
      %parallel_loop3A_270 = vector.extract_strided_slice %parallel_loop3A_269 {offsets = [0], sizes = [1], strides = [1]} : vector<16xf32> to vector<1xf32>
      %parallel_loop3A_271 = vector.extract %parallel_loop3A_270[0] : f32 from vector<1xf32>
      %parallel_loop3A_272 = vector.extract_strided_slice %parallel_loop3A_269 {offsets = [1], sizes = [1], strides = [1]} : vector<16xf32> to vector<1xf32>
      %parallel_loop3A_273 = vector.extract %parallel_loop3A_272[0] : f32 from vector<1xf32>
      %parallel_loop3A_274 = vector.extract_strided_slice %parallel_loop3A_269 {offsets = [2], sizes = [1], strides = [1]} : vector<16xf32> to vector<1xf32>
      %parallel_loop3A_275 = vector.extract %parallel_loop3A_274[0] : f32 from vector<1xf32>
      %parallel_loop3A_276 = arith.index_cast %parallel_loop3A_264 : i32 to index
      %parallel_loop3A_277 = arith.constant 0 : index
      %parallel_loop3A_278 = tpu.vector_load %arg7[%parallel_loop3A_276, %parallel_loop3A_277] {strides = array<i32>} : memref<128x32xi32, #tpu.memory_space<vmem>>, vector<16xi32>,
      %parallel_loop3A_279 = arith.constant 3 : i32
      %parallel_loop3A_280 = vector.broadcast %parallel_loop3A_279 : i32 to vector<16xi32>
      %parallel_loop3A_281 = arith.muli %parallel_loop3A_278, %parallel_loop3A_280 : vector<16xi32>
      %parallel_loop3A_282 = tpu.vector_load_idx %arg5[%parallel_loop3A_281] : memref<12304xf32, #tpu.memory_space<vmem>>[vector<16xi32>], vector<16xf32>,
      %parallel_loop3A_283 = arith.constant 1 : i32
      %parallel_loop3A_284 = vector.broadcast %parallel_loop3A_283 : i32 to vector<16xi32>
      %parallel_loop3A_285 = arith.addi %parallel_loop3A_281, %parallel_loop3A_284 : vector<16xi32>
      %parallel_loop3A_286 = tpu.vector_load_idx %arg5[%parallel_loop3A_285] : memref<12304xf32, #tpu.memory_space<vmem>>[vector<16xi32>], vector<16xf32>,
      %parallel_loop3A_287 = arith.constant 2 : i32
      %parallel_loop3A_288 = vector.broadcast %parallel_loop3A_287 : i32 to vector<16xi32>
      %parallel_loop3A_289 = arith.addi %parallel_loop3A_281, %parallel_loop3A_288 : vector<16xi32>
      %parallel_loop3A_290 = tpu.vector_load_idx %arg5[%parallel_loop3A_289] : memref<12304xf32, #tpu.memory_space<vmem>>[vector<16xi32>], vector<16xf32>,
      %parallel_loop3A_291 = vector.broadcast %parallel_loop3A_271 : f32 to vector<16xf32>
      %parallel_loop3A_292 = arith.subf %parallel_loop3A_282, %parallel_loop3A_291 : vector<16xf32>
      %parallel_loop3A_293 = vector.broadcast %parallel_loop3A_273 : f32 to vector<16xf32>
      %parallel_loop3A_294 = arith.subf %parallel_loop3A_286, %parallel_loop3A_293 : vector<16xf32>
      %parallel_loop3A_295 = vector.broadcast %parallel_loop3A_275 : f32 to vector<16xf32>
      %parallel_loop3A_296 = arith.subf %parallel_loop3A_290, %parallel_loop3A_295 : vector<16xf32>
      %parallel_loop3A_297 = arith.mulf %parallel_loop3A_292, %parallel_loop3A_292 : vector<16xf32>
      %parallel_loop3A_298 = arith.mulf %parallel_loop3A_294, %parallel_loop3A_294 : vector<16xf32>
      %parallel_loop3A_299 = arith.addf %parallel_loop3A_297, %parallel_loop3A_298 : vector<16xf32>
      %parallel_loop3A_300 = arith.mulf %parallel_loop3A_296, %parallel_loop3A_296 : vector<16xf32>
      %parallel_loop3A_301 = arith.addf %parallel_loop3A_299, %parallel_loop3A_300 : vector<16xf32>
      %parallel_loop3A_302 = arith.constant 1.000000e-30 : f32
      %parallel_loop3A_303 = vector.broadcast %parallel_loop3A_302 : f32 to vector<16xf32>
      %parallel_loop3A_304 = arith.maximumf %parallel_loop3A_301, %parallel_loop3A_303 : vector<16xf32>
      %parallel_loop3A_305 = vector.bitcast %parallel_loop3A_304 : vector<16xf32> to vector<16xi32>
      %parallel_loop3A_306 = arith.constant 1 : i32
      %parallel_loop3A_307 = vector.broadcast %parallel_loop3A_306 : i32 to vector<16xi32>
      %parallel_loop3A_308 = arith.shrui %parallel_loop3A_305, %parallel_loop3A_307 : vector<16xi32>
      %parallel_loop3A_309 = arith.constant 1597463007 : i32
      %parallel_loop3A_310 = vector.broadcast %parallel_loop3A_309 : i32 to vector<16xi32>
      %parallel_loop3A_311 = arith.subi %parallel_loop3A_310, %parallel_loop3A_308 : vector<16xi32>
      %parallel_loop3A_312 = vector.bitcast %parallel_loop3A_311 : vector<16xi32> to vector<16xf32>
      %parallel_loop3A_313 = arith.constant 5.000000e-01 : f32
      %parallel_loop3A_314 = vector.broadcast %parallel_loop3A_313 : f32 to vector<16xf32>
      %parallel_loop3A_315 = arith.mulf %parallel_loop3A_314, %parallel_loop3A_304 : vector<16xf32>
      %parallel_loop3A_316 = arith.mulf %parallel_loop3A_315, %parallel_loop3A_312 : vector<16xf32>
      %parallel_loop3A_317 = arith.mulf %parallel_loop3A_316, %parallel_loop3A_312 : vector<16xf32>
      %parallel_loop3A_318 = arith.constant 1.500000e+00 : f32
      %parallel_loop3A_319 = vector.broadcast %parallel_loop3A_318 : f32 to vector<16xf32>
      %parallel_loop3A_320 = arith.subf %parallel_loop3A_319, %parallel_loop3A_317 : vector<16xf32>
      %parallel_loop3A_321 = arith.mulf %parallel_loop3A_312, %parallel_loop3A_320 : vector<16xf32>
      %parallel_loop3A_322 = arith.mulf %parallel_loop3A_315, %parallel_loop3A_321 : vector<16xf32>
      %parallel_loop3A_323 = arith.mulf %parallel_loop3A_322, %parallel_loop3A_321 : vector<16xf32>
      %parallel_loop3A_324 = arith.constant 1.500000e+00 : f32
      %parallel_loop3A_325 = vector.broadcast %parallel_loop3A_324 : f32 to vector<16xf32>
      %parallel_loop3A_326 = arith.subf %parallel_loop3A_325, %parallel_loop3A_323 : vector<16xf32>
      %parallel_loop3A_327 = arith.mulf %parallel_loop3A_321, %parallel_loop3A_326 : vector<16xf32>
      %parallel_loop3A_328 = arith.mulf %parallel_loop3A_301, %parallel_loop3A_327 : vector<16xf32>
      %parallel_loop3A_329 = arith.index_cast %parallel_loop3A_264 : i32 to index
      %parallel_loop3A_330 = arith.constant 0 : index
      %parallel_loop3A_331 = tpu.vector_load %arg9[%parallel_loop3A_329, %parallel_loop3A_330] {strides = array<i32>} : memref<128x32xf32, #tpu.memory_space<vmem>>, vector<16xf32>,
      tpu.vector_store %arg9[%parallel_loop3A_329, %parallel_loop3A_330], %parallel_loop3A_328 {strides = array<i32>} : memref<128x32xf32, #tpu.memory_space<vmem>>, vector<16xf32>,
      %parallel_loop3A_332 = arith.index_cast %parallel_loop3A_264 : i32 to index
      %parallel_loop3A_333 = arith.constant 16 : index
      %parallel_loop3A_334 = tpu.vector_load %arg7[%parallel_loop3A_332, %parallel_loop3A_333] {strides = array<i32>} : memref<128x32xi32, #tpu.memory_space<vmem>>, vector<16xi32>,
      %parallel_loop3A_335 = arith.constant 3 : i32
      %parallel_loop3A_336 = vector.broadcast %parallel_loop3A_335 : i32 to vector<16xi32>
      %parallel_loop3A_337 = arith.muli %parallel_loop3A_334, %parallel_loop3A_336 : vector<16xi32>
      %parallel_loop3A_338 = tpu.vector_load_idx %arg5[%parallel_loop3A_337] : memref<12304xf32, #tpu.memory_space<vmem>>[vector<16xi32>], vector<16xf32>,
      %parallel_loop3A_339 = arith.constant 1 : i32
      %parallel_loop3A_340 = vector.broadcast %parallel_loop3A_339 : i32 to vector<16xi32>
      %parallel_loop3A_341 = arith.addi %parallel_loop3A_337, %parallel_loop3A_340 : vector<16xi32>
      %parallel_loop3A_342 = tpu.vector_load_idx %arg5[%parallel_loop3A_341] : memref<12304xf32, #tpu.memory_space<vmem>>[vector<16xi32>], vector<16xf32>,
      %parallel_loop3A_343 = arith.constant 2 : i32
      %parallel_loop3A_344 = vector.broadcast %parallel_loop3A_343 : i32 to vector<16xi32>
      %parallel_loop3A_345 = arith.addi %parallel_loop3A_337, %parallel_loop3A_344 : vector<16xi32>
      %parallel_loop3A_346 = tpu.vector_load_idx %arg5[%parallel_loop3A_345] : memref<12304xf32, #tpu.memory_space<vmem>>[vector<16xi32>], vector<16xf32>,
      %parallel_loop3A_347 = vector.broadcast %parallel_loop3A_271 : f32 to vector<16xf32>
      %parallel_loop3A_348 = arith.subf %parallel_loop3A_338, %parallel_loop3A_347 : vector<16xf32>
      %parallel_loop3A_349 = vector.broadcast %parallel_loop3A_273 : f32 to vector<16xf32>
      %parallel_loop3A_350 = arith.subf %parallel_loop3A_342, %parallel_loop3A_349 : vector<16xf32>
      %parallel_loop3A_351 = vector.broadcast %parallel_loop3A_275 : f32 to vector<16xf32>
      %parallel_loop3A_352 = arith.subf %parallel_loop3A_346, %parallel_loop3A_351 : vector<16xf32>
      %parallel_loop3A_353 = arith.mulf %parallel_loop3A_348, %parallel_loop3A_348 : vector<16xf32>
      %parallel_loop3A_354 = arith.mulf %parallel_loop3A_350, %parallel_loop3A_350 : vector<16xf32>
      %parallel_loop3A_355 = arith.addf %parallel_loop3A_353, %parallel_loop3A_354 : vector<16xf32>
      %parallel_loop3A_356 = arith.mulf %parallel_loop3A_352, %parallel_loop3A_352 : vector<16xf32>
      %parallel_loop3A_357 = arith.addf %parallel_loop3A_355, %parallel_loop3A_356 : vector<16xf32>
      %parallel_loop3A_358 = arith.constant 1.000000e-30 : f32
      %parallel_loop3A_359 = vector.broadcast %parallel_loop3A_358 : f32 to vector<16xf32>
      %parallel_loop3A_360 = arith.maximumf %parallel_loop3A_357, %parallel_loop3A_359 : vector<16xf32>
      %parallel_loop3A_361 = vector.bitcast %parallel_loop3A_360 : vector<16xf32> to vector<16xi32>
      %parallel_loop3A_362 = arith.constant 1 : i32
      %parallel_loop3A_363 = vector.broadcast %parallel_loop3A_362 : i32 to vector<16xi32>
      %parallel_loop3A_364 = arith.shrui %parallel_loop3A_361, %parallel_loop3A_363 : vector<16xi32>
      %parallel_loop3A_365 = arith.constant 1597463007 : i32
      %parallel_loop3A_366 = vector.broadcast %parallel_loop3A_365 : i32 to vector<16xi32>
      %parallel_loop3A_367 = arith.subi %parallel_loop3A_366, %parallel_loop3A_364 : vector<16xi32>
      %parallel_loop3A_368 = vector.bitcast %parallel_loop3A_367 : vector<16xi32> to vector<16xf32>
      %parallel_loop3A_369 = arith.constant 5.000000e-01 : f32
      %parallel_loop3A_370 = vector.broadcast %parallel_loop3A_369 : f32 to vector<16xf32>
      %parallel_loop3A_371 = arith.mulf %parallel_loop3A_370, %parallel_loop3A_360 : vector<16xf32>
      %parallel_loop3A_372 = arith.mulf %parallel_loop3A_371, %parallel_loop3A_368 : vector<16xf32>
      %parallel_loop3A_373 = arith.mulf %parallel_loop3A_372, %parallel_loop3A_368 : vector<16xf32>
      %parallel_loop3A_374 = arith.constant 1.500000e+00 : f32
      %parallel_loop3A_375 = vector.broadcast %parallel_loop3A_374 : f32 to vector<16xf32>
      %parallel_loop3A_376 = arith.subf %parallel_loop3A_375, %parallel_loop3A_373 : vector<16xf32>
      %parallel_loop3A_377 = arith.mulf %parallel_loop3A_368, %parallel_loop3A_376 : vector<16xf32>
      %parallel_loop3A_378 = arith.mulf %parallel_loop3A_371, %parallel_loop3A_377 : vector<16xf32>
      %parallel_loop3A_379 = arith.mulf %parallel_loop3A_378, %parallel_loop3A_377 : vector<16xf32>
      %parallel_loop3A_380 = arith.constant 1.500000e+00 : f32
      %parallel_loop3A_381 = vector.broadcast %parallel_loop3A_380 : f32 to vector<16xf32>
      %parallel_loop3A_382 = arith.subf %parallel_loop3A_381, %parallel_loop3A_379 : vector<16xf32>
      %parallel_loop3A_383 = arith.mulf %parallel_loop3A_377, %parallel_loop3A_382 : vector<16xf32>
      %parallel_loop3A_384 = arith.mulf %parallel_loop3A_357, %parallel_loop3A_383 : vector<16xf32>
      %parallel_loop3A_385 = arith.index_cast %parallel_loop3A_264 : i32 to index
      %parallel_loop3A_386 = arith.constant 16 : index
      %parallel_loop3A_387 = tpu.vector_load %arg9[%parallel_loop3A_385, %parallel_loop3A_386] {strides = array<i32>} : memref<128x32xf32, #tpu.memory_space<vmem>>, vector<16xf32>,
      tpu.vector_store %arg9[%parallel_loop3A_385, %parallel_loop3A_386], %parallel_loop3A_384 {strides = array<i32>} : memref<128x32xf32, #tpu.memory_space<vmem>>, vector<16xf32>,
    } {sc.loop_unroll_factor = 4 : i64, sc.parallel_access}
    %add3A_202 = arith.constant 640 : i32
    %add3A_203 = arith.addi %mul3A_34, %add3A_202 : i32
    %dma_start3A_204 = arith.constant 0 : i32
    %dma_start3A_205 = tpu.memref_slice %arg4[%add3A_203, %dma_start3A_204] : memref<32768x32xf32, #tpu.memory_space<hbm>> -> memref<128x32xf32, #tpu.memory_space<hbm>>
    %dma_start3A_206 = arith.constant 0 : i32
    %dma_start3A_207 = tpu.memref_slice %arg4[%add3A_203, %dma_start3A_206] : memref<32768x32xf32, #tpu.memory_space<hbm>> -> memref<128x32xf32, #tpu.memory_space<hbm>>
    tpu.enqueue_dma source(%arg9 : memref<128x32xf32, #tpu.memory_space<vmem>>) target(%dma_start3A_207 : memref<128x32xf32, #tpu.memory_space<hbm>>) target_semaphore(%arg14 : memref<!tpu.dma_semaphore, #tpu.memory_space<semaphore_mem>>)
    %add3A_208 = arith.constant 896 : i32
    %add3A_209 = arith.addi %mul3A_34, %add3A_208 : i32
    %dma_start3A_210 = arith.constant 0 : i32
    %dma_start3A_211 = tpu.memref_slice %arg3[%add3A_209, %dma_start3A_210] : memref<32768x32xi32, #tpu.memory_space<hbm>> -> memref<128x32xi32, #tpu.memory_space<hbm>>
    %dma_start3A_212 = arith.constant 0 : i32
    %dma_start3A_213 = tpu.memref_slice %arg3[%add3A_209, %dma_start3A_212] : memref<32768x32xi32, #tpu.memory_space<hbm>> -> memref<128x32xi32, #tpu.memory_space<hbm>>
    tpu.enqueue_dma source(%dma_start3A_213 : memref<128x32xi32, #tpu.memory_space<hbm>>) target(%arg7 : memref<128x32xi32, #tpu.memory_space<vmem>>) target_semaphore(%arg12 : memref<!tpu.dma_semaphore, #tpu.memory_space<semaphore_mem>>)
    %dma_wait3A_214 = arith.constant 0 : i32
    %dma_wait3A_215 = tpu.memref_slice %arg3[%add3A_182, %dma_wait3A_214] : memref<32768x32xi32, #tpu.memory_space<hbm>> -> memref<128x32xi32, #tpu.memory_space<hbm>>
    %dma_wait3A_216 = arith.constant 0 : i32
    %dma_wait3A_217 = tpu.memref_slice %arg3[%add3A_182, %dma_wait3A_216] : memref<32768x32xi32, #tpu.memory_space<hbm>> -> memref<128x32xi32, #tpu.memory_space<hbm>>
    tpu.wait_dma2 semaphore(%arg11 : memref<!tpu.dma_semaphore, #tpu.memory_space<semaphore_mem>>) src(%dma_wait3A_217 : memref<128x32xi32, #tpu.memory_space<hbm>>) dst(%arg6 : memref<128x32xi32, #tpu.memory_space<vmem>>)
    %dma_wait3A_218 = arith.constant 0 : i32
    %dma_wait3A_219 = tpu.memref_slice %arg4[%add3A_176, %dma_wait3A_218] : memref<32768x32xf32, #tpu.memory_space<hbm>> -> memref<128x32xf32, #tpu.memory_space<hbm>>
    %dma_wait3A_220 = arith.constant 0 : i32
    %dma_wait3A_221 = tpu.memref_slice %arg4[%add3A_176, %dma_wait3A_220] : memref<32768x32xf32, #tpu.memory_space<hbm>> -> memref<128x32xf32, #tpu.memory_space<hbm>>
    tpu.wait_dma2 semaphore(%arg13 : memref<!tpu.dma_semaphore, #tpu.memory_space<semaphore_mem>>) src(%arg8 : memref<128x32xf32, #tpu.memory_space<vmem>>) dst(%dma_wait3A_221 : memref<128x32xf32, #tpu.memory_space<hbm>>)
    %add3A_222 = arith.constant 768 : i32
    %add3A_223 = arith.addi %mul3A_32, %add3A_222 : i32
    %mul3A_224 = arith.constant 3 : i32
    %mul3A_225 = arith.muli %add3A_223, %mul3A_224 : i32
    %parallel_loop3A_226 = arith.constant 0 : i32
    %parallel_loop3A_227 = arith.constant 128 : i32
    %parallel_loop3A_228 = arith.constant 1 : i32
    scf.for %parallel_loop3A_264 = %parallel_loop3A_226 to %parallel_loop3A_227 step %parallel_loop3A_228  : i32 {
      %parallel_loop3A_265 = arith.constant 3 : i32
      %parallel_loop3A_266 = arith.muli %parallel_loop3A_264, %parallel_loop3A_265 : i32
      %parallel_loop3A_267 = arith.addi %mul3A_225, %parallel_loop3A_266 : i32
      %parallel_loop3A_268 = arith.index_cast %parallel_loop3A_267 : i32 to index
      %parallel_loop3A_269 = tpu.vector_load %arg5[%parallel_loop3A_268] {strides = array<i32>} : memref<12304xf32, #tpu.memory_space<vmem>>, vector<16xf32>,
      %parallel_loop3A_270 = vector.extract_strided_slice %parallel_loop3A_269 {offsets = [0], sizes = [1], strides = [1]} : vector<16xf32> to vector<1xf32>
      %parallel_loop3A_271 = vector.extract %parallel_loop3A_270[0] : f32 from vector<1xf32>
      %parallel_loop3A_272 = vector.extract_strided_slice %parallel_loop3A_269 {offsets = [1], sizes = [1], strides = [1]} : vector<16xf32> to vector<1xf32>
      %parallel_loop3A_273 = vector.extract %parallel_loop3A_272[0] : f32 from vector<1xf32>
      %parallel_loop3A_274 = vector.extract_strided_slice %parallel_loop3A_269 {offsets = [2], sizes = [1], strides = [1]} : vector<16xf32> to vector<1xf32>
      %parallel_loop3A_275 = vector.extract %parallel_loop3A_274[0] : f32 from vector<1xf32>
      %parallel_loop3A_276 = arith.index_cast %parallel_loop3A_264 : i32 to index
      %parallel_loop3A_277 = arith.constant 0 : index
      %parallel_loop3A_278 = tpu.vector_load %arg6[%parallel_loop3A_276, %parallel_loop3A_277] {strides = array<i32>} : memref<128x32xi32, #tpu.memory_space<vmem>>, vector<16xi32>,
      %parallel_loop3A_279 = arith.constant 3 : i32
      %parallel_loop3A_280 = vector.broadcast %parallel_loop3A_279 : i32 to vector<16xi32>
      %parallel_loop3A_281 = arith.muli %parallel_loop3A_278, %parallel_loop3A_280 : vector<16xi32>
      %parallel_loop3A_282 = tpu.vector_load_idx %arg5[%parallel_loop3A_281] : memref<12304xf32, #tpu.memory_space<vmem>>[vector<16xi32>], vector<16xf32>,
      %parallel_loop3A_283 = arith.constant 1 : i32
      %parallel_loop3A_284 = vector.broadcast %parallel_loop3A_283 : i32 to vector<16xi32>
      %parallel_loop3A_285 = arith.addi %parallel_loop3A_281, %parallel_loop3A_284 : vector<16xi32>
      %parallel_loop3A_286 = tpu.vector_load_idx %arg5[%parallel_loop3A_285] : memref<12304xf32, #tpu.memory_space<vmem>>[vector<16xi32>], vector<16xf32>,
      %parallel_loop3A_287 = arith.constant 2 : i32
      %parallel_loop3A_288 = vector.broadcast %parallel_loop3A_287 : i32 to vector<16xi32>
      %parallel_loop3A_289 = arith.addi %parallel_loop3A_281, %parallel_loop3A_288 : vector<16xi32>
      %parallel_loop3A_290 = tpu.vector_load_idx %arg5[%parallel_loop3A_289] : memref<12304xf32, #tpu.memory_space<vmem>>[vector<16xi32>], vector<16xf32>,
      %parallel_loop3A_291 = vector.broadcast %parallel_loop3A_271 : f32 to vector<16xf32>
      %parallel_loop3A_292 = arith.subf %parallel_loop3A_282, %parallel_loop3A_291 : vector<16xf32>
      %parallel_loop3A_293 = vector.broadcast %parallel_loop3A_273 : f32 to vector<16xf32>
      %parallel_loop3A_294 = arith.subf %parallel_loop3A_286, %parallel_loop3A_293 : vector<16xf32>
      %parallel_loop3A_295 = vector.broadcast %parallel_loop3A_275 : f32 to vector<16xf32>
      %parallel_loop3A_296 = arith.subf %parallel_loop3A_290, %parallel_loop3A_295 : vector<16xf32>
      %parallel_loop3A_297 = arith.mulf %parallel_loop3A_292, %parallel_loop3A_292 : vector<16xf32>
      %parallel_loop3A_298 = arith.mulf %parallel_loop3A_294, %parallel_loop3A_294 : vector<16xf32>
      %parallel_loop3A_299 = arith.addf %parallel_loop3A_297, %parallel_loop3A_298 : vector<16xf32>
      %parallel_loop3A_300 = arith.mulf %parallel_loop3A_296, %parallel_loop3A_296 : vector<16xf32>
      %parallel_loop3A_301 = arith.addf %parallel_loop3A_299, %parallel_loop3A_300 : vector<16xf32>
      %parallel_loop3A_302 = arith.constant 1.000000e-30 : f32
      %parallel_loop3A_303 = vector.broadcast %parallel_loop3A_302 : f32 to vector<16xf32>
      %parallel_loop3A_304 = arith.maximumf %parallel_loop3A_301, %parallel_loop3A_303 : vector<16xf32>
      %parallel_loop3A_305 = vector.bitcast %parallel_loop3A_304 : vector<16xf32> to vector<16xi32>
      %parallel_loop3A_306 = arith.constant 1 : i32
      %parallel_loop3A_307 = vector.broadcast %parallel_loop3A_306 : i32 to vector<16xi32>
      %parallel_loop3A_308 = arith.shrui %parallel_loop3A_305, %parallel_loop3A_307 : vector<16xi32>
      %parallel_loop3A_309 = arith.constant 1597463007 : i32
      %parallel_loop3A_310 = vector.broadcast %parallel_loop3A_309 : i32 to vector<16xi32>
      %parallel_loop3A_311 = arith.subi %parallel_loop3A_310, %parallel_loop3A_308 : vector<16xi32>
      %parallel_loop3A_312 = vector.bitcast %parallel_loop3A_311 : vector<16xi32> to vector<16xf32>
      %parallel_loop3A_313 = arith.constant 5.000000e-01 : f32
      %parallel_loop3A_314 = vector.broadcast %parallel_loop3A_313 : f32 to vector<16xf32>
      %parallel_loop3A_315 = arith.mulf %parallel_loop3A_314, %parallel_loop3A_304 : vector<16xf32>
      %parallel_loop3A_316 = arith.mulf %parallel_loop3A_315, %parallel_loop3A_312 : vector<16xf32>
      %parallel_loop3A_317 = arith.mulf %parallel_loop3A_316, %parallel_loop3A_312 : vector<16xf32>
      %parallel_loop3A_318 = arith.constant 1.500000e+00 : f32
      %parallel_loop3A_319 = vector.broadcast %parallel_loop3A_318 : f32 to vector<16xf32>
      %parallel_loop3A_320 = arith.subf %parallel_loop3A_319, %parallel_loop3A_317 : vector<16xf32>
      %parallel_loop3A_321 = arith.mulf %parallel_loop3A_312, %parallel_loop3A_320 : vector<16xf32>
      %parallel_loop3A_322 = arith.mulf %parallel_loop3A_315, %parallel_loop3A_321 : vector<16xf32>
      %parallel_loop3A_323 = arith.mulf %parallel_loop3A_322, %parallel_loop3A_321 : vector<16xf32>
      %parallel_loop3A_324 = arith.constant 1.500000e+00 : f32
      %parallel_loop3A_325 = vector.broadcast %parallel_loop3A_324 : f32 to vector<16xf32>
      %parallel_loop3A_326 = arith.subf %parallel_loop3A_325, %parallel_loop3A_323 : vector<16xf32>
      %parallel_loop3A_327 = arith.mulf %parallel_loop3A_321, %parallel_loop3A_326 : vector<16xf32>
      %parallel_loop3A_328 = arith.mulf %parallel_loop3A_301, %parallel_loop3A_327 : vector<16xf32>
      %parallel_loop3A_329 = arith.index_cast %parallel_loop3A_264 : i32 to index
      %parallel_loop3A_330 = arith.constant 0 : index
      %parallel_loop3A_331 = tpu.vector_load %arg8[%parallel_loop3A_329, %parallel_loop3A_330] {strides = array<i32>} : memref<128x32xf32, #tpu.memory_space<vmem>>, vector<16xf32>,
      tpu.vector_store %arg8[%parallel_loop3A_329, %parallel_loop3A_330], %parallel_loop3A_328 {strides = array<i32>} : memref<128x32xf32, #tpu.memory_space<vmem>>, vector<16xf32>,
      %parallel_loop3A_332 = arith.index_cast %parallel_loop3A_264 : i32 to index
      %parallel_loop3A_333 = arith.constant 16 : index
      %parallel_loop3A_334 = tpu.vector_load %arg6[%parallel_loop3A_332, %parallel_loop3A_333] {strides = array<i32>} : memref<128x32xi32, #tpu.memory_space<vmem>>, vector<16xi32>,
      %parallel_loop3A_335 = arith.constant 3 : i32
      %parallel_loop3A_336 = vector.broadcast %parallel_loop3A_335 : i32 to vector<16xi32>
      %parallel_loop3A_337 = arith.muli %parallel_loop3A_334, %parallel_loop3A_336 : vector<16xi32>
      %parallel_loop3A_338 = tpu.vector_load_idx %arg5[%parallel_loop3A_337] : memref<12304xf32, #tpu.memory_space<vmem>>[vector<16xi32>], vector<16xf32>,
      %parallel_loop3A_339 = arith.constant 1 : i32
      %parallel_loop3A_340 = vector.broadcast %parallel_loop3A_339 : i32 to vector<16xi32>
      %parallel_loop3A_341 = arith.addi %parallel_loop3A_337, %parallel_loop3A_340 : vector<16xi32>
      %parallel_loop3A_342 = tpu.vector_load_idx %arg5[%parallel_loop3A_341] : memref<12304xf32, #tpu.memory_space<vmem>>[vector<16xi32>], vector<16xf32>,
      %parallel_loop3A_343 = arith.constant 2 : i32
      %parallel_loop3A_344 = vector.broadcast %parallel_loop3A_343 : i32 to vector<16xi32>
      %parallel_loop3A_345 = arith.addi %parallel_loop3A_337, %parallel_loop3A_344 : vector<16xi32>
      %parallel_loop3A_346 = tpu.vector_load_idx %arg5[%parallel_loop3A_345] : memref<12304xf32, #tpu.memory_space<vmem>>[vector<16xi32>], vector<16xf32>,
      %parallel_loop3A_347 = vector.broadcast %parallel_loop3A_271 : f32 to vector<16xf32>
      %parallel_loop3A_348 = arith.subf %parallel_loop3A_338, %parallel_loop3A_347 : vector<16xf32>
      %parallel_loop3A_349 = vector.broadcast %parallel_loop3A_273 : f32 to vector<16xf32>
      %parallel_loop3A_350 = arith.subf %parallel_loop3A_342, %parallel_loop3A_349 : vector<16xf32>
      %parallel_loop3A_351 = vector.broadcast %parallel_loop3A_275 : f32 to vector<16xf32>
      %parallel_loop3A_352 = arith.subf %parallel_loop3A_346, %parallel_loop3A_351 : vector<16xf32>
      %parallel_loop3A_353 = arith.mulf %parallel_loop3A_348, %parallel_loop3A_348 : vector<16xf32>
      %parallel_loop3A_354 = arith.mulf %parallel_loop3A_350, %parallel_loop3A_350 : vector<16xf32>
      %parallel_loop3A_355 = arith.addf %parallel_loop3A_353, %parallel_loop3A_354 : vector<16xf32>
      %parallel_loop3A_356 = arith.mulf %parallel_loop3A_352, %parallel_loop3A_352 : vector<16xf32>
      %parallel_loop3A_357 = arith.addf %parallel_loop3A_355, %parallel_loop3A_356 : vector<16xf32>
      %parallel_loop3A_358 = arith.constant 1.000000e-30 : f32
      %parallel_loop3A_359 = vector.broadcast %parallel_loop3A_358 : f32 to vector<16xf32>
      %parallel_loop3A_360 = arith.maximumf %parallel_loop3A_357, %parallel_loop3A_359 : vector<16xf32>
      %parallel_loop3A_361 = vector.bitcast %parallel_loop3A_360 : vector<16xf32> to vector<16xi32>
      %parallel_loop3A_362 = arith.constant 1 : i32
      %parallel_loop3A_363 = vector.broadcast %parallel_loop3A_362 : i32 to vector<16xi32>
      %parallel_loop3A_364 = arith.shrui %parallel_loop3A_361, %parallel_loop3A_363 : vector<16xi32>
      %parallel_loop3A_365 = arith.constant 1597463007 : i32
      %parallel_loop3A_366 = vector.broadcast %parallel_loop3A_365 : i32 to vector<16xi32>
      %parallel_loop3A_367 = arith.subi %parallel_loop3A_366, %parallel_loop3A_364 : vector<16xi32>
      %parallel_loop3A_368 = vector.bitcast %parallel_loop3A_367 : vector<16xi32> to vector<16xf32>
      %parallel_loop3A_369 = arith.constant 5.000000e-01 : f32
      %parallel_loop3A_370 = vector.broadcast %parallel_loop3A_369 : f32 to vector<16xf32>
      %parallel_loop3A_371 = arith.mulf %parallel_loop3A_370, %parallel_loop3A_360 : vector<16xf32>
      %parallel_loop3A_372 = arith.mulf %parallel_loop3A_371, %parallel_loop3A_368 : vector<16xf32>
      %parallel_loop3A_373 = arith.mulf %parallel_loop3A_372, %parallel_loop3A_368 : vector<16xf32>
      %parallel_loop3A_374 = arith.constant 1.500000e+00 : f32
      %parallel_loop3A_375 = vector.broadcast %parallel_loop3A_374 : f32 to vector<16xf32>
      %parallel_loop3A_376 = arith.subf %parallel_loop3A_375, %parallel_loop3A_373 : vector<16xf32>
      %parallel_loop3A_377 = arith.mulf %parallel_loop3A_368, %parallel_loop3A_376 : vector<16xf32>
      %parallel_loop3A_378 = arith.mulf %parallel_loop3A_371, %parallel_loop3A_377 : vector<16xf32>
      %parallel_loop3A_379 = arith.mulf %parallel_loop3A_378, %parallel_loop3A_377 : vector<16xf32>
      %parallel_loop3A_380 = arith.constant 1.500000e+00 : f32
      %parallel_loop3A_381 = vector.broadcast %parallel_loop3A_380 : f32 to vector<16xf32>
      %parallel_loop3A_382 = arith.subf %parallel_loop3A_381, %parallel_loop3A_379 : vector<16xf32>
      %parallel_loop3A_383 = arith.mulf %parallel_loop3A_377, %parallel_loop3A_382 : vector<16xf32>
      %parallel_loop3A_384 = arith.mulf %parallel_loop3A_357, %parallel_loop3A_383 : vector<16xf32>
      %parallel_loop3A_385 = arith.index_cast %parallel_loop3A_264 : i32 to index
      %parallel_loop3A_386 = arith.constant 16 : index
      %parallel_loop3A_387 = tpu.vector_load %arg8[%parallel_loop3A_385, %parallel_loop3A_386] {strides = array<i32>} : memref<128x32xf32, #tpu.memory_space<vmem>>, vector<16xf32>,
      tpu.vector_store %arg8[%parallel_loop3A_385, %parallel_loop3A_386], %parallel_loop3A_384 {strides = array<i32>} : memref<128x32xf32, #tpu.memory_space<vmem>>, vector<16xf32>,
    } {sc.loop_unroll_factor = 4 : i64, sc.parallel_access}
    %add3A_229 = arith.constant 768 : i32
    %add3A_230 = arith.addi %mul3A_34, %add3A_229 : i32
    %dma_start3A_231 = arith.constant 0 : i32
    %dma_start3A_232 = tpu.memref_slice %arg4[%add3A_230, %dma_start3A_231] : memref<32768x32xf32, #tpu.memory_space<hbm>> -> memref<128x32xf32, #tpu.memory_space<hbm>>
    %dma_start3A_233 = arith.constant 0 : i32
    %dma_start3A_234 = tpu.memref_slice %arg4[%add3A_230, %dma_start3A_233] : memref<32768x32xf32, #tpu.memory_space<hbm>> -> memref<128x32xf32, #tpu.memory_space<hbm>>
    tpu.enqueue_dma source(%arg8 : memref<128x32xf32, #tpu.memory_space<vmem>>) target(%dma_start3A_234 : memref<128x32xf32, #tpu.memory_space<hbm>>) target_semaphore(%arg13 : memref<!tpu.dma_semaphore, #tpu.memory_space<semaphore_mem>>)
    %dma_wait3A_235 = arith.constant 0 : i32
    %dma_wait3A_236 = tpu.memref_slice %arg3[%add3A_209, %dma_wait3A_235] : memref<32768x32xi32, #tpu.memory_space<hbm>> -> memref<128x32xi32, #tpu.memory_space<hbm>>
    %dma_wait3A_237 = arith.constant 0 : i32
    %dma_wait3A_238 = tpu.memref_slice %arg3[%add3A_209, %dma_wait3A_237] : memref<32768x32xi32, #tpu.memory_space<hbm>> -> memref<128x32xi32, #tpu.memory_space<hbm>>
    tpu.wait_dma2 semaphore(%arg12 : memref<!tpu.dma_semaphore, #tpu.memory_space<semaphore_mem>>) src(%dma_wait3A_238 : memref<128x32xi32, #tpu.memory_space<hbm>>) dst(%arg7 : memref<128x32xi32, #tpu.memory_space<vmem>>)
    %dma_wait3A_239 = arith.constant 0 : i32
    %dma_wait3A_240 = tpu.memref_slice %arg4[%add3A_203, %dma_wait3A_239] : memref<32768x32xf32, #tpu.memory_space<hbm>> -> memref<128x32xf32, #tpu.memory_space<hbm>>
    %dma_wait3A_241 = arith.constant 0 : i32
    %dma_wait3A_242 = tpu.memref_slice %arg4[%add3A_203, %dma_wait3A_241] : memref<32768x32xf32, #tpu.memory_space<hbm>> -> memref<128x32xf32, #tpu.memory_space<hbm>>
    tpu.wait_dma2 semaphore(%arg14 : memref<!tpu.dma_semaphore, #tpu.memory_space<semaphore_mem>>) src(%arg9 : memref<128x32xf32, #tpu.memory_space<vmem>>) dst(%dma_wait3A_242 : memref<128x32xf32, #tpu.memory_space<hbm>>)
    %add3A_243 = arith.constant 896 : i32
    %add3A_244 = arith.addi %mul3A_32, %add3A_243 : i32
    %mul3A_245 = arith.constant 3 : i32
    %mul3A_246 = arith.muli %add3A_244, %mul3A_245 : i32
    %parallel_loop3A_247 = arith.constant 0 : i32
    %parallel_loop3A_248 = arith.constant 128 : i32
    %parallel_loop3A_249 = arith.constant 1 : i32
    scf.for %parallel_loop3A_264 = %parallel_loop3A_247 to %parallel_loop3A_248 step %parallel_loop3A_249  : i32 {
      %parallel_loop3A_265 = arith.constant 3 : i32
      %parallel_loop3A_266 = arith.muli %parallel_loop3A_264, %parallel_loop3A_265 : i32
      %parallel_loop3A_267 = arith.addi %mul3A_246, %parallel_loop3A_266 : i32
      %parallel_loop3A_268 = arith.index_cast %parallel_loop3A_267 : i32 to index
      %parallel_loop3A_269 = tpu.vector_load %arg5[%parallel_loop3A_268] {strides = array<i32>} : memref<12304xf32, #tpu.memory_space<vmem>>, vector<16xf32>,
      %parallel_loop3A_270 = vector.extract_strided_slice %parallel_loop3A_269 {offsets = [0], sizes = [1], strides = [1]} : vector<16xf32> to vector<1xf32>
      %parallel_loop3A_271 = vector.extract %parallel_loop3A_270[0] : f32 from vector<1xf32>
      %parallel_loop3A_272 = vector.extract_strided_slice %parallel_loop3A_269 {offsets = [1], sizes = [1], strides = [1]} : vector<16xf32> to vector<1xf32>
      %parallel_loop3A_273 = vector.extract %parallel_loop3A_272[0] : f32 from vector<1xf32>
      %parallel_loop3A_274 = vector.extract_strided_slice %parallel_loop3A_269 {offsets = [2], sizes = [1], strides = [1]} : vector<16xf32> to vector<1xf32>
      %parallel_loop3A_275 = vector.extract %parallel_loop3A_274[0] : f32 from vector<1xf32>
      %parallel_loop3A_276 = arith.index_cast %parallel_loop3A_264 : i32 to index
      %parallel_loop3A_277 = arith.constant 0 : index
      %parallel_loop3A_278 = tpu.vector_load %arg7[%parallel_loop3A_276, %parallel_loop3A_277] {strides = array<i32>} : memref<128x32xi32, #tpu.memory_space<vmem>>, vector<16xi32>,
      %parallel_loop3A_279 = arith.constant 3 : i32
      %parallel_loop3A_280 = vector.broadcast %parallel_loop3A_279 : i32 to vector<16xi32>
      %parallel_loop3A_281 = arith.muli %parallel_loop3A_278, %parallel_loop3A_280 : vector<16xi32>
      %parallel_loop3A_282 = tpu.vector_load_idx %arg5[%parallel_loop3A_281] : memref<12304xf32, #tpu.memory_space<vmem>>[vector<16xi32>], vector<16xf32>,
      %parallel_loop3A_283 = arith.constant 1 : i32
      %parallel_loop3A_284 = vector.broadcast %parallel_loop3A_283 : i32 to vector<16xi32>
      %parallel_loop3A_285 = arith.addi %parallel_loop3A_281, %parallel_loop3A_284 : vector<16xi32>
      %parallel_loop3A_286 = tpu.vector_load_idx %arg5[%parallel_loop3A_285] : memref<12304xf32, #tpu.memory_space<vmem>>[vector<16xi32>], vector<16xf32>,
      %parallel_loop3A_287 = arith.constant 2 : i32
      %parallel_loop3A_288 = vector.broadcast %parallel_loop3A_287 : i32 to vector<16xi32>
      %parallel_loop3A_289 = arith.addi %parallel_loop3A_281, %parallel_loop3A_288 : vector<16xi32>
      %parallel_loop3A_290 = tpu.vector_load_idx %arg5[%parallel_loop3A_289] : memref<12304xf32, #tpu.memory_space<vmem>>[vector<16xi32>], vector<16xf32>,
      %parallel_loop3A_291 = vector.broadcast %parallel_loop3A_271 : f32 to vector<16xf32>
      %parallel_loop3A_292 = arith.subf %parallel_loop3A_282, %parallel_loop3A_291 : vector<16xf32>
      %parallel_loop3A_293 = vector.broadcast %parallel_loop3A_273 : f32 to vector<16xf32>
      %parallel_loop3A_294 = arith.subf %parallel_loop3A_286, %parallel_loop3A_293 : vector<16xf32>
      %parallel_loop3A_295 = vector.broadcast %parallel_loop3A_275 : f32 to vector<16xf32>
      %parallel_loop3A_296 = arith.subf %parallel_loop3A_290, %parallel_loop3A_295 : vector<16xf32>
      %parallel_loop3A_297 = arith.mulf %parallel_loop3A_292, %parallel_loop3A_292 : vector<16xf32>
      %parallel_loop3A_298 = arith.mulf %parallel_loop3A_294, %parallel_loop3A_294 : vector<16xf32>
      %parallel_loop3A_299 = arith.addf %parallel_loop3A_297, %parallel_loop3A_298 : vector<16xf32>
      %parallel_loop3A_300 = arith.mulf %parallel_loop3A_296, %parallel_loop3A_296 : vector<16xf32>
      %parallel_loop3A_301 = arith.addf %parallel_loop3A_299, %parallel_loop3A_300 : vector<16xf32>
      %parallel_loop3A_302 = arith.constant 1.000000e-30 : f32
      %parallel_loop3A_303 = vector.broadcast %parallel_loop3A_302 : f32 to vector<16xf32>
      %parallel_loop3A_304 = arith.maximumf %parallel_loop3A_301, %parallel_loop3A_303 : vector<16xf32>
      %parallel_loop3A_305 = vector.bitcast %parallel_loop3A_304 : vector<16xf32> to vector<16xi32>
      %parallel_loop3A_306 = arith.constant 1 : i32
      %parallel_loop3A_307 = vector.broadcast %parallel_loop3A_306 : i32 to vector<16xi32>
      %parallel_loop3A_308 = arith.shrui %parallel_loop3A_305, %parallel_loop3A_307 : vector<16xi32>
      %parallel_loop3A_309 = arith.constant 1597463007 : i32
      %parallel_loop3A_310 = vector.broadcast %parallel_loop3A_309 : i32 to vector<16xi32>
      %parallel_loop3A_311 = arith.subi %parallel_loop3A_310, %parallel_loop3A_308 : vector<16xi32>
      %parallel_loop3A_312 = vector.bitcast %parallel_loop3A_311 : vector<16xi32> to vector<16xf32>
      %parallel_loop3A_313 = arith.constant 5.000000e-01 : f32
      %parallel_loop3A_314 = vector.broadcast %parallel_loop3A_313 : f32 to vector<16xf32>
      %parallel_loop3A_315 = arith.mulf %parallel_loop3A_314, %parallel_loop3A_304 : vector<16xf32>
      %parallel_loop3A_316 = arith.mulf %parallel_loop3A_315, %parallel_loop3A_312 : vector<16xf32>
      %parallel_loop3A_317 = arith.mulf %parallel_loop3A_316, %parallel_loop3A_312 : vector<16xf32>
      %parallel_loop3A_318 = arith.constant 1.500000e+00 : f32
      %parallel_loop3A_319 = vector.broadcast %parallel_loop3A_318 : f32 to vector<16xf32>
      %parallel_loop3A_320 = arith.subf %parallel_loop3A_319, %parallel_loop3A_317 : vector<16xf32>
      %parallel_loop3A_321 = arith.mulf %parallel_loop3A_312, %parallel_loop3A_320 : vector<16xf32>
      %parallel_loop3A_322 = arith.mulf %parallel_loop3A_315, %parallel_loop3A_321 : vector<16xf32>
      %parallel_loop3A_323 = arith.mulf %parallel_loop3A_322, %parallel_loop3A_321 : vector<16xf32>
      %parallel_loop3A_324 = arith.constant 1.500000e+00 : f32
      %parallel_loop3A_325 = vector.broadcast %parallel_loop3A_324 : f32 to vector<16xf32>
      %parallel_loop3A_326 = arith.subf %parallel_loop3A_325, %parallel_loop3A_323 : vector<16xf32>
      %parallel_loop3A_327 = arith.mulf %parallel_loop3A_321, %parallel_loop3A_326 : vector<16xf32>
      %parallel_loop3A_328 = arith.mulf %parallel_loop3A_301, %parallel_loop3A_327 : vector<16xf32>
      %parallel_loop3A_329 = arith.index_cast %parallel_loop3A_264 : i32 to index
      %parallel_loop3A_330 = arith.constant 0 : index
      %parallel_loop3A_331 = tpu.vector_load %arg9[%parallel_loop3A_329, %parallel_loop3A_330] {strides = array<i32>} : memref<128x32xf32, #tpu.memory_space<vmem>>, vector<16xf32>,
      tpu.vector_store %arg9[%parallel_loop3A_329, %parallel_loop3A_330], %parallel_loop3A_328 {strides = array<i32>} : memref<128x32xf32, #tpu.memory_space<vmem>>, vector<16xf32>,
      %parallel_loop3A_332 = arith.index_cast %parallel_loop3A_264 : i32 to index
      %parallel_loop3A_333 = arith.constant 16 : index
      %parallel_loop3A_334 = tpu.vector_load %arg7[%parallel_loop3A_332, %parallel_loop3A_333] {strides = array<i32>} : memref<128x32xi32, #tpu.memory_space<vmem>>, vector<16xi32>,
      %parallel_loop3A_335 = arith.constant 3 : i32
      %parallel_loop3A_336 = vector.broadcast %parallel_loop3A_335 : i32 to vector<16xi32>
      %parallel_loop3A_337 = arith.muli %parallel_loop3A_334, %parallel_loop3A_336 : vector<16xi32>
      %parallel_loop3A_338 = tpu.vector_load_idx %arg5[%parallel_loop3A_337] : memref<12304xf32, #tpu.memory_space<vmem>>[vector<16xi32>], vector<16xf32>,
      %parallel_loop3A_339 = arith.constant 1 : i32
      %parallel_loop3A_340 = vector.broadcast %parallel_loop3A_339 : i32 to vector<16xi32>
      %parallel_loop3A_341 = arith.addi %parallel_loop3A_337, %parallel_loop3A_340 : vector<16xi32>
      %parallel_loop3A_342 = tpu.vector_load_idx %arg5[%parallel_loop3A_341] : memref<12304xf32, #tpu.memory_space<vmem>>[vector<16xi32>], vector<16xf32>,
      %parallel_loop3A_343 = arith.constant 2 : i32
      %parallel_loop3A_344 = vector.broadcast %parallel_loop3A_343 : i32 to vector<16xi32>
      %parallel_loop3A_345 = arith.addi %parallel_loop3A_337, %parallel_loop3A_344 : vector<16xi32>
      %parallel_loop3A_346 = tpu.vector_load_idx %arg5[%parallel_loop3A_345] : memref<12304xf32, #tpu.memory_space<vmem>>[vector<16xi32>], vector<16xf32>,
      %parallel_loop3A_347 = vector.broadcast %parallel_loop3A_271 : f32 to vector<16xf32>
      %parallel_loop3A_348 = arith.subf %parallel_loop3A_338, %parallel_loop3A_347 : vector<16xf32>
      %parallel_loop3A_349 = vector.broadcast %parallel_loop3A_273 : f32 to vector<16xf32>
      %parallel_loop3A_350 = arith.subf %parallel_loop3A_342, %parallel_loop3A_349 : vector<16xf32>
      %parallel_loop3A_351 = vector.broadcast %parallel_loop3A_275 : f32 to vector<16xf32>
      %parallel_loop3A_352 = arith.subf %parallel_loop3A_346, %parallel_loop3A_351 : vector<16xf32>
      %parallel_loop3A_353 = arith.mulf %parallel_loop3A_348, %parallel_loop3A_348 : vector<16xf32>
      %parallel_loop3A_354 = arith.mulf %parallel_loop3A_350, %parallel_loop3A_350 : vector<16xf32>
      %parallel_loop3A_355 = arith.addf %parallel_loop3A_353, %parallel_loop3A_354 : vector<16xf32>
      %parallel_loop3A_356 = arith.mulf %parallel_loop3A_352, %parallel_loop3A_352 : vector<16xf32>
      %parallel_loop3A_357 = arith.addf %parallel_loop3A_355, %parallel_loop3A_356 : vector<16xf32>
      %parallel_loop3A_358 = arith.constant 1.000000e-30 : f32
      %parallel_loop3A_359 = vector.broadcast %parallel_loop3A_358 : f32 to vector<16xf32>
      %parallel_loop3A_360 = arith.maximumf %parallel_loop3A_357, %parallel_loop3A_359 : vector<16xf32>
      %parallel_loop3A_361 = vector.bitcast %parallel_loop3A_360 : vector<16xf32> to vector<16xi32>
      %parallel_loop3A_362 = arith.constant 1 : i32
      %parallel_loop3A_363 = vector.broadcast %parallel_loop3A_362 : i32 to vector<16xi32>
      %parallel_loop3A_364 = arith.shrui %parallel_loop3A_361, %parallel_loop3A_363 : vector<16xi32>
      %parallel_loop3A_365 = arith.constant 1597463007 : i32
      %parallel_loop3A_366 = vector.broadcast %parallel_loop3A_365 : i32 to vector<16xi32>
      %parallel_loop3A_367 = arith.subi %parallel_loop3A_366, %parallel_loop3A_364 : vector<16xi32>
      %parallel_loop3A_368 = vector.bitcast %parallel_loop3A_367 : vector<16xi32> to vector<16xf32>
      %parallel_loop3A_369 = arith.constant 5.000000e-01 : f32
      %parallel_loop3A_370 = vector.broadcast %parallel_loop3A_369 : f32 to vector<16xf32>
      %parallel_loop3A_371 = arith.mulf %parallel_loop3A_370, %parallel_loop3A_360 : vector<16xf32>
      %parallel_loop3A_372 = arith.mulf %parallel_loop3A_371, %parallel_loop3A_368 : vector<16xf32>
      %parallel_loop3A_373 = arith.mulf %parallel_loop3A_372, %parallel_loop3A_368 : vector<16xf32>
      %parallel_loop3A_374 = arith.constant 1.500000e+00 : f32
      %parallel_loop3A_375 = vector.broadcast %parallel_loop3A_374 : f32 to vector<16xf32>
      %parallel_loop3A_376 = arith.subf %parallel_loop3A_375, %parallel_loop3A_373 : vector<16xf32>
      %parallel_loop3A_377 = arith.mulf %parallel_loop3A_368, %parallel_loop3A_376 : vector<16xf32>
      %parallel_loop3A_378 = arith.mulf %parallel_loop3A_371, %parallel_loop3A_377 : vector<16xf32>
      %parallel_loop3A_379 = arith.mulf %parallel_loop3A_378, %parallel_loop3A_377 : vector<16xf32>
      %parallel_loop3A_380 = arith.constant 1.500000e+00 : f32
      %parallel_loop3A_381 = vector.broadcast %parallel_loop3A_380 : f32 to vector<16xf32>
      %parallel_loop3A_382 = arith.subf %parallel_loop3A_381, %parallel_loop3A_379 : vector<16xf32>
      %parallel_loop3A_383 = arith.mulf %parallel_loop3A_377, %parallel_loop3A_382 : vector<16xf32>
      %parallel_loop3A_384 = arith.mulf %parallel_loop3A_357, %parallel_loop3A_383 : vector<16xf32>
      %parallel_loop3A_385 = arith.index_cast %parallel_loop3A_264 : i32 to index
      %parallel_loop3A_386 = arith.constant 16 : index
      %parallel_loop3A_387 = tpu.vector_load %arg9[%parallel_loop3A_385, %parallel_loop3A_386] {strides = array<i32>} : memref<128x32xf32, #tpu.memory_space<vmem>>, vector<16xf32>,
      tpu.vector_store %arg9[%parallel_loop3A_385, %parallel_loop3A_386], %parallel_loop3A_384 {strides = array<i32>} : memref<128x32xf32, #tpu.memory_space<vmem>>, vector<16xf32>,
    } {sc.loop_unroll_factor = 4 : i64, sc.parallel_access}
    %add3A_250 = arith.constant 896 : i32
    %add3A_251 = arith.addi %mul3A_34, %add3A_250 : i32
    %dma_start3A_252 = arith.constant 0 : i32
    %dma_start3A_253 = tpu.memref_slice %arg4[%add3A_251, %dma_start3A_252] : memref<32768x32xf32, #tpu.memory_space<hbm>> -> memref<128x32xf32, #tpu.memory_space<hbm>>
    %dma_start3A_254 = arith.constant 0 : i32
    %dma_start3A_255 = tpu.memref_slice %arg4[%add3A_251, %dma_start3A_254] : memref<32768x32xf32, #tpu.memory_space<hbm>> -> memref<128x32xf32, #tpu.memory_space<hbm>>
    tpu.enqueue_dma source(%arg9 : memref<128x32xf32, #tpu.memory_space<vmem>>) target(%dma_start3A_255 : memref<128x32xf32, #tpu.memory_space<hbm>>) target_semaphore(%arg14 : memref<!tpu.dma_semaphore, #tpu.memory_space<semaphore_mem>>)
    %dma_wait3A_256 = arith.constant 0 : i32
    %dma_wait3A_257 = tpu.memref_slice %arg4[%add3A_230, %dma_wait3A_256] : memref<32768x32xf32, #tpu.memory_space<hbm>> -> memref<128x32xf32, #tpu.memory_space<hbm>>
    %dma_wait3A_258 = arith.constant 0 : i32
    %dma_wait3A_259 = tpu.memref_slice %arg4[%add3A_230, %dma_wait3A_258] : memref<32768x32xf32, #tpu.memory_space<hbm>> -> memref<128x32xf32, #tpu.memory_space<hbm>>
    tpu.wait_dma2 semaphore(%arg13 : memref<!tpu.dma_semaphore, #tpu.memory_space<semaphore_mem>>) src(%arg8 : memref<128x32xf32, #tpu.memory_space<vmem>>) dst(%dma_wait3A_259 : memref<128x32xf32, #tpu.memory_space<hbm>>)
    %dma_wait3A_260 = arith.constant 0 : i32
    %dma_wait3A_261 = tpu.memref_slice %arg4[%add3A_251, %dma_wait3A_260] : memref<32768x32xf32, #tpu.memory_space<hbm>> -> memref<128x32xf32, #tpu.memory_space<hbm>>
    %dma_wait3A_262 = arith.constant 0 : i32
    %dma_wait3A_263 = tpu.memref_slice %arg4[%add3A_251, %dma_wait3A_262] : memref<32768x32xf32, #tpu.memory_space<hbm>> -> memref<128x32xf32, #tpu.memory_space<hbm>>
    tpu.wait_dma2 semaphore(%arg14 : memref<!tpu.dma_semaphore, #tpu.memory_space<semaphore_mem>>) src(%arg9 : memref<128x32xf32, #tpu.memory_space<vmem>>) dst(%dma_wait3A_263 : memref<128x32xf32, #tpu.memory_space<hbm>>)
    return
  }
}

</mosaic_0001>

<sc_bundles>
// kernel: kernel.3.cloned.1.call-start
scs
__scs_entry_jumppad:
0x0: {  	(pc) =	sbr.rel $0x88, $3  }
0x1: {  	(tag) =	ssettag $0x0;
	lr =	simm.s32 $0x1  }
0x2: {  	[smem:$0x3F9F] =	sst lr;
	_ =	strace $0xD0000000  }
0x3: {  	_ = 	snop  }
0x4: {  	_ = 	snop  }
0x5: {  	_ = 	snop  }
0x6: {  	_ = 	snop  }
0x7: {  	_ = 	snop  }
__scs_overlays_trampoline_lowered:
0x8: {  	[smem:$0x3FAE] =	sst s0  }
0x9: {  	[smem:$0x3FAF] =	sst s1  }
0xa: {  	[smem:$0x3FB0] =	sst s2  }
0xb: {  	[smem:$0x3FB1] =	sst s3  }
0xc: {  	[smem:$0x3FB2] =	sst s4  }
0xd: {  	[smem:$0x3FB3] =	sst s5  }
0xe: {  	[smem:$0x3FB4] =	sst s6  }
0xf: {  	[smem:$0x3FB5] =	sst s7  }
0x10: {  	[smem:$0x3FB6] =	sst s8  }
0x11: {  	[smem:$0x3FB7] =	sst s9;
	s0 =	simm.s32 @!p0 $0x0  }
0x12: {  	s1 =	sld [smem:$0x3F9D];
	s0 =	simm.s32 @p0 $0x1  }
0x13: {  	[smem:$0x3FB8] =	sst s0;
	s0 =	simm.s32 @!p1 $0x0  }
0x14: {  	s2 =	sld [smem:$0x3F9C];
	s0 =	simm.s32 @p1 $0x1  }
0x15: {  	[smem:$0x3FB9] =	sst s0;
	s0 =	simm.s32 @!p2 $0x0  }
0x16: {  	s3 =	sld [smem:$0x3FDB];
	s0 =	simm.s32 @p2 $0x1  }
0x17: {  	s4 =	simm.s32 $0x1BF5;
	[smem:$0x3FBB] =	sst s0  }
0x18: {  	s0 =	sld [smem:$0x3F9E];
	_ =	swait.ge [sflag:s4], $0x0  }
0x19: {  	s7 =	sld [smem:$0x3F9F]  }
0x1a: {  	s8 =	sadd.s32 $0xFFFFE003, lr  }
0x1b: {  	s9 =	sadd.s32 $0xFFFFFEF7, lr;
	s5 =	simm.s32 $0xFFFFFFFF;
	p2 =	slt.u32 s8, $0xFFFFF086  }
0x1c: {  	p1 =	slt.u32 s9, $0xF7A;
	s5 =	simm.s32 @!p2 $0x0  }
0x1d: {  	s5 =	simm.s32 @p1 $0x1;
	p0 =	seq.s32 s7, s2  }
0x1e: {  	s7 =	smul.u32 @!p0 $0xF7A, s2;
	p2 =	seq.s32 @!p0 s5, $0x0  }
0x1f: {  	s9 =	smul.u32 $0xF7A, s1;
	s8 =	simm.s32 @!p0 $0x1BF5;
	p2 =	por !p2, p0  }
0x20: {  	[sflag:s8] =	ssyncset.s32 @!p0 $0xFFFFF086;
	s6 =	sadd.s32 @!p0 s3, s7;
	s7 =	simm.s32 @!p0 $0x108  }
0x21: {  	s3 =	sadd.s32 s3, s9;
	s6 =	sadd.s32 @!p0 $0x88, s6;
	s7 =	simm.s32 @p2 $0x1082  }
0x22: {  	[simem:s7], [sflag:s8] =	dma.local @!p0 [hbm:s6], $0xF7A  }
0x23: {  	s9 =	sor.u32 $0xD0000000, s2;
	s6 =	simm.s32 $0x108;
	_ =	swait.ge @!p0 [sflag:s8], $0x0  }
0x24: {  	s3 =	sadd.s32 $0x88, s3;
	s6 =	simm.s32 @!p1 $0x1082;
	[sflag:s4] =	ssyncset.s32 $0xFFFFF086  }
0x25: {  	[simem:s6], [sflag:s4] =	dma.local [hbm:s3], $0xF7A  }
0x26: {  	[smem:$0x3F9F] =	sst s1;
	(tag) =	ssettag s2;
	_ =	strace s9  }
0x27: {  	s1 =	sld [smem:$0x3FAF]  }
0x28: {  	s2 =	sld [smem:$0x3FB0]  }
0x29: {  	s4 =	sld [smem:$0x3FB2]  }
0x2a: {  	p0 =	seq.s32 s5, $0x0;
	s5 =	sld [smem:$0x3FB3]  }
0x2b: {  	s6 =	sld [smem:$0x3FB4]  }
0x2c: {  	s7 =	sld [smem:$0x3FB5]  }
0x2d: {  	s3 =	simm.s32 $0x108;
	s8 =	sld [smem:$0x3FB6]  }
0x2e: {  	s3 =	simm.s32 @!p0 $0x1082;
	s9 =	sld [smem:$0x3FB7]  }
0x2f: {  	lr =	sadd.s32 s0, s3;
	s0 =	sld [smem:$0x3FAE]  }
0x30: {  	s3 =	sld [smem:$0x3FB1]  }
0x31: {  	[smem:$0x3FBA] =	sst s10  }
0x32: {  	s10 =	sld [smem:$0x3FB8];
	_ =	sdelay $0x3  }
0x33: {  	p0 =	seq.s32 s10, $0x1;
	s10 =	sld [smem:$0x3FBA];
	_ =	sdelay $0x3  }
0x34: {  	[smem:$0x3FBA] =	sst s10  }
0x35: {  	s10 =	sld [smem:$0x3FB9];
	_ =	sdelay $0x3  }
0x36: {  	p1 =	seq.s32 s10, $0x1;
	s10 =	sld [smem:$0x3FBA];
	_ =	sdelay $0x3  }
0x37: {  	[smem:$0x3FBA] =	sst s10  }
0x38: {  	s10 =	sld [smem:$0x3FBB]  }
0x39: {  	_ = 	snop;
	(pc) =	sbr.ind lr, $3  }
0x3a: {  	_ = 	snop  }
0x3b: {  	_ = 	snop  }
0x3c: {  	p2 =	seq.s32 s10, $0x1;
	s10 =	sld [smem:$0x3FBA]  }
0x3d: {  	_ =	shalt  }
0x3e: {  	_ =	shalt  }
0x3f: {  	_ =	shalt  }
0x40: {  	_ =	shalt  }
0x41: {  	_ =	shalt  }
0x42: {  	_ =	shalt  }
0x43: {  	_ =	shalt  }
0x44: {  	_ =	shalt  }
0x45: {  	_ =	shalt  }
0x46: {  	_ =	shalt  }
0x47: {  	_ =	shalt  }
0x48: {  	_ =	shalt  }
0x49: {  	_ =	shalt  }
0x4a: {  	_ =	shalt  }
0x4b: {  	_ =	shalt  }
0x4c: {  	_ =	shalt  }
0x4d: {  	_ =	shalt  }
0x4e: {  	_ =	shalt  }
0x4f: {  	_ =	shalt  }
0x50: {  	_ =	shalt  }
0x51: {  	_ =	shalt  }
0x52: {  	_ =	shalt  }
0x53: {  	_ =	shalt  }
0x54: {  	_ =	shalt  }
0x55: {  	_ =	shalt  }
0x56: {  	_ =	shalt  }
0x57: {  	_ =	shalt  }
0x58: {  	_ =	shalt  }
0x59: {  	_ =	shalt  }
0x5a: {  	_ =	shalt  }
0x5b: {  	_ =	shalt  }
0x5c: {  	_ =	shalt  }
0x5d: {  	_ =	shalt  }
0x5e: {  	_ =	shalt  }
0x5f: {  	_ =	shalt  }
0x60: {  	_ =	shalt  }
0x61: {  	_ =	shalt  }
0x62: {  	_ =	shalt  }
0x63: {  	_ =	shalt  }
0x64: {  	_ =	shalt  }
0x65: {  	_ =	shalt  }
0x66: {  	_ =	shalt  }
0x67: {  	_ =	shalt  }
0x68: {  	_ =	shalt  }
0x69: {  	_ =	shalt  }
0x6a: {  	_ =	shalt  }
0x6b: {  	_ =	shalt  }
0x6c: {  	_ =	shalt  }
0x6d: {  	_ =	shalt  }
0x6e: {  	_ =	shalt  }
0x6f: {  	_ =	shalt  }
0x70: {  	_ =	shalt  }
0x71: {  	_ =	shalt  }
0x72: {  	_ =	shalt  }
0x73: {  	_ =	shalt  }
0x74: {  	_ =	shalt  }
0x75: {  	_ =	shalt  }
0x76: {  	_ =	shalt  }
0x77: {  	_ =	shalt  }
0x78: {  	_ =	shalt  }
0x79: {  	_ =	shalt  }
0x7a: {  	_ =	shalt  }
0x7b: {  	_ =	shalt  }
0x7c: {  	_ =	shalt  }
0x7d: {  	_ =	shalt  }
0x7e: {  	_ =	shalt  }
0x7f: {  	_ =	shalt  }
0x80: {  	_ =	shalt  }
0x81: {  	_ =	shalt  }
0x82: {  	_ =	shalt  }
0x83: {  	_ =	shalt  }
0x84: {  	_ =	shalt  }
0x85: {  	_ =	shalt  }
0x86: {  	_ =	shalt  }
0x87: {  	_ =	shalt  }
.Lfunc_end0:
.L_simem_size_0:
called_computation_lowered:
.L_overlay_start_0:
0x88: {  	s2 =	sld [smem:$0x3FD9]  }
0x89: {  	s3 =	sld [smem:$0x3FFE];
	_ =	sdelay $0x1  }
0x8a: {  	s1 =	srdreg.scid  }
0x8b: {  	s0 =	sand.u32 $0x1, s1  }
0x8c: {  	s17 =	sshll.u32 s0, $0xA;
	s2 =	sadd.s32 s3, s2  }
0x8d: {  	s2 =	sadd.s32 s2, s17  }
0x8e: {  	[smem:$0x3FC6] =	sst s2  }
0x8f: {  	_ = 	snop  }
0x90: {  	s2 =	sld [smem:$0x3FD0];
	(tm) =	ssettm $0x1  }
0x91: {  	s18 =	sld [smem:$0x3FFB];
	_ =	sdelay $0x3  }
0x92: {  	_ =	strace s18  }
0x93: {  	s3 =	sld [smem:$0x3FFC];
	_ =	sdelay $0x3  }
0x94: {  	_ =	strace s3  }
0x95: {  	s3 =	sld [smem:$0x3FFD];
	_ =	sdelay $0x3  }
0x96: {  	_ =	strace s3  }
0x97: {  	_ =	strace $0x8FFFFFFF  }
0x98: {  	s19 =	sld [smem:$0x3FDB];
	_ =	sdelay $0x1  }
0x99: {  	s4 =	simm.s32 $_scs_section_size  }
0x9a: {  	s5 =	simm.s32 $_size__tile_overlayer_lowered;
	s6 =	simm.s32 $_tile_overlayer_lowered  }
0x9b: {  	s22 =	simm.s32 $0x1BFF;
	s21 =	sshll.u32 s6, $0x1;
	s3 =	sadd.s32 s4, s19  }
0x9c: {  	s7 =	simm.s32 $0x0;
	s20 =	sshll.u32 s5, $0x1;
	s5 =	sadd.s32 s21, s3  }
0x9d: {  	[timem:s7], [sflag:s22] =	dma.local [hbm:s5], s20  }
0x9e: {  	_ =	swait.ge [sflag:s22], s20  }
0x9f: {  	s4 =	ssub.s32 $0x0, s20;
	[sflag:s22] =	ssyncset.done $0x0  }
0xa0: {  	[sflag:s22] =	ssyncadd.s32 s4;
	_ =	sdelay $0x1  }
0xa1: {  	s23 =	simm.s32 $0x1B8B  }
0xa2: {  	_ =	swait.ge [sflag:s23], $0x1  }
0xa3: {  	[sflag:s23] =	ssyncset.done $0x0  }
0xa4: {  	s25 =	simm.s32 $0x1B8E;
	s24 =	sld [smem:$0x3FFE];
	[sflag:s23] =	ssyncadd.s32 $0xFFFFFFFF  }
0xa5: {  	s26 =	simm.s32 $execute0_lowered;
	[smem:$0x3FD2] =	sst s25  }
0xa6: {  	s5 =	sshll.u32 s26, $0x1;
	_ =	strace $0x80000046;
	[dreg:$0x1] =	wrdreg $0xFFFFFFFF  }
0xa7: {  	s28 =	simm.s32 $_size_execute0_lowered;
	s3 =	sadd.s32 s3, s5;
	[dreg:$0x0] =	wrdreg $0x0  }
0xa8: {  	s5 =	sshll.u32 s28, $0x1;
	[dreg:$0x2] =	wrdreg s3  }
0xa9: {  	[dreg:$0x3] =	wrdreg s5  }
0xaa: {  	[dreg:$0x4] =	wrdreg $0xC0  }
0xab: {  	_ =	task [dreg:s7], $0x5FFFF  }
0xac: {  	[dreg:$0x1] =	wrdreg $0xFFFFFFFF  }
0xad: {  	[dreg:$0x0] =	wrdreg $0x60  }
0xae: {  	[dreg:$0x2] =	wrdreg s2  }
0xaf: {  	[dreg:$0x3] =	wrdreg s24  }
0xb0: {  	[dreg:$0x4] =	wrdreg $0x9  }
0xb1: {  	_ =	task.clear_ibuf [dreg:s7], $0x5FFFF;
	_ =	strace $0x90000046  }
0xb2: {  	s29 =	simm.s32 $0x9;
	_ =	strace $0x80000048  }
0xb3: {  	_ =	swait.ge [sflag:s29], $0x1  }
0xb4: {  	[sflag:s29] =	ssyncadd.s32 $0xFFFFFFFF  }
0xb5: {  	_ =	strace $0x90000048  }
0xb6: {  	_ =	sfence  }
0xb7: {  	s30 =	sld [smem:$0x0];
	_ =	sdelay $0x2  }
0xb8: {  	s31 =	sshll.u32 s1, $0xD;
	s1 =	sshrl.u32 s1, $0x2  }
0xb9: {  	s3 =	sand.u32 $0x4000, s31;
	s1 =	sadd.s32 s1, s30  }
0xba: {  	s0 =	sor.u32 s3, s0;
	s1 =	sshll.u32 s1, $0x11  }
0xbb: {  	s0 =	sor.u32 s1, s0  }
0xbc: {  	s0 =	sadd.s32 $0x8F2B, s0  }
0xbd: {  	[sflag:s0] =	ssyncadd.remote.s32 $0x1  }
0xbe: {  	_ =	sfence.sel $0xFFFF  }
0xbf: {  	[dreg:$0x0] =	wrdreg $0xFFFFFFFF;
	(pc) =	sbr.abs _section_cstart, $3  }
0xc0: {  	[dreg:$0x1] =	wrdreg $0xFFFFFFFF  }
0xc1: {  	_ =	task.clear_ibuf [dreg:s7], $0x2FFFF;
	_ =	strace $0x9FFFFFFF  }
0xc2: {  	(tm) =	ssettm $0x7FFFFFFF  }
0xc3: {  	_ =	shalt  }
tec
execute0_lowered:
.L_overlay_start_1:
0x0: {  	(tag) =	ssettag $0x1  }
0x1: {  	s0 =	rddreg [dreg:$0x0]  }
0x2: {  	s2 =	rddreg [dreg:$0x1];
	s1 =	simm.s32 $0x0;
	s4 =	srdreg.scid  }
0x3: {  	s7 =	stileid.u32;
	[smem:$0x7FF] =	sst s1;
	s3 =	sadd.s32 $0x600, s2  }
0x4: {  	s4 =	sand.u32 $0x1, s4;
	s6 =	sshll.u32 s7, $0x1;
	s7 =	sshrl.u32 s7, $0x1  }
0x5: {  	s2 =	sadd.s32 $0x80600, s2;
	s5 =	ssub.s32 $0x2, s4;
	s14 =	smul.u32 $0x600, s7  }
0x6: {  	_ =	strace $0x80000047;
	s4 =	sor.u32 s4, s6;
	s8 =	sshrl.u32 s5, $0x1  }
0x7: {  	s15 =	sand.u32 $0x3, s4;
	s4 =	sshll.u32 s4, $0xE;
	s0 =	sadd.s32 s0, s14  }
0x8: {  	s5 =	ssub.s32 s5, s8;
	s16 =	sadd.s32 s3, s4;
	[dreg:$0x3] =	wrdreg s0  }
0x9: {  	s17 =	sor.u32 $0x800, s4;
	s9 =	sadd.s32 s2, s4;
	[dreg:$0x4] =	wrdreg s16  }
0xa: {  	s19 =	sor.u32 $0x1000, s4;
	s18 =	sadd.s32 s3, s17;
	[dreg:$0x6] =	wrdreg s9  }
0xb: {  	s6 =	smul.u32 $0xC00, s15;
	s20 =	sadd.s32 s3, s19;
	[dreg:$0x5] =	wrdreg s18  }
0xc: {  	s21 =	sor.u32 $0x1800, s4;
	s0 =	sadd.s32 s2, s17;
	[dreg:$0x7] =	wrdreg s20  }
0xd: {  	s23 =	sor.u32 $0x2000, s4;
	s22 =	sadd.s32 s3, s21;
	[dreg:$0x8] =	wrdreg s0  }
0xe: {  	s25 =	sor.u32 $0x2800, s4;
	s8 =	sadd.s32 s2, s19;
	[dreg:$0x9] =	wrdreg s22  }
0xf: {  	s10 =	sor.u32 $0x3000, s4;
	s24 =	sadd.s32 s3, s23;
	[dreg:$0xa] =	wrdreg s8  }
0x10: {  	s4 =	sor.u32 $0x3800, s4;
	s9 =	sadd.s32 s2, s21;
	[dreg:$0xb] =	wrdreg s24  }
0x11: {  	s7 =	smul.u32 $0x3000, s15;
	s26 =	sadd.s32 s3, s25;
	[dreg:$0xc] =	wrdreg s9  }
0x12: {  	s11 =	sadd.s32 s3, s10;
	s3 =	sadd.s32 s3, s4;
	[dreg:$0xd] =	wrdreg s26  }
0x13: {  	s12 =	sadd.s32 s2, s4;
	s14 =	smax.u32 s5, $0x1;
	[dreg:$0xf] =	wrdreg s11  }
0x14: {  	s4 =	simm.s32 $0x2;
	s5 =	simm.s32 $0xB080;
	[dreg:$0x11] =	wrdreg s3  }
0x15: {  	s0 =	sadd.s32 s2, s23;
	s8 =	sadd.s32 s2, s25;
	[dreg:$0x13] =	wrdreg s12  }
0x16: {  	s13 =	sor.u32 $0xC, s7;
	[dreg:$0x14] =	wrdreg s14;
	s15 =	sor.u32 $0x60C, s7  }
0x17: {  	s16 =	sor.u32 $0xC0C, s7;
	s17 =	sadd.s32 $0x120C, s7;
	s18 =	sadd.s32 $0x180C, s7  }
0x18: {  	s19 =	sadd.s32 $0x1E0C, s7;
	s20 =	sadd.s32 $0x240C, s7;
	s21 =	sadd.s32 $0x2A0C, s7  }
0x19: {  	s31 =	sadd.s32 $0x600, s6;
	s7 =	simm.s32 $0x3;
	[dreg:$0xe] =	wrdreg s0  }
0x1a: {  	s9 =	simm.s32 $0x4;
	s11 =	simm.s32 $0x0;
	[dreg:$0x10] =	wrdreg s8  }
0x1b: {  	s0 =	sadd.s32 s2, s10;
	s22 =	sshrl.u32 s13, $0x2;
	s23 =	sshrl.u32 s15, $0x2  }
0x1c: {  	s24 =	sshrl.u32 s16, $0x2;
	s25 =	sshrl.u32 s17, $0x2;
	s26 =	sshrl.u32 s18, $0x2  }
0x1d: {  	s28 =	sshrl.u32 s19, $0x2;
	s29 =	sshrl.u32 s20, $0x2;
	s30 =	sshrl.u32 s21, $0x2  }
0x1e: {  	s8 =	simm.s32 $0xF080;
	s10 =	simm.s32 $0x5;
	[dreg:$0x12] =	wrdreg s0  }
.LBB2_1:
0x1f: {  	s0 =	rddreg [dreg:$0x3]  }
0x20: {  	[tilespmem:s1], [sflag:$0x1] =	stream.linear.gather [hbm4b:s0+s1], $0x3000, $0x38;
	[tilespmem:$0x13080] =	vst v63  }
0x21: {  	s17 =	rddreg [dreg:$0x4];
	s2 =	simm.s32 $0x3080;
	s18 =	simm.s32 $0x1  }
0x22: {  	[tilespmem:s2], [sflag:$0x2] =	stream.linear.gather [hbm4b:s17+s1], $0x4000, $0x38;
	[tilespmem:$0x13080] =	vst v63  }
0x23: {  	_ =	swait.ge [sflag:s18], $0x3000  }
0x24: {  	[sflag:s18] =	ssyncset.done $0x0  }
0x25: {  	s20 =	simm.s32 $0x7080;
	s19 =	rddreg [dreg:$0x5];
	[sflag:s18] =	ssyncadd.s32 $0xFFFFD000  }
0x26: {  	[tilespmem:s20], [sflag:$0x3] =	stream.linear.gather [hbm4b:s19+s1], $0x4000, $0x38;
	[tilespmem:$0x13080] =	vst v63  }
0x27: {  	_ =	swait.ge [sflag:s4], $0x4000  }
0x28: {  	[sflag:s4] =	ssyncset.done $0x0  }
0x29: {  	s13 =	simm.s32 $0x3180;
	[sflag:s4] =	ssyncadd.s32 $0xFFFFC000  }
0x2a: {  	v0 =	vld [tilespmem:s13+$0x80];
	_ =	sdelay $0x4  }
0x2b: {  	v0 =	vmul.u32 $0x3, v0  }
0x2c: {  	s12 =	simm.s32 $0x9;
	v1 =	vld [tilespmem:s13+$0xFFFFFF00]  }
0x2d: {  	s14 =	sand.u32 $0x180, s12;
	v4 =	vld [tilespmem:s13+$0x0];
	v2 =	vadd.s32 $0x1, v0  }
0x2e: {  	s12 =	sand.u32 $0x7D, s12;
	s14 =	sadd.s32 s14, s6;
	v3 =	vld [tilespmem:s13+$0xFFFFFF80]  }
0x2f: {  	s12 =	sadd.s32 s12, s14;
	v5 =	vadd.s32 $0x2, v0  }
0x30: {  	v6 =	vld [tilespmem:s12+$0x0]  }
0x31: {  	v8 =	vmul.u32 $0x3, v1;
	v7 =	vld.idx.msk [tilespmem:v0+s1+$0x0], $0xffff  }
0x32: {  	v11 =	vmul.u32 $0x3, v4;
	v2 =	vld.idx.msk [tilespmem:v2+s1+$0x0], $0xffff  }
0x33: {  	s21 =	simm.s32 $0x6;
	s15 =	sand.u32 $0x180, s1;
	v10 =	vmul.u32 $0x3, v3;
	v3 =	vadd.s32 $0x1, v8  }
0x34: {  	s16 =	sand.u32 $0x7C, s1;
	s0 =	sand.u32 $0x180, s21;
	s15 =	sadd.s32 s15, s6;
	v12 =	vadd.s32 $0x1, v11;
	v4 =	vld.idx.msk [tilespmem:v5+s1+$0x0], $0xffff  }
0x35: {  	s14 =	sadd.s32 s0, s6;
	s2 =	sadd.s32 s16, s15;
	s12 =	sand.u32 $0x7E, s21;
	v9 =	vld [tilespmem:s22+$0x0];
	v1 =	vbroadcast v6, $0x0;
	v0 =	vbroadcast v6, $0x1;
	v5 =	vadd.s32 $0x1, v10  }
0x36: {  	v15 =	vld [tilespmem:s2+$0x0];
	s12 =	sadd.s32 s12, s14  }
0x37: {  	v13 =	vld [tilespmem:s12+$0x0];
	v14 =	vbroadcast v6, $0x2;
	v7 =	vsub.f32 v7, v1;
	v2 =	vsub.f32 v2, v0  }
0x38: {  	v6 =	vadd.s32 $0x2, v8;
	v16 =	vld.idx.msk [tilespmem:v3+s1+$0x0], $0xffff  }
0x39: {  	v12 =	vld.idx.msk [tilespmem:v12+s1+$0x0], $0xffff;
	v3 =	vsub.f32 v4, v14;
	v4 =	vmul.f32 v7, v7;
	v2 =	vmul.f32 v2, v2  }
0x3a: {  	v7 =	vld.idx.msk [tilespmem:v5+s1+$0x0], $0xffff  }
0x3b: {  	v17 =	vadd.s32 $0x2, v10;
	v21 =	vld.idx.msk [tilespmem:v10+s1+$0x0], $0xffff;
	v18 =	vmul.f32 v3, v3;
	v2 =	vadd.f32 v2, v4  }
0x3c: {  	v19 =	vadd.s32 $0x2, v11;
	v20 =	vld.idx.msk [tilespmem:v8+s1+$0x0], $0xffff;
	v8 =	vbroadcast v13, $0x1;
	v5 =	vbroadcast v9, $0x0  }
0x3d: {  	v11 =	vld.idx.msk [tilespmem:v11+s1+$0x0], $0xffff;
	v4 =	vbroadcast v9, $0x2;
	v9 =	vbroadcast v9, $0x1;
	v18 =	vadd.f32 v18, v2  }
0x3e: {  	v10 =	vbroadcast v15, $0x0;
	v22 =	vld.idx.msk [tilespmem:v6+s1+$0x0], $0xffff;
	v6 =	vbroadcast v13, $0x2;
	v12 =	vsub.f32 v12, v8  }
0x3f: {  	v3 =	vbroadcast v13, $0x0;
	v23 =	vsub.f32 v7, v9;
	v7 =	vmax.f32 v18, $1.000000000e-30  }
0x40: {  	v17 =	vld.idx.msk [tilespmem:v17+s1+$0x0], $0xffff;
	v21 =	vsub.f32 v21, v5;
	v13 =	vshrl.u32 v7, $0x1;
	v24 =	vmul.f32 $5.000000000e-01, v7  }
0x41: {  	v2 =	vbroadcast v15, $0x1;
	v7 =	vbroadcast v15, $0x2;
	v13 =	vsub.s32 $0x5F3759DF, v13  }
0x42: {  	v15 =	vld.idx.msk [tilespmem:v19+s1+$0x0], $0xffff;
	v19 =	vsub.f32 v20, v10;
	v20 =	vmul.f32 v23, v23;
	v23 =	vmul.f32 v13, v24  }
0x43: {  	v12 =	vmul.f32 v12, v12;
	v11 =	vsub.f32 v11, v3;
	v16 =	vsub.f32 v16, v2  }
0x44: {  	v21 =	vmul.f32 v21, v21;
	v23 =	vmul.f32 v13, v23  }
0x45: {  	v17 =	vsub.f32 v17, v4;
	v11 =	vmul.f32 v11, v11;
	v16 =	vmul.f32 v16, v16  }
0x46: {  	v19 =	vmul.f32 v19, v19;
	v22 =	vsub.f32 v22, v7;
	v23 =	vsub.f32 $1.500000000e+00, v23  }
0x47: {  	v17 =	vmul.f32 v17, v17;
	v20 =	vadd.f32 v20, v21;
	v15 =	vsub.f32 v15, v6  }
0x48: {  	v16 =	vadd.f32 v16, v19;
	v19 =	vmul.f32 v22, v22;
	v13 =	vmul.f32 v13, v23  }
0x49: {  	v11 =	vadd.f32 v12, v11;
	v12 =	vmul.f32 v15, v15  }
0x4a: {  	v15 =	vadd.f32 v19, v16;
	v16 =	vadd.f32 v17, v20;
	v17 =	vmul.f32 v13, v24  }
0x4b: {  	v11 =	vadd.f32 v12, v11  }
0x4c: {  	v12 =	vmax.f32 v15, $1.000000000e-30;
	v19 =	vmax.f32 v16, $1.000000000e-30;
	v17 =	vmul.f32 v17, v13  }
0x4d: {  	v20 =	vshrl.u32 v12, $0x1;
	v12 =	vmul.f32 $5.000000000e-01, v12;
	v22 =	vshrl.u32 v19, $0x1  }
0x4e: {  	v19 =	vmul.f32 $5.000000000e-01, v19;
	v20 =	vsub.s32 $0x5F3759DF, v20;
	v17 =	vsub.f32 $1.500000000e+00, v17  }
0x4f: {  	v21 =	vmax.f32 v11, $1.000000000e-30;
	v22 =	vsub.s32 $0x5F3759DF, v22;
	v24 =	vmul.f32 v20, v12  }
0x50: {  	v23 =	vshrl.u32 v21, $0x1;
	v21 =	vmul.f32 $5.000000000e-01, v21;
	v13 =	vmul.f32 v17, v13  }
0x51: {  	v24 =	vmul.f32 v20, v24;
	v17 =	vsub.s32 $0x5F3759DF, v23;
	v23 =	vmul.f32 v22, v19  }
0x52: {  	v25 =	vmul.f32 v17, v21;
	v13 =	vmul.f32 v13, v18  }
0x53: {  	s12 =	simm.s32 $0xB180;
	v18 =	vmul.f32 v22, v23;
	v23 =	vsub.f32 $1.500000000e+00, v24  }
0x54: {  	v24 =	vmul.f32 v17, v25;
	[tilespmem:s12+$0x80] =	vst v13  }
0x55: {  	v13 =	vsub.f32 $1.500000000e+00, v18;
	v18 =	vmul.f32 v20, v23;
	v20 =	vld [tilespmem:s13+$0x90]  }
0x56: {  	v23 =	vsub.f32 $1.500000000e+00, v24  }
0x57: {  	v13 =	vmul.f32 v22, v13;
	v12 =	vmul.f32 v18, v12  }
0x58: {  	v17 =	vmul.f32 v17, v23  }
0x59: {  	v19 =	vmul.f32 v13, v19;
	v12 =	vmul.f32 v12, v18  }
0x5a: {  	v21 =	vmul.f32 v17, v21;
	v20 =	vmul.u32 $0x3, v20  }
0x5b: {  	v19 =	vmul.f32 v19, v13;
	v12 =	vsub.f32 $1.500000000e+00, v12  }
0x5c: {  	v21 =	vmul.f32 v21, v17;
	v22 =	vadd.s32 $0x1, v20  }
0x5d: {  	v19 =	vsub.f32 $1.500000000e+00, v19;
	v12 =	vmul.f32 v12, v18  }
0x5e: {  	v18 =	vsub.f32 $1.500000000e+00, v21;
	v21 =	vadd.s32 $0x2, v20  }
0x5f: {  	v13 =	vmul.f32 v19, v13;
	v12 =	vmul.f32 v12, v15  }
0x60: {  	v15 =	vmul.f32 v18, v17;
	v17 =	vld.idx.msk [tilespmem:v20+s1+$0x0], $0xffff  }
0x61: {  	v13 =	vmul.f32 v13, v16;
	[tilespmem:s12+$0xFFFFFF00] =	vst v12;
	v12 =	vld.idx.msk [tilespmem:v22+s1+$0x0], $0xffff  }
0x62: {  	s19 =	simm.s32 $0x15;
	v11 =	vmul.f32 v15, v11;
	v15 =	vld [tilespmem:s13+$0xFFFFFF10]  }
0x63: {  	s20 =	sand.u32 $0x180, s19;
	[tilespmem:s12+$0xFFFFFF80] =	vst v13;
	v13 =	vld.idx.msk [tilespmem:v21+s1+$0x0], $0xffff  }
0x64: {  	s15 =	sadd.s32 s20, s6;
	s14 =	sand.u32 $0x7D, s19;
	[tilespmem:s12+$0x0] =	vst v11;
	v11 =	vld [tilespmem:s13+$0xFFFFFF90]  }
0x65: {  	s14 =	sadd.s32 s14, s15  }
0x66: {  	v31 =	vld [tilespmem:s14+$0x0];
	v1 =	vsub.f32 v17, v1;
	v0 =	vsub.f32 v12, v0  }
0x67: {  	v16 =	vld [tilespmem:s13+$0x10];
	s13 =	simm.s32 $0x3380;
	v15 =	vmul.u32 $0x3, v15  }
0x68: {  	v20 =	vld [tilespmem:s13+$0xFFFFFF00];
	v12 =	vsub.f32 v13, v14;
	v1 =	vmul.f32 v1, v1;
	v0 =	vmul.f32 v0, v0  }
0x69: {  	v23 =	vld [tilespmem:s13+$0xFFFFFF80];
	v14 =	vadd.s32 $0x1, v15;
	v11 =	vmul.u32 $0x3, v11  }
0x6a: {  	s3 =	sadd.s32 $0xC, s22;
	v13 =	vld [tilespmem:s13+$0x80];
	v18 =	vadd.s32 $0x2, v15;
	v0 =	vadd.f32 v0, v1;
	v1 =	vmul.f32 v12, v12  }
0x6b: {  	v19 =	vld [tilespmem:s3+$0x0]  }
0x6c: {  	v16 =	vmul.u32 $0x3, v16;
	v21 =	vadd.s32 $0x1, v11;
	v12 =	vadd.f32 v1, v0;
	v1 =	vld [tilespmem:s13+$0x0]  }
0x6d: {  	v20 =	vmul.u32 $0x3, v20;
	v15 =	vld.idx.msk [tilespmem:v15+s1+$0x0], $0xffff  }
0x6e: {  	v23 =	vmul.u32 $0x3, v23;
	v22 =	vadd.s32 $0x1, v16;
	v24 =	vld.idx.msk [tilespmem:v14+s1+$0x0], $0xffff  }
0x6f: {  	v17 =	vadd.s32 $0x2, v11;
	v13 =	vmul.u32 $0x3, v13;
	v32 =	vadd.s32 $0x1, v20;
	v18 =	vld.idx.msk [tilespmem:v18+s1+$0x0], $0xffff  }
0x70: {  	v33 =	vadd.s32 $0x2, v20;
	v34 =	vadd.s32 $0x1, v23;
	v57 =	vadd.s32 $0x2, v23;
	v11 =	vld.idx.msk [tilespmem:v11+s1+$0x0], $0xffff  }
0x71: {  	v14 =	vadd.s32 $0x2, v16;
	v0 =	vmax.f32 v12, $1.000000000e-30;
	v25 =	vadd.s32 $0x1, v13;
	v21 =	vld.idx.msk [tilespmem:v21+s1+$0x0], $0xffff  }
0x72: {  	v28 =	vadd.s32 $0x2, v13;
	v26 =	vshrl.u32 v0, $0x1;
	v27 =	vmul.f32 $5.000000000e-01, v0;
	v58 =	vld.idx.msk [tilespmem:v16+s1+$0x0], $0xffff  }
0x73: {  	v0 =	vbroadcast v19, $0x2;
	v16 =	vbroadcast v31, $0x2;
	v26 =	vsub.s32 $0x5F3759DF, v26;
	v22 =	vld.idx.msk [tilespmem:v22+s1+$0x0], $0xffff  }
0x74: {  	v23 =	vld.idx.msk [tilespmem:v23+s1+$0x0], $0xffff;
	v29 =	vmul.f32 v26, v27;
	v30 =	vmul.u32 $0x3, v1;
	v1 =	vbroadcast v19, $0x0  }
0x75: {  	s14 =	simm.s32 $0xC;
	v10 =	vsub.f32 v15, v10;
	v15 =	vbroadcast v31, $0x1;
	v35 =	vld.idx.msk [tilespmem:v13+s1+$0x0], $0xffff;
	v24 =	vsub.f32 v24, v2  }
0x76: {  	s21 =	sand.u32 $0x180, s14;
	v2 =	vbroadcast v19, $0x1;
	v7 =	vsub.f32 v18, v7;
	v13 =	vmul.f32 v26, v29;
	v25 =	vld.idx.msk [tilespmem:v25+s1+$0x0], $0xffff  }
0x77: {  	s19 =	sand.u32 $0x7C, s14;
	s15 =	sadd.s32 s21, s6;
	v20 =	vld.idx.msk [tilespmem:v20+s1+$0x0], $0xffff;
	v36 =	vadd.s32 $0x1, v30;
	v37 =	vadd.s32 $0x2, v30;
	v10 =	vmul.f32 v10, v10  }
0x78: {  	s17 =	simm.s32 $0x12;
	s15 =	sadd.s32 s19, s15;
	v19 =	vld.idx.msk [tilespmem:v28+s1+$0x0], $0xffff;
	v9 =	vsub.f32 v21, v9;
	v38 =	vsub.f32 $1.500000000e+00, v13;
	v13 =	vbroadcast v31, $0x0  }
0x79: {  	s18 =	sand.u32 $0x180, s17;
	v5 =	vsub.f32 v11, v5;
	v21 =	vmul.f32 v24, v24;
	v24 =	vld [tilespmem:s15+$0x0];
	v8 =	vsub.f32 v22, v8  }
0x7a: {  	s17 =	sand.u32 $0x7E, s17;
	s18 =	sadd.s32 s18, s6;
	v29 =	vld.idx.msk [tilespmem:v57+s1+$0x0], $0xffff;
	v23 =	vsub.f32 v23, v1;
	v59 =	vmul.f32 v9, v9;
	v35 =	vsub.f32 v35, v13  }
0x7b: {  	s17 =	sadd.s32 s17, s18;
	v9 =	vld.idx.msk [tilespmem:v32+s1+$0x0], $0xffff;
	v22 =	vmul.f32 v26, v38;
	v61 =	vmul.f32 v8, v8;
	v25 =	vsub.f32 v25, v15  }
0x7c: {  	v28 =	vsub.f32 v58, v3;
	v26 =	vld [tilespmem:s17+$0x0];
	v23 =	vmul.f32 v23, v23;
	v60 =	vmul.f32 v35, v35  }
0x7d: {  	v19 =	vsub.f32 v19, v16;
	v3 =	vmul.f32 v22, v27;
	v25 =	vmul.f32 v25, v25  }
0x7e: {  	v21 =	vadd.f32 v21, v10;
	v27 =	vld.idx.msk [tilespmem:v34+s1+$0x0], $0xffff;
	v11 =	vbroadcast v24, $0x1;
	v10 =	vbroadcast v24, $0x0  }
0x7f: {  	v19 =	vmul.f32 v19, v19;
	v3 =	vmul.f32 v3, v22;
	v8 =	vadd.f32 v25, v60  }
0x80: {  	v62 =	vsub.f32 v9, v11;
	v20 =	vsub.f32 v20, v10;
	v25 =	vmul.f32 v5, v5;
	v5 =	vld.idx.msk [tilespmem:v36+s1+$0x0], $0xffff  }
0x81: {  	v30 =	vld.idx.msk [tilespmem:v30+s1+$0x0], $0xffff;
	v29 =	vsub.f32 v29, v0;
	v9 =	vbroadcast v26, $0x1;
	v19 =	vadd.f32 v19, v8  }
0x82: {  	v33 =	vld.idx.msk [tilespmem:v33+s1+$0x0], $0xffff;
	v63 =	vsub.f32 $1.500000000e+00, v3;
	v32 =	vmul.f32 v62, v62;
	v20 =	vmul.f32 v20, v20  }
0x83: {  	v8 =	vbroadcast v26, $0x0;
	v27 =	vsub.f32 v27, v2;
	v3 =	vmax.f32 v19, $1.000000000e-30  }
0x84: {  	v40 =	vshrl.u32 v3, $0x1;
	v41 =	vmul.f32 $5.000000000e-01, v3;
	v3 =	vbroadcast v26, $0x2;
	v26 =	vld.idx.msk [tilespmem:v37+s1+$0x0], $0xffff  }
0x85: {  	v42 =	vsub.f32 v5, v9;
	v5 =	vbroadcast v24, $0x2;
	v36 =	vsub.s32 $0x5F3759DF, v40  }
0x86: {  	v24 =	vmul.f32 v27, v27;
	v27 =	vsub.f32 v30, v8;
	v43 =	vmul.f32 v36, v41  }
0x87: {  	v29 =	vmul.f32 v29, v29;
	v44 =	vmul.f32 v42, v42;
	v33 =	vsub.f32 v33, v5  }
0x88: {  	v20 =	vadd.f32 v32, v20;
	v27 =	vmul.f32 v27, v27;
	v32 =	vmul.f32 v36, v43  }
0x89: {  	v23 =	vadd.f32 v24, v23;
	v24 =	vmul.f32 v33, v33;
	v26 =	vsub.f32 v26, v3  }
0x8a: {  	v27 =	vadd.f32 v44, v27;
	v32 =	vsub.f32 $1.500000000e+00, v32  }
0x8b: {  	v23 =	vadd.f32 v29, v23;
	v20 =	vadd.f32 v24, v20;
	v26 =	vmul.f32 v26, v26  }
0x8c: {  	v24 =	vadd.f32 v59, v25;
	v25 =	vmul.f32 v28, v28;
	v45 =	vmul.f32 v36, v32  }
0x8d: {  	v29 =	vmax.f32 v23, $1.000000000e-30;
	v26 =	vadd.f32 v26, v27;
	v27 =	vmax.f32 v20, $1.000000000e-30  }
0x8e: {  	v17 =	vld.idx.msk [tilespmem:v17+s1+$0x0], $0xffff;
	v46 =	vmul.f32 v45, v41;
	v47 =	vshrl.u32 v27, $0x1;
	v27 =	vmul.f32 $5.000000000e-01, v27  }
0x8f: {  	v49 =	vshrl.u32 v29, $0x1;
	v29 =	vmul.f32 $5.000000000e-01, v29;
	v31 =	vsub.s32 $0x5F3759DF, v47  }
0x90: {  	v14 =	vld.idx.msk [tilespmem:v14+s1+$0x0], $0xffff;
	v48 =	vmax.f32 v26, $1.000000000e-30;
	v28 =	vmul.f32 v46, v45;
	v50 =	vmul.f32 v31, v27  }
0x91: {  	v33 =	vsub.s32 $0x5F3759DF, v49;
	v51 =	vshrl.u32 v48, $0x1;
	v32 =	vmul.f32 $5.000000000e-01, v48  }
0x92: {  	v36 =	vsub.s32 $0x5F3759DF, v51;
	v28 =	vsub.f32 $1.500000000e+00, v28;
	v34 =	vmul.f32 v31, v50  }
0x93: {  	v4 =	vsub.f32 v17, v4;
	v18 =	vmul.f32 v33, v29;
	v52 =	vmul.f32 v36, v32  }
0x94: {  	v7 =	vmul.f32 v7, v7;
	v28 =	vmul.f32 v28, v45;
	v17 =	vsub.f32 $1.500000000e+00, v34  }
0x95: {  	v6 =	vsub.f32 v14, v6;
	v14 =	vmul.f32 v33, v18;
	v18 =	vmul.f32 v36, v52  }
0x96: {  	v25 =	vadd.f32 v61, v25;
	v19 =	vmul.f32 v28, v19;
	v17 =	vmul.f32 v31, v17  }
0x97: {  	s15 =	simm.s32 $0xB380;
	v6 =	vmul.f32 v6, v6;
	v14 =	vsub.f32 $1.500000000e+00, v14;
	v18 =	vsub.f32 $1.500000000e+00, v18  }
0x98: {  	[tilespmem:s15+$0x80] =	vst v19;
	v19 =	vmul.f32 v4, v4;
	v4 =	vadd.f32 v7, v21;
	v21 =	vmul.f32 v17, v27  }
0x99: {  	v22 =	vmul.f32 v63, v22;
	v6 =	vadd.f32 v6, v25;
	v14 =	vmul.f32 v33, v14;
	v53 =	vld [tilespmem:s13+$0x90]  }
0x9a: {  	v27 =	vmul.f32 v36, v18;
	v7 =	vadd.f32 v19, v24;
	v19 =	vmul.f32 v21, v17  }
0x9b: {  	v22 =	vmul.f32 v22, v12;
	v55 =	vmax.f32 v6, $1.000000000e-30;
	v18 =	vmax.f32 v4, $1.000000000e-30  }
0x9c: {  	v21 =	vmul.f32 v14, v29;
	v24 =	vmul.f32 v27, v32;
	v19 =	vsub.f32 $1.500000000e+00, v19  }
0x9d: {  	v54 =	vshrl.u32 v18, $0x1;
	v58 =	vmul.f32 $5.000000000e-01, v18;
	v18 =	vmul.f32 $5.000000000e-01, v55  }
0x9e: {  	v25 =	vmax.f32 v7, $1.000000000e-30;
	v28 =	vmul.u32 $0x3, v53;
	v17 =	vmul.f32 v19, v17  }
0x9f: {  	v21 =	vmul.f32 v21, v14;
	v24 =	vmul.f32 v24, v27;
	v29 =	vsub.s32 $0x5F3759DF, v54  }
0xa0: {  	v56 =	vshrl.u32 v25, $0x1;
	v57 =	vadd.s32 $0x1, v28;
	v17 =	vmul.f32 v17, v20  }
0xa1: {  	v60 =	vmul.f32 v29, v58;
	v21 =	vsub.f32 $1.500000000e+00, v21;
	v20 =	vadd.s32 $0x2, v28  }
0xa2: {  	v19 =	vmul.f32 $5.000000000e-01, v25;
	v25 =	vshrl.u32 v55, $0x1;
	v24 =	vsub.f32 $1.500000000e+00, v24;
	[tilespmem:s15+$0xFFFFFF00] =	vst v17  }
0xa3: {  	v25 =	vsub.s32 $0x5F3759DF, v25;
	v31 =	vmul.f32 v29, v60;
	v14 =	vmul.f32 v21, v14;
	v21 =	vld [tilespmem:s13+$0xFFFFFF10]  }
0xa4: {  	v59 =	vsub.s32 $0x5F3759DF, v56;
	v62 =	vmul.f32 v25, v18;
	v24 =	vmul.f32 v24, v27;
	v28 =	vld.idx.msk [tilespmem:v28+s1+$0x0], $0xffff  }
0xa5: {  	v61 =	vmul.f32 v59, v19;
	v12 =	vmul.f32 v14, v23;
	v17 =	vld.idx.msk [tilespmem:v57+s1+$0x0], $0xffff  }
0xa6: {  	v24 =	vmul.f32 v24, v26;
	v27 =	vld.idx.msk [tilespmem:v20+s1+$0x0], $0xffff;
	v20 =	vmul.f32 v25, v62  }
0xa7: {  	v34 =	vmul.f32 v59, v61;
	[tilespmem:s15+$0xFFFFFF80] =	vst v12  }
0xa8: {  	v31 =	vsub.f32 $1.500000000e+00, v31;
	[tilespmem:s15+$0x0] =	vst v24;
	v26 =	vsub.f32 $1.500000000e+00, v20;
	v20 =	vld [tilespmem:s13+$0xFFFFFF90]  }
0xa9: {  	v23 =	vsub.f32 $1.500000000e+00, v34;
	v24 =	vmul.u32 $0x3, v21;
	v21 =	vld [tilespmem:s13+$0x10]  }
0xaa: {  	v14 =	vmul.f32 v29, v31  }
0xab: {  	v12 =	vmul.f32 v59, v23;
	v23 =	vsub.f32 v28, v13;
	v63 =	vsub.f32 v17, v15  }
0xac: {  	v13 =	vmul.f32 v25, v26;
	v15 =	vmul.f32 v14, v58  }
0xad: {  	s16 =	simm.s32 $0xB380;
	s18 =	sadd.s32 $0xC, s3;
	s17 =	simm.s32 $0x4;
	[tilespmem:s12+$0x90] =	vst v22;
	v16 =	vsub.f32 v27, v16;
	v17 =	vmul.f32 v23, v23;
	v22 =	vmul.f32 v63, v63  }
.LBB2_2:
0xae: {  	v25 =	vld [tilespmem:s18+$0x0];
	v26 =	vadd.s32 $0x1, v24;
	v27 =	vmul.u32 $0x3, v20;
	v28 =	vmul.u32 $0x3, v21;
	s13 =	sadd.s32 $0x200, s13  }
0xaf: {  	s17 =	sadd.s32 $0x4, s17;
	v21 =	vadd.s32 $0x2, v24;
	v29 =	vld [tilespmem:s13+$0x80];
	v17 =	vadd.f32 v22, v17;
	v16 =	vmul.f32 v16, v16  }
0xb0: {  	p0 =	slt.u32 s17, $0x7C;
	v30 =	vld [tilespmem:s13+$0xFFFFFF00];
	v31 =	vadd.s32 $0x1, v27;
	v23 =	vadd.s32 $0x2, v27;
	v32 =	vadd.s32 $0x1, v28  }
0xb1: {  	v22 =	vadd.s32 $0x2, v28;
	v33 =	vld [tilespmem:s13+$0xFFFFFF80];
	v34 =	vadd.f32 v16, v17;
	v16 =	vmul.f32 v12, v19  }
0xb2: {  	v35 =	vmul.f32 v15, v14;
	v15 =	vmul.f32 v13, v18;
	v17 =	vld [tilespmem:s13+$0x0]  }
0xb3: {  	v20 =	vbroadcast v25, $0x2;
	v26 =	vld.idx.msk [tilespmem:v26+s1+$0x0], $0xffff;
	v19 =	vmax.f32 v34, $1.000000000e-30;
	v18 =	vmul.f32 v16, v12  }
0xb4: {  	s14 =	sadd.s32 $0xC, s14;
	v16 =	vmul.u32 $0x3, v29;
	v24 =	vld.idx.msk [tilespmem:v24+s1+$0x0], $0xffff;
	v29 =	vshrl.u32 v19, $0x1;
	v36 =	vmul.f32 $5.000000000e-01, v19  }
0xb5: {  	s19 =	sand.u32 $0x180, s14;
	s20 =	sadd.s32 $0x6, s14;
	s21 =	sadd.s32 $0x9, s14;
	v19 =	vmul.f32 v15, v13;
	v30 =	vmul.u32 $0x3, v30;
	v31 =	vld.idx.msk [tilespmem:v31+s1+$0x0], $0xffff;
	v29 =	vsub.s32 $0x5F3759DF, v29  }
0xb6: {  	s19 =	sadd.s32 s19, s6;
	s2 =	sand.u32 $0x180, s20;
	s0 =	sand.u32 $0x180, s21;
	v33 =	vmul.u32 $0x3, v33;
	v15 =	vadd.s32 $0x1, v16;
	v32 =	vld.idx.msk [tilespmem:v32+s1+$0x0], $0xffff;
	v37 =	vmul.f32 v29, v36  }
0xb7: {  	s21 =	sand.u32 $0x7D, s21;
	s2 =	sadd.s32 s2, s6;
	s0 =	sadd.s32 s0, s6;
	v38 =	vadd.s32 $0x1, v30;
	v39 =	vadd.s32 $0x2, v30;
	v40 =	vmul.u32 $0x3, v17;
	v17 =	vld.idx.msk [tilespmem:v27+s1+$0x0], $0xffff  }
0xb8: {  	s3 =	sand.u32 $0x7C, s14;
	s20 =	sand.u32 $0x7E, s20;
	s0 =	sadd.s32 s21, s0;
	v41 =	vadd.s32 $0x2, v16;
	v27 =	vadd.s32 $0x1, v33;
	v28 =	vld.idx.msk [tilespmem:v28+s1+$0x0], $0xffff;
	v37 =	vmul.f32 v29, v37  }
0xb9: {  	s3 =	sadd.s32 s3, s19;
	s2 =	sadd.s32 s20, s2;
	v42 =	vadd.s32 $0x2, v33;
	v43 =	vadd.s32 $0x1, v40;
	v44 =	vadd.s32 $0x2, v40;
	v45 =	vld [tilespmem:s0+$0x0]  }
0xba: {  	v46 =	vbroadcast v25, $0x0;
	v11 =	vsub.f32 v26, v11;
	v47 =	vld.idx.msk [tilespmem:v16+s1+$0x0], $0xffff;
	v16 =	vsub.f32 $1.500000000e+00, v37  }
0xbb: {  	v10 =	vsub.f32 v24, v10;
	v26 =	vld.idx.msk [tilespmem:v15+s1+$0x0], $0xffff;
	v15 =	vsub.f32 v31, v2;
	v2 =	vbroadcast v25, $0x1  }
0xbc: {  	v11 =	vmul.f32 v11, v11;
	v9 =	vsub.f32 v32, v9;
	v25 =	vld [tilespmem:s2+$0x0];
	v29 =	vmul.f32 v29, v16  }
0xbd: {  	v10 =	vmul.f32 v10, v10;
	v17 =	vsub.f32 v17, v1;
	v31 =	vld.idx.msk [tilespmem:v41+s1+$0x0], $0xffff;
	v32 =	vmul.f32 v15, v15  }
0xbe: {  	v1 =	vmovc v46;
	v28 =	vsub.f32 v28, v8;
	v41 =	vmul.f32 v9, v9;
	v37 =	vld [tilespmem:s3+$0x0];
	v8 =	vmul.f32 v29, v36  }
0xbf: {  	v24 =	vadd.f32 v11, v10;
	v15 =	vbroadcast v45, $0x0;
	v16 =	vbroadcast v45, $0x1;
	v36 =	vld.idx.msk [tilespmem:v38+s1+$0x0], $0xffff  }
0xc0: {  	v35 =	vsub.f32 $1.500000000e+00, v35;
	v11 =	vmul.f32 v17, v17;
	v27 =	vld.idx.msk [tilespmem:v27+s1+$0x0], $0xffff;
	v10 =	vmul.f32 v8, v29  }
0xc1: {  	v17 =	vbroadcast v45, $0x2;
	v26 =	vsub.f32 v26, v16;
	v38 =	vld.idx.msk [tilespmem:v43+s1+$0x0], $0xffff;
	v43 =	vsub.f32 v47, v15  }
0xc2: {  	v8 =	vbroadcast v25, $0x0;
	v9 =	vbroadcast v25, $0x1;
	v30 =	vld.idx.msk [tilespmem:v30+s1+$0x0], $0xffff;
	v45 =	vsub.f32 $1.500000000e+00, v10  }
0xc3: {  	v31 =	vsub.f32 v31, v17;
	v26 =	vmul.f32 v26, v26;
	v33 =	vld.idx.msk [tilespmem:v33+s1+$0x0], $0xffff;
	v43 =	vmul.f32 v43, v43  }
0xc4: {  	v32 =	vadd.f32 v32, v11;
	v10 =	vbroadcast v37, $0x0;
	v40 =	vld.idx.msk [tilespmem:v40+s1+$0x0], $0xffff;
	v29 =	vmul.f32 v45, v29  }
0xc5: {  	v11 =	vbroadcast v37, $0x1;
	v31 =	vmul.f32 v31, v31;
	v39 =	vld.idx.msk [tilespmem:v39+s1+$0x0], $0xffff;
	v26 =	vadd.f32 v26, v43  }
0xc6: {  	v25 =	vbroadcast v25, $0x2;
	v27 =	vsub.f32 v27, v2;
	v42 =	vld.idx.msk [tilespmem:v42+s1+$0x0], $0xffff;
	v29 =	vmul.f32 v29, v34  }
0xc7: {  	v34 =	vsub.f32 v36, v11;
	v36 =	vbroadcast v37, $0x2;
	v37 =	vld.idx.msk [tilespmem:v44+s1+$0x0], $0xffff;
	v26 =	vadd.f32 v31, v26  }
0xc8: {  	v30 =	vsub.f32 v30, v10;
	v27 =	vmul.f32 v27, v27;
	v31 =	vsub.f32 v38, v9;
	[tilespmem:s15+$0x90] =	vst v29  }
0xc9: {  	v29 =	vmul.f32 v34, v34;
	v33 =	vsub.f32 v33, v1;
	v34 =	vmax.f32 v26, $1.000000000e-30;
	v21 =	vld.idx.msk [tilespmem:v21+s1+$0x0], $0xffff  }
0xca: {  	v38 =	vsub.f32 v40, v8;
	v40 =	vshrl.u32 v34, $0x1;
	v34 =	vmul.f32 $5.000000000e-01, v34;
	v23 =	vld.idx.msk [tilespmem:v23+s1+$0x0], $0xffff  }
0xcb: {  	v30 =	vmul.f32 v30, v30;
	v31 =	vmul.f32 v31, v31;
	v40 =	vsub.s32 $0x5F3759DF, v40;
	v22 =	vld.idx.msk [tilespmem:v22+s1+$0x0], $0xffff  }
0xcc: {  	v39 =	vsub.f32 v39, v36;
	v33 =	vmul.f32 v33, v33;
	v43 =	vmul.f32 v40, v34  }
0xcd: {  	v42 =	vsub.f32 v42, v20;
	v38 =	vmul.f32 v38, v38;
	v37 =	vsub.f32 v37, v25  }
0xce: {  	v29 =	vadd.f32 v29, v30;
	v27 =	vadd.f32 v27, v33;
	v30 =	vmul.f32 v40, v43  }
0xcf: {  	v33 =	vmul.f32 v39, v39;
	v39 =	vmul.f32 v42, v42;
	v31 =	vadd.f32 v31, v38  }
0xd0: {  	v28 =	vmul.f32 v28, v28;
	v37 =	vmul.f32 v37, v37;
	v30 =	vsub.f32 $1.500000000e+00, v30  }
0xd1: {  	v14 =	vmul.f32 v35, v14;
	v29 =	vadd.f32 v33, v29;
	v27 =	vadd.f32 v39, v27  }
0xd2: {  	v21 =	vsub.f32 v21, v5;
	v5 =	vmovc v36;
	v31 =	vadd.f32 v37, v31;
	v30 =	vmul.f32 v40, v30  }
0xd3: {  	v23 =	vsub.f32 v23, v0;
	v0 =	vmovc v20;
	v33 =	vmax.f32 v29, $1.000000000e-30;
	v35 =	vmax.f32 v27, $1.000000000e-30  }
0xd4: {  	v20 =	vshrl.u32 v33, $0x1;
	v36 =	vmax.f32 v31, $1.000000000e-30;
	v34 =	vmul.f32 v30, v34  }
0xd5: {  	v33 =	vmul.f32 $5.000000000e-01, v33;
	v37 =	vshrl.u32 v35, $0x1;
	v35 =	vmul.f32 $5.000000000e-01, v35  }
0xd6: {  	v38 =	vshrl.u32 v36, $0x1;
	v36 =	vmul.f32 $5.000000000e-01, v36;
	v34 =	vmul.f32 v34, v30  }
0xd7: {  	v20 =	vsub.s32 $0x5F3759DF, v20;
	v37 =	vsub.s32 $0x5F3759DF, v37;
	v38 =	vsub.s32 $0x5F3759DF, v38  }
0xd8: {  	v39 =	vmul.f32 v20, v33;
	v40 =	vmul.f32 v37, v35;
	v34 =	vsub.f32 $1.500000000e+00, v34  }
0xd9: {  	v28 =	vadd.f32 v41, v28;
	v22 =	vsub.f32 v22, v3;
	v3 =	vmovc v25;
	v42 =	vmul.f32 v38, v36  }
0xda: {  	v25 =	vmul.f32 v20, v39;
	v30 =	vmul.f32 v34, v30;
	v34 =	vsub.f32 $1.500000000e+00, v18  }
0xdb: {  	v39 =	vmul.f32 v38, v42;
	v18 =	vmul.f32 v37, v40;
	v40 =	vsub.f32 $1.500000000e+00, v19  }
0xdc: {  	v21 =	vmul.f32 v21, v21;
	v19 =	vsub.f32 $1.500000000e+00, v25;
	v25 =	vmul.f32 v30, v26  }
0xdd: {  	s15 =	sadd.s32 $0x200, s15;
	v23 =	vmul.f32 v23, v23;
	v18 =	vsub.f32 $1.500000000e+00, v18;
	v26 =	vsub.f32 $1.500000000e+00, v39  }
0xde: {  	v21 =	vadd.f32 v21, v24;
	v20 =	vmul.f32 v20, v19;
	v19 =	vmul.f32 v22, v22;
	[tilespmem:s15+$0x80] =	vst v25  }
0xdf: {  	v23 =	vadd.f32 v23, v32;
	v18 =	vmul.f32 v37, v18;
	v22 =	vmul.f32 v38, v26;
	v24 =	vld [tilespmem:s13+$0x90]  }
0xe0: {  	v25 =	vmul.f32 v20, v33;
	v26 =	vmax.f32 v21, $1.000000000e-30;
	v28 =	vadd.f32 v19, v28  }
0xe1: {  	v32 =	vmax.f32 v23, $1.000000000e-30;
	v19 =	vmul.f32 v18, v35;
	v30 =	vmul.f32 v22, v36  }
0xe2: {  	v33 =	vshrl.u32 v26, $0x1;
	v25 =	vmul.f32 v25, v20;
	v35 =	vmax.f32 v28, $1.000000000e-30  }
0xe3: {  	v36 =	vshrl.u32 v32, $0x1;
	v19 =	vmul.f32 v19, v18;
	v30 =	vmul.f32 v30, v22  }
0xe4: {  	v26 =	vmul.f32 $5.000000000e-01, v26;
	v25 =	vsub.f32 $1.500000000e+00, v25;
	v24 =	vmul.u32 $0x3, v24  }
0xe5: {  	v37 =	vsub.f32 $1.500000000e+00, v19;
	v30 =	vsub.f32 $1.500000000e+00, v30;
	v19 =	vmul.f32 $5.000000000e-01, v32  }
0xe6: {  	v20 =	vmul.f32 v25, v20;
	v32 =	vshrl.u32 v35, $0x1;
	v25 =	vadd.s32 $0x1, v24  }
0xe7: {  	v37 =	vmul.f32 v37, v18;
	v22 =	vmul.f32 v30, v22;
	v30 =	vsub.s32 $0x5F3759DF, v33  }
0xe8: {  	v20 =	vmul.f32 v20, v29;
	v29 =	vadd.s32 $0x2, v24;
	v18 =	vmul.f32 $5.000000000e-01, v35  }
0xe9: {  	v27 =	vmul.f32 v37, v27;
	v22 =	vmul.f32 v22, v31;
	v31 =	vsub.s32 $0x5F3759DF, v36  }
0xea: {  	v32 =	vsub.s32 $0x5F3759DF, v32;
	[tilespmem:s15+$0xFFFFFF00] =	vst v20;
	v33 =	vld.idx.msk [tilespmem:v24+s1+$0x0], $0xffff;
	v20 =	vmul.f32 v30, v26;
	v24 =	vmul.f32 v31, v19  }
0xeb: {  	v12 =	vmul.f32 v34, v12;
	[tilespmem:s15+$0xFFFFFF80] =	vst v27;
	v25 =	vld.idx.msk [tilespmem:v25+s1+$0x0], $0xffff;
	v27 =	vmul.f32 v32, v18  }
0xec: {  	v34 =	vld [tilespmem:s13+$0xFFFFFF10];
	[tilespmem:s15+$0x0] =	vst v22;
	v22 =	vmul.f32 v30, v20;
	v24 =	vmul.f32 v31, v24  }
0xed: {  	v13 =	vmul.f32 v40, v13;
	v29 =	vld.idx.msk [tilespmem:v29+s1+$0x0], $0xffff;
	v27 =	vmul.f32 v32, v27  }
0xee: {  	v35 =	vmul.f32 v14, v4;
	v4 =	vmovc v21;
	v20 =	vld [tilespmem:s13+$0xFFFFFF90];
	v22 =	vsub.f32 $1.500000000e+00, v22;
	v24 =	vsub.f32 $1.500000000e+00, v24  }
.Ltmp0:
0xef: {  	v36 =	vmul.f32 v12, v7;
	v37 =	vmul.f32 v13, v6;
	v7 =	vmovc v23;
	v6 =	vmovc v28;
	v21 =	vld [tilespmem:s13+$0x10];
	v27 =	vsub.f32 $1.500000000e+00, v27;
	(pc) =	sbr.rel @p0 .LBB2_2-.Ltmp0, $4  }
0xf0: {  	v14 =	vmul.f32 v30, v22;
	v12 =	vmul.f32 v31, v24;
	[tilespmem:s12+$0xFFFFFF10] =	vst v35  }
0xf1: {  	v22 =	vsub.f32 v33, v15;
	v23 =	vsub.f32 v25, v16;
	v24 =	vmul.u32 $0x3, v34;
	[tilespmem:s12+$0xFFFFFF90] =	vst v36  }
0xf2: {  	v13 =	vmul.f32 v32, v27;
	v15 =	vmul.f32 v14, v26;
	[tilespmem:s12+$0x10] =	vst v37;
	s12 =	smov.u32 s16;
	s16 =	smov.u32 s15  }
0xf3: {  	s18 =	sadd.s32 $0xC, s18;
	v16 =	vsub.f32 v29, v17;
	v17 =	vmul.f32 v22, v22;
	v22 =	vmul.f32 v23, v23  }
0xf4: {  	v23 =	vadd.s32 $0x1, v24  }
0xf5: {  	v20 =	vmul.u32 $0x3, v20;
	v27 =	vadd.s32 $0x2, v24  }
0xf6: {  	v21 =	vmul.u32 $0x3, v21;
	_ =	sdelay $0x1  }
0xf7: {  	v24 =	vld.idx.msk [tilespmem:v24+s1+$0x0], $0xffff;
	v25 =	vadd.s32 $0x1, v20  }
0xf8: {  	v17 =	vadd.f32 v22, v17;
	v16 =	vmul.f32 v16, v16;
	v26 =	vadd.s32 $0x1, v21;
	v23 =	vld.idx.msk [tilespmem:v23+s1+$0x0], $0xffff  }
0xf9: {  	v22 =	vadd.s32 $0x2, v20;
	v27 =	vld.idx.msk [tilespmem:v27+s1+$0x0], $0xffff  }
0xfa: {  	v28 =	vadd.s32 $0x2, v21;
	v16 =	vadd.f32 v16, v17;
	v17 =	vld.idx.msk [tilespmem:v20+s1+$0x0], $0xffff  }
0xfb: {  	v20 =	vld.idx.msk [tilespmem:v21+s1+$0x0], $0xffff  }
0xfc: {  	v25 =	vld.idx.msk [tilespmem:v25+s1+$0x0], $0xffff  }
0xfd: {  	v26 =	vld.idx.msk [tilespmem:v26+s1+$0x0], $0xffff  }
0xfe: {  	v10 =	vsub.f32 v24, v10;
	v21 =	vmax.f32 v16, $1.000000000e-30;
	v22 =	vld.idx.msk [tilespmem:v22+s1+$0x0], $0xffff  }
0xff: {  	v29 =	vshrl.u32 v21, $0x1;
	v21 =	vmul.f32 $5.000000000e-01, v21;
	v24 =	vld.idx.msk [tilespmem:v28+s1+$0x0], $0xffff  }
0x100: {  	v10 =	vmul.f32 v10, v10;
	v11 =	vsub.f32 v23, v11;
	v5 =	vsub.f32 v27, v5  }
0x101: {  	v23 =	vsub.s32 $0x5F3759DF, v29;
	v1 =	vsub.f32 v17, v1;
	v8 =	vsub.f32 v20, v8  }
0x102: {  	v2 =	vsub.f32 v25, v2;
	v25 =	vmul.f32 v23, v21;
	v11 =	vmul.f32 v11, v11  }
0x103: {  	v9 =	vsub.f32 v26, v9;
	v0 =	vsub.f32 v22, v0;
	v5 =	vmul.f32 v5, v5  }
0x104: {  	v3 =	vsub.f32 v24, v3;
	v1 =	vmul.f32 v1, v1;
	v2 =	vmul.f32 v2, v2  }
0x105: {  	v8 =	vmul.f32 v8, v8;
	v9 =	vmul.f32 v9, v9;
	v10 =	vadd.f32 v11, v10  }
0x106: {  	v11 =	vmul.f32 v23, v25;
	v0 =	vmul.f32 v0, v0;
	v1 =	vadd.f32 v2, v1  }
0x107: {  	v3 =	vmul.f32 v3, v3;
	v2 =	vadd.f32 v9, v8;
	v5 =	vadd.f32 v5, v10  }
0x108: {  	v8 =	vmul.f32 v12, v19;
	v9 =	vsub.f32 $1.500000000e+00, v11;
	v0 =	vadd.f32 v0, v1  }
0x109: {  	v1 =	vmul.f32 v15, v14;
	v10 =	vmax.f32 v5, $1.000000000e-30;
	v2 =	vadd.f32 v3, v2  }
0x10a: {  	v3 =	vmul.f32 v23, v9;
	v11 =	vshrl.u32 v10, $0x1;
	v10 =	vmul.f32 $5.000000000e-01, v10  }
0x10b: {  	v9 =	vmax.f32 v0, $1.000000000e-30;
	v15 =	vmax.f32 v2, $1.000000000e-30;
	v11 =	vsub.s32 $0x5F3759DF, v11  }
0x10c: {  	v17 =	vshrl.u32 v9, $0x1;
	v9 =	vmul.f32 $5.000000000e-01, v9;
	v19 =	vshrl.u32 v15, $0x1  }
0x10d: {  	v15 =	vmul.f32 $5.000000000e-01, v15;
	v20 =	vmul.f32 v11, v10;
	v17 =	vsub.s32 $0x5F3759DF, v17  }
0x10e: {  	v18 =	vmul.f32 v13, v18;
	v19 =	vsub.s32 $0x5F3759DF, v19;
	v22 =	vmul.f32 v17, v9  }
0x10f: {  	v23 =	vmul.f32 v19, v15;
	v20 =	vmul.f32 v11, v20  }
0x110: {  	v21 =	vmul.f32 v3, v21;
	v22 =	vmul.f32 v17, v22  }
0x111: {  	v18 =	vmul.f32 v18, v13;
	v23 =	vmul.f32 v19, v23;
	v20 =	vsub.f32 $1.500000000e+00, v20  }
0x112: {  	v1 =	vsub.f32 $1.500000000e+00, v1;
	v21 =	vmul.f32 v21, v3;
	v22 =	vsub.f32 $1.500000000e+00, v22  }
0x113: {  	v8 =	vmul.f32 v8, v12;
	v23 =	vsub.f32 $1.500000000e+00, v23;
	v11 =	vmul.f32 v11, v20  }
0x114: {  	v1 =	vmul.f32 v1, v14;
	v21 =	vsub.f32 $1.500000000e+00, v21;
	v17 =	vmul.f32 v17, v22  }
0x115: {  	v10 =	vmul.f32 v11, v10;
	v19 =	vmul.f32 v19, v23  }
0x116: {  	v8 =	vsub.f32 $1.500000000e+00, v8;
	v3 =	vmul.f32 v21, v3;
	v9 =	vmul.f32 v17, v9  }
0x117: {  	v10 =	vmul.f32 v10, v11;
	v15 =	vmul.f32 v19, v15  }
0x118: {  	v14 =	vsub.f32 $1.500000000e+00, v18;
	v8 =	vmul.f32 v8, v12;
	v9 =	vmul.f32 v9, v17  }
0x119: {  	v3 =	vmul.f32 v3, v16;
	v12 =	vmul.f32 v15, v19;
	v10 =	vsub.f32 $1.500000000e+00, v10  }
0x11a: {  	v13 =	vmul.f32 v14, v13;
	v1 =	vmul.f32 v1, v4;
	v4 =	vsub.f32 $1.500000000e+00, v9  }
0x11b: {  	[tilespmem:s15+$0x90] =	vst v3;
	v3 =	vmul.f32 v8, v7;
	v7 =	vmul.f32 v10, v11;
	v8 =	vsub.f32 $1.500000000e+00, v12  }
0x11c: {  	v6 =	vmul.f32 v13, v6;
	[tilespmem:s12+$0xFFFFFF10] =	vst v1;
	v1 =	vmul.f32 v4, v17  }
0x11d: {  	[tilespmem:s12+$0xFFFFFF90] =	vst v3;
	v3 =	vmul.f32 v8, v19;
	v4 =	vmul.f32 v7, v5  }
0x11e: {  	[tilespmem:s12+$0x10] =	vst v6;
	v0 =	vmul.f32 v1, v0  }
0x11f: {  	v1 =	vmul.f32 v3, v2;
	[tilespmem:s16+$0xFFFFFF10] =	vst v4  }
0x120: {  	[tilespmem:s16+$0xFFFFFF90] =	vst v0  }
0x121: {  	[tilespmem:s16+$0x10] =	vst v1  }
0x122: {  	s0 =	simm.s32 $0x0;
	s2 =	rddreg [dreg:$0x6]  }
0x123: {  	[hbm4b:s2+s0] =	stream.linear.scatter [tilespmem:s5], [sflag:$0x4], $0x4000, $0x38;
	[tilespmem:$0x13080] =	vst v63  }
0x124: {  	s3 =	simm.s32 $0x3080;
	s14 =	rddreg [dreg:$0x7]  }
0x125: {  	[tilespmem:s3], [sflag:$0x2] =	stream.linear.gather [hbm4b:s14+s0], $0x4000, $0x38;
	[tilespmem:$0x13080] =	vst v63  }
0x126: {  	_ =	swait.ge [sflag:s7], $0x4000  }
0x127: {  	[sflag:s7] =	ssyncset.done $0x0  }
0x128: {  	s13 =	simm.s32 $0x7180;
	[sflag:s7] =	ssyncadd.s32 $0xFFFFC000  }
0x129: {  	v0 =	vld [tilespmem:s13+$0x80];
	_ =	sdelay $0x4  }
0x12a: {  	v0 =	vmul.u32 $0x3, v0  }
0x12b: {  	s15 =	sadd.s32 $0x0, s6  }
0x12c: {  	s17 =	sadd.s32 $0x189, s15;
	s16 =	simm.s32 $0x9;
	v1 =	vld [tilespmem:s13+$0xFFFFFF00];
	v2 =	vadd.s32 $0x1, v0  }
0x12d: {  	s12 =	sand.u32 $0x3F80, s17;
	s3 =	sand.u32 $0x7D, s16;
	v3 =	vld [tilespmem:s13+$0xFFFFFF80]  }
0x12e: {  	s3 =	sor.u32 s3, s12;
	v4 =	vld [tilespmem:s13+$0x0];
	v5 =	vadd.s32 $0x2, v0  }
0x12f: {  	v6 =	vld [tilespmem:s3+$0x0]  }
0x130: {  	v7 =	vld.idx.msk [tilespmem:v0+s1+$0x0], $0xffff  }
0x131: {  	v8 =	vmul.u32 $0x3, v1;
	v2 =	vld.idx.msk [tilespmem:v2+s1+$0x0], $0xffff  }
0x132: {  	s19 =	simm.s32 $0x6;
	s2 =	sadd.s32 $0x186, s15;
	v9 =	vmul.u32 $0x3, v3  }
0x133: {  	s20 =	sand.u32 $0x7E, s19;
	s18 =	sadd.s32 $0x180, s15;
	s2 =	sand.u32 $0x3F80, s2;
	v4 =	vmul.u32 $0x3, v4;
	v3 =	vadd.s32 $0x1, v8;
	v5 =	vld.idx.msk [tilespmem:v5+s1+$0x0], $0xffff  }
0x134: {  	s0 =	sand.u32 $0x7C, s0;
	s2 =	sor.u32 s20, s2;
	s3 =	sand.u32 $0x3F80, s18;
	v11 =	vld [tilespmem:s23+$0x0];
	v1 =	vbroadcast v6, $0x0;
	v10 =	vadd.s32 $0x1, v9;
	v0 =	vbroadcast v6, $0x1  }
0x135: {  	v15 =	vld [tilespmem:s2+$0x0];
	s0 =	sor.u32 s0, s3;
	v12 =	vadd.s32 $0x1, v4  }
0x136: {  	v13 =	vld [tilespmem:s0+$0x0];
	v14 =	vbroadcast v6, $0x2;
	v7 =	vsub.f32 v7, v1;
	v2 =	vsub.f32 v2, v0  }
0x137: {  	v20 =	vld.idx.msk [tilespmem:v8+s1+$0x0], $0xffff  }
0x138: {  	v6 =	vld.idx.msk [tilespmem:v3+s1+$0x0], $0xffff;
	v3 =	vsub.f32 v5, v14;
	v5 =	vmul.f32 v7, v7;
	v2 =	vmul.f32 v2, v2  }
0x139: {  	v16 =	vld.idx.msk [tilespmem:v10+s1+$0x0], $0xffff;
	v7 =	vadd.s32 $0x2, v8  }
0x13a: {  	v17 =	vadd.s32 $0x2, v9;
	v12 =	vld.idx.msk [tilespmem:v12+s1+$0x0], $0xffff;
	v18 =	vmul.f32 v3, v3;
	v10 =	vadd.f32 v2, v5  }
0x13b: {  	v19 =	vadd.s32 $0x2, v4;
	v21 =	vld.idx.msk [tilespmem:v4+s1+$0x0], $0xffff;
	v4 =	vbroadcast v15, $0x0;
	v8 =	vbroadcast v11, $0x1  }
0x13c: {  	v3 =	vbroadcast v11, $0x0;
	v2 =	vbroadcast v13, $0x1;
	v18 =	vadd.f32 v18, v10  }
0x13d: {  	v5 =	vbroadcast v11, $0x2;
	v11 =	vld.idx.msk [tilespmem:v9+s1+$0x0], $0xffff;
	v9 =	vbroadcast v15, $0x1  }
0x13e: {  	v10 =	vbroadcast v13, $0x0;
	v22 =	vld.idx.msk [tilespmem:v7+s1+$0x0], $0xffff;
	v7 =	vsub.f32 v6, v2;
	v6 =	vmax.f32 v18, $1.000000000e-30  }
0x13f: {  	v17 =	vld.idx.msk [tilespmem:v17+s1+$0x0], $0xffff;
	v12 =	vsub.f32 v12, v9;
	v23 =	vshrl.u32 v6, $0x1;
	v24 =	vmul.f32 $5.000000000e-01, v6  }
0x140: {  	v16 =	vsub.f32 v16, v8;
	v6 =	vbroadcast v13, $0x2;
	v13 =	vld.idx.msk [tilespmem:v19+s1+$0x0], $0xffff;
	v19 =	vsub.s32 $0x5F3759DF, v23  }
0x141: {  	v20 =	vsub.f32 v20, v10;
	v12 =	vmul.f32 v12, v12;
	v25 =	vmul.f32 v19, v24  }
0x142: {  	v11 =	vsub.f32 v11, v3;
	v23 =	vmul.f32 v7, v7;
	v7 =	vbroadcast v15, $0x2  }
0x143: {  	v15 =	vmul.f32 v16, v16;
	v16 =	vsub.f32 v21, v4;
	v21 =	vmul.f32 v19, v25  }
0x144: {  	v17 =	vsub.f32 v17, v5;
	v20 =	vmul.f32 v20, v20;
	v11 =	vmul.f32 v11, v11  }
0x145: {  	v22 =	vsub.f32 v22, v6;
	v16 =	vmul.f32 v16, v16;
	v21 =	vsub.f32 $1.500000000e+00, v21  }
0x146: {  	v20 =	vadd.f32 v23, v20;
	v11 =	vadd.f32 v15, v11;
	v15 =	vmul.f32 v17, v17  }
0x147: {  	v22 =	vmul.f32 v22, v22;
	v13 =	vsub.f32 v13, v7;
	v17 =	vmul.f32 v19, v21  }
0x148: {  	v12 =	vadd.f32 v12, v16;
	v11 =	vadd.f32 v15, v11  }
0x149: {  	v16 =	vadd.f32 v22, v20;
	v13 =	vmul.f32 v13, v13;
	v15 =	vmul.f32 v17, v24  }
0x14a: {  	v19 =	vmax.f32 v11, $1.000000000e-30  }
0x14b: {  	v12 =	vadd.f32 v13, v12;
	v13 =	vmax.f32 v16, $1.000000000e-30;
	v15 =	vmul.f32 v15, v17  }
0x14c: {  	v22 =	vshrl.u32 v19, $0x1;
	v20 =	vshrl.u32 v13, $0x1;
	v13 =	vmul.f32 $5.000000000e-01, v13  }
0x14d: {  	v19 =	vmul.f32 $5.000000000e-01, v19;
	v20 =	vsub.s32 $0x5F3759DF, v20;
	v15 =	vsub.f32 $1.500000000e+00, v15  }
0x14e: {  	v22 =	vsub.s32 $0x5F3759DF, v22;
	v21 =	vmax.f32 v12, $1.000000000e-30;
	v24 =	vmul.f32 v20, v13  }
0x14f: {  	v23 =	vshrl.u32 v21, $0x1;
	v21 =	vmul.f32 $5.000000000e-01, v21;
	v15 =	vmul.f32 v15, v17  }
0x150: {  	v24 =	vmul.f32 v20, v24;
	v17 =	vsub.s32 $0x5F3759DF, v23;
	v23 =	vmul.f32 v22, v19  }
0x151: {  	v25 =	vmul.f32 v17, v21;
	v15 =	vmul.f32 v15, v18  }
0x152: {  	s12 =	simm.s32 $0xF180;
	v18 =	vmul.f32 v22, v23;
	v23 =	vsub.f32 $1.500000000e+00, v24  }
0x153: {  	v24 =	vmul.f32 v17, v25;
	[tilespmem:s12+$0x80] =	vst v15  }
0x154: {  	v15 =	vsub.f32 $1.500000000e+00, v18;
	v18 =	vmul.f32 v20, v23;
	v20 =	vld [tilespmem:s13+$0x90]  }
0x155: {  	v23 =	vsub.f32 $1.500000000e+00, v24  }
0x156: {  	v15 =	vmul.f32 v22, v15;
	v13 =	vmul.f32 v18, v13  }
0x157: {  	v17 =	vmul.f32 v17, v23  }
0x158: {  	v19 =	vmul.f32 v15, v19;
	v13 =	vmul.f32 v13, v18  }
0x159: {  	v21 =	vmul.f32 v17, v21;
	v20 =	vmul.u32 $0x3, v20  }
0x15a: {  	v19 =	vmul.f32 v19, v15;
	v13 =	vsub.f32 $1.500000000e+00, v13  }
0x15b: {  	v21 =	vmul.f32 v21, v17;
	v22 =	vadd.s32 $0x1, v20  }
0x15c: {  	v19 =	vsub.f32 $1.500000000e+00, v19;
	v13 =	vmul.f32 v13, v18  }
0x15d: {  	v18 =	vsub.f32 $1.500000000e+00, v21;
	v21 =	vadd.s32 $0x2, v20  }
0x15e: {  	v15 =	vmul.f32 v19, v15;
	v13 =	vmul.f32 v13, v16  }
0x15f: {  	v16 =	vmul.f32 v18, v17;
	v17 =	vld.idx.msk [tilespmem:v20+s1+$0x0], $0xffff  }
0x160: {  	v11 =	vmul.f32 v15, v11;
	[tilespmem:s12+$0xFFFFFF00] =	vst v13;
	v13 =	vld.idx.msk [tilespmem:v22+s1+$0x0], $0xffff  }
0x161: {  	v12 =	vmul.f32 v16, v12;
	v15 =	vld [tilespmem:s13+$0xFFFFFF10]  }
0x162: {  	[tilespmem:s12+$0xFFFFFF80] =	vst v11;
	v11 =	vld.idx.msk [tilespmem:v21+s1+$0x0], $0xffff  }
0x163: {  	[tilespmem:s12+$0x0] =	vst v12;
	v12 =	vld [tilespmem:s13+$0xFFFFFF90]  }
0x164: {  	s21 =	sadd.s32 $0xC, s6  }
0x165: {  	s17 =	sadd.s32 $0x189, s21;
	s15 =	simm.s32 $0x15;
	v16 =	vld [tilespmem:s13+$0x10];
	s13 =	simm.s32 $0x7380;
	v1 =	vsub.f32 v17, v1;
	v0 =	vsub.f32 v13, v0  }
0x166: {  	s2 =	sand.u32 $0x7D, s15;
	s3 =	sand.u32 $0x3F80, s17;
	v23 =	vld [tilespmem:s13+$0xFFFFFF80];
	v15 =	vmul.u32 $0x3, v15  }
0x167: {  	s2 =	sor.u32 s2, s3;
	v13 =	vld [tilespmem:s13+$0x80];
	v11 =	vsub.f32 v11, v14;
	v1 =	vmul.f32 v1, v1;
	v0 =	vmul.f32 v0, v0  }
0x168: {  	s16 =	sadd.s32 $0xC, s23;
	v31 =	vld [tilespmem:s2+$0x0];
	v14 =	vadd.s32 $0x1, v15;
	v19 =	vmul.u32 $0x3, v12  }
0x169: {  	v20 =	vld [tilespmem:s16+$0x0];
	v18 =	vadd.s32 $0x2, v15;
	v0 =	vadd.f32 v0, v1;
	v1 =	vmul.f32 v11, v11  }
0x16a: {  	v16 =	vmul.u32 $0x3, v16;
	v11 =	vld [tilespmem:s13+$0xFFFFFF00]  }
0x16b: {  	v21 =	vadd.s32 $0x1, v19;
	v23 =	vmul.u32 $0x3, v23;
	v12 =	vadd.f32 v1, v0;
	v1 =	vld [tilespmem:s13+$0x0]  }
0x16c: {  	v13 =	vmul.u32 $0x3, v13;
	v15 =	vld.idx.msk [tilespmem:v15+s1+$0x0], $0xffff  }
0x16d: {  	v17 =	vadd.s32 $0x2, v19;
	v22 =	vadd.s32 $0x1, v16;
	v34 =	vadd.s32 $0x1, v23;
	v24 =	vld.idx.msk [tilespmem:v14+s1+$0x0], $0xffff  }
0x16e: {  	v55 =	vadd.s32 $0x2, v23;
	v25 =	vadd.s32 $0x1, v13;
	v18 =	vld.idx.msk [tilespmem:v18+s1+$0x0], $0xffff;
	v0 =	vmax.f32 v12, $1.000000000e-30  }
0x16f: {  	v53 =	vadd.s32 $0x2, v13;
	v19 =	vld.idx.msk [tilespmem:v19+s1+$0x0], $0xffff;
	v26 =	vshrl.u32 v0, $0x1;
	v27 =	vmul.f32 $5.000000000e-01, v0  }
0x170: {  	v11 =	vmul.u32 $0x3, v11;
	v21 =	vld.idx.msk [tilespmem:v21+s1+$0x0], $0xffff;
	v0 =	vbroadcast v20, $0x2;
	v26 =	vsub.s32 $0x5F3759DF, v26  }
0x171: {  	v14 =	vadd.s32 $0x2, v16;
	v56 =	vld.idx.msk [tilespmem:v16+s1+$0x0], $0xffff;
	v16 =	vbroadcast v31, $0x2;
	v54 =	vmul.f32 v26, v27  }
0x172: {  	v30 =	vmul.u32 $0x3, v1;
	v32 =	vadd.s32 $0x1, v11;
	v33 =	vadd.s32 $0x2, v11;
	v35 =	vld.idx.msk [tilespmem:v13+s1+$0x0], $0xffff  }
0x173: {  	v1 =	vbroadcast v20, $0x0;
	v10 =	vsub.f32 v15, v10;
	v15 =	vbroadcast v31, $0x1;
	v25 =	vld.idx.msk [tilespmem:v25+s1+$0x0], $0xffff  }
0x174: {  	s19 =	sadd.s32 $0x180, s21;
	s14 =	simm.s32 $0xC;
	v22 =	vld.idx.msk [tilespmem:v22+s1+$0x0], $0xffff;
	v24 =	vsub.f32 v24, v2;
	v2 =	vbroadcast v20, $0x1;
	v13 =	vmul.f32 v26, v54  }
0x175: {  	s18 =	sand.u32 $0x7C, s14;
	s3 =	sand.u32 $0x3F80, s19;
	v20 =	vld.idx.msk [tilespmem:v53+s1+$0x0], $0xffff;
	v6 =	vsub.f32 v18, v6;
	v36 =	vadd.s32 $0x1, v30;
	v57 =	vmul.f32 v10, v10  }
0x176: {  	s2 =	sor.u32 s18, s3;
	v23 =	vld.idx.msk [tilespmem:v23+s1+$0x0], $0xffff;
	v3 =	vsub.f32 v19, v3;
	v38 =	vsub.f32 $1.500000000e+00, v13;
	v13 =	vbroadcast v31, $0x0  }
0x177: {  	s20 =	simm.s32 $0x12;
	s0 =	sadd.s32 $0x186, s21;
	v8 =	vsub.f32 v21, v8;
	v21 =	vld [tilespmem:s2+$0x0];
	v24 =	vmul.f32 v24, v24;
	v28 =	vsub.f32 v56, v4  }
0x178: {  	s21 =	sand.u32 $0x7E, s20;
	s0 =	sand.u32 $0x3F80, s0;
	v11 =	vld.idx.msk [tilespmem:v11+s1+$0x0], $0xffff;
	v61 =	vmul.f32 v3, v3;
	v35 =	vsub.f32 v35, v13;
	v25 =	vsub.f32 v25, v15  }
0x179: {  	s0 =	sor.u32 s21, s0;
	v9 =	vsub.f32 v22, v9;
	v19 =	vmul.f32 v8, v8;
	v8 =	vld.idx.msk [tilespmem:v32+s1+$0x0], $0xffff;
	v22 =	vmul.f32 v26, v38  }
0x17a: {  	v26 =	vld [tilespmem:s0+$0x0];
	v20 =	vsub.f32 v20, v16;
	v58 =	vmul.f32 v35, v35;
	v25 =	vmul.f32 v25, v25  }
0x17b: {  	v29 =	vld.idx.msk [tilespmem:v55+s1+$0x0], $0xffff;
	v23 =	vsub.f32 v23, v1;
	v59 =	vmul.f32 v9, v9;
	v4 =	vmul.f32 v22, v27  }
0x17c: {  	v27 =	vld.idx.msk [tilespmem:v34+s1+$0x0], $0xffff;
	v10 =	vbroadcast v21, $0x1;
	v20 =	vmul.f32 v20, v20;
	v25 =	vadd.f32 v25, v58  }
0x17d: {  	v37 =	vadd.s32 $0x2, v30;
	v9 =	vbroadcast v21, $0x0;
	v4 =	vmul.f32 v4, v22  }
0x17e: {  	v33 =	vld.idx.msk [tilespmem:v33+s1+$0x0], $0xffff;
	v23 =	vmul.f32 v23, v23;
	v3 =	vsub.f32 v8, v10;
	v20 =	vadd.f32 v20, v25  }
0x17f: {  	v60 =	vld.idx.msk [tilespmem:v36+s1+$0x0], $0xffff;
	v8 =	vbroadcast v26, $0x0;
	v25 =	vsub.f32 $1.500000000e+00, v4;
	v4 =	vsub.f32 v11, v9  }
0x180: {  	v29 =	vsub.f32 v29, v0;
	v30 =	vld.idx.msk [tilespmem:v30+s1+$0x0], $0xffff;
	v11 =	vbroadcast v26, $0x1;
	v62 =	vmul.f32 v3, v3  }
0x181: {  	v27 =	vsub.f32 v27, v2;
	v3 =	vmax.f32 v20, $1.000000000e-30;
	v4 =	vmul.f32 v4, v4  }
0x182: {  	v63 =	vshrl.u32 v3, $0x1;
	v40 =	vmul.f32 $5.000000000e-01, v3;
	v3 =	vbroadcast v21, $0x2;
	v21 =	vld.idx.msk [tilespmem:v37+s1+$0x0], $0xffff  }
0x183: {  	v36 =	vsub.s32 $0x5F3759DF, v63;
	v34 =	vadd.f32 v62, v4;
	v4 =	vbroadcast v26, $0x2  }
0x184: {  	v31 =	vsub.f32 v60, v11;
	v26 =	vmul.f32 v27, v27;
	v41 =	vmul.f32 v36, v40  }
0x185: {  	v29 =	vmul.f32 v29, v29;
	v27 =	vsub.f32 v30, v8;
	v33 =	vsub.f32 v33, v3  }
0x186: {  	v14 =	vld.idx.msk [tilespmem:v14+s1+$0x0], $0xffff;
	v42 =	vmul.f32 v31, v31;
	v23 =	vadd.f32 v26, v23;
	v43 =	vmul.f32 v36, v41  }
0x187: {  	v27 =	vmul.f32 v27, v27;
	v26 =	vmul.f32 v33, v33;
	v21 =	vsub.f32 v21, v4  }
0x188: {  	v6 =	vmul.f32 v6, v6;
	v23 =	vadd.f32 v29, v23;
	v31 =	vsub.f32 $1.500000000e+00, v43  }
0x189: {  	v22 =	vmul.f32 v25, v22;
	v25 =	vadd.f32 v42, v27;
	v26 =	vadd.f32 v26, v34  }
0x18a: {  	v21 =	vmul.f32 v21, v21;
	v45 =	vmax.f32 v23, $1.000000000e-30;
	v27 =	vmul.f32 v36, v31  }
0x18b: {  	v28 =	vmul.f32 v28, v28;
	v7 =	vsub.f32 v14, v7;
	v48 =	vshrl.u32 v45, $0x1  }
0x18c: {  	v21 =	vadd.f32 v21, v25;
	v25 =	vmax.f32 v26, $1.000000000e-30;
	v44 =	vmul.f32 v27, v40  }
0x18d: {  	v17 =	vld.idx.msk [tilespmem:v17+s1+$0x0], $0xffff;
	v30 =	vmul.f32 $5.000000000e-01, v45;
	v46 =	vshrl.u32 v25, $0x1;
	v25 =	vmul.f32 $5.000000000e-01, v25  }
0x18e: {  	v33 =	vsub.s32 $0x5F3759DF, v48;
	v31 =	vsub.s32 $0x5F3759DF, v46;
	v29 =	vmul.f32 v44, v27  }
0x18f: {  	v18 =	vmul.f32 v33, v30;
	v47 =	vmax.f32 v21, $1.000000000e-30;
	v49 =	vmul.f32 v31, v25  }
0x190: {  	v50 =	vshrl.u32 v47, $0x1;
	v32 =	vmul.f32 $5.000000000e-01, v47;
	v29 =	vsub.f32 $1.500000000e+00, v29  }
0x191: {  	v14 =	vmul.f32 v33, v18;
	v36 =	vsub.s32 $0x5F3759DF, v50;
	v34 =	vmul.f32 v31, v49  }
0x192: {  	v5 =	vsub.f32 v17, v5;
	v51 =	vmul.f32 v36, v32;
	v27 =	vmul.f32 v29, v27  }
0x193: {  	v22 =	vmul.f32 v22, v12;
	v14 =	vsub.f32 $1.500000000e+00, v14;
	v17 =	vsub.f32 $1.500000000e+00, v34  }
0x194: {  	v24 =	vadd.f32 v24, v57;
	v18 =	vmul.f32 v36, v51;
	v20 =	vmul.f32 v27, v20  }
0x195: {  	s15 =	simm.s32 $0xF380;
	v19 =	vadd.f32 v19, v61;
	v14 =	vmul.f32 v33, v14;
	v17 =	vmul.f32 v31, v17  }
0x196: {  	v18 =	vsub.f32 $1.500000000e+00, v18;
	[tilespmem:s15+$0x80] =	vst v20;
	v20 =	vmul.f32 v5, v5;
	v5 =	vadd.f32 v6, v24  }
0x197: {  	v27 =	vadd.f32 v59, v28;
	v6 =	vmul.f32 v7, v7;
	v24 =	vmul.f32 v17, v25  }
0x198: {  	v25 =	vmul.f32 v36, v18;
	v52 =	vld [tilespmem:s13+$0x90];
	v7 =	vadd.f32 v20, v19;
	v18 =	vmax.f32 v5, $1.000000000e-30  }
0x199: {  	v6 =	vadd.f32 v6, v27;
	v19 =	vmul.f32 v24, v17;
	v20 =	vmul.f32 v14, v30  }
0x19a: {  	v24 =	vmul.f32 v25, v32;
	v53 =	vshrl.u32 v18, $0x1;
	v57 =	vmul.f32 $5.000000000e-01, v18  }
0x19b: {  	v27 =	vmax.f32 v7, $1.000000000e-30;
	v19 =	vsub.f32 $1.500000000e+00, v19;
	v54 =	vmax.f32 v6, $1.000000000e-30  }
0x19c: {  	v20 =	vmul.f32 v20, v14;
	v24 =	vmul.f32 v24, v25;
	v29 =	vsub.s32 $0x5F3759DF, v53  }
0x19d: {  	v18 =	vmul.f32 $5.000000000e-01, v54;
	v28 =	vmul.u32 $0x3, v52;
	v17 =	vmul.f32 v19, v17  }
0x19e: {  	v55 =	vshrl.u32 v27, $0x1;
	v59 =	vmul.f32 v29, v57;
	v19 =	vmul.f32 $5.000000000e-01, v27  }
0x19f: {  	v24 =	vsub.f32 $1.500000000e+00, v24;
	v56 =	vadd.s32 $0x1, v28;
	v17 =	vmul.f32 v17, v26  }
0x1a0: {  	v58 =	vsub.s32 $0x5F3759DF, v55;
	v20 =	vsub.f32 $1.500000000e+00, v20;
	v26 =	vadd.s32 $0x2, v28  }
0x1a1: {  	v60 =	vmul.f32 v58, v19;
	v24 =	vmul.f32 v24, v25;
	[tilespmem:s15+$0xFFFFFF00] =	vst v17  }
0x1a2: {  	v27 =	vshrl.u32 v54, $0x1;
	v31 =	vmul.f32 v29, v59;
	v14 =	vmul.f32 v20, v14;
	v62 =	vld [tilespmem:s13+$0xFFFFFF10]  }
0x1a3: {  	v27 =	vsub.s32 $0x5F3759DF, v27;
	v20 =	vmul.f32 v58, v60;
	v21 =	vmul.f32 v24, v21;
	v28 =	vld.idx.msk [tilespmem:v28+s1+$0x0], $0xffff  }
0x1a4: {  	v61 =	vmul.f32 v27, v18;
	v12 =	vmul.f32 v14, v23;
	v17 =	vld.idx.msk [tilespmem:v56+s1+$0x0], $0xffff  }
0x1a5: {  	v20 =	vsub.f32 $1.500000000e+00, v20;
	[tilespmem:s15+$0x0] =	vst v21;
	v25 =	vld.idx.msk [tilespmem:v26+s1+$0x0], $0xffff  }
0x1a6: {  	v31 =	vsub.f32 $1.500000000e+00, v31;
	[tilespmem:s15+$0xFFFFFF80] =	vst v12;
	v26 =	vmul.f32 v27, v61;
	v21 =	vld [tilespmem:s13+$0x10]  }
0x1a7: {  	v12 =	vmul.f32 v58, v20;
	v20 =	vld [tilespmem:s13+$0xFFFFFF90]  }
0x1a8: {  	v14 =	vmul.f32 v29, v31;
	v23 =	vsub.f32 $1.500000000e+00, v26  }
0x1a9: {  	v26 =	vsub.f32 v28, v13;
	v63 =	vsub.f32 v17, v15  }
0x1aa: {  	v24 =	vmul.u32 $0x3, v62;
	v13 =	vmul.f32 v27, v23;
	v15 =	vmul.f32 v14, v57  }
0x1ab: {  	s17 =	simm.s32 $0x4;
	s18 =	sadd.s32 $0xC, s16;
	s16 =	simm.s32 $0xF380;
	[tilespmem:s12+$0x90] =	vst v22;
	v16 =	vsub.f32 v25, v16;
	v17 =	vmul.f32 v26, v26;
	v22 =	vmul.f32 v63, v63  }
.LBB2_4:
0x1ac: {  	v25 =	vld [tilespmem:s18+$0x0];
	v26 =	vadd.s32 $0x1, v24;
	v27 =	vmul.u32 $0x3, v20;
	v28 =	vmul.u32 $0x3, v21;
	s13 =	sadd.s32 $0x200, s13  }
0x1ad: {  	s17 =	sadd.s32 $0x4, s17;
	v21 =	vadd.s32 $0x2, v24;
	v29 =	vld [tilespmem:s13+$0x80];
	v17 =	vadd.f32 v22, v17;
	v16 =	vmul.f32 v16, v16  }
0x1ae: {  	p0 =	slt.u32 s17, $0x7C;
	v30 =	vld [tilespmem:s13+$0xFFFFFF00];
	v31 =	vadd.s32 $0x1, v27;
	v23 =	vadd.s32 $0x2, v27;
	v32 =	vadd.s32 $0x1, v28  }
0x1af: {  	v22 =	vadd.s32 $0x2, v28;
	v33 =	vld [tilespmem:s13+$0xFFFFFF80];
	v34 =	vadd.f32 v16, v17;
	v16 =	vmul.f32 v12, v19  }
0x1b0: {  	v35 =	vmul.f32 v15, v14;
	v15 =	vmul.f32 v13, v18;
	v17 =	vld [tilespmem:s13+$0x0]  }
0x1b1: {  	v20 =	vbroadcast v25, $0x2;
	v26 =	vld.idx.msk [tilespmem:v26+s1+$0x0], $0xffff;
	v19 =	vmax.f32 v34, $1.000000000e-30;
	v18 =	vmul.f32 v16, v12  }
0x1b2: {  	s14 =	sadd.s32 $0xC, s14;
	v16 =	vmul.u32 $0x3, v29;
	v24 =	vld.idx.msk [tilespmem:v24+s1+$0x0], $0xffff;
	v29 =	vshrl.u32 v19, $0x1;
	v36 =	vmul.f32 $5.000000000e-01, v19  }
0x1b3: {  	s0 =	sadd.s32 s14, s6;
	s2 =	sand.u32 $0x7C, s14;
	s3 =	sadd.s32 $0x6, s14;
	v19 =	vmul.f32 v15, v13;
	v30 =	vmul.u32 $0x3, v30;
	v31 =	vld.idx.msk [tilespmem:v31+s1+$0x0], $0xffff;
	v29 =	vsub.s32 $0x5F3759DF, v29  }
0x1b4: {  	s20 =	sadd.s32 $0x9, s14;
	s19 =	sadd.s32 $0x180, s0;
	s21 =	sadd.s32 $0x189, s0;
	v33 =	vmul.u32 $0x3, v33;
	v15 =	vadd.s32 $0x1, v16;
	v32 =	vld.idx.msk [tilespmem:v32+s1+$0x0], $0xffff;
	v37 =	vmul.f32 v29, v36  }
0x1b5: {  	s0 =	sadd.s32 $0x186, s0;
	s20 =	sand.u32 $0x7D, s20;
	s21 =	sand.u32 $0x3F80, s21;
	v38 =	vadd.s32 $0x1, v30;
	v39 =	vadd.s32 $0x2, v30;
	v40 =	vmul.u32 $0x3, v17;
	v17 =	vld.idx.msk [tilespmem:v27+s1+$0x0], $0xffff  }
0x1b6: {  	s19 =	sand.u32 $0x3F80, s19;
	s0 =	sand.u32 $0x3F80, s0;
	s20 =	sor.u32 s20, s21;
	v41 =	vadd.s32 $0x2, v16;
	v27 =	vadd.s32 $0x1, v33;
	v28 =	vld.idx.msk [tilespmem:v28+s1+$0x0], $0xffff;
	v37 =	vmul.f32 v29, v37  }
0x1b7: {  	s3 =	sand.u32 $0x7E, s3;
	s2 =	sor.u32 s2, s19;
	v42 =	vadd.s32 $0x2, v33;
	v43 =	vadd.s32 $0x1, v40;
	v44 =	vadd.s32 $0x2, v40;
	v45 =	vld [tilespmem:s20+$0x0]  }
0x1b8: {  	s0 =	sor.u32 s3, s0;
	v46 =	vbroadcast v25, $0x0;
	v10 =	vsub.f32 v26, v10;
	v47 =	vld.idx.msk [tilespmem:v16+s1+$0x0], $0xffff;
	v16 =	vsub.f32 $1.500000000e+00, v37  }
0x1b9: {  	v9 =	vsub.f32 v24, v9;
	v26 =	vld.idx.msk [tilespmem:v15+s1+$0x0], $0xffff;
	v15 =	vsub.f32 v31, v2;
	v2 =	vbroadcast v25, $0x1  }
0x1ba: {  	v10 =	vmul.f32 v10, v10;
	v11 =	vsub.f32 v32, v11;
	v25 =	vld [tilespmem:s2+$0x0];
	v29 =	vmul.f32 v29, v16  }
0x1bb: {  	v9 =	vmul.f32 v9, v9;
	v17 =	vsub.f32 v17, v1;
	v31 =	vld.idx.msk [tilespmem:v41+s1+$0x0], $0xffff;
	v32 =	vmul.f32 v15, v15  }
0x1bc: {  	v1 =	vmovc v46;
	v28 =	vsub.f32 v28, v8;
	v41 =	vmul.f32 v11, v11;
	v37 =	vld [tilespmem:s0+$0x0];
	v8 =	vmul.f32 v29, v36  }
0x1bd: {  	v24 =	vadd.f32 v10, v9;
	v15 =	vbroadcast v45, $0x0;
	v16 =	vbroadcast v45, $0x1;
	v36 =	vld.idx.msk [tilespmem:v38+s1+$0x0], $0xffff  }
0x1be: {  	v35 =	vsub.f32 $1.500000000e+00, v35;
	v11 =	vmul.f32 v17, v17;
	v27 =	vld.idx.msk [tilespmem:v27+s1+$0x0], $0xffff;
	v8 =	vmul.f32 v8, v29  }
0x1bf: {  	v17 =	vbroadcast v45, $0x2;
	v26 =	vsub.f32 v26, v16;
	v38 =	vld.idx.msk [tilespmem:v43+s1+$0x0], $0xffff;
	v43 =	vsub.f32 v47, v15  }
0x1c0: {  	v9 =	vbroadcast v25, $0x0;
	v10 =	vbroadcast v25, $0x1;
	v30 =	vld.idx.msk [tilespmem:v30+s1+$0x0], $0xffff;
	v45 =	vsub.f32 $1.500000000e+00, v8  }
0x1c1: {  	v31 =	vsub.f32 v31, v17;
	v26 =	vmul.f32 v26, v26;
	v33 =	vld.idx.msk [tilespmem:v33+s1+$0x0], $0xffff;
	v43 =	vmul.f32 v43, v43  }
0x1c2: {  	v32 =	vadd.f32 v32, v11;
	v8 =	vbroadcast v37, $0x0;
	v40 =	vld.idx.msk [tilespmem:v40+s1+$0x0], $0xffff;
	v29 =	vmul.f32 v45, v29  }
0x1c3: {  	v11 =	vbroadcast v37, $0x1;
	v31 =	vmul.f32 v31, v31;
	v39 =	vld.idx.msk [tilespmem:v39+s1+$0x0], $0xffff;
	v26 =	vadd.f32 v26, v43  }
0x1c4: {  	v36 =	vsub.f32 v36, v10;
	v27 =	vsub.f32 v27, v2;
	v42 =	vld.idx.msk [tilespmem:v42+s1+$0x0], $0xffff;
	v29 =	vmul.f32 v29, v34  }
0x1c5: {  	v25 =	vbroadcast v25, $0x2;
	v38 =	vsub.f32 v38, v11;
	v34 =	vld.idx.msk [tilespmem:v44+s1+$0x0], $0xffff;
	v26 =	vadd.f32 v31, v26  }
0x1c6: {  	v30 =	vsub.f32 v30, v9;
	v31 =	vmul.f32 v36, v36;
	v36 =	vbroadcast v37, $0x2;
	v21 =	vld.idx.msk [tilespmem:v21+s1+$0x0], $0xffff;
	[tilespmem:s15+$0x90] =	vst v29  }
0x1c7: {  	v27 =	vmul.f32 v27, v27;
	v29 =	vsub.f32 v33, v1;
	v33 =	vmax.f32 v26, $1.000000000e-30;
	v23 =	vld.idx.msk [tilespmem:v23+s1+$0x0], $0xffff  }
0x1c8: {  	v37 =	vsub.f32 v40, v8;
	v40 =	vshrl.u32 v33, $0x1;
	v33 =	vmul.f32 $5.000000000e-01, v33;
	v22 =	vld.idx.msk [tilespmem:v22+s1+$0x0], $0xffff  }
0x1c9: {  	v38 =	vmul.f32 v38, v38;
	v30 =	vmul.f32 v30, v30;
	v40 =	vsub.s32 $0x5F3759DF, v40  }
0x1ca: {  	v39 =	vsub.f32 v39, v25;
	v29 =	vmul.f32 v29, v29;
	v43 =	vmul.f32 v40, v33  }
0x1cb: {  	v42 =	vsub.f32 v42, v20;
	v37 =	vmul.f32 v37, v37;
	v34 =	vsub.f32 v34, v36  }
0x1cc: {  	v30 =	vadd.f32 v31, v30;
	v27 =	vadd.f32 v27, v29;
	v29 =	vmul.f32 v40, v43  }
0x1cd: {  	v31 =	vmul.f32 v39, v39;
	v39 =	vmul.f32 v42, v42;
	v37 =	vadd.f32 v38, v37  }
0x1ce: {  	v28 =	vmul.f32 v28, v28;
	v34 =	vmul.f32 v34, v34;
	v29 =	vsub.f32 $1.500000000e+00, v29  }
0x1cf: {  	v14 =	vmul.f32 v35, v14;
	v30 =	vadd.f32 v31, v30;
	v27 =	vadd.f32 v39, v27  }
0x1d0: {  	v21 =	vsub.f32 v21, v3;
	v3 =	vmovc v25;
	v31 =	vadd.f32 v34, v37;
	v29 =	vmul.f32 v40, v29  }
0x1d1: {  	v23 =	vsub.f32 v23, v0;
	v0 =	vmovc v20;
	v25 =	vmax.f32 v30, $1.000000000e-30;
	v34 =	vmax.f32 v27, $1.000000000e-30  }
0x1d2: {  	v20 =	vshrl.u32 v25, $0x1;
	v35 =	vmax.f32 v31, $1.000000000e-30;
	v33 =	vmul.f32 v29, v33  }
0x1d3: {  	v25 =	vmul.f32 $5.000000000e-01, v25;
	v37 =	vshrl.u32 v34, $0x1;
	v34 =	vmul.f32 $5.000000000e-01, v34  }
0x1d4: {  	v38 =	vshrl.u32 v35, $0x1;
	v35 =	vmul.f32 $5.000000000e-01, v35;
	v33 =	vmul.f32 v33, v29  }
0x1d5: {  	v20 =	vsub.s32 $0x5F3759DF, v20;
	v37 =	vsub.s32 $0x5F3759DF, v37;
	v38 =	vsub.s32 $0x5F3759DF, v38  }
0x1d6: {  	v39 =	vmul.f32 v20, v25;
	v40 =	vmul.f32 v37, v34;
	v33 =	vsub.f32 $1.500000000e+00, v33  }
0x1d7: {  	v28 =	vadd.f32 v41, v28;
	v22 =	vsub.f32 v22, v4;
	v4 =	vmovc v36;
	v42 =	vmul.f32 v38, v35  }
0x1d8: {  	v36 =	vmul.f32 v20, v39;
	v29 =	vmul.f32 v33, v29;
	v33 =	vsub.f32 $1.500000000e+00, v18  }
0x1d9: {  	v39 =	vmul.f32 v38, v42;
	v18 =	vmul.f32 v37, v40;
	v40 =	vsub.f32 $1.500000000e+00, v19  }
0x1da: {  	v21 =	vmul.f32 v21, v21;
	v19 =	vsub.f32 $1.500000000e+00, v36;
	v26 =	vmul.f32 v29, v26  }
0x1db: {  	s15 =	sadd.s32 $0x200, s15;
	v23 =	vmul.f32 v23, v23;
	v18 =	vsub.f32 $1.500000000e+00, v18;
	v29 =	vsub.f32 $1.500000000e+00, v39  }
0x1dc: {  	v21 =	vadd.f32 v21, v24;
	v20 =	vmul.f32 v20, v19;
	v19 =	vmul.f32 v22, v22;
	[tilespmem:s15+$0x80] =	vst v26  }
0x1dd: {  	v23 =	vadd.f32 v23, v32;
	v18 =	vmul.f32 v37, v18;
	v22 =	vmul.f32 v38, v29;
	v24 =	vld [tilespmem:s13+$0x90]  }
0x1de: {  	v25 =	vmul.f32 v20, v25;
	v26 =	vmax.f32 v21, $1.000000000e-30;
	v28 =	vadd.f32 v19, v28  }
0x1df: {  	v32 =	vmax.f32 v23, $1.000000000e-30;
	v19 =	vmul.f32 v18, v34;
	v29 =	vmul.f32 v22, v35  }
0x1e0: {  	v25 =	vmul.f32 v25, v20;
	v34 =	vshrl.u32 v26, $0x1;
	v35 =	vmax.f32 v28, $1.000000000e-30  }
0x1e1: {  	v36 =	vshrl.u32 v32, $0x1;
	v19 =	vmul.f32 v19, v18;
	v29 =	vmul.f32 v29, v22  }
0x1e2: {  	v26 =	vmul.f32 $5.000000000e-01, v26;
	v25 =	vsub.f32 $1.500000000e+00, v25;
	v24 =	vmul.u32 $0x3, v24  }
0x1e3: {  	v37 =	vsub.f32 $1.500000000e+00, v19;
	v29 =	vsub.f32 $1.500000000e+00, v29;
	v19 =	vmul.f32 $5.000000000e-01, v32  }
0x1e4: {  	v20 =	vmul.f32 v25, v20;
	v32 =	vshrl.u32 v35, $0x1;
	v25 =	vadd.s32 $0x1, v24  }
0x1e5: {  	v37 =	vmul.f32 v37, v18;
	v22 =	vmul.f32 v29, v22;
	v29 =	vsub.s32 $0x5F3759DF, v34  }
0x1e6: {  	v20 =	vmul.f32 v20, v30;
	v30 =	vadd.s32 $0x2, v24;
	v18 =	vmul.f32 $5.000000000e-01, v35  }
0x1e7: {  	v27 =	vmul.f32 v37, v27;
	v22 =	vmul.f32 v22, v31;
	v31 =	vsub.s32 $0x5F3759DF, v36  }
0x1e8: {  	v32 =	vsub.s32 $0x5F3759DF, v32;
	[tilespmem:s15+$0xFFFFFF00] =	vst v20;
	v34 =	vld.idx.msk [tilespmem:v24+s1+$0x0], $0xffff;
	v20 =	vmul.f32 v29, v26;
	v24 =	vmul.f32 v31, v19  }
0x1e9: {  	v12 =	vmul.f32 v33, v12;
	[tilespmem:s15+$0xFFFFFF80] =	vst v27;
	v25 =	vld.idx.msk [tilespmem:v25+s1+$0x0], $0xffff;
	v27 =	vmul.f32 v32, v18  }
0x1ea: {  	v33 =	vld [tilespmem:s13+$0xFFFFFF10];
	[tilespmem:s15+$0x0] =	vst v22;
	v22 =	vmul.f32 v29, v20;
	v24 =	vmul.f32 v31, v24  }
0x1eb: {  	v13 =	vmul.f32 v40, v13;
	v30 =	vld.idx.msk [tilespmem:v30+s1+$0x0], $0xffff;
	v27 =	vmul.f32 v32, v27  }
0x1ec: {  	v35 =	vmul.f32 v14, v5;
	v5 =	vmovc v21;
	v20 =	vld [tilespmem:s13+$0xFFFFFF90];
	v22 =	vsub.f32 $1.500000000e+00, v22;
	v24 =	vsub.f32 $1.500000000e+00, v24  }
.Ltmp1:
0x1ed: {  	v36 =	vmul.f32 v12, v7;
	v37 =	vmul.f32 v13, v6;
	v7 =	vmovc v23;
	v6 =	vmovc v28;
	v21 =	vld [tilespmem:s13+$0x10];
	v27 =	vsub.f32 $1.500000000e+00, v27;
	(pc) =	sbr.rel @p0 .LBB2_4-.Ltmp1, $4  }
0x1ee: {  	v14 =	vmul.f32 v29, v22;
	v12 =	vmul.f32 v31, v24;
	[tilespmem:s12+$0xFFFFFF10] =	vst v35  }
0x1ef: {  	v22 =	vsub.f32 v34, v15;
	v23 =	vsub.f32 v25, v16;
	v24 =	vmul.u32 $0x3, v33;
	[tilespmem:s12+$0xFFFFFF90] =	vst v36  }
0x1f0: {  	v13 =	vmul.f32 v32, v27;
	v15 =	vmul.f32 v14, v26;
	[tilespmem:s12+$0x10] =	vst v37;
	s12 =	smov.u32 s16;
	s16 =	smov.u32 s15  }
0x1f1: {  	s18 =	sadd.s32 $0xC, s18;
	v16 =	vsub.f32 v30, v17;
	v17 =	vmul.f32 v22, v22;
	v22 =	vmul.f32 v23, v23  }
0x1f2: {  	v23 =	vadd.s32 $0x1, v24  }
0x1f3: {  	v20 =	vmul.u32 $0x3, v20;
	v27 =	vadd.s32 $0x2, v24  }
0x1f4: {  	v21 =	vmul.u32 $0x3, v21;
	_ =	sdelay $0x1  }
0x1f5: {  	v24 =	vld.idx.msk [tilespmem:v24+s1+$0x0], $0xffff;
	v25 =	vadd.s32 $0x1, v20  }
0x1f6: {  	v17 =	vadd.f32 v22, v17;
	v16 =	vmul.f32 v16, v16;
	v26 =	vadd.s32 $0x1, v21;
	v23 =	vld.idx.msk [tilespmem:v23+s1+$0x0], $0xffff  }
0x1f7: {  	v22 =	vadd.s32 $0x2, v20;
	v27 =	vld.idx.msk [tilespmem:v27+s1+$0x0], $0xffff  }
0x1f8: {  	v28 =	vadd.s32 $0x2, v21;
	v16 =	vadd.f32 v16, v17;
	v17 =	vld.idx.msk [tilespmem:v20+s1+$0x0], $0xffff  }
0x1f9: {  	v20 =	vld.idx.msk [tilespmem:v21+s1+$0x0], $0xffff  }
0x1fa: {  	v25 =	vld.idx.msk [tilespmem:v25+s1+$0x0], $0xffff  }
0x1fb: {  	v26 =	vld.idx.msk [tilespmem:v26+s1+$0x0], $0xffff  }
0x1fc: {  	v9 =	vsub.f32 v24, v9;
	v21 =	vmax.f32 v16, $1.000000000e-30;
	v22 =	vld.idx.msk [tilespmem:v22+s1+$0x0], $0xffff  }
0x1fd: {  	v29 =	vshrl.u32 v21, $0x1;
	v21 =	vmul.f32 $5.000000000e-01, v21;
	v24 =	vld.idx.msk [tilespmem:v28+s1+$0x0], $0xffff  }
0x1fe: {  	v9 =	vmul.f32 v9, v9;
	v10 =	vsub.f32 v23, v10;
	v3 =	vsub.f32 v27, v3  }
0x1ff: {  	v23 =	vsub.s32 $0x5F3759DF, v29;
	v1 =	vsub.f32 v17, v1;
	v8 =	vsub.f32 v20, v8  }
0x200: {  	v2 =	vsub.f32 v25, v2;
	v25 =	vmul.f32 v23, v21;
	v10 =	vmul.f32 v10, v10  }
0x201: {  	v11 =	vsub.f32 v26, v11;
	v0 =	vsub.f32 v22, v0;
	v3 =	vmul.f32 v3, v3  }
0x202: {  	v4 =	vsub.f32 v24, v4;
	v1 =	vmul.f32 v1, v1;
	v2 =	vmul.f32 v2, v2  }
0x203: {  	v8 =	vmul.f32 v8, v8;
	v11 =	vmul.f32 v11, v11;
	v9 =	vadd.f32 v10, v9  }
0x204: {  	v10 =	vmul.f32 v23, v25;
	v0 =	vmul.f32 v0, v0;
	v1 =	vadd.f32 v2, v1  }
0x205: {  	v4 =	vmul.f32 v4, v4;
	v2 =	vadd.f32 v11, v8;
	v3 =	vadd.f32 v3, v9  }
0x206: {  	v8 =	vmul.f32 v12, v19;
	v9 =	vsub.f32 $1.500000000e+00, v10;
	v0 =	vadd.f32 v0, v1  }
0x207: {  	v1 =	vmul.f32 v15, v14;
	v10 =	vmax.f32 v3, $1.000000000e-30;
	v2 =	vadd.f32 v4, v2  }
0x208: {  	v4 =	vmul.f32 v23, v9;
	v11 =	vshrl.u32 v10, $0x1;
	v10 =	vmul.f32 $5.000000000e-01, v10  }
0x209: {  	v9 =	vmax.f32 v0, $1.000000000e-30;
	v15 =	vmax.f32 v2, $1.000000000e-30;
	v11 =	vsub.s32 $0x5F3759DF, v11  }
0x20a: {  	v17 =	vshrl.u32 v9, $0x1;
	v9 =	vmul.f32 $5.000000000e-01, v9;
	v19 =	vshrl.u32 v15, $0x1  }
0x20b: {  	v15 =	vmul.f32 $5.000000000e-01, v15;
	v20 =	vmul.f32 v11, v10;
	v17 =	vsub.s32 $0x5F3759DF, v17  }
0x20c: {  	v18 =	vmul.f32 v13, v18;
	v19 =	vsub.s32 $0x5F3759DF, v19;
	v22 =	vmul.f32 v17, v9  }
0x20d: {  	v23 =	vmul.f32 v19, v15;
	v20 =	vmul.f32 v11, v20  }
0x20e: {  	v21 =	vmul.f32 v4, v21;
	v22 =	vmul.f32 v17, v22  }
0x20f: {  	v18 =	vmul.f32 v18, v13;
	v23 =	vmul.f32 v19, v23;
	v20 =	vsub.f32 $1.500000000e+00, v20  }
0x210: {  	v1 =	vsub.f32 $1.500000000e+00, v1;
	v21 =	vmul.f32 v21, v4;
	v22 =	vsub.f32 $1.500000000e+00, v22  }
0x211: {  	v8 =	vmul.f32 v8, v12;
	v23 =	vsub.f32 $1.500000000e+00, v23;
	v11 =	vmul.f32 v11, v20  }
0x212: {  	v1 =	vmul.f32 v1, v14;
	v21 =	vsub.f32 $1.500000000e+00, v21;
	v17 =	vmul.f32 v17, v22  }
0x213: {  	v10 =	vmul.f32 v11, v10;
	v19 =	vmul.f32 v19, v23  }
0x214: {  	v8 =	vsub.f32 $1.500000000e+00, v8;
	v4 =	vmul.f32 v21, v4;
	v9 =	vmul.f32 v17, v9  }
0x215: {  	v10 =	vmul.f32 v10, v11;
	v15 =	vmul.f32 v19, v15  }
0x216: {  	v14 =	vsub.f32 $1.500000000e+00, v18;
	v8 =	vmul.f32 v8, v12;
	v9 =	vmul.f32 v9, v17  }
0x217: {  	v4 =	vmul.f32 v4, v16;
	v12 =	vmul.f32 v15, v19;
	v10 =	vsub.f32 $1.500000000e+00, v10  }
0x218: {  	v13 =	vmul.f32 v14, v13;
	v1 =	vmul.f32 v1, v5;
	v5 =	vsub.f32 $1.500000000e+00, v9  }
0x219: {  	[tilespmem:s15+$0x90] =	vst v4;
	v4 =	vmul.f32 v8, v7;
	v7 =	vmul.f32 v10, v11;
	v8 =	vsub.f32 $1.500000000e+00, v12  }
0x21a: {  	v6 =	vmul.f32 v13, v6;
	[tilespmem:s12+$0xFFFFFF10] =	vst v1;
	v1 =	vmul.f32 v5, v17  }
0x21b: {  	[tilespmem:s12+$0xFFFFFF90] =	vst v4;
	v4 =	vmul.f32 v8, v19;
	v3 =	vmul.f32 v7, v3  }
0x21c: {  	[tilespmem:s12+$0x10] =	vst v6;
	v0 =	vmul.f32 v1, v0  }
0x21d: {  	v1 =	vmul.f32 v4, v2;
	[tilespmem:s16+$0xFFFFFF10] =	vst v3  }
0x21e: {  	[tilespmem:s16+$0xFFFFFF90] =	vst v0  }
0x21f: {  	[tilespmem:s16+$0x10] =	vst v1  }
0x220: {  	s0 =	simm.s32 $0x0;
	s2 =	rddreg [dreg:$0x8]  }
0x221: {  	[hbm4b:s2+s0] =	stream.linear.scatter [tilespmem:s8], [sflag:$0x5], $0x4000, $0x38;
	[tilespmem:$0x13080] =	vst v63  }
0x222: {  	s3 =	simm.s32 $0x7080;
	s14 =	rddreg [dreg:$0x9]  }
0x223: {  	[tilespmem:s3], [sflag:$0x3] =	stream.linear.gather [hbm4b:s14+s0], $0x4000, $0x38;
	[tilespmem:$0x13080] =	vst v63  }
0x224: {  	_ =	swait.ge [sflag:s4], $0x4000  }
0x225: {  	[sflag:s4] =	ssyncset.done $0x0  }
0x226: {  	[sflag:s4] =	ssyncadd.s32 $0xFFFFC000  }
0x227: {  	_ =	swait.ge [sflag:s9], $0x4000  }
0x228: {  	[sflag:s9] =	ssyncset.done $0x0  }
0x229: {  	s13 =	simm.s32 $0x3180;
	[sflag:s9] =	ssyncadd.s32 $0xFFFFC000  }
0x22a: {  	v0 =	vld [tilespmem:s13+$0x80];
	_ =	sdelay $0x4  }
0x22b: {  	v0 =	vmul.u32 $0x3, v0  }
0x22c: {  	s15 =	sadd.s32 $0x0, s6  }
0x22d: {  	s17 =	sadd.s32 $0x309, s15;
	s16 =	simm.s32 $0x9;
	v1 =	vld [tilespmem:s13+$0xFFFFFF00];
	v2 =	vadd.s32 $0x1, v0  }
0x22e: {  	s12 =	sand.u32 $0x7F80, s17;
	s3 =	sand.u32 $0x7D, s16;
	v3 =	vld [tilespmem:s13+$0xFFFFFF80]  }
0x22f: {  	s3 =	sor.u32 s3, s12;
	v4 =	vld [tilespmem:s13+$0x0];
	v5 =	vadd.s32 $0x2, v0  }
0x230: {  	v6 =	vld [tilespmem:s3+$0x0]  }
0x231: {  	v7 =	vld.idx.msk [tilespmem:v0+s1+$0x0], $0xffff  }
0x232: {  	v8 =	vmul.u32 $0x3, v1;
	v2 =	vld.idx.msk [tilespmem:v2+s1+$0x0], $0xffff  }
0x233: {  	s19 =	simm.s32 $0x6;
	s2 =	sadd.s32 $0x306, s15;
	v9 =	vmul.u32 $0x3, v3  }
0x234: {  	s20 =	sand.u32 $0x7E, s19;
	s18 =	sadd.s32 $0x300, s15;
	s2 =	sand.u32 $0x7F80, s2;
	v4 =	vmul.u32 $0x3, v4;
	v3 =	vadd.s32 $0x1, v8;
	v5 =	vld.idx.msk [tilespmem:v5+s1+$0x0], $0xffff  }
0x235: {  	s0 =	sand.u32 $0x7C, s0;
	s2 =	sor.u32 s20, s2;
	s3 =	sand.u32 $0x7F80, s18;
	v11 =	vld [tilespmem:s24+$0x0];
	v1 =	vbroadcast v6, $0x0;
	v10 =	vadd.s32 $0x1, v9;
	v0 =	vbroadcast v6, $0x1  }
0x236: {  	v15 =	vld [tilespmem:s2+$0x0];
	s0 =	sor.u32 s0, s3;
	v12 =	vadd.s32 $0x1, v4  }
0x237: {  	v13 =	vld [tilespmem:s0+$0x0];
	v14 =	vbroadcast v6, $0x2;
	v7 =	vsub.f32 v7, v1;
	v2 =	vsub.f32 v2, v0  }
0x238: {  	v20 =	vld.idx.msk [tilespmem:v8+s1+$0x0], $0xffff  }
0x239: {  	v6 =	vld.idx.msk [tilespmem:v3+s1+$0x0], $0xffff;
	v3 =	vsub.f32 v5, v14;
	v5 =	vmul.f32 v7, v7;
	v2 =	vmul.f32 v2, v2  }
0x23a: {  	v16 =	vld.idx.msk [tilespmem:v10+s1+$0x0], $0xffff;
	v7 =	vadd.s32 $0x2, v8  }
0x23b: {  	v17 =	vadd.s32 $0x2, v9;
	v12 =	vld.idx.msk [tilespmem:v12+s1+$0x0], $0xffff;
	v18 =	vmul.f32 v3, v3;
	v10 =	vadd.f32 v2, v5  }
0x23c: {  	v19 =	vadd.s32 $0x2, v4;
	v21 =	vld.idx.msk [tilespmem:v4+s1+$0x0], $0xffff;
	v4 =	vbroadcast v15, $0x0;
	v8 =	vbroadcast v11, $0x1  }
0x23d: {  	v3 =	vbroadcast v11, $0x0;
	v2 =	vbroadcast v13, $0x1;
	v18 =	vadd.f32 v18, v10  }
0x23e: {  	v5 =	vbroadcast v11, $0x2;
	v11 =	vld.idx.msk [tilespmem:v9+s1+$0x0], $0xffff;
	v9 =	vbroadcast v15, $0x1  }
0x23f: {  	v10 =	vbroadcast v13, $0x0;
	v22 =	vld.idx.msk [tilespmem:v7+s1+$0x0], $0xffff;
	v7 =	vsub.f32 v6, v2;
	v6 =	vmax.f32 v18, $1.000000000e-30  }
0x240: {  	v17 =	vld.idx.msk [tilespmem:v17+s1+$0x0], $0xffff;
	v12 =	vsub.f32 v12, v9;
	v23 =	vshrl.u32 v6, $0x1;
	v24 =	vmul.f32 $5.000000000e-01, v6  }
0x241: {  	v16 =	vsub.f32 v16, v8;
	v6 =	vbroadcast v13, $0x2;
	v13 =	vld.idx.msk [tilespmem:v19+s1+$0x0], $0xffff;
	v19 =	vsub.s32 $0x5F3759DF, v23  }
0x242: {  	v20 =	vsub.f32 v20, v10;
	v12 =	vmul.f32 v12, v12;
	v25 =	vmul.f32 v19, v24  }
0x243: {  	v11 =	vsub.f32 v11, v3;
	v23 =	vmul.f32 v7, v7;
	v7 =	vbroadcast v15, $0x2  }
0x244: {  	v15 =	vmul.f32 v16, v16;
	v16 =	vsub.f32 v21, v4;
	v21 =	vmul.f32 v19, v25  }
0x245: {  	v17 =	vsub.f32 v17, v5;
	v20 =	vmul.f32 v20, v20;
	v11 =	vmul.f32 v11, v11  }
0x246: {  	v22 =	vsub.f32 v22, v6;
	v16 =	vmul.f32 v16, v16;
	v21 =	vsub.f32 $1.500000000e+00, v21  }
0x247: {  	v20 =	vadd.f32 v23, v20;
	v11 =	vadd.f32 v15, v11;
	v15 =	vmul.f32 v17, v17  }
0x248: {  	v22 =	vmul.f32 v22, v22;
	v13 =	vsub.f32 v13, v7;
	v17 =	vmul.f32 v19, v21  }
0x249: {  	v12 =	vadd.f32 v12, v16;
	v11 =	vadd.f32 v15, v11  }
0x24a: {  	v16 =	vadd.f32 v22, v20;
	v13 =	vmul.f32 v13, v13;
	v15 =	vmul.f32 v17, v24  }
0x24b: {  	v19 =	vmax.f32 v11, $1.000000000e-30  }
0x24c: {  	v12 =	vadd.f32 v13, v12;
	v13 =	vmax.f32 v16, $1.000000000e-30;
	v15 =	vmul.f32 v15, v17  }
0x24d: {  	v22 =	vshrl.u32 v19, $0x1;
	v20 =	vshrl.u32 v13, $0x1;
	v13 =	vmul.f32 $5.000000000e-01, v13  }
0x24e: {  	v19 =	vmul.f32 $5.000000000e-01, v19;
	v20 =	vsub.s32 $0x5F3759DF, v20;
	v15 =	vsub.f32 $1.500000000e+00, v15  }
0x24f: {  	v22 =	vsub.s32 $0x5F3759DF, v22;
	v21 =	vmax.f32 v12, $1.000000000e-30;
	v24 =	vmul.f32 v20, v13  }
0x250: {  	v23 =	vshrl.u32 v21, $0x1;
	v21 =	vmul.f32 $5.000000000e-01, v21;
	v15 =	vmul.f32 v15, v17  }
0x251: {  	v24 =	vmul.f32 v20, v24;
	v17 =	vsub.s32 $0x5F3759DF, v23;
	v23 =	vmul.f32 v22, v19  }
0x252: {  	v25 =	vmul.f32 v17, v21;
	v15 =	vmul.f32 v15, v18  }
0x253: {  	s12 =	simm.s32 $0xB180;
	v18 =	vmul.f32 v22, v23;
	v23 =	vsub.f32 $1.500000000e+00, v24  }
0x254: {  	v24 =	vmul.f32 v17, v25;
	[tilespmem:s12+$0x80] =	vst v15  }
0x255: {  	v15 =	vsub.f32 $1.500000000e+00, v18;
	v18 =	vmul.f32 v20, v23;
	v20 =	vld [tilespmem:s13+$0x90]  }
0x256: {  	v23 =	vsub.f32 $1.500000000e+00, v24  }
0x257: {  	v15 =	vmul.f32 v22, v15;
	v13 =	vmul.f32 v18, v13  }
0x258: {  	v17 =	vmul.f32 v17, v23  }
0x259: {  	v19 =	vmul.f32 v15, v19;
	v13 =	vmul.f32 v13, v18  }
0x25a: {  	v21 =	vmul.f32 v17, v21;
	v20 =	vmul.u32 $0x3, v20  }
0x25b: {  	v19 =	vmul.f32 v19, v15;
	v13 =	vsub.f32 $1.500000000e+00, v13  }
0x25c: {  	v21 =	vmul.f32 v21, v17;
	v22 =	vadd.s32 $0x1, v20  }
0x25d: {  	v19 =	vsub.f32 $1.500000000e+00, v19;
	v13 =	vmul.f32 v13, v18  }
0x25e: {  	v18 =	vsub.f32 $1.500000000e+00, v21;
	v21 =	vadd.s32 $0x2, v20  }
0x25f: {  	v15 =	vmul.f32 v19, v15;
	v13 =	vmul.f32 v13, v16  }
0x260: {  	v16 =	vmul.f32 v18, v17;
	v17 =	vld.idx.msk [tilespmem:v20+s1+$0x0], $0xffff  }
0x261: {  	v11 =	vmul.f32 v15, v11;
	[tilespmem:s12+$0xFFFFFF00] =	vst v13;
	v13 =	vld.idx.msk [tilespmem:v22+s1+$0x0], $0xffff  }
0x262: {  	v12 =	vmul.f32 v16, v12;
	v15 =	vld [tilespmem:s13+$0xFFFFFF10]  }
0x263: {  	[tilespmem:s12+$0xFFFFFF80] =	vst v11;
	v11 =	vld.idx.msk [tilespmem:v21+s1+$0x0], $0xffff  }
0x264: {  	[tilespmem:s12+$0x0] =	vst v12;
	v12 =	vld [tilespmem:s13+$0xFFFFFF90]  }
0x265: {  	s21 =	sadd.s32 $0xC, s6  }
0x266: {  	s17 =	sadd.s32 $0x309, s21;
	s15 =	simm.s32 $0x15;
	v16 =	vld [tilespmem:s13+$0x10];
	s13 =	simm.s32 $0x3380;
	v1 =	vsub.f32 v17, v1;
	v0 =	vsub.f32 v13, v0  }
0x267: {  	s2 =	sand.u32 $0x7D, s15;
	s3 =	sand.u32 $0x7F80, s17;
	v23 =	vld [tilespmem:s13+$0xFFFFFF80];
	v15 =	vmul.u32 $0x3, v15  }
0x268: {  	s2 =	sor.u32 s2, s3;
	v13 =	vld [tilespmem:s13+$0x80];
	v11 =	vsub.f32 v11, v14;
	v1 =	vmul.f32 v1, v1;
	v0 =	vmul.f32 v0, v0  }
0x269: {  	s16 =	sadd.s32 $0xC, s24;
	v31 =	vld [tilespmem:s2+$0x0];
	v14 =	vadd.s32 $0x1, v15;
	v19 =	vmul.u32 $0x3, v12  }
0x26a: {  	v20 =	vld [tilespmem:s16+$0x0];
	v18 =	vadd.s32 $0x2, v15;
	v0 =	vadd.f32 v0, v1;
	v1 =	vmul.f32 v11, v11  }
0x26b: {  	v16 =	vmul.u32 $0x3, v16;
	v11 =	vld [tilespmem:s13+$0xFFFFFF00]  }
0x26c: {  	v21 =	vadd.s32 $0x1, v19;
	v23 =	vmul.u32 $0x3, v23;
	v12 =	vadd.f32 v1, v0;
	v1 =	vld [tilespmem:s13+$0x0]  }
0x26d: {  	v13 =	vmul.u32 $0x3, v13;
	v15 =	vld.idx.msk [tilespmem:v15+s1+$0x0], $0xffff  }
0x26e: {  	v17 =	vadd.s32 $0x2, v19;
	v22 =	vadd.s32 $0x1, v16;
	v34 =	vadd.s32 $0x1, v23;
	v24 =	vld.idx.msk [tilespmem:v14+s1+$0x0], $0xffff  }
0x26f: {  	v55 =	vadd.s32 $0x2, v23;
	v25 =	vadd.s32 $0x1, v13;
	v18 =	vld.idx.msk [tilespmem:v18+s1+$0x0], $0xffff;
	v0 =	vmax.f32 v12, $1.000000000e-30  }
0x270: {  	v53 =	vadd.s32 $0x2, v13;
	v19 =	vld.idx.msk [tilespmem:v19+s1+$0x0], $0xffff;
	v26 =	vshrl.u32 v0, $0x1;
	v27 =	vmul.f32 $5.000000000e-01, v0  }
0x271: {  	v11 =	vmul.u32 $0x3, v11;
	v21 =	vld.idx.msk [tilespmem:v21+s1+$0x0], $0xffff;
	v0 =	vbroadcast v20, $0x2;
	v26 =	vsub.s32 $0x5F3759DF, v26  }
0x272: {  	v14 =	vadd.s32 $0x2, v16;
	v56 =	vld.idx.msk [tilespmem:v16+s1+$0x0], $0xffff;
	v16 =	vbroadcast v31, $0x2;
	v54 =	vmul.f32 v26, v27  }
0x273: {  	v30 =	vmul.u32 $0x3, v1;
	v32 =	vadd.s32 $0x1, v11;
	v33 =	vadd.s32 $0x2, v11;
	v35 =	vld.idx.msk [tilespmem:v13+s1+$0x0], $0xffff  }
0x274: {  	v1 =	vbroadcast v20, $0x0;
	v10 =	vsub.f32 v15, v10;
	v15 =	vbroadcast v31, $0x1;
	v25 =	vld.idx.msk [tilespmem:v25+s1+$0x0], $0xffff  }
0x275: {  	s19 =	sadd.s32 $0x300, s21;
	s14 =	simm.s32 $0xC;
	v22 =	vld.idx.msk [tilespmem:v22+s1+$0x0], $0xffff;
	v24 =	vsub.f32 v24, v2;
	v2 =	vbroadcast v20, $0x1;
	v13 =	vmul.f32 v26, v54  }
0x276: {  	s18 =	sand.u32 $0x7C, s14;
	s3 =	sand.u32 $0x7F80, s19;
	v20 =	vld.idx.msk [tilespmem:v53+s1+$0x0], $0xffff;
	v6 =	vsub.f32 v18, v6;
	v36 =	vadd.s32 $0x1, v30;
	v57 =	vmul.f32 v10, v10  }
0x277: {  	s2 =	sor.u32 s18, s3;
	v23 =	vld.idx.msk [tilespmem:v23+s1+$0x0], $0xffff;
	v3 =	vsub.f32 v19, v3;
	v38 =	vsub.f32 $1.500000000e+00, v13;
	v13 =	vbroadcast v31, $0x0  }
0x278: {  	s20 =	simm.s32 $0x12;
	s0 =	sadd.s32 $0x306, s21;
	v8 =	vsub.f32 v21, v8;
	v21 =	vld [tilespmem:s2+$0x0];
	v24 =	vmul.f32 v24, v24;
	v28 =	vsub.f32 v56, v4  }
0x279: {  	s21 =	sand.u32 $0x7E, s20;
	s0 =	sand.u32 $0x7F80, s0;
	v11 =	vld.idx.msk [tilespmem:v11+s1+$0x0], $0xffff;
	v61 =	vmul.f32 v3, v3;
	v35 =	vsub.f32 v35, v13;
	v25 =	vsub.f32 v25, v15  }
0x27a: {  	s0 =	sor.u32 s21, s0;
	v9 =	vsub.f32 v22, v9;
	v19 =	vmul.f32 v8, v8;
	v8 =	vld.idx.msk [tilespmem:v32+s1+$0x0], $0xffff;
	v22 =	vmul.f32 v26, v38  }
0x27b: {  	v26 =	vld [tilespmem:s0+$0x0];
	v20 =	vsub.f32 v20, v16;
	v58 =	vmul.f32 v35, v35;
	v25 =	vmul.f32 v25, v25  }
0x27c: {  	v29 =	vld.idx.msk [tilespmem:v55+s1+$0x0], $0xffff;
	v23 =	vsub.f32 v23, v1;
	v59 =	vmul.f32 v9, v9;
	v4 =	vmul.f32 v22, v27  }
0x27d: {  	v27 =	vld.idx.msk [tilespmem:v34+s1+$0x0], $0xffff;
	v10 =	vbroadcast v21, $0x1;
	v20 =	vmul.f32 v20, v20;
	v25 =	vadd.f32 v25, v58  }
0x27e: {  	v37 =	vadd.s32 $0x2, v30;
	v9 =	vbroadcast v21, $0x0;
	v4 =	vmul.f32 v4, v22  }
0x27f: {  	v33 =	vld.idx.msk [tilespmem:v33+s1+$0x0], $0xffff;
	v23 =	vmul.f32 v23, v23;
	v3 =	vsub.f32 v8, v10;
	v20 =	vadd.f32 v20, v25  }
0x280: {  	v60 =	vld.idx.msk [tilespmem:v36+s1+$0x0], $0xffff;
	v8 =	vbroadcast v26, $0x0;
	v25 =	vsub.f32 $1.500000000e+00, v4;
	v4 =	vsub.f32 v11, v9  }
0x281: {  	v29 =	vsub.f32 v29, v0;
	v30 =	vld.idx.msk [tilespmem:v30+s1+$0x0], $0xffff;
	v11 =	vbroadcast v26, $0x1;
	v62 =	vmul.f32 v3, v3  }
0x282: {  	v27 =	vsub.f32 v27, v2;
	v3 =	vmax.f32 v20, $1.000000000e-30;
	v4 =	vmul.f32 v4, v4  }
0x283: {  	v63 =	vshrl.u32 v3, $0x1;
	v40 =	vmul.f32 $5.000000000e-01, v3;
	v3 =	vbroadcast v21, $0x2;
	v21 =	vld.idx.msk [tilespmem:v37+s1+$0x0], $0xffff  }
0x284: {  	v36 =	vsub.s32 $0x5F3759DF, v63;
	v34 =	vadd.f32 v62, v4;
	v4 =	vbroadcast v26, $0x2  }
0x285: {  	v31 =	vsub.f32 v60, v11;
	v26 =	vmul.f32 v27, v27;
	v41 =	vmul.f32 v36, v40  }
0x286: {  	v29 =	vmul.f32 v29, v29;
	v27 =	vsub.f32 v30, v8;
	v33 =	vsub.f32 v33, v3  }
0x287: {  	v14 =	vld.idx.msk [tilespmem:v14+s1+$0x0], $0xffff;
	v42 =	vmul.f32 v31, v31;
	v23 =	vadd.f32 v26, v23;
	v43 =	vmul.f32 v36, v41  }
0x288: {  	v27 =	vmul.f32 v27, v27;
	v26 =	vmul.f32 v33, v33;
	v21 =	vsub.f32 v21, v4  }
0x289: {  	v6 =	vmul.f32 v6, v6;
	v23 =	vadd.f32 v29, v23;
	v31 =	vsub.f32 $1.500000000e+00, v43  }
0x28a: {  	v22 =	vmul.f32 v25, v22;
	v25 =	vadd.f32 v42, v27;
	v26 =	vadd.f32 v26, v34  }
0x28b: {  	v21 =	vmul.f32 v21, v21;
	v45 =	vmax.f32 v23, $1.000000000e-30;
	v27 =	vmul.f32 v36, v31  }
0x28c: {  	v28 =	vmul.f32 v28, v28;
	v7 =	vsub.f32 v14, v7;
	v48 =	vshrl.u32 v45, $0x1  }
0x28d: {  	v21 =	vadd.f32 v21, v25;
	v25 =	vmax.f32 v26, $1.000000000e-30;
	v44 =	vmul.f32 v27, v40  }
0x28e: {  	v17 =	vld.idx.msk [tilespmem:v17+s1+$0x0], $0xffff;
	v30 =	vmul.f32 $5.000000000e-01, v45;
	v46 =	vshrl.u32 v25, $0x1;
	v25 =	vmul.f32 $5.000000000e-01, v25  }
0x28f: {  	v33 =	vsub.s32 $0x5F3759DF, v48;
	v31 =	vsub.s32 $0x5F3759DF, v46;
	v29 =	vmul.f32 v44, v27  }
0x290: {  	v18 =	vmul.f32 v33, v30;
	v47 =	vmax.f32 v21, $1.000000000e-30;
	v49 =	vmul.f32 v31, v25  }
0x291: {  	v50 =	vshrl.u32 v47, $0x1;
	v32 =	vmul.f32 $5.000000000e-01, v47;
	v29 =	vsub.f32 $1.500000000e+00, v29  }
0x292: {  	v14 =	vmul.f32 v33, v18;
	v36 =	vsub.s32 $0x5F3759DF, v50;
	v34 =	vmul.f32 v31, v49  }
0x293: {  	v5 =	vsub.f32 v17, v5;
	v51 =	vmul.f32 v36, v32;
	v27 =	vmul.f32 v29, v27  }
0x294: {  	v22 =	vmul.f32 v22, v12;
	v14 =	vsub.f32 $1.500000000e+00, v14;
	v17 =	vsub.f32 $1.500000000e+00, v34  }
0x295: {  	v24 =	vadd.f32 v24, v57;
	v18 =	vmul.f32 v36, v51;
	v20 =	vmul.f32 v27, v20  }
0x296: {  	s15 =	simm.s32 $0xB380;
	v19 =	vadd.f32 v19, v61;
	v14 =	vmul.f32 v33, v14;
	v17 =	vmul.f32 v31, v17  }
0x297: {  	v18 =	vsub.f32 $1.500000000e+00, v18;
	[tilespmem:s15+$0x80] =	vst v20;
	v20 =	vmul.f32 v5, v5;
	v5 =	vadd.f32 v6, v24  }
0x298: {  	v27 =	vadd.f32 v59, v28;
	v6 =	vmul.f32 v7, v7;
	v24 =	vmul.f32 v17, v25  }
0x299: {  	v25 =	vmul.f32 v36, v18;
	v52 =	vld [tilespmem:s13+$0x90];
	v7 =	vadd.f32 v20, v19;
	v18 =	vmax.f32 v5, $1.000000000e-30  }
0x29a: {  	v6 =	vadd.f32 v6, v27;
	v19 =	vmul.f32 v24, v17;
	v20 =	vmul.f32 v14, v30  }
0x29b: {  	v24 =	vmul.f32 v25, v32;
	v53 =	vshrl.u32 v18, $0x1;
	v57 =	vmul.f32 $5.000000000e-01, v18  }
0x29c: {  	v27 =	vmax.f32 v7, $1.000000000e-30;
	v19 =	vsub.f32 $1.500000000e+00, v19;
	v54 =	vmax.f32 v6, $1.000000000e-30  }
0x29d: {  	v20 =	vmul.f32 v20, v14;
	v24 =	vmul.f32 v24, v25;
	v29 =	vsub.s32 $0x5F3759DF, v53  }
0x29e: {  	v18 =	vmul.f32 $5.000000000e-01, v54;
	v28 =	vmul.u32 $0x3, v52;
	v17 =	vmul.f32 v19, v17  }
0x29f: {  	v55 =	vshrl.u32 v27, $0x1;
	v59 =	vmul.f32 v29, v57;
	v19 =	vmul.f32 $5.000000000e-01, v27  }
0x2a0: {  	v24 =	vsub.f32 $1.500000000e+00, v24;
	v56 =	vadd.s32 $0x1, v28;
	v17 =	vmul.f32 v17, v26  }
0x2a1: {  	v58 =	vsub.s32 $0x5F3759DF, v55;
	v20 =	vsub.f32 $1.500000000e+00, v20;
	v26 =	vadd.s32 $0x2, v28  }
0x2a2: {  	v60 =	vmul.f32 v58, v19;
	v24 =	vmul.f32 v24, v25;
	[tilespmem:s15+$0xFFFFFF00] =	vst v17  }
0x2a3: {  	v27 =	vshrl.u32 v54, $0x1;
	v31 =	vmul.f32 v29, v59;
	v14 =	vmul.f32 v20, v14;
	v62 =	vld [tilespmem:s13+$0xFFFFFF10]  }
0x2a4: {  	v27 =	vsub.s32 $0x5F3759DF, v27;
	v20 =	vmul.f32 v58, v60;
	v21 =	vmul.f32 v24, v21;
	v28 =	vld.idx.msk [tilespmem:v28+s1+$0x0], $0xffff  }
0x2a5: {  	v61 =	vmul.f32 v27, v18;
	v12 =	vmul.f32 v14, v23;
	v17 =	vld.idx.msk [tilespmem:v56+s1+$0x0], $0xffff  }
0x2a6: {  	v20 =	vsub.f32 $1.500000000e+00, v20;
	[tilespmem:s15+$0x0] =	vst v21;
	v25 =	vld.idx.msk [tilespmem:v26+s1+$0x0], $0xffff  }
0x2a7: {  	v31 =	vsub.f32 $1.500000000e+00, v31;
	[tilespmem:s15+$0xFFFFFF80] =	vst v12;
	v26 =	vmul.f32 v27, v61;
	v21 =	vld [tilespmem:s13+$0x10]  }
0x2a8: {  	v12 =	vmul.f32 v58, v20;
	v20 =	vld [tilespmem:s13+$0xFFFFFF90]  }
0x2a9: {  	v14 =	vmul.f32 v29, v31;
	v23 =	vsub.f32 $1.500000000e+00, v26  }
0x2aa: {  	v26 =	vsub.f32 v28, v13;
	v63 =	vsub.f32 v17, v15  }
0x2ab: {  	v24 =	vmul.u32 $0x3, v62;
	v13 =	vmul.f32 v27, v23;
	v15 =	vmul.f32 v14, v57  }
0x2ac: {  	s17 =	simm.s32 $0x4;
	s18 =	sadd.s32 $0xC, s16;
	s16 =	simm.s32 $0xB380;
	[tilespmem:s12+$0x90] =	vst v22;
	v16 =	vsub.f32 v25, v16;
	v17 =	vmul.f32 v26, v26;
	v22 =	vmul.f32 v63, v63  }
.LBB2_6:
0x2ad: {  	v25 =	vld [tilespmem:s18+$0x0];
	v26 =	vadd.s32 $0x1, v24;
	v27 =	vmul.u32 $0x3, v20;
	v28 =	vmul.u32 $0x3, v21;
	s13 =	sadd.s32 $0x200, s13  }
0x2ae: {  	s17 =	sadd.s32 $0x4, s17;
	v21 =	vadd.s32 $0x2, v24;
	v29 =	vld [tilespmem:s13+$0x80];
	v17 =	vadd.f32 v22, v17;
	v16 =	vmul.f32 v16, v16  }
0x2af: {  	p0 =	slt.u32 s17, $0x7C;
	v30 =	vld [tilespmem:s13+$0xFFFFFF00];
	v31 =	vadd.s32 $0x1, v27;
	v23 =	vadd.s32 $0x2, v27;
	v32 =	vadd.s32 $0x1, v28  }
0x2b0: {  	v22 =	vadd.s32 $0x2, v28;
	v33 =	vld [tilespmem:s13+$0xFFFFFF80];
	v34 =	vadd.f32 v16, v17;
	v16 =	vmul.f32 v12, v19  }
0x2b1: {  	v35 =	vmul.f32 v15, v14;
	v15 =	vmul.f32 v13, v18;
	v17 =	vld [tilespmem:s13+$0x0]  }
0x2b2: {  	v20 =	vbroadcast v25, $0x2;
	v26 =	vld.idx.msk [tilespmem:v26+s1+$0x0], $0xffff;
	v19 =	vmax.f32 v34, $1.000000000e-30;
	v18 =	vmul.f32 v16, v12  }
0x2b3: {  	s14 =	sadd.s32 $0xC, s14;
	v16 =	vmul.u32 $0x3, v29;
	v24 =	vld.idx.msk [tilespmem:v24+s1+$0x0], $0xffff;
	v29 =	vshrl.u32 v19, $0x1;
	v36 =	vmul.f32 $5.000000000e-01, v19  }
0x2b4: {  	s0 =	sadd.s32 s14, s6;
	s2 =	sand.u32 $0x7C, s14;
	s3 =	sadd.s32 $0x6, s14;
	v19 =	vmul.f32 v15, v13;
	v30 =	vmul.u32 $0x3, v30;
	v31 =	vld.idx.msk [tilespmem:v31+s1+$0x0], $0xffff;
	v29 =	vsub.s32 $0x5F3759DF, v29  }
0x2b5: {  	s20 =	sadd.s32 $0x9, s14;
	s19 =	sadd.s32 $0x300, s0;
	s21 =	sadd.s32 $0x309, s0;
	v33 =	vmul.u32 $0x3, v33;
	v15 =	vadd.s32 $0x1, v16;
	v32 =	vld.idx.msk [tilespmem:v32+s1+$0x0], $0xffff;
	v37 =	vmul.f32 v29, v36  }
0x2b6: {  	s0 =	sadd.s32 $0x306, s0;
	s20 =	sand.u32 $0x7D, s20;
	s21 =	sand.u32 $0x7F80, s21;
	v38 =	vadd.s32 $0x1, v30;
	v39 =	vadd.s32 $0x2, v30;
	v40 =	vmul.u32 $0x3, v17;
	v17 =	vld.idx.msk [tilespmem:v27+s1+$0x0], $0xffff  }
0x2b7: {  	s19 =	sand.u32 $0x7F80, s19;
	s0 =	sand.u32 $0x7F80, s0;
	s20 =	sor.u32 s20, s21;
	v41 =	vadd.s32 $0x2, v16;
	v27 =	vadd.s32 $0x1, v33;
	v28 =	vld.idx.msk [tilespmem:v28+s1+$0x0], $0xffff;
	v37 =	vmul.f32 v29, v37  }
0x2b8: {  	s3 =	sand.u32 $0x7E, s3;
	s2 =	sor.u32 s2, s19;
	v42 =	vadd.s32 $0x2, v33;
	v43 =	vadd.s32 $0x1, v40;
	v44 =	vadd.s32 $0x2, v40;
	v45 =	vld [tilespmem:s20+$0x0]  }
0x2b9: {  	s0 =	sor.u32 s3, s0;
	v46 =	vbroadcast v25, $0x0;
	v10 =	vsub.f32 v26, v10;
	v47 =	vld.idx.msk [tilespmem:v16+s1+$0x0], $0xffff;
	v16 =	vsub.f32 $1.500000000e+00, v37  }
0x2ba: {  	v9 =	vsub.f32 v24, v9;
	v26 =	vld.idx.msk [tilespmem:v15+s1+$0x0], $0xffff;
	v15 =	vsub.f32 v31, v2;
	v2 =	vbroadcast v25, $0x1  }
0x2bb: {  	v10 =	vmul.f32 v10, v10;
	v11 =	vsub.f32 v32, v11;
	v25 =	vld [tilespmem:s2+$0x0];
	v29 =	vmul.f32 v29, v16  }
0x2bc: {  	v9 =	vmul.f32 v9, v9;
	v17 =	vsub.f32 v17, v1;
	v31 =	vld.idx.msk [tilespmem:v41+s1+$0x0], $0xffff;
	v32 =	vmul.f32 v15, v15  }
0x2bd: {  	v1 =	vmovc v46;
	v28 =	vsub.f32 v28, v8;
	v41 =	vmul.f32 v11, v11;
	v37 =	vld [tilespmem:s0+$0x0];
	v8 =	vmul.f32 v29, v36  }
0x2be: {  	v24 =	vadd.f32 v10, v9;
	v15 =	vbroadcast v45, $0x0;
	v16 =	vbroadcast v45, $0x1;
	v36 =	vld.idx.msk [tilespmem:v38+s1+$0x0], $0xffff  }
0x2bf: {  	v35 =	vsub.f32 $1.500000000e+00, v35;
	v11 =	vmul.f32 v17, v17;
	v27 =	vld.idx.msk [tilespmem:v27+s1+$0x0], $0xffff;
	v8 =	vmul.f32 v8, v29  }
0x2c0: {  	v17 =	vbroadcast v45, $0x2;
	v26 =	vsub.f32 v26, v16;
	v38 =	vld.idx.msk [tilespmem:v43+s1+$0x0], $0xffff;
	v43 =	vsub.f32 v47, v15  }
0x2c1: {  	v9 =	vbroadcast v25, $0x0;
	v10 =	vbroadcast v25, $0x1;
	v30 =	vld.idx.msk [tilespmem:v30+s1+$0x0], $0xffff;
	v45 =	vsub.f32 $1.500000000e+00, v8  }
0x2c2: {  	v31 =	vsub.f32 v31, v17;
	v26 =	vmul.f32 v26, v26;
	v33 =	vld.idx.msk [tilespmem:v33+s1+$0x0], $0xffff;
	v43 =	vmul.f32 v43, v43  }
0x2c3: {  	v32 =	vadd.f32 v32, v11;
	v8 =	vbroadcast v37, $0x0;
	v40 =	vld.idx.msk [tilespmem:v40+s1+$0x0], $0xffff;
	v29 =	vmul.f32 v45, v29  }
0x2c4: {  	v11 =	vbroadcast v37, $0x1;
	v31 =	vmul.f32 v31, v31;
	v39 =	vld.idx.msk [tilespmem:v39+s1+$0x0], $0xffff;
	v26 =	vadd.f32 v26, v43  }
0x2c5: {  	v36 =	vsub.f32 v36, v10;
	v27 =	vsub.f32 v27, v2;
	v42 =	vld.idx.msk [tilespmem:v42+s1+$0x0], $0xffff;
	v29 =	vmul.f32 v29, v34  }
0x2c6: {  	v25 =	vbroadcast v25, $0x2;
	v38 =	vsub.f32 v38, v11;
	v34 =	vld.idx.msk [tilespmem:v44+s1+$0x0], $0xffff;
	v26 =	vadd.f32 v31, v26  }
0x2c7: {  	v30 =	vsub.f32 v30, v9;
	v31 =	vmul.f32 v36, v36;
	v36 =	vbroadcast v37, $0x2;
	v21 =	vld.idx.msk [tilespmem:v21+s1+$0x0], $0xffff;
	[tilespmem:s15+$0x90] =	vst v29  }
0x2c8: {  	v27 =	vmul.f32 v27, v27;
	v29 =	vsub.f32 v33, v1;
	v33 =	vmax.f32 v26, $1.000000000e-30;
	v23 =	vld.idx.msk [tilespmem:v23+s1+$0x0], $0xffff  }
0x2c9: {  	v37 =	vsub.f32 v40, v8;
	v40 =	vshrl.u32 v33, $0x1;
	v33 =	vmul.f32 $5.000000000e-01, v33;
	v22 =	vld.idx.msk [tilespmem:v22+s1+$0x0], $0xffff  }
0x2ca: {  	v38 =	vmul.f32 v38, v38;
	v30 =	vmul.f32 v30, v30;
	v40 =	vsub.s32 $0x5F3759DF, v40  }
0x2cb: {  	v39 =	vsub.f32 v39, v25;
	v29 =	vmul.f32 v29, v29;
	v43 =	vmul.f32 v40, v33  }
0x2cc: {  	v42 =	vsub.f32 v42, v20;
	v37 =	vmul.f32 v37, v37;
	v34 =	vsub.f32 v34, v36  }
0x2cd: {  	v30 =	vadd.f32 v31, v30;
	v27 =	vadd.f32 v27, v29;
	v29 =	vmul.f32 v40, v43  }
0x2ce: {  	v31 =	vmul.f32 v39, v39;
	v39 =	vmul.f32 v42, v42;
	v37 =	vadd.f32 v38, v37  }
0x2cf: {  	v28 =	vmul.f32 v28, v28;
	v34 =	vmul.f32 v34, v34;
	v29 =	vsub.f32 $1.500000000e+00, v29  }
0x2d0: {  	v14 =	vmul.f32 v35, v14;
	v30 =	vadd.f32 v31, v30;
	v27 =	vadd.f32 v39, v27  }
0x2d1: {  	v21 =	vsub.f32 v21, v3;
	v3 =	vmovc v25;
	v31 =	vadd.f32 v34, v37;
	v29 =	vmul.f32 v40, v29  }
0x2d2: {  	v23 =	vsub.f32 v23, v0;
	v0 =	vmovc v20;
	v25 =	vmax.f32 v30, $1.000000000e-30;
	v34 =	vmax.f32 v27, $1.000000000e-30  }
0x2d3: {  	v20 =	vshrl.u32 v25, $0x1;
	v35 =	vmax.f32 v31, $1.000000000e-30;
	v33 =	vmul.f32 v29, v33  }
0x2d4: {  	v25 =	vmul.f32 $5.000000000e-01, v25;
	v37 =	vshrl.u32 v34, $0x1;
	v34 =	vmul.f32 $5.000000000e-01, v34  }
0x2d5: {  	v38 =	vshrl.u32 v35, $0x1;
	v35 =	vmul.f32 $5.000000000e-01, v35;
	v33 =	vmul.f32 v33, v29  }
0x2d6: {  	v20 =	vsub.s32 $0x5F3759DF, v20;
	v37 =	vsub.s32 $0x5F3759DF, v37;
	v38 =	vsub.s32 $0x5F3759DF, v38  }
0x2d7: {  	v39 =	vmul.f32 v20, v25;
	v40 =	vmul.f32 v37, v34;
	v33 =	vsub.f32 $1.500000000e+00, v33  }
0x2d8: {  	v28 =	vadd.f32 v41, v28;
	v22 =	vsub.f32 v22, v4;
	v4 =	vmovc v36;
	v42 =	vmul.f32 v38, v35  }
0x2d9: {  	v36 =	vmul.f32 v20, v39;
	v29 =	vmul.f32 v33, v29;
	v33 =	vsub.f32 $1.500000000e+00, v18  }
0x2da: {  	v39 =	vmul.f32 v38, v42;
	v18 =	vmul.f32 v37, v40;
	v40 =	vsub.f32 $1.500000000e+00, v19  }
0x2db: {  	v21 =	vmul.f32 v21, v21;
	v19 =	vsub.f32 $1.500000000e+00, v36;
	v26 =	vmul.f32 v29, v26  }
0x2dc: {  	s15 =	sadd.s32 $0x200, s15;
	v23 =	vmul.f32 v23, v23;
	v18 =	vsub.f32 $1.500000000e+00, v18;
	v29 =	vsub.f32 $1.500000000e+00, v39  }
0x2dd: {  	v21 =	vadd.f32 v21, v24;
	v20 =	vmul.f32 v20, v19;
	v19 =	vmul.f32 v22, v22;
	[tilespmem:s15+$0x80] =	vst v26  }
0x2de: {  	v23 =	vadd.f32 v23, v32;
	v18 =	vmul.f32 v37, v18;
	v22 =	vmul.f32 v38, v29;
	v24 =	vld [tilespmem:s13+$0x90]  }
0x2df: {  	v25 =	vmul.f32 v20, v25;
	v26 =	vmax.f32 v21, $1.000000000e-30;
	v28 =	vadd.f32 v19, v28  }
0x2e0: {  	v32 =	vmax.f32 v23, $1.000000000e-30;
	v19 =	vmul.f32 v18, v34;
	v29 =	vmul.f32 v22, v35  }
0x2e1: {  	v25 =	vmul.f32 v25, v20;
	v34 =	vshrl.u32 v26, $0x1;
	v35 =	vmax.f32 v28, $1.000000000e-30  }
0x2e2: {  	v36 =	vshrl.u32 v32, $0x1;
	v19 =	vmul.f32 v19, v18;
	v29 =	vmul.f32 v29, v22  }
0x2e3: {  	v26 =	vmul.f32 $5.000000000e-01, v26;
	v25 =	vsub.f32 $1.500000000e+00, v25;
	v24 =	vmul.u32 $0x3, v24  }
0x2e4: {  	v37 =	vsub.f32 $1.500000000e+00, v19;
	v29 =	vsub.f32 $1.500000000e+00, v29;
	v19 =	vmul.f32 $5.000000000e-01, v32  }
0x2e5: {  	v20 =	vmul.f32 v25, v20;
	v32 =	vshrl.u32 v35, $0x1;
	v25 =	vadd.s32 $0x1, v24  }
0x2e6: {  	v37 =	vmul.f32 v37, v18;
	v22 =	vmul.f32 v29, v22;
	v29 =	vsub.s32 $0x5F3759DF, v34  }
0x2e7: {  	v20 =	vmul.f32 v20, v30;
	v30 =	vadd.s32 $0x2, v24;
	v18 =	vmul.f32 $5.000000000e-01, v35  }
0x2e8: {  	v27 =	vmul.f32 v37, v27;
	v22 =	vmul.f32 v22, v31;
	v31 =	vsub.s32 $0x5F3759DF, v36  }
0x2e9: {  	v32 =	vsub.s32 $0x5F3759DF, v32;
	[tilespmem:s15+$0xFFFFFF00] =	vst v20;
	v34 =	vld.idx.msk [tilespmem:v24+s1+$0x0], $0xffff;
	v20 =	vmul.f32 v29, v26;
	v24 =	vmul.f32 v31, v19  }
0x2ea: {  	v12 =	vmul.f32 v33, v12;
	[tilespmem:s15+$0xFFFFFF80] =	vst v27;
	v25 =	vld.idx.msk [tilespmem:v25+s1+$0x0], $0xffff;
	v27 =	vmul.f32 v32, v18  }
0x2eb: {  	v33 =	vld [tilespmem:s13+$0xFFFFFF10];
	[tilespmem:s15+$0x0] =	vst v22;
	v22 =	vmul.f32 v29, v20;
	v24 =	vmul.f32 v31, v24  }
0x2ec: {  	v13 =	vmul.f32 v40, v13;
	v30 =	vld.idx.msk [tilespmem:v30+s1+$0x0], $0xffff;
	v27 =	vmul.f32 v32, v27  }
0x2ed: {  	v35 =	vmul.f32 v14, v5;
	v5 =	vmovc v21;
	v20 =	vld [tilespmem:s13+$0xFFFFFF90];
	v22 =	vsub.f32 $1.500000000e+00, v22;
	v24 =	vsub.f32 $1.500000000e+00, v24  }
.Ltmp2:
0x2ee: {  	v36 =	vmul.f32 v12, v7;
	v37 =	vmul.f32 v13, v6;
	v7 =	vmovc v23;
	v6 =	vmovc v28;
	v21 =	vld [tilespmem:s13+$0x10];
	v27 =	vsub.f32 $1.500000000e+00, v27;
	(pc) =	sbr.rel @p0 .LBB2_6-.Ltmp2, $4  }
0x2ef: {  	v14 =	vmul.f32 v29, v22;
	v12 =	vmul.f32 v31, v24;
	[tilespmem:s12+$0xFFFFFF10] =	vst v35  }
0x2f0: {  	v22 =	vsub.f32 v34, v15;
	v23 =	vsub.f32 v25, v16;
	v24 =	vmul.u32 $0x3, v33;
	[tilespmem:s12+$0xFFFFFF90] =	vst v36  }
0x2f1: {  	v13 =	vmul.f32 v32, v27;
	v15 =	vmul.f32 v14, v26;
	[tilespmem:s12+$0x10] =	vst v37;
	s12 =	smov.u32 s16;
	s16 =	smov.u32 s15  }
0x2f2: {  	s18 =	sadd.s32 $0xC, s18;
	v16 =	vsub.f32 v30, v17;
	v17 =	vmul.f32 v22, v22;
	v22 =	vmul.f32 v23, v23  }
0x2f3: {  	v23 =	vadd.s32 $0x1, v24  }
0x2f4: {  	v20 =	vmul.u32 $0x3, v20;
	v27 =	vadd.s32 $0x2, v24  }
0x2f5: {  	v21 =	vmul.u32 $0x3, v21;
	_ =	sdelay $0x1  }
0x2f6: {  	v24 =	vld.idx.msk [tilespmem:v24+s1+$0x0], $0xffff;
	v25 =	vadd.s32 $0x1, v20  }
0x2f7: {  	v17 =	vadd.f32 v22, v17;
	v16 =	vmul.f32 v16, v16;
	v26 =	vadd.s32 $0x1, v21;
	v23 =	vld.idx.msk [tilespmem:v23+s1+$0x0], $0xffff  }
0x2f8: {  	v22 =	vadd.s32 $0x2, v20;
	v27 =	vld.idx.msk [tilespmem:v27+s1+$0x0], $0xffff  }
0x2f9: {  	v28 =	vadd.s32 $0x2, v21;
	v16 =	vadd.f32 v16, v17;
	v17 =	vld.idx.msk [tilespmem:v20+s1+$0x0], $0xffff  }
0x2fa: {  	v20 =	vld.idx.msk [tilespmem:v21+s1+$0x0], $0xffff  }
0x2fb: {  	v25 =	vld.idx.msk [tilespmem:v25+s1+$0x0], $0xffff  }
0x2fc: {  	v26 =	vld.idx.msk [tilespmem:v26+s1+$0x0], $0xffff  }
0x2fd: {  	v9 =	vsub.f32 v24, v9;
	v21 =	vmax.f32 v16, $1.000000000e-30;
	v22 =	vld.idx.msk [tilespmem:v22+s1+$0x0], $0xffff  }
0x2fe: {  	v29 =	vshrl.u32 v21, $0x1;
	v21 =	vmul.f32 $5.000000000e-01, v21;
	v24 =	vld.idx.msk [tilespmem:v28+s1+$0x0], $0xffff  }
0x2ff: {  	v9 =	vmul.f32 v9, v9;
	v10 =	vsub.f32 v23, v10;
	v3 =	vsub.f32 v27, v3  }
0x300: {  	v23 =	vsub.s32 $0x5F3759DF, v29;
	v1 =	vsub.f32 v17, v1;
	v8 =	vsub.f32 v20, v8  }
0x301: {  	v2 =	vsub.f32 v25, v2;
	v25 =	vmul.f32 v23, v21;
	v10 =	vmul.f32 v10, v10  }
0x302: {  	v11 =	vsub.f32 v26, v11;
	v0 =	vsub.f32 v22, v0;
	v3 =	vmul.f32 v3, v3  }
0x303: {  	v4 =	vsub.f32 v24, v4;
	v1 =	vmul.f32 v1, v1;
	v2 =	vmul.f32 v2, v2  }
0x304: {  	v8 =	vmul.f32 v8, v8;
	v11 =	vmul.f32 v11, v11;
	v9 =	vadd.f32 v10, v9  }
0x305: {  	v10 =	vmul.f32 v23, v25;
	v0 =	vmul.f32 v0, v0;
	v1 =	vadd.f32 v2, v1  }
0x306: {  	v4 =	vmul.f32 v4, v4;
	v2 =	vadd.f32 v11, v8;
	v3 =	vadd.f32 v3, v9  }
0x307: {  	v8 =	vmul.f32 v12, v19;
	v9 =	vsub.f32 $1.500000000e+00, v10;
	v0 =	vadd.f32 v0, v1  }
0x308: {  	v1 =	vmul.f32 v15, v14;
	v10 =	vmax.f32 v3, $1.000000000e-30;
	v2 =	vadd.f32 v4, v2  }
0x309: {  	v4 =	vmul.f32 v23, v9;
	v11 =	vshrl.u32 v10, $0x1;
	v10 =	vmul.f32 $5.000000000e-01, v10  }
0x30a: {  	v9 =	vmax.f32 v0, $1.000000000e-30;
	v15 =	vmax.f32 v2, $1.000000000e-30;
	v11 =	vsub.s32 $0x5F3759DF, v11  }
0x30b: {  	v17 =	vshrl.u32 v9, $0x1;
	v9 =	vmul.f32 $5.000000000e-01, v9;
	v19 =	vshrl.u32 v15, $0x1  }
0x30c: {  	v15 =	vmul.f32 $5.000000000e-01, v15;
	v20 =	vmul.f32 v11, v10;
	v17 =	vsub.s32 $0x5F3759DF, v17  }
0x30d: {  	v18 =	vmul.f32 v13, v18;
	v19 =	vsub.s32 $0x5F3759DF, v19;
	v22 =	vmul.f32 v17, v9  }
0x30e: {  	v23 =	vmul.f32 v19, v15;
	v20 =	vmul.f32 v11, v20  }
0x30f: {  	v21 =	vmul.f32 v4, v21;
	v22 =	vmul.f32 v17, v22  }
0x310: {  	v18 =	vmul.f32 v18, v13;
	v23 =	vmul.f32 v19, v23;
	v20 =	vsub.f32 $1.500000000e+00, v20  }
0x311: {  	v1 =	vsub.f32 $1.500000000e+00, v1;
	v21 =	vmul.f32 v21, v4;
	v22 =	vsub.f32 $1.500000000e+00, v22  }
0x312: {  	v8 =	vmul.f32 v8, v12;
	v23 =	vsub.f32 $1.500000000e+00, v23;
	v11 =	vmul.f32 v11, v20  }
0x313: {  	v1 =	vmul.f32 v1, v14;
	v21 =	vsub.f32 $1.500000000e+00, v21;
	v17 =	vmul.f32 v17, v22  }
0x314: {  	v10 =	vmul.f32 v11, v10;
	v19 =	vmul.f32 v19, v23  }
0x315: {  	v8 =	vsub.f32 $1.500000000e+00, v8;
	v4 =	vmul.f32 v21, v4;
	v9 =	vmul.f32 v17, v9  }
0x316: {  	v10 =	vmul.f32 v10, v11;
	v15 =	vmul.f32 v19, v15  }
0x317: {  	v14 =	vsub.f32 $1.500000000e+00, v18;
	v8 =	vmul.f32 v8, v12;
	v9 =	vmul.f32 v9, v17  }
0x318: {  	v4 =	vmul.f32 v4, v16;
	v12 =	vmul.f32 v15, v19;
	v10 =	vsub.f32 $1.500000000e+00, v10  }
0x319: {  	v13 =	vmul.f32 v14, v13;
	v1 =	vmul.f32 v1, v5;
	v5 =	vsub.f32 $1.500000000e+00, v9  }
0x31a: {  	[tilespmem:s15+$0x90] =	vst v4;
	v4 =	vmul.f32 v8, v7;
	v7 =	vmul.f32 v10, v11;
	v8 =	vsub.f32 $1.500000000e+00, v12  }
0x31b: {  	v6 =	vmul.f32 v13, v6;
	[tilespmem:s12+$0xFFFFFF10] =	vst v1;
	v1 =	vmul.f32 v5, v17  }
0x31c: {  	[tilespmem:s12+$0xFFFFFF90] =	vst v4;
	v4 =	vmul.f32 v8, v19;
	v3 =	vmul.f32 v7, v3  }
0x31d: {  	[tilespmem:s12+$0x10] =	vst v6;
	v0 =	vmul.f32 v1, v0  }
0x31e: {  	v1 =	vmul.f32 v4, v2;
	[tilespmem:s16+$0xFFFFFF10] =	vst v3  }
0x31f: {  	[tilespmem:s16+$0xFFFFFF90] =	vst v0  }
0x320: {  	[tilespmem:s16+$0x10] =	vst v1  }
0x321: {  	s0 =	simm.s32 $0x0;
	s2 =	rddreg [dreg:$0xa]  }
0x322: {  	[hbm4b:s2+s0] =	stream.linear.scatter [tilespmem:s5], [sflag:$0x4], $0x4000, $0x38;
	[tilespmem:$0x13080] =	vst v63  }
0x323: {  	s3 =	simm.s32 $0x3080;
	s14 =	rddreg [dreg:$0xb]  }
0x324: {  	[tilespmem:s3], [sflag:$0x2] =	stream.linear.gather [hbm4b:s14+s0], $0x4000, $0x38;
	[tilespmem:$0x13080] =	vst v63  }
0x325: {  	_ =	swait.ge [sflag:s7], $0x4000  }
0x326: {  	[sflag:s7] =	ssyncset.done $0x0  }
0x327: {  	[sflag:s7] =	ssyncadd.s32 $0xFFFFC000  }
0x328: {  	_ =	swait.ge [sflag:s10], $0x4000  }
0x329: {  	[sflag:s10] =	ssyncset.done $0x0  }
0x32a: {  	s13 =	simm.s32 $0x7180;
	[sflag:s10] =	ssyncadd.s32 $0xFFFFC000  }
0x32b: {  	v0 =	vld [tilespmem:s13+$0x80];
	_ =	sdelay $0x4  }
0x32c: {  	v0 =	vmul.u32 $0x3, v0  }
0x32d: {  	s15 =	sadd.s32 $0x0, s6  }
0x32e: {  	s17 =	sadd.s32 $0x489, s15;
	s16 =	simm.s32 $0x9;
	v1 =	vld [tilespmem:s13+$0xFFFFFF00];
	v2 =	vadd.s32 $0x1, v0  }
0x32f: {  	s12 =	sand.u32 $0x7F80, s17;
	s3 =	sand.u32 $0x7D, s16;
	v3 =	vld [tilespmem:s13+$0xFFFFFF80]  }
0x330: {  	s3 =	sor.u32 s3, s12;
	v4 =	vld [tilespmem:s13+$0x0];
	v5 =	vadd.s32 $0x2, v0  }
0x331: {  	v6 =	vld [tilespmem:s3+$0x0]  }
0x332: {  	v7 =	vld.idx.msk [tilespmem:v0+s1+$0x0], $0xffff  }
0x333: {  	v8 =	vmul.u32 $0x3, v1;
	v2 =	vld.idx.msk [tilespmem:v2+s1+$0x0], $0xffff  }
0x334: {  	s19 =	simm.s32 $0x6;
	s2 =	sadd.s32 $0x486, s15;
	v9 =	vmul.u32 $0x3, v3  }
0x335: {  	s20 =	sand.u32 $0x7E, s19;
	s18 =	sadd.s32 $0x480, s15;
	s2 =	sand.u32 $0x7F80, s2;
	v4 =	vmul.u32 $0x3, v4;
	v3 =	vadd.s32 $0x1, v8;
	v5 =	vld.idx.msk [tilespmem:v5+s1+$0x0], $0xffff  }
0x336: {  	s0 =	sand.u32 $0x7C, s0;
	s2 =	sor.u32 s20, s2;
	s3 =	sand.u32 $0x7F80, s18;
	v11 =	vld [tilespmem:s25+$0x0];
	v1 =	vbroadcast v6, $0x0;
	v10 =	vadd.s32 $0x1, v9;
	v0 =	vbroadcast v6, $0x1  }
0x337: {  	v15 =	vld [tilespmem:s2+$0x0];
	s0 =	sor.u32 s0, s3;
	v12 =	vadd.s32 $0x1, v4  }
0x338: {  	v13 =	vld [tilespmem:s0+$0x0];
	v14 =	vbroadcast v6, $0x2;
	v7 =	vsub.f32 v7, v1;
	v2 =	vsub.f32 v2, v0  }
0x339: {  	v20 =	vld.idx.msk [tilespmem:v8+s1+$0x0], $0xffff  }
0x33a: {  	v6 =	vld.idx.msk [tilespmem:v3+s1+$0x0], $0xffff;
	v3 =	vsub.f32 v5, v14;
	v5 =	vmul.f32 v7, v7;
	v2 =	vmul.f32 v2, v2  }
0x33b: {  	v16 =	vld.idx.msk [tilespmem:v10+s1+$0x0], $0xffff;
	v7 =	vadd.s32 $0x2, v8  }
0x33c: {  	v17 =	vadd.s32 $0x2, v9;
	v12 =	vld.idx.msk [tilespmem:v12+s1+$0x0], $0xffff;
	v18 =	vmul.f32 v3, v3;
	v10 =	vadd.f32 v2, v5  }
0x33d: {  	v19 =	vadd.s32 $0x2, v4;
	v21 =	vld.idx.msk [tilespmem:v4+s1+$0x0], $0xffff;
	v4 =	vbroadcast v15, $0x0;
	v8 =	vbroadcast v11, $0x1  }
0x33e: {  	v3 =	vbroadcast v11, $0x0;
	v2 =	vbroadcast v13, $0x1;
	v18 =	vadd.f32 v18, v10  }
0x33f: {  	v5 =	vbroadcast v11, $0x2;
	v11 =	vld.idx.msk [tilespmem:v9+s1+$0x0], $0xffff;
	v9 =	vbroadcast v15, $0x1  }
0x340: {  	v10 =	vbroadcast v13, $0x0;
	v22 =	vld.idx.msk [tilespmem:v7+s1+$0x0], $0xffff;
	v7 =	vsub.f32 v6, v2;
	v6 =	vmax.f32 v18, $1.000000000e-30  }
0x341: {  	v17 =	vld.idx.msk [tilespmem:v17+s1+$0x0], $0xffff;
	v12 =	vsub.f32 v12, v9;
	v23 =	vshrl.u32 v6, $0x1;
	v24 =	vmul.f32 $5.000000000e-01, v6  }
0x342: {  	v16 =	vsub.f32 v16, v8;
	v6 =	vbroadcast v13, $0x2;
	v13 =	vld.idx.msk [tilespmem:v19+s1+$0x0], $0xffff;
	v19 =	vsub.s32 $0x5F3759DF, v23  }
0x343: {  	v20 =	vsub.f32 v20, v10;
	v12 =	vmul.f32 v12, v12;
	v25 =	vmul.f32 v19, v24  }
0x344: {  	v11 =	vsub.f32 v11, v3;
	v23 =	vmul.f32 v7, v7;
	v7 =	vbroadcast v15, $0x2  }
0x345: {  	v15 =	vmul.f32 v16, v16;
	v16 =	vsub.f32 v21, v4;
	v21 =	vmul.f32 v19, v25  }
0x346: {  	v17 =	vsub.f32 v17, v5;
	v20 =	vmul.f32 v20, v20;
	v11 =	vmul.f32 v11, v11  }
0x347: {  	v22 =	vsub.f32 v22, v6;
	v16 =	vmul.f32 v16, v16;
	v21 =	vsub.f32 $1.500000000e+00, v21  }
0x348: {  	v20 =	vadd.f32 v23, v20;
	v11 =	vadd.f32 v15, v11;
	v15 =	vmul.f32 v17, v17  }
0x349: {  	v22 =	vmul.f32 v22, v22;
	v13 =	vsub.f32 v13, v7;
	v17 =	vmul.f32 v19, v21  }
0x34a: {  	v12 =	vadd.f32 v12, v16;
	v11 =	vadd.f32 v15, v11  }
0x34b: {  	v16 =	vadd.f32 v22, v20;
	v13 =	vmul.f32 v13, v13;
	v15 =	vmul.f32 v17, v24  }
0x34c: {  	v19 =	vmax.f32 v11, $1.000000000e-30  }
0x34d: {  	v12 =	vadd.f32 v13, v12;
	v13 =	vmax.f32 v16, $1.000000000e-30;
	v15 =	vmul.f32 v15, v17  }
0x34e: {  	v22 =	vshrl.u32 v19, $0x1;
	v20 =	vshrl.u32 v13, $0x1;
	v13 =	vmul.f32 $5.000000000e-01, v13  }
0x34f: {  	v19 =	vmul.f32 $5.000000000e-01, v19;
	v20 =	vsub.s32 $0x5F3759DF, v20;
	v15 =	vsub.f32 $1.500000000e+00, v15  }
0x350: {  	v22 =	vsub.s32 $0x5F3759DF, v22;
	v21 =	vmax.f32 v12, $1.000000000e-30;
	v24 =	vmul.f32 v20, v13  }
0x351: {  	v23 =	vshrl.u32 v21, $0x1;
	v21 =	vmul.f32 $5.000000000e-01, v21;
	v15 =	vmul.f32 v15, v17  }
0x352: {  	v24 =	vmul.f32 v20, v24;
	v17 =	vsub.s32 $0x5F3759DF, v23;
	v23 =	vmul.f32 v22, v19  }
0x353: {  	v25 =	vmul.f32 v17, v21;
	v15 =	vmul.f32 v15, v18  }
0x354: {  	s12 =	simm.s32 $0xF180;
	v18 =	vmul.f32 v22, v23;
	v23 =	vsub.f32 $1.500000000e+00, v24  }
0x355: {  	v24 =	vmul.f32 v17, v25;
	[tilespmem:s12+$0x80] =	vst v15  }
0x356: {  	v15 =	vsub.f32 $1.500000000e+00, v18;
	v18 =	vmul.f32 v20, v23;
	v20 =	vld [tilespmem:s13+$0x90]  }
0x357: {  	v23 =	vsub.f32 $1.500000000e+00, v24  }
0x358: {  	v15 =	vmul.f32 v22, v15;
	v13 =	vmul.f32 v18, v13  }
0x359: {  	v17 =	vmul.f32 v17, v23  }
0x35a: {  	v19 =	vmul.f32 v15, v19;
	v13 =	vmul.f32 v13, v18  }
0x35b: {  	v21 =	vmul.f32 v17, v21;
	v20 =	vmul.u32 $0x3, v20  }
0x35c: {  	v19 =	vmul.f32 v19, v15;
	v13 =	vsub.f32 $1.500000000e+00, v13  }
0x35d: {  	v21 =	vmul.f32 v21, v17;
	v22 =	vadd.s32 $0x1, v20  }
0x35e: {  	v19 =	vsub.f32 $1.500000000e+00, v19;
	v13 =	vmul.f32 v13, v18  }
0x35f: {  	v18 =	vsub.f32 $1.500000000e+00, v21;
	v21 =	vadd.s32 $0x2, v20  }
0x360: {  	v15 =	vmul.f32 v19, v15;
	v13 =	vmul.f32 v13, v16  }
0x361: {  	v16 =	vmul.f32 v18, v17;
	v17 =	vld.idx.msk [tilespmem:v20+s1+$0x0], $0xffff  }
0x362: {  	v11 =	vmul.f32 v15, v11;
	[tilespmem:s12+$0xFFFFFF00] =	vst v13;
	v13 =	vld.idx.msk [tilespmem:v22+s1+$0x0], $0xffff  }
0x363: {  	v12 =	vmul.f32 v16, v12;
	v15 =	vld [tilespmem:s13+$0xFFFFFF10]  }
0x364: {  	[tilespmem:s12+$0xFFFFFF80] =	vst v11;
	v11 =	vld.idx.msk [tilespmem:v21+s1+$0x0], $0xffff  }
0x365: {  	[tilespmem:s12+$0x0] =	vst v12;
	v12 =	vld [tilespmem:s13+$0xFFFFFF90]  }
0x366: {  	s21 =	sadd.s32 $0xC, s6  }
0x367: {  	s17 =	sadd.s32 $0x489, s21;
	s15 =	simm.s32 $0x15;
	v16 =	vld [tilespmem:s13+$0x10];
	s13 =	simm.s32 $0x7380;
	v1 =	vsub.f32 v17, v1;
	v0 =	vsub.f32 v13, v0  }
0x368: {  	s2 =	sand.u32 $0x7D, s15;
	s3 =	sand.u32 $0x7F80, s17;
	v23 =	vld [tilespmem:s13+$0xFFFFFF80];
	v15 =	vmul.u32 $0x3, v15  }
0x369: {  	s2 =	sor.u32 s2, s3;
	v13 =	vld [tilespmem:s13+$0x80];
	v11 =	vsub.f32 v11, v14;
	v1 =	vmul.f32 v1, v1;
	v0 =	vmul.f32 v0, v0  }
0x36a: {  	s16 =	sadd.s32 $0xC, s25;
	v31 =	vld [tilespmem:s2+$0x0];
	v14 =	vadd.s32 $0x1, v15;
	v19 =	vmul.u32 $0x3, v12  }
0x36b: {  	v20 =	vld [tilespmem:s16+$0x0];
	v18 =	vadd.s32 $0x2, v15;
	v0 =	vadd.f32 v0, v1;
	v1 =	vmul.f32 v11, v11  }
0x36c: {  	v16 =	vmul.u32 $0x3, v16;
	v11 =	vld [tilespmem:s13+$0xFFFFFF00]  }
0x36d: {  	v21 =	vadd.s32 $0x1, v19;
	v23 =	vmul.u32 $0x3, v23;
	v12 =	vadd.f32 v1, v0;
	v1 =	vld [tilespmem:s13+$0x0]  }
0x36e: {  	v13 =	vmul.u32 $0x3, v13;
	v15 =	vld.idx.msk [tilespmem:v15+s1+$0x0], $0xffff  }
0x36f: {  	v17 =	vadd.s32 $0x2, v19;
	v22 =	vadd.s32 $0x1, v16;
	v34 =	vadd.s32 $0x1, v23;
	v24 =	vld.idx.msk [tilespmem:v14+s1+$0x0], $0xffff  }
0x370: {  	v55 =	vadd.s32 $0x2, v23;
	v25 =	vadd.s32 $0x1, v13;
	v18 =	vld.idx.msk [tilespmem:v18+s1+$0x0], $0xffff;
	v0 =	vmax.f32 v12, $1.000000000e-30  }
0x371: {  	v53 =	vadd.s32 $0x2, v13;
	v19 =	vld.idx.msk [tilespmem:v19+s1+$0x0], $0xffff;
	v26 =	vshrl.u32 v0, $0x1;
	v27 =	vmul.f32 $5.000000000e-01, v0  }
0x372: {  	v11 =	vmul.u32 $0x3, v11;
	v21 =	vld.idx.msk [tilespmem:v21+s1+$0x0], $0xffff;
	v0 =	vbroadcast v20, $0x2;
	v26 =	vsub.s32 $0x5F3759DF, v26  }
0x373: {  	v14 =	vadd.s32 $0x2, v16;
	v56 =	vld.idx.msk [tilespmem:v16+s1+$0x0], $0xffff;
	v16 =	vbroadcast v31, $0x2;
	v54 =	vmul.f32 v26, v27  }
0x374: {  	v30 =	vmul.u32 $0x3, v1;
	v32 =	vadd.s32 $0x1, v11;
	v33 =	vadd.s32 $0x2, v11;
	v35 =	vld.idx.msk [tilespmem:v13+s1+$0x0], $0xffff  }
0x375: {  	v1 =	vbroadcast v20, $0x0;
	v10 =	vsub.f32 v15, v10;
	v15 =	vbroadcast v31, $0x1;
	v25 =	vld.idx.msk [tilespmem:v25+s1+$0x0], $0xffff  }
0x376: {  	s19 =	sadd.s32 $0x480, s21;
	s14 =	simm.s32 $0xC;
	v22 =	vld.idx.msk [tilespmem:v22+s1+$0x0], $0xffff;
	v24 =	vsub.f32 v24, v2;
	v2 =	vbroadcast v20, $0x1;
	v13 =	vmul.f32 v26, v54  }
0x377: {  	s18 =	sand.u32 $0x7C, s14;
	s3 =	sand.u32 $0x7F80, s19;
	v20 =	vld.idx.msk [tilespmem:v53+s1+$0x0], $0xffff;
	v6 =	vsub.f32 v18, v6;
	v36 =	vadd.s32 $0x1, v30;
	v57 =	vmul.f32 v10, v10  }
0x378: {  	s2 =	sor.u32 s18, s3;
	v23 =	vld.idx.msk [tilespmem:v23+s1+$0x0], $0xffff;
	v3 =	vsub.f32 v19, v3;
	v38 =	vsub.f32 $1.500000000e+00, v13;
	v13 =	vbroadcast v31, $0x0  }
0x379: {  	s20 =	simm.s32 $0x12;
	s0 =	sadd.s32 $0x486, s21;
	v8 =	vsub.f32 v21, v8;
	v21 =	vld [tilespmem:s2+$0x0];
	v24 =	vmul.f32 v24, v24;
	v28 =	vsub.f32 v56, v4  }
0x37a: {  	s21 =	sand.u32 $0x7E, s20;
	s0 =	sand.u32 $0x7F80, s0;
	v11 =	vld.idx.msk [tilespmem:v11+s1+$0x0], $0xffff;
	v61 =	vmul.f32 v3, v3;
	v35 =	vsub.f32 v35, v13;
	v25 =	vsub.f32 v25, v15  }
0x37b: {  	s0 =	sor.u32 s21, s0;
	v9 =	vsub.f32 v22, v9;
	v19 =	vmul.f32 v8, v8;
	v8 =	vld.idx.msk [tilespmem:v32+s1+$0x0], $0xffff;
	v22 =	vmul.f32 v26, v38  }
0x37c: {  	v26 =	vld [tilespmem:s0+$0x0];
	v20 =	vsub.f32 v20, v16;
	v58 =	vmul.f32 v35, v35;
	v25 =	vmul.f32 v25, v25  }
0x37d: {  	v29 =	vld.idx.msk [tilespmem:v55+s1+$0x0], $0xffff;
	v23 =	vsub.f32 v23, v1;
	v59 =	vmul.f32 v9, v9;
	v4 =	vmul.f32 v22, v27  }
0x37e: {  	v27 =	vld.idx.msk [tilespmem:v34+s1+$0x0], $0xffff;
	v10 =	vbroadcast v21, $0x1;
	v20 =	vmul.f32 v20, v20;
	v25 =	vadd.f32 v25, v58  }
0x37f: {  	v37 =	vadd.s32 $0x2, v30;
	v9 =	vbroadcast v21, $0x0;
	v4 =	vmul.f32 v4, v22  }
0x380: {  	v33 =	vld.idx.msk [tilespmem:v33+s1+$0x0], $0xffff;
	v23 =	vmul.f32 v23, v23;
	v3 =	vsub.f32 v8, v10;
	v20 =	vadd.f32 v20, v25  }
0x381: {  	v60 =	vld.idx.msk [tilespmem:v36+s1+$0x0], $0xffff;
	v8 =	vbroadcast v26, $0x0;
	v25 =	vsub.f32 $1.500000000e+00, v4;
	v4 =	vsub.f32 v11, v9  }
0x382: {  	v29 =	vsub.f32 v29, v0;
	v30 =	vld.idx.msk [tilespmem:v30+s1+$0x0], $0xffff;
	v11 =	vbroadcast v26, $0x1;
	v62 =	vmul.f32 v3, v3  }
0x383: {  	v27 =	vsub.f32 v27, v2;
	v3 =	vmax.f32 v20, $1.000000000e-30;
	v4 =	vmul.f32 v4, v4  }
0x384: {  	v63 =	vshrl.u32 v3, $0x1;
	v40 =	vmul.f32 $5.000000000e-01, v3;
	v3 =	vbroadcast v21, $0x2;
	v21 =	vld.idx.msk [tilespmem:v37+s1+$0x0], $0xffff  }
0x385: {  	v36 =	vsub.s32 $0x5F3759DF, v63;
	v34 =	vadd.f32 v62, v4;
	v4 =	vbroadcast v26, $0x2  }
0x386: {  	v31 =	vsub.f32 v60, v11;
	v26 =	vmul.f32 v27, v27;
	v41 =	vmul.f32 v36, v40  }
0x387: {  	v29 =	vmul.f32 v29, v29;
	v27 =	vsub.f32 v30, v8;
	v33 =	vsub.f32 v33, v3  }
0x388: {  	v14 =	vld.idx.msk [tilespmem:v14+s1+$0x0], $0xffff;
	v42 =	vmul.f32 v31, v31;
	v23 =	vadd.f32 v26, v23;
	v43 =	vmul.f32 v36, v41  }
0x389: {  	v27 =	vmul.f32 v27, v27;
	v26 =	vmul.f32 v33, v33;
	v21 =	vsub.f32 v21, v4  }
0x38a: {  	v6 =	vmul.f32 v6, v6;
	v23 =	vadd.f32 v29, v23;
	v31 =	vsub.f32 $1.500000000e+00, v43  }
0x38b: {  	v22 =	vmul.f32 v25, v22;
	v25 =	vadd.f32 v42, v27;
	v26 =	vadd.f32 v26, v34  }
0x38c: {  	v21 =	vmul.f32 v21, v21;
	v45 =	vmax.f32 v23, $1.000000000e-30;
	v27 =	vmul.f32 v36, v31  }
0x38d: {  	v28 =	vmul.f32 v28, v28;
	v7 =	vsub.f32 v14, v7;
	v48 =	vshrl.u32 v45, $0x1  }
0x38e: {  	v21 =	vadd.f32 v21, v25;
	v25 =	vmax.f32 v26, $1.000000000e-30;
	v44 =	vmul.f32 v27, v40  }
0x38f: {  	v17 =	vld.idx.msk [tilespmem:v17+s1+$0x0], $0xffff;
	v30 =	vmul.f32 $5.000000000e-01, v45;
	v46 =	vshrl.u32 v25, $0x1;
	v25 =	vmul.f32 $5.000000000e-01, v25  }
0x390: {  	v33 =	vsub.s32 $0x5F3759DF, v48;
	v31 =	vsub.s32 $0x5F3759DF, v46;
	v29 =	vmul.f32 v44, v27  }
0x391: {  	v18 =	vmul.f32 v33, v30;
	v47 =	vmax.f32 v21, $1.000000000e-30;
	v49 =	vmul.f32 v31, v25  }
0x392: {  	v50 =	vshrl.u32 v47, $0x1;
	v32 =	vmul.f32 $5.000000000e-01, v47;
	v29 =	vsub.f32 $1.500000000e+00, v29  }
0x393: {  	v14 =	vmul.f32 v33, v18;
	v36 =	vsub.s32 $0x5F3759DF, v50;
	v34 =	vmul.f32 v31, v49  }
0x394: {  	v5 =	vsub.f32 v17, v5;
	v51 =	vmul.f32 v36, v32;
	v27 =	vmul.f32 v29, v27  }
0x395: {  	v22 =	vmul.f32 v22, v12;
	v14 =	vsub.f32 $1.500000000e+00, v14;
	v17 =	vsub.f32 $1.500000000e+00, v34  }
0x396: {  	v24 =	vadd.f32 v24, v57;
	v18 =	vmul.f32 v36, v51;
	v20 =	vmul.f32 v27, v20  }
0x397: {  	s15 =	simm.s32 $0xF380;
	v19 =	vadd.f32 v19, v61;
	v14 =	vmul.f32 v33, v14;
	v17 =	vmul.f32 v31, v17  }
0x398: {  	v18 =	vsub.f32 $1.500000000e+00, v18;
	[tilespmem:s15+$0x80] =	vst v20;
	v20 =	vmul.f32 v5, v5;
	v5 =	vadd.f32 v6, v24  }
0x399: {  	v27 =	vadd.f32 v59, v28;
	v6 =	vmul.f32 v7, v7;
	v24 =	vmul.f32 v17, v25  }
0x39a: {  	v25 =	vmul.f32 v36, v18;
	v52 =	vld [tilespmem:s13+$0x90];
	v7 =	vadd.f32 v20, v19;
	v18 =	vmax.f32 v5, $1.000000000e-30  }
0x39b: {  	v6 =	vadd.f32 v6, v27;
	v19 =	vmul.f32 v24, v17;
	v20 =	vmul.f32 v14, v30  }
0x39c: {  	v24 =	vmul.f32 v25, v32;
	v53 =	vshrl.u32 v18, $0x1;
	v57 =	vmul.f32 $5.000000000e-01, v18  }
0x39d: {  	v27 =	vmax.f32 v7, $1.000000000e-30;
	v19 =	vsub.f32 $1.500000000e+00, v19;
	v54 =	vmax.f32 v6, $1.000000000e-30  }
0x39e: {  	v20 =	vmul.f32 v20, v14;
	v24 =	vmul.f32 v24, v25;
	v29 =	vsub.s32 $0x5F3759DF, v53  }
0x39f: {  	v18 =	vmul.f32 $5.000000000e-01, v54;
	v28 =	vmul.u32 $0x3, v52;
	v17 =	vmul.f32 v19, v17  }
0x3a0: {  	v55 =	vshrl.u32 v27, $0x1;
	v59 =	vmul.f32 v29, v57;
	v19 =	vmul.f32 $5.000000000e-01, v27  }
0x3a1: {  	v24 =	vsub.f32 $1.500000000e+00, v24;
	v56 =	vadd.s32 $0x1, v28;
	v17 =	vmul.f32 v17, v26  }
0x3a2: {  	v58 =	vsub.s32 $0x5F3759DF, v55;
	v20 =	vsub.f32 $1.500000000e+00, v20;
	v26 =	vadd.s32 $0x2, v28  }
0x3a3: {  	v60 =	vmul.f32 v58, v19;
	v24 =	vmul.f32 v24, v25;
	[tilespmem:s15+$0xFFFFFF00] =	vst v17  }
0x3a4: {  	v27 =	vshrl.u32 v54, $0x1;
	v31 =	vmul.f32 v29, v59;
	v14 =	vmul.f32 v20, v14;
	v62 =	vld [tilespmem:s13+$0xFFFFFF10]  }
0x3a5: {  	v27 =	vsub.s32 $0x5F3759DF, v27;
	v20 =	vmul.f32 v58, v60;
	v21 =	vmul.f32 v24, v21;
	v28 =	vld.idx.msk [tilespmem:v28+s1+$0x0], $0xffff  }
0x3a6: {  	v61 =	vmul.f32 v27, v18;
	v12 =	vmul.f32 v14, v23;
	v17 =	vld.idx.msk [tilespmem:v56+s1+$0x0], $0xffff  }
0x3a7: {  	v20 =	vsub.f32 $1.500000000e+00, v20;
	[tilespmem:s15+$0x0] =	vst v21;
	v25 =	vld.idx.msk [tilespmem:v26+s1+$0x0], $0xffff  }
0x3a8: {  	v31 =	vsub.f32 $1.500000000e+00, v31;
	[tilespmem:s15+$0xFFFFFF80] =	vst v12;
	v26 =	vmul.f32 v27, v61;
	v21 =	vld [tilespmem:s13+$0x10]  }
0x3a9: {  	v12 =	vmul.f32 v58, v20;
	v20 =	vld [tilespmem:s13+$0xFFFFFF90]  }
0x3aa: {  	v14 =	vmul.f32 v29, v31;
	v23 =	vsub.f32 $1.500000000e+00, v26  }
0x3ab: {  	v26 =	vsub.f32 v28, v13;
	v63 =	vsub.f32 v17, v15  }
0x3ac: {  	v24 =	vmul.u32 $0x3, v62;
	v13 =	vmul.f32 v27, v23;
	v15 =	vmul.f32 v14, v57  }
0x3ad: {  	s17 =	simm.s32 $0x4;
	s18 =	sadd.s32 $0xC, s16;
	s16 =	simm.s32 $0xF380;
	[tilespmem:s12+$0x90] =	vst v22;
	v16 =	vsub.f32 v25, v16;
	v17 =	vmul.f32 v26, v26;
	v22 =	vmul.f32 v63, v63  }
.LBB2_8:
0x3ae: {  	v25 =	vld [tilespmem:s18+$0x0];
	v26 =	vadd.s32 $0x1, v24;
	v27 =	vmul.u32 $0x3, v20;
	v28 =	vmul.u32 $0x3, v21;
	s13 =	sadd.s32 $0x200, s13  }
0x3af: {  	s17 =	sadd.s32 $0x4, s17;
	v21 =	vadd.s32 $0x2, v24;
	v29 =	vld [tilespmem:s13+$0x80];
	v17 =	vadd.f32 v22, v17;
	v16 =	vmul.f32 v16, v16  }
0x3b0: {  	p0 =	slt.u32 s17, $0x7C;
	v30 =	vld [tilespmem:s13+$0xFFFFFF00];
	v31 =	vadd.s32 $0x1, v27;
	v23 =	vadd.s32 $0x2, v27;
	v32 =	vadd.s32 $0x1, v28  }
0x3b1: {  	v22 =	vadd.s32 $0x2, v28;
	v33 =	vld [tilespmem:s13+$0xFFFFFF80];
	v34 =	vadd.f32 v16, v17;
	v16 =	vmul.f32 v12, v19  }
0x3b2: {  	v35 =	vmul.f32 v15, v14;
	v15 =	vmul.f32 v13, v18;
	v17 =	vld [tilespmem:s13+$0x0]  }
0x3b3: {  	v20 =	vbroadcast v25, $0x2;
	v26 =	vld.idx.msk [tilespmem:v26+s1+$0x0], $0xffff;
	v19 =	vmax.f32 v34, $1.000000000e-30;
	v18 =	vmul.f32 v16, v12  }
0x3b4: {  	s14 =	sadd.s32 $0xC, s14;
	v16 =	vmul.u32 $0x3, v29;
	v24 =	vld.idx.msk [tilespmem:v24+s1+$0x0], $0xffff;
	v29 =	vshrl.u32 v19, $0x1;
	v36 =	vmul.f32 $5.000000000e-01, v19  }
0x3b5: {  	s0 =	sadd.s32 s14, s6;
	s2 =	sand.u32 $0x7C, s14;
	s3 =	sadd.s32 $0x6, s14;
	v19 =	vmul.f32 v15, v13;
	v30 =	vmul.u32 $0x3, v30;
	v31 =	vld.idx.msk [tilespmem:v31+s1+$0x0], $0xffff;
	v29 =	vsub.s32 $0x5F3759DF, v29  }
0x3b6: {  	s20 =	sadd.s32 $0x9, s14;
	s19 =	sadd.s32 $0x480, s0;
	s21 =	sadd.s32 $0x489, s0;
	v33 =	vmul.u32 $0x3, v33;
	v15 =	vadd.s32 $0x1, v16;
	v32 =	vld.idx.msk [tilespmem:v32+s1+$0x0], $0xffff;
	v37 =	vmul.f32 v29, v36  }
0x3b7: {  	s0 =	sadd.s32 $0x486, s0;
	s20 =	sand.u32 $0x7D, s20;
	s21 =	sand.u32 $0x7F80, s21;
	v38 =	vadd.s32 $0x1, v30;
	v39 =	vadd.s32 $0x2, v30;
	v40 =	vmul.u32 $0x3, v17;
	v17 =	vld.idx.msk [tilespmem:v27+s1+$0x0], $0xffff  }
0x3b8: {  	s19 =	sand.u32 $0x7F80, s19;
	s0 =	sand.u32 $0x7F80, s0;
	s20 =	sor.u32 s20, s21;
	v41 =	vadd.s32 $0x2, v16;
	v27 =	vadd.s32 $0x1, v33;
	v28 =	vld.idx.msk [tilespmem:v28+s1+$0x0], $0xffff;
	v37 =	vmul.f32 v29, v37  }
0x3b9: {  	s3 =	sand.u32 $0x7E, s3;
	s2 =	sor.u32 s2, s19;
	v42 =	vadd.s32 $0x2, v33;
	v43 =	vadd.s32 $0x1, v40;
	v44 =	vadd.s32 $0x2, v40;
	v45 =	vld [tilespmem:s20+$0x0]  }
0x3ba: {  	s0 =	sor.u32 s3, s0;
	v46 =	vbroadcast v25, $0x0;
	v10 =	vsub.f32 v26, v10;
	v47 =	vld.idx.msk [tilespmem:v16+s1+$0x0], $0xffff;
	v16 =	vsub.f32 $1.500000000e+00, v37  }
0x3bb: {  	v9 =	vsub.f32 v24, v9;
	v26 =	vld.idx.msk [tilespmem:v15+s1+$0x0], $0xffff;
	v15 =	vsub.f32 v31, v2;
	v2 =	vbroadcast v25, $0x1  }
0x3bc: {  	v10 =	vmul.f32 v10, v10;
	v11 =	vsub.f32 v32, v11;
	v25 =	vld [tilespmem:s2+$0x0];
	v29 =	vmul.f32 v29, v16  }
0x3bd: {  	v9 =	vmul.f32 v9, v9;
	v17 =	vsub.f32 v17, v1;
	v31 =	vld.idx.msk [tilespmem:v41+s1+$0x0], $0xffff;
	v32 =	vmul.f32 v15, v15  }
0x3be: {  	v1 =	vmovc v46;
	v28 =	vsub.f32 v28, v8;
	v41 =	vmul.f32 v11, v11;
	v37 =	vld [tilespmem:s0+$0x0];
	v8 =	vmul.f32 v29, v36  }
0x3bf: {  	v24 =	vadd.f32 v10, v9;
	v15 =	vbroadcast v45, $0x0;
	v16 =	vbroadcast v45, $0x1;
	v36 =	vld.idx.msk [tilespmem:v38+s1+$0x0], $0xffff  }
0x3c0: {  	v35 =	vsub.f32 $1.500000000e+00, v35;
	v11 =	vmul.f32 v17, v17;
	v27 =	vld.idx.msk [tilespmem:v27+s1+$0x0], $0xffff;
	v8 =	vmul.f32 v8, v29  }
0x3c1: {  	v17 =	vbroadcast v45, $0x2;
	v26 =	vsub.f32 v26, v16;
	v38 =	vld.idx.msk [tilespmem:v43+s1+$0x0], $0xffff;
	v43 =	vsub.f32 v47, v15  }
0x3c2: {  	v9 =	vbroadcast v25, $0x0;
	v10 =	vbroadcast v25, $0x1;
	v30 =	vld.idx.msk [tilespmem:v30+s1+$0x0], $0xffff;
	v45 =	vsub.f32 $1.500000000e+00, v8  }
0x3c3: {  	v31 =	vsub.f32 v31, v17;
	v26 =	vmul.f32 v26, v26;
	v33 =	vld.idx.msk [tilespmem:v33+s1+$0x0], $0xffff;
	v43 =	vmul.f32 v43, v43  }
0x3c4: {  	v32 =	vadd.f32 v32, v11;
	v8 =	vbroadcast v37, $0x0;
	v40 =	vld.idx.msk [tilespmem:v40+s1+$0x0], $0xffff;
	v29 =	vmul.f32 v45, v29  }
0x3c5: {  	v11 =	vbroadcast v37, $0x1;
	v31 =	vmul.f32 v31, v31;
	v39 =	vld.idx.msk [tilespmem:v39+s1+$0x0], $0xffff;
	v26 =	vadd.f32 v26, v43  }
0x3c6: {  	v36 =	vsub.f32 v36, v10;
	v27 =	vsub.f32 v27, v2;
	v42 =	vld.idx.msk [tilespmem:v42+s1+$0x0], $0xffff;
	v29 =	vmul.f32 v29, v34  }
0x3c7: {  	v25 =	vbroadcast v25, $0x2;
	v38 =	vsub.f32 v38, v11;
	v34 =	vld.idx.msk [tilespmem:v44+s1+$0x0], $0xffff;
	v26 =	vadd.f32 v31, v26  }
0x3c8: {  	v30 =	vsub.f32 v30, v9;
	v31 =	vmul.f32 v36, v36;
	v36 =	vbroadcast v37, $0x2;
	v21 =	vld.idx.msk [tilespmem:v21+s1+$0x0], $0xffff;
	[tilespmem:s15+$0x90] =	vst v29  }
0x3c9: {  	v27 =	vmul.f32 v27, v27;
	v29 =	vsub.f32 v33, v1;
	v33 =	vmax.f32 v26, $1.000000000e-30;
	v23 =	vld.idx.msk [tilespmem:v23+s1+$0x0], $0xffff  }
0x3ca: {  	v37 =	vsub.f32 v40, v8;
	v40 =	vshrl.u32 v33, $0x1;
	v33 =	vmul.f32 $5.000000000e-01, v33;
	v22 =	vld.idx.msk [tilespmem:v22+s1+$0x0], $0xffff  }
0x3cb: {  	v38 =	vmul.f32 v38, v38;
	v30 =	vmul.f32 v30, v30;
	v40 =	vsub.s32 $0x5F3759DF, v40  }
0x3cc: {  	v39 =	vsub.f32 v39, v25;
	v29 =	vmul.f32 v29, v29;
	v43 =	vmul.f32 v40, v33  }
0x3cd: {  	v42 =	vsub.f32 v42, v20;
	v37 =	vmul.f32 v37, v37;
	v34 =	vsub.f32 v34, v36  }
0x3ce: {  	v30 =	vadd.f32 v31, v30;
	v27 =	vadd.f32 v27, v29;
	v29 =	vmul.f32 v40, v43  }
0x3cf: {  	v31 =	vmul.f32 v39, v39;
	v39 =	vmul.f32 v42, v42;
	v37 =	vadd.f32 v38, v37  }
0x3d0: {  	v28 =	vmul.f32 v28, v28;
	v34 =	vmul.f32 v34, v34;
	v29 =	vsub.f32 $1.500000000e+00, v29  }
0x3d1: {  	v14 =	vmul.f32 v35, v14;
	v30 =	vadd.f32 v31, v30;
	v27 =	vadd.f32 v39, v27  }
0x3d2: {  	v21 =	vsub.f32 v21, v3;
	v3 =	vmovc v25;
	v31 =	vadd.f32 v34, v37;
	v29 =	vmul.f32 v40, v29  }
0x3d3: {  	v23 =	vsub.f32 v23, v0;
	v0 =	vmovc v20;
	v25 =	vmax.f32 v30, $1.000000000e-30;
	v34 =	vmax.f32 v27, $1.000000000e-30  }
0x3d4: {  	v20 =	vshrl.u32 v25, $0x1;
	v35 =	vmax.f32 v31, $1.000000000e-30;
	v33 =	vmul.f32 v29, v33  }
0x3d5: {  	v25 =	vmul.f32 $5.000000000e-01, v25;
	v37 =	vshrl.u32 v34, $0x1;
	v34 =	vmul.f32 $5.000000000e-01, v34  }
0x3d6: {  	v38 =	vshrl.u32 v35, $0x1;
	v35 =	vmul.f32 $5.000000000e-01, v35;
	v33 =	vmul.f32 v33, v29  }
0x3d7: {  	v20 =	vsub.s32 $0x5F3759DF, v20;
	v37 =	vsub.s32 $0x5F3759DF, v37;
	v38 =	vsub.s32 $0x5F3759DF, v38  }
0x3d8: {  	v39 =	vmul.f32 v20, v25;
	v40 =	vmul.f32 v37, v34;
	v33 =	vsub.f32 $1.500000000e+00, v33  }
0x3d9: {  	v28 =	vadd.f32 v41, v28;
	v22 =	vsub.f32 v22, v4;
	v4 =	vmovc v36;
	v42 =	vmul.f32 v38, v35  }
0x3da: {  	v36 =	vmul.f32 v20, v39;
	v29 =	vmul.f32 v33, v29;
	v33 =	vsub.f32 $1.500000000e+00, v18  }
0x3db: {  	v39 =	vmul.f32 v38, v42;
	v18 =	vmul.f32 v37, v40;
	v40 =	vsub.f32 $1.500000000e+00, v19  }
0x3dc: {  	v21 =	vmul.f32 v21, v21;
	v19 =	vsub.f32 $1.500000000e+00, v36;
	v26 =	vmul.f32 v29, v26  }
0x3dd: {  	s15 =	sadd.s32 $0x200, s15;
	v23 =	vmul.f32 v23, v23;
	v18 =	vsub.f32 $1.500000000e+00, v18;
	v29 =	vsub.f32 $1.500000000e+00, v39  }
0x3de: {  	v21 =	vadd.f32 v21, v24;
	v20 =	vmul.f32 v20, v19;
	v19 =	vmul.f32 v22, v22;
	[tilespmem:s15+$0x80] =	vst v26  }
0x3df: {  	v23 =	vadd.f32 v23, v32;
	v18 =	vmul.f32 v37, v18;
	v22 =	vmul.f32 v38, v29;
	v24 =	vld [tilespmem:s13+$0x90]  }
0x3e0: {  	v25 =	vmul.f32 v20, v25;
	v26 =	vmax.f32 v21, $1.000000000e-30;
	v28 =	vadd.f32 v19, v28  }
0x3e1: {  	v32 =	vmax.f32 v23, $1.000000000e-30;
	v19 =	vmul.f32 v18, v34;
	v29 =	vmul.f32 v22, v35  }
0x3e2: {  	v25 =	vmul.f32 v25, v20;
	v34 =	vshrl.u32 v26, $0x1;
	v35 =	vmax.f32 v28, $1.000000000e-30  }
0x3e3: {  	v36 =	vshrl.u32 v32, $0x1;
	v19 =	vmul.f32 v19, v18;
	v29 =	vmul.f32 v29, v22  }
0x3e4: {  	v26 =	vmul.f32 $5.000000000e-01, v26;
	v25 =	vsub.f32 $1.500000000e+00, v25;
	v24 =	vmul.u32 $0x3, v24  }
0x3e5: {  	v37 =	vsub.f32 $1.500000000e+00, v19;
	v29 =	vsub.f32 $1.500000000e+00, v29;
	v19 =	vmul.f32 $5.000000000e-01, v32  }
0x3e6: {  	v20 =	vmul.f32 v25, v20;
	v32 =	vshrl.u32 v35, $0x1;
	v25 =	vadd.s32 $0x1, v24  }
0x3e7: {  	v37 =	vmul.f32 v37, v18;
	v22 =	vmul.f32 v29, v22;
	v29 =	vsub.s32 $0x5F3759DF, v34  }
0x3e8: {  	v20 =	vmul.f32 v20, v30;
	v30 =	vadd.s32 $0x2, v24;
	v18 =	vmul.f32 $5.000000000e-01, v35  }
0x3e9: {  	v27 =	vmul.f32 v37, v27;
	v22 =	vmul.f32 v22, v31;
	v31 =	vsub.s32 $0x5F3759DF, v36  }
0x3ea: {  	v32 =	vsub.s32 $0x5F3759DF, v32;
	[tilespmem:s15+$0xFFFFFF00] =	vst v20;
	v34 =	vld.idx.msk [tilespmem:v24+s1+$0x0], $0xffff;
	v20 =	vmul.f32 v29, v26;
	v24 =	vmul.f32 v31, v19  }
0x3eb: {  	v12 =	vmul.f32 v33, v12;
	[tilespmem:s15+$0xFFFFFF80] =	vst v27;
	v25 =	vld.idx.msk [tilespmem:v25+s1+$0x0], $0xffff;
	v27 =	vmul.f32 v32, v18  }
0x3ec: {  	v33 =	vld [tilespmem:s13+$0xFFFFFF10];
	[tilespmem:s15+$0x0] =	vst v22;
	v22 =	vmul.f32 v29, v20;
	v24 =	vmul.f32 v31, v24  }
0x3ed: {  	v13 =	vmul.f32 v40, v13;
	v30 =	vld.idx.msk [tilespmem:v30+s1+$0x0], $0xffff;
	v27 =	vmul.f32 v32, v27  }
0x3ee: {  	v35 =	vmul.f32 v14, v5;
	v5 =	vmovc v21;
	v20 =	vld [tilespmem:s13+$0xFFFFFF90];
	v22 =	vsub.f32 $1.500000000e+00, v22;
	v24 =	vsub.f32 $1.500000000e+00, v24  }
.Ltmp3:
0x3ef: {  	v36 =	vmul.f32 v12, v7;
	v37 =	vmul.f32 v13, v6;
	v7 =	vmovc v23;
	v6 =	vmovc v28;
	v21 =	vld [tilespmem:s13+$0x10];
	v27 =	vsub.f32 $1.500000000e+00, v27;
	(pc) =	sbr.rel @p0 .LBB2_8-.Ltmp3, $4  }
0x3f0: {  	v14 =	vmul.f32 v29, v22;
	v12 =	vmul.f32 v31, v24;
	[tilespmem:s12+$0xFFFFFF10] =	vst v35  }
0x3f1: {  	v22 =	vsub.f32 v34, v15;
	v23 =	vsub.f32 v25, v16;
	v24 =	vmul.u32 $0x3, v33;
	[tilespmem:s12+$0xFFFFFF90] =	vst v36  }
0x3f2: {  	v13 =	vmul.f32 v32, v27;
	v15 =	vmul.f32 v14, v26;
	[tilespmem:s12+$0x10] =	vst v37;
	s12 =	smov.u32 s16;
	s16 =	smov.u32 s15  }
0x3f3: {  	s18 =	sadd.s32 $0xC, s18;
	v16 =	vsub.f32 v30, v17;
	v17 =	vmul.f32 v22, v22;
	v22 =	vmul.f32 v23, v23  }
0x3f4: {  	v23 =	vadd.s32 $0x1, v24  }
0x3f5: {  	v20 =	vmul.u32 $0x3, v20;
	v27 =	vadd.s32 $0x2, v24  }
0x3f6: {  	v21 =	vmul.u32 $0x3, v21;
	_ =	sdelay $0x1  }
0x3f7: {  	v24 =	vld.idx.msk [tilespmem:v24+s1+$0x0], $0xffff;
	v25 =	vadd.s32 $0x1, v20  }
0x3f8: {  	v17 =	vadd.f32 v22, v17;
	v16 =	vmul.f32 v16, v16;
	v26 =	vadd.s32 $0x1, v21;
	v23 =	vld.idx.msk [tilespmem:v23+s1+$0x0], $0xffff  }
0x3f9: {  	v22 =	vadd.s32 $0x2, v20;
	v27 =	vld.idx.msk [tilespmem:v27+s1+$0x0], $0xffff  }
0x3fa: {  	v28 =	vadd.s32 $0x2, v21;
	v16 =	vadd.f32 v16, v17;
	v17 =	vld.idx.msk [tilespmem:v20+s1+$0x0], $0xffff  }
0x3fb: {  	v20 =	vld.idx.msk [tilespmem:v21+s1+$0x0], $0xffff  }
0x3fc: {  	v25 =	vld.idx.msk [tilespmem:v25+s1+$0x0], $0xffff  }
0x3fd: {  	v26 =	vld.idx.msk [tilespmem:v26+s1+$0x0], $0xffff  }
0x3fe: {  	v9 =	vsub.f32 v24, v9;
	v21 =	vmax.f32 v16, $1.000000000e-30;
	v22 =	vld.idx.msk [tilespmem:v22+s1+$0x0], $0xffff  }
0x3ff: {  	v29 =	vshrl.u32 v21, $0x1;
	v21 =	vmul.f32 $5.000000000e-01, v21;
	v24 =	vld.idx.msk [tilespmem:v28+s1+$0x0], $0xffff  }
0x400: {  	v9 =	vmul.f32 v9, v9;
	v10 =	vsub.f32 v23, v10;
	v3 =	vsub.f32 v27, v3  }
0x401: {  	v23 =	vsub.s32 $0x5F3759DF, v29;
	v1 =	vsub.f32 v17, v1;
	v8 =	vsub.f32 v20, v8  }
0x402: {  	v2 =	vsub.f32 v25, v2;
	v25 =	vmul.f32 v23, v21;
	v10 =	vmul.f32 v10, v10  }
0x403: {  	v11 =	vsub.f32 v26, v11;
	v0 =	vsub.f32 v22, v0;
	v3 =	vmul.f32 v3, v3  }
0x404: {  	v4 =	vsub.f32 v24, v4;
	v1 =	vmul.f32 v1, v1;
	v2 =	vmul.f32 v2, v2  }
0x405: {  	v8 =	vmul.f32 v8, v8;
	v11 =	vmul.f32 v11, v11;
	v9 =	vadd.f32 v10, v9  }
0x406: {  	v10 =	vmul.f32 v23, v25;
	v0 =	vmul.f32 v0, v0;
	v1 =	vadd.f32 v2, v1  }
0x407: {  	v4 =	vmul.f32 v4, v4;
	v2 =	vadd.f32 v11, v8;
	v3 =	vadd.f32 v3, v9  }
0x408: {  	v8 =	vmul.f32 v12, v19;
	v9 =	vsub.f32 $1.500000000e+00, v10;
	v0 =	vadd.f32 v0, v1  }
0x409: {  	v1 =	vmul.f32 v15, v14;
	v10 =	vmax.f32 v3, $1.000000000e-30;
	v2 =	vadd.f32 v4, v2  }
0x40a: {  	v4 =	vmul.f32 v23, v9;
	v11 =	vshrl.u32 v10, $0x1;
	v10 =	vmul.f32 $5.000000000e-01, v10  }
0x40b: {  	v9 =	vmax.f32 v0, $1.000000000e-30;
	v15 =	vmax.f32 v2, $1.000000000e-30;
	v11 =	vsub.s32 $0x5F3759DF, v11  }
0x40c: {  	v17 =	vshrl.u32 v9, $0x1;
	v9 =	vmul.f32 $5.000000000e-01, v9;
	v19 =	vshrl.u32 v15, $0x1  }
0x40d: {  	v15 =	vmul.f32 $5.000000000e-01, v15;
	v20 =	vmul.f32 v11, v10;
	v17 =	vsub.s32 $0x5F3759DF, v17  }
0x40e: {  	v18 =	vmul.f32 v13, v18;
	v19 =	vsub.s32 $0x5F3759DF, v19;
	v22 =	vmul.f32 v17, v9  }
0x40f: {  	v23 =	vmul.f32 v19, v15;
	v20 =	vmul.f32 v11, v20  }
0x410: {  	v21 =	vmul.f32 v4, v21;
	v22 =	vmul.f32 v17, v22  }
0x411: {  	v18 =	vmul.f32 v18, v13;
	v23 =	vmul.f32 v19, v23;
	v20 =	vsub.f32 $1.500000000e+00, v20  }
0x412: {  	v1 =	vsub.f32 $1.500000000e+00, v1;
	v21 =	vmul.f32 v21, v4;
	v22 =	vsub.f32 $1.500000000e+00, v22  }
0x413: {  	v8 =	vmul.f32 v8, v12;
	v23 =	vsub.f32 $1.500000000e+00, v23;
	v11 =	vmul.f32 v11, v20  }
0x414: {  	v1 =	vmul.f32 v1, v14;
	v21 =	vsub.f32 $1.500000000e+00, v21;
	v17 =	vmul.f32 v17, v22  }
0x415: {  	v10 =	vmul.f32 v11, v10;
	v19 =	vmul.f32 v19, v23  }
0x416: {  	v8 =	vsub.f32 $1.500000000e+00, v8;
	v4 =	vmul.f32 v21, v4;
	v9 =	vmul.f32 v17, v9  }
0x417: {  	v10 =	vmul.f32 v10, v11;
	v15 =	vmul.f32 v19, v15  }
0x418: {  	v14 =	vsub.f32 $1.500000000e+00, v18;
	v8 =	vmul.f32 v8, v12;
	v9 =	vmul.f32 v9, v17  }
0x419: {  	v4 =	vmul.f32 v4, v16;
	v12 =	vmul.f32 v15, v19;
	v10 =	vsub.f32 $1.500000000e+00, v10  }
0x41a: {  	v13 =	vmul.f32 v14, v13;
	v1 =	vmul.f32 v1, v5;
	v5 =	vsub.f32 $1.500000000e+00, v9  }
0x41b: {  	[tilespmem:s15+$0x90] =	vst v4;
	v4 =	vmul.f32 v8, v7;
	v7 =	vmul.f32 v10, v11;
	v8 =	vsub.f32 $1.500000000e+00, v12  }
0x41c: {  	v6 =	vmul.f32 v13, v6;
	[tilespmem:s12+$0xFFFFFF10] =	vst v1;
	v1 =	vmul.f32 v5, v17  }
0x41d: {  	[tilespmem:s12+$0xFFFFFF90] =	vst v4;
	v4 =	vmul.f32 v8, v19;
	v3 =	vmul.f32 v7, v3  }
0x41e: {  	[tilespmem:s12+$0x10] =	vst v6;
	v0 =	vmul.f32 v1, v0  }
0x41f: {  	v1 =	vmul.f32 v4, v2;
	[tilespmem:s16+$0xFFFFFF10] =	vst v3  }
0x420: {  	[tilespmem:s16+$0xFFFFFF90] =	vst v0  }
0x421: {  	[tilespmem:s16+$0x10] =	vst v1  }
0x422: {  	s0 =	simm.s32 $0x0;
	s2 =	rddreg [dreg:$0xc]  }
0x423: {  	[hbm4b:s2+s0] =	stream.linear.scatter [tilespmem:s8], [sflag:$0x5], $0x4000, $0x38;
	[tilespmem:$0x13080] =	vst v63  }
0x424: {  	s3 =	simm.s32 $0x7080;
	s18 =	rddreg [dreg:$0xd]  }
0x425: {  	[tilespmem:s3], [sflag:$0x3] =	stream.linear.gather [hbm4b:s18+s0], $0x4000, $0x38;
	[tilespmem:$0x13080] =	vst v63  }
0x426: {  	_ =	swait.ge [sflag:s4], $0x4000  }
0x427: {  	[sflag:s4] =	ssyncset.done $0x0  }
0x428: {  	[sflag:s4] =	ssyncadd.s32 $0xFFFFC000  }
0x429: {  	_ =	swait.ge [sflag:s9], $0x4000  }
0x42a: {  	[sflag:s9] =	ssyncset.done $0x0  }
0x42b: {  	s13 =	simm.s32 $0x3180;
	[sflag:s9] =	ssyncadd.s32 $0xFFFFC000  }
0x42c: {  	v0 =	vld [tilespmem:s13+$0x80];
	_ =	sdelay $0x4  }
0x42d: {  	v0 =	vmul.u32 $0x3, v0  }
0x42e: {  	s19 =	simm.s32 $0x9;
	v1 =	vld [tilespmem:s13+$0xFFFFFF00]  }
0x42f: {  	s20 =	sand.u32 $0x180, s19;
	v4 =	vld [tilespmem:s13+$0x0];
	v2 =	vadd.s32 $0x1, v0  }
0x430: {  	s2 =	sand.u32 $0x7D, s19;
	s3 =	sadd.s32 s20, s31;
	v3 =	vld [tilespmem:s13+$0xFFFFFF80]  }
0x431: {  	s2 =	sadd.s32 s2, s3;
	v5 =	vadd.s32 $0x2, v0  }
0x432: {  	v6 =	vld [tilespmem:s2+$0x0]  }
0x433: {  	v8 =	vmul.u32 $0x3, v1;
	v7 =	vld.idx.msk [tilespmem:v0+s1+$0x0], $0xffff  }
0x434: {  	s21 =	simm.s32 $0x6;
	v11 =	vmul.u32 $0x3, v4;
	v2 =	vld.idx.msk [tilespmem:v2+s1+$0x0], $0xffff  }
0x435: {  	s14 =	sand.u32 $0x180, s0;
	s12 =	sand.u32 $0x180, s21;
	v10 =	vmul.u32 $0x3, v3;
	v3 =	vadd.s32 $0x1, v8  }
0x436: {  	s0 =	sand.u32 $0x7C, s0;
	s3 =	sadd.s32 s12, s31;
	s12 =	sadd.s32 s14, s31;
	v12 =	vadd.s32 $0x1, v11;
	v4 =	vld.idx.msk [tilespmem:v5+s1+$0x0], $0xffff  }
0x437: {  	s0 =	sadd.s32 s0, s12;
	s2 =	sand.u32 $0x7E, s21;
	v9 =	vld [tilespmem:s26+$0x0];
	v1 =	vbroadcast v6, $0x0;
	v0 =	vbroadcast v6, $0x1;
	v5 =	vadd.s32 $0x1, v10  }
0x438: {  	v15 =	vld [tilespmem:s0+$0x0];
	s2 =	sadd.s32 s2, s3  }
0x439: {  	v13 =	vld [tilespmem:s2+$0x0];
	v14 =	vbroadcast v6, $0x2;
	v7 =	vsub.f32 v7, v1;
	v2 =	vsub.f32 v2, v0  }
0x43a: {  	v6 =	vadd.s32 $0x2, v8;
	v16 =	vld.idx.msk [tilespmem:v3+s1+$0x0], $0xffff  }
0x43b: {  	v12 =	vld.idx.msk [tilespmem:v12+s1+$0x0], $0xffff;
	v3 =	vsub.f32 v4, v14;
	v4 =	vmul.f32 v7, v7;
	v2 =	vmul.f32 v2, v2  }
0x43c: {  	v7 =	vld.idx.msk [tilespmem:v5+s1+$0x0], $0xffff  }
0x43d: {  	v17 =	vadd.s32 $0x2, v10;
	v21 =	vld.idx.msk [tilespmem:v10+s1+$0x0], $0xffff;
	v18 =	vmul.f32 v3, v3;
	v2 =	vadd.f32 v2, v4  }
0x43e: {  	v19 =	vadd.s32 $0x2, v11;
	v20 =	vld.idx.msk [tilespmem:v8+s1+$0x0], $0xffff;
	v8 =	vbroadcast v13, $0x1;
	v5 =	vbroadcast v9, $0x0  }
0x43f: {  	v11 =	vld.idx.msk [tilespmem:v11+s1+$0x0], $0xffff;
	v4 =	vbroadcast v9, $0x2;
	v9 =	vbroadcast v9, $0x1;
	v18 =	vadd.f32 v18, v2  }
0x440: {  	v10 =	vbroadcast v15, $0x0;
	v22 =	vld.idx.msk [tilespmem:v6+s1+$0x0], $0xffff;
	v6 =	vbroadcast v13, $0x2;
	v12 =	vsub.f32 v12, v8  }
0x441: {  	v3 =	vbroadcast v13, $0x0;
	v23 =	vsub.f32 v7, v9;
	v7 =	vmax.f32 v18, $1.000000000e-30  }
0x442: {  	v17 =	vld.idx.msk [tilespmem:v17+s1+$0x0], $0xffff;
	v21 =	vsub.f32 v21, v5;
	v13 =	vshrl.u32 v7, $0x1;
	v24 =	vmul.f32 $5.000000000e-01, v7  }
0x443: {  	v2 =	vbroadcast v15, $0x1;
	v7 =	vbroadcast v15, $0x2;
	v13 =	vsub.s32 $0x5F3759DF, v13  }
0x444: {  	v15 =	vld.idx.msk [tilespmem:v19+s1+$0x0], $0xffff;
	v19 =	vsub.f32 v20, v10;
	v20 =	vmul.f32 v23, v23;
	v23 =	vmul.f32 v13, v24  }
0x445: {  	v12 =	vmul.f32 v12, v12;
	v11 =	vsub.f32 v11, v3;
	v16 =	vsub.f32 v16, v2  }
0x446: {  	v21 =	vmul.f32 v21, v21;
	v23 =	vmul.f32 v13, v23  }
0x447: {  	v17 =	vsub.f32 v17, v4;
	v11 =	vmul.f32 v11, v11;
	v16 =	vmul.f32 v16, v16  }
0x448: {  	v19 =	vmul.f32 v19, v19;
	v22 =	vsub.f32 v22, v7;
	v23 =	vsub.f32 $1.500000000e+00, v23  }
0x449: {  	v17 =	vmul.f32 v17, v17;
	v20 =	vadd.f32 v20, v21;
	v15 =	vsub.f32 v15, v6  }
0x44a: {  	v16 =	vadd.f32 v16, v19;
	v19 =	vmul.f32 v22, v22;
	v13 =	vmul.f32 v13, v23  }
0x44b: {  	v11 =	vadd.f32 v12, v11;
	v12 =	vmul.f32 v15, v15  }
0x44c: {  	v15 =	vadd.f32 v19, v16;
	v16 =	vadd.f32 v17, v20;
	v17 =	vmul.f32 v13, v24  }
0x44d: {  	v11 =	vadd.f32 v12, v11  }
0x44e: {  	v12 =	vmax.f32 v15, $1.000000000e-30;
	v19 =	vmax.f32 v16, $1.000000000e-30;
	v17 =	vmul.f32 v17, v13  }
0x44f: {  	v20 =	vshrl.u32 v12, $0x1;
	v12 =	vmul.f32 $5.000000000e-01, v12;
	v22 =	vshrl.u32 v19, $0x1  }
0x450: {  	v19 =	vmul.f32 $5.000000000e-01, v19;
	v20 =	vsub.s32 $0x5F3759DF, v20;
	v17 =	vsub.f32 $1.500000000e+00, v17  }
0x451: {  	v21 =	vmax.f32 v11, $1.000000000e-30;
	v22 =	vsub.s32 $0x5F3759DF, v22;
	v24 =	vmul.f32 v20, v12  }
0x452: {  	v23 =	vshrl.u32 v21, $0x1;
	v21 =	vmul.f32 $5.000000000e-01, v21;
	v13 =	vmul.f32 v17, v13  }
0x453: {  	v24 =	vmul.f32 v20, v24;
	v17 =	vsub.s32 $0x5F3759DF, v23;
	v23 =	vmul.f32 v22, v19  }
0x454: {  	v25 =	vmul.f32 v17, v21;
	v13 =	vmul.f32 v13, v18  }
0x455: {  	s12 =	simm.s32 $0xB180;
	v18 =	vmul.f32 v22, v23;
	v23 =	vsub.f32 $1.500000000e+00, v24  }
0x456: {  	v24 =	vmul.f32 v17, v25;
	[tilespmem:s12+$0x80] =	vst v13  }
0x457: {  	v13 =	vsub.f32 $1.500000000e+00, v18;
	v18 =	vmul.f32 v20, v23;
	v20 =	vld [tilespmem:s13+$0x90]  }
0x458: {  	v23 =	vsub.f32 $1.500000000e+00, v24  }
0x459: {  	v13 =	vmul.f32 v22, v13;
	v12 =	vmul.f32 v18, v12  }
0x45a: {  	v17 =	vmul.f32 v17, v23  }
0x45b: {  	v19 =	vmul.f32 v13, v19;
	v12 =	vmul.f32 v12, v18  }
0x45c: {  	v21 =	vmul.f32 v17, v21;
	v20 =	vmul.u32 $0x3, v20  }
0x45d: {  	v19 =	vmul.f32 v19, v13;
	v12 =	vsub.f32 $1.500000000e+00, v12  }
0x45e: {  	v21 =	vmul.f32 v21, v17;
	v22 =	vadd.s32 $0x1, v20  }
0x45f: {  	v19 =	vsub.f32 $1.500000000e+00, v19;
	v12 =	vmul.f32 v12, v18  }
0x460: {  	v18 =	vsub.f32 $1.500000000e+00, v21;
	v21 =	vadd.s32 $0x2, v20  }
0x461: {  	v13 =	vmul.f32 v19, v13;
	v12 =	vmul.f32 v12, v15  }
0x462: {  	v15 =	vmul.f32 v18, v17;
	v17 =	vld.idx.msk [tilespmem:v20+s1+$0x0], $0xffff  }
0x463: {  	v13 =	vmul.f32 v13, v16;
	[tilespmem:s12+$0xFFFFFF00] =	vst v12;
	v12 =	vld.idx.msk [tilespmem:v22+s1+$0x0], $0xffff  }
0x464: {  	s15 =	simm.s32 $0x15;
	v11 =	vmul.f32 v15, v11;
	v15 =	vld [tilespmem:s13+$0xFFFFFF10]  }
0x465: {  	s17 =	sand.u32 $0x180, s15;
	[tilespmem:s12+$0xFFFFFF80] =	vst v13;
	v13 =	vld.idx.msk [tilespmem:v21+s1+$0x0], $0xffff  }
0x466: {  	s0 =	sand.u32 $0x7D, s15;
	s2 =	sadd.s32 s17, s31;
	[tilespmem:s12+$0x0] =	vst v11;
	v11 =	vld [tilespmem:s13+$0xFFFFFF90]  }
0x467: {  	s0 =	sadd.s32 s0, s2  }
0x468: {  	v31 =	vld [tilespmem:s0+$0x0];
	v1 =	vsub.f32 v17, v1;
	v0 =	vsub.f32 v12, v0  }
0x469: {  	v16 =	vld [tilespmem:s13+$0x10];
	s13 =	simm.s32 $0x3380;
	v15 =	vmul.u32 $0x3, v15  }
0x46a: {  	v20 =	vld [tilespmem:s13+$0xFFFFFF00];
	v12 =	vsub.f32 v13, v14;
	v1 =	vmul.f32 v1, v1;
	v0 =	vmul.f32 v0, v0  }
0x46b: {  	v23 =	vld [tilespmem:s13+$0xFFFFFF80];
	v14 =	vadd.s32 $0x1, v15;
	v11 =	vmul.u32 $0x3, v11  }
0x46c: {  	s16 =	sadd.s32 $0xC, s26;
	v13 =	vld [tilespmem:s13+$0x80];
	v18 =	vadd.s32 $0x2, v15;
	v0 =	vadd.f32 v0, v1;
	v1 =	vmul.f32 v12, v12  }
0x46d: {  	v19 =	vld [tilespmem:s16+$0x0]  }
0x46e: {  	v16 =	vmul.u32 $0x3, v16;
	v21 =	vadd.s32 $0x1, v11;
	v12 =	vadd.f32 v1, v0;
	v1 =	vld [tilespmem:s13+$0x0]  }
0x46f: {  	v20 =	vmul.u32 $0x3, v20;
	v15 =	vld.idx.msk [tilespmem:v15+s1+$0x0], $0xffff  }
0x470: {  	v23 =	vmul.u32 $0x3, v23;
	v22 =	vadd.s32 $0x1, v16;
	v24 =	vld.idx.msk [tilespmem:v14+s1+$0x0], $0xffff  }
0x471: {  	v17 =	vadd.s32 $0x2, v11;
	v13 =	vmul.u32 $0x3, v13;
	v32 =	vadd.s32 $0x1, v20;
	v18 =	vld.idx.msk [tilespmem:v18+s1+$0x0], $0xffff  }
0x472: {  	v33 =	vadd.s32 $0x2, v20;
	v34 =	vadd.s32 $0x1, v23;
	v57 =	vadd.s32 $0x2, v23;
	v11 =	vld.idx.msk [tilespmem:v11+s1+$0x0], $0xffff  }
0x473: {  	v14 =	vadd.s32 $0x2, v16;
	v0 =	vmax.f32 v12, $1.000000000e-30;
	v25 =	vadd.s32 $0x1, v13;
	v21 =	vld.idx.msk [tilespmem:v21+s1+$0x0], $0xffff  }
0x474: {  	v55 =	vadd.s32 $0x2, v13;
	v26 =	vshrl.u32 v0, $0x1;
	v27 =	vmul.f32 $5.000000000e-01, v0;
	v58 =	vld.idx.msk [tilespmem:v16+s1+$0x0], $0xffff  }
0x475: {  	v0 =	vbroadcast v19, $0x2;
	v16 =	vbroadcast v31, $0x2;
	v26 =	vsub.s32 $0x5F3759DF, v26;
	v22 =	vld.idx.msk [tilespmem:v22+s1+$0x0], $0xffff  }
0x476: {  	v23 =	vld.idx.msk [tilespmem:v23+s1+$0x0], $0xffff;
	v56 =	vmul.f32 v26, v27;
	v30 =	vmul.u32 $0x3, v1;
	v1 =	vbroadcast v19, $0x0  }
0x477: {  	s14 =	simm.s32 $0xC;
	v10 =	vsub.f32 v15, v10;
	v15 =	vbroadcast v31, $0x1;
	v35 =	vld.idx.msk [tilespmem:v13+s1+$0x0], $0xffff;
	v24 =	vsub.f32 v24, v2  }
0x478: {  	s18 =	sand.u32 $0x180, s14;
	v2 =	vbroadcast v19, $0x1;
	v7 =	vsub.f32 v18, v7;
	v13 =	vmul.f32 v26, v56;
	v25 =	vld.idx.msk [tilespmem:v25+s1+$0x0], $0xffff  }
0x479: {  	s21 =	sand.u32 $0x7C, s14;
	s0 =	sadd.s32 s18, s31;
	v29 =	vld.idx.msk [tilespmem:v57+s1+$0x0], $0xffff;
	v36 =	vadd.s32 $0x1, v30;
	v37 =	vadd.s32 $0x2, v30;
	v5 =	vsub.f32 v11, v5  }
0x47a: {  	s19 =	simm.s32 $0x12;
	s0 =	sadd.s32 s21, s0;
	v19 =	vld.idx.msk [tilespmem:v55+s1+$0x0], $0xffff;
	v9 =	vsub.f32 v21, v9;
	v38 =	vsub.f32 $1.500000000e+00, v13;
	v13 =	vbroadcast v31, $0x0  }
0x47b: {  	s20 =	sand.u32 $0x180, s19;
	v21 =	vmul.f32 v24, v24;
	v24 =	vld [tilespmem:s0+$0x0];
	v28 =	vsub.f32 v58, v3;
	v8 =	vsub.f32 v22, v8  }
0x47c: {  	s3 =	sadd.s32 s20, s31;
	s2 =	sand.u32 $0x7E, s19;
	v20 =	vld.idx.msk [tilespmem:v20+s1+$0x0], $0xffff;
	v10 =	vmul.f32 v10, v10;
	v23 =	vsub.f32 v23, v1;
	v35 =	vsub.f32 v35, v13  }
0x47d: {  	s2 =	sadd.s32 s2, s3;
	v59 =	vmul.f32 v9, v9;
	v9 =	vld.idx.msk [tilespmem:v32+s1+$0x0], $0xffff;
	v22 =	vmul.f32 v26, v38;
	v25 =	vsub.f32 v25, v15  }
0x47e: {  	v21 =	vadd.f32 v21, v10;
	v26 =	vld [tilespmem:s2+$0x0];
	v61 =	vmul.f32 v8, v8;
	v60 =	vmul.f32 v35, v35  }
0x47f: {  	v19 =	vsub.f32 v19, v16;
	v3 =	vmul.f32 v22, v27;
	v25 =	vmul.f32 v25, v25  }
0x480: {  	v29 =	vsub.f32 v29, v0;
	v27 =	vld.idx.msk [tilespmem:v34+s1+$0x0], $0xffff;
	v11 =	vbroadcast v24, $0x1;
	v10 =	vbroadcast v24, $0x0  }
0x481: {  	v19 =	vmul.f32 v19, v19;
	v3 =	vmul.f32 v3, v22;
	v8 =	vadd.f32 v25, v60  }
0x482: {  	v62 =	vsub.f32 v9, v11;
	v20 =	vsub.f32 v20, v10;
	v25 =	vmul.f32 v5, v5;
	v5 =	vld.idx.msk [tilespmem:v36+s1+$0x0], $0xffff  }
0x483: {  	v30 =	vld.idx.msk [tilespmem:v30+s1+$0x0], $0xffff;
	v23 =	vmul.f32 v23, v23;
	v9 =	vbroadcast v26, $0x1;
	v19 =	vadd.f32 v19, v8  }
0x484: {  	v33 =	vld.idx.msk [tilespmem:v33+s1+$0x0], $0xffff;
	v63 =	vsub.f32 $1.500000000e+00, v3;
	v32 =	vmul.f32 v62, v62;
	v20 =	vmul.f32 v20, v20  }
0x485: {  	v8 =	vbroadcast v26, $0x0;
	v27 =	vsub.f32 v27, v2;
	v3 =	vmax.f32 v19, $1.000000000e-30  }
0x486: {  	v40 =	vshrl.u32 v3, $0x1;
	v41 =	vmul.f32 $5.000000000e-01, v3;
	v3 =	vbroadcast v26, $0x2;
	v26 =	vld.idx.msk [tilespmem:v37+s1+$0x0], $0xffff  }
0x487: {  	v42 =	vsub.f32 v5, v9;
	v5 =	vbroadcast v24, $0x2;
	v36 =	vsub.s32 $0x5F3759DF, v40  }
0x488: {  	v24 =	vmul.f32 v27, v27;
	v27 =	vsub.f32 v30, v8;
	v43 =	vmul.f32 v36, v41  }
0x489: {  	v29 =	vmul.f32 v29, v29;
	v44 =	vmul.f32 v42, v42;
	v33 =	vsub.f32 v33, v5  }
0x48a: {  	v20 =	vadd.f32 v32, v20;
	v27 =	vmul.f32 v27, v27;
	v32 =	vmul.f32 v36, v43  }
0x48b: {  	v23 =	vadd.f32 v24, v23;
	v24 =	vmul.f32 v33, v33;
	v26 =	vsub.f32 v26, v3  }
0x48c: {  	v27 =	vadd.f32 v44, v27;
	v32 =	vsub.f32 $1.500000000e+00, v32  }
0x48d: {  	v23 =	vadd.f32 v29, v23;
	v20 =	vadd.f32 v24, v20;
	v26 =	vmul.f32 v26, v26  }
0x48e: {  	v24 =	vadd.f32 v59, v25;
	v25 =	vmul.f32 v28, v28;
	v45 =	vmul.f32 v36, v32  }
0x48f: {  	v29 =	vmax.f32 v23, $1.000000000e-30;
	v26 =	vadd.f32 v26, v27;
	v27 =	vmax.f32 v20, $1.000000000e-30  }
0x490: {  	v17 =	vld.idx.msk [tilespmem:v17+s1+$0x0], $0xffff;
	v46 =	vmul.f32 v45, v41;
	v47 =	vshrl.u32 v27, $0x1;
	v27 =	vmul.f32 $5.000000000e-01, v27  }
0x491: {  	v49 =	vshrl.u32 v29, $0x1;
	v29 =	vmul.f32 $5.000000000e-01, v29;
	v31 =	vsub.s32 $0x5F3759DF, v47  }
0x492: {  	v14 =	vld.idx.msk [tilespmem:v14+s1+$0x0], $0xffff;
	v48 =	vmax.f32 v26, $1.000000000e-30;
	v28 =	vmul.f32 v46, v45;
	v50 =	vmul.f32 v31, v27  }
0x493: {  	v33 =	vsub.s32 $0x5F3759DF, v49;
	v51 =	vshrl.u32 v48, $0x1;
	v32 =	vmul.f32 $5.000000000e-01, v48  }
0x494: {  	v36 =	vsub.s32 $0x5F3759DF, v51;
	v28 =	vsub.f32 $1.500000000e+00, v28;
	v34 =	vmul.f32 v31, v50  }
0x495: {  	v4 =	vsub.f32 v17, v4;
	v18 =	vmul.f32 v33, v29;
	v52 =	vmul.f32 v36, v32  }
0x496: {  	v7 =	vmul.f32 v7, v7;
	v28 =	vmul.f32 v28, v45;
	v17 =	vsub.f32 $1.500000000e+00, v34  }
0x497: {  	v6 =	vsub.f32 v14, v6;
	v14 =	vmul.f32 v33, v18;
	v18 =	vmul.f32 v36, v52  }
0x498: {  	v25 =	vadd.f32 v61, v25;
	v19 =	vmul.f32 v28, v19;
	v17 =	vmul.f32 v31, v17  }
0x499: {  	s15 =	simm.s32 $0xB380;
	v6 =	vmul.f32 v6, v6;
	v14 =	vsub.f32 $1.500000000e+00, v14;
	v18 =	vsub.f32 $1.500000000e+00, v18  }
0x49a: {  	[tilespmem:s15+$0x80] =	vst v19;
	v19 =	vmul.f32 v4, v4;
	v4 =	vadd.f32 v7, v21;
	v21 =	vmul.f32 v17, v27  }
0x49b: {  	v22 =	vmul.f32 v63, v22;
	v6 =	vadd.f32 v6, v25;
	v14 =	vmul.f32 v33, v14;
	v53 =	vld [tilespmem:s13+$0x90]  }
0x49c: {  	v27 =	vmul.f32 v36, v18;
	v7 =	vadd.f32 v19, v24;
	v19 =	vmul.f32 v21, v17  }
0x49d: {  	v22 =	vmul.f32 v22, v12;
	v55 =	vmax.f32 v6, $1.000000000e-30;
	v18 =	vmax.f32 v4, $1.000000000e-30  }
0x49e: {  	v21 =	vmul.f32 v14, v29;
	v24 =	vmul.f32 v27, v32;
	v19 =	vsub.f32 $1.500000000e+00, v19  }
0x49f: {  	v54 =	vshrl.u32 v18, $0x1;
	v58 =	vmul.f32 $5.000000000e-01, v18;
	v18 =	vmul.f32 $5.000000000e-01, v55  }
0x4a0: {  	v25 =	vmax.f32 v7, $1.000000000e-30;
	v28 =	vmul.u32 $0x3, v53;
	v17 =	vmul.f32 v19, v17  }
0x4a1: {  	v21 =	vmul.f32 v21, v14;
	v24 =	vmul.f32 v24, v27;
	v29 =	vsub.s32 $0x5F3759DF, v54  }
0x4a2: {  	v56 =	vshrl.u32 v25, $0x1;
	v57 =	vadd.s32 $0x1, v28;
	v17 =	vmul.f32 v17, v20  }
0x4a3: {  	v60 =	vmul.f32 v29, v58;
	v21 =	vsub.f32 $1.500000000e+00, v21;
	v20 =	vadd.s32 $0x2, v28  }
0x4a4: {  	v19 =	vmul.f32 $5.000000000e-01, v25;
	v25 =	vshrl.u32 v55, $0x1;
	v24 =	vsub.f32 $1.500000000e+00, v24;
	[tilespmem:s15+$0xFFFFFF00] =	vst v17  }
0x4a5: {  	v25 =	vsub.s32 $0x5F3759DF, v25;
	v31 =	vmul.f32 v29, v60;
	v14 =	vmul.f32 v21, v14;
	v21 =	vld [tilespmem:s13+$0xFFFFFF10]  }
0x4a6: {  	v59 =	vsub.s32 $0x5F3759DF, v56;
	v62 =	vmul.f32 v25, v18;
	v24 =	vmul.f32 v24, v27;
	v28 =	vld.idx.msk [tilespmem:v28+s1+$0x0], $0xffff  }
0x4a7: {  	v61 =	vmul.f32 v59, v19;
	v12 =	vmul.f32 v14, v23;
	v17 =	vld.idx.msk [tilespmem:v57+s1+$0x0], $0xffff  }
0x4a8: {  	v24 =	vmul.f32 v24, v26;
	v27 =	vld.idx.msk [tilespmem:v20+s1+$0x0], $0xffff;
	v20 =	vmul.f32 v25, v62  }
0x4a9: {  	v34 =	vmul.f32 v59, v61;
	[tilespmem:s15+$0xFFFFFF80] =	vst v12  }
0x4aa: {  	v31 =	vsub.f32 $1.500000000e+00, v31;
	[tilespmem:s15+$0x0] =	vst v24;
	v26 =	vsub.f32 $1.500000000e+00, v20;
	v20 =	vld [tilespmem:s13+$0xFFFFFF90]  }
0x4ab: {  	v23 =	vsub.f32 $1.500000000e+00, v34;
	v24 =	vmul.u32 $0x3, v21;
	v21 =	vld [tilespmem:s13+$0x10]  }
0x4ac: {  	v14 =	vmul.f32 v29, v31  }
0x4ad: {  	v12 =	vmul.f32 v59, v23;
	v23 =	vsub.f32 v28, v13;
	v63 =	vsub.f32 v17, v15  }
0x4ae: {  	v13 =	vmul.f32 v25, v26;
	v15 =	vmul.f32 v14, v58  }
0x4af: {  	s17 =	simm.s32 $0x4;
	s18 =	sadd.s32 $0xC, s16;
	s16 =	simm.s32 $0xB380;
	[tilespmem:s12+$0x90] =	vst v22;
	v16 =	vsub.f32 v27, v16;
	v17 =	vmul.f32 v23, v23;
	v22 =	vmul.f32 v63, v63  }
.LBB2_10:
0x4b0: {  	v25 =	vld [tilespmem:s18+$0x0];
	v26 =	vadd.s32 $0x1, v24;
	v27 =	vmul.u32 $0x3, v20;
	v28 =	vmul.u32 $0x3, v21;
	s13 =	sadd.s32 $0x200, s13  }
0x4b1: {  	s17 =	sadd.s32 $0x4, s17;
	v21 =	vadd.s32 $0x2, v24;
	v29 =	vld [tilespmem:s13+$0x80];
	v17 =	vadd.f32 v22, v17;
	v16 =	vmul.f32 v16, v16  }
0x4b2: {  	p0 =	slt.u32 s17, $0x7C;
	v30 =	vld [tilespmem:s13+$0xFFFFFF00];
	v31 =	vadd.s32 $0x1, v27;
	v23 =	vadd.s32 $0x2, v27;
	v32 =	vadd.s32 $0x1, v28  }
0x4b3: {  	v22 =	vadd.s32 $0x2, v28;
	v33 =	vld [tilespmem:s13+$0xFFFFFF80];
	v34 =	vadd.f32 v16, v17;
	v16 =	vmul.f32 v12, v19  }
0x4b4: {  	v35 =	vmul.f32 v15, v14;
	v15 =	vmul.f32 v13, v18;
	v17 =	vld [tilespmem:s13+$0x0]  }
0x4b5: {  	v20 =	vbroadcast v25, $0x2;
	v26 =	vld.idx.msk [tilespmem:v26+s1+$0x0], $0xffff;
	v19 =	vmax.f32 v34, $1.000000000e-30;
	v18 =	vmul.f32 v16, v12  }
0x4b6: {  	s14 =	sadd.s32 $0xC, s14;
	v16 =	vmul.u32 $0x3, v29;
	v24 =	vld.idx.msk [tilespmem:v24+s1+$0x0], $0xffff;
	v29 =	vshrl.u32 v19, $0x1;
	v36 =	vmul.f32 $5.000000000e-01, v19  }
0x4b7: {  	s0 =	sand.u32 $0x180, s14;
	s2 =	sadd.s32 $0x6, s14;
	s3 =	sadd.s32 $0x9, s14;
	v19 =	vmul.f32 v15, v13;
	v30 =	vmul.u32 $0x3, v30;
	v31 =	vld.idx.msk [tilespmem:v31+s1+$0x0], $0xffff;
	v29 =	vsub.s32 $0x5F3759DF, v29  }
0x4b8: {  	s0 =	sadd.s32 s0, s31;
	s19 =	sand.u32 $0x180, s2;
	s20 =	sand.u32 $0x180, s3;
	v33 =	vmul.u32 $0x3, v33;
	v15 =	vadd.s32 $0x1, v16;
	v32 =	vld.idx.msk [tilespmem:v32+s1+$0x0], $0xffff;
	v37 =	vmul.f32 v29, v36  }
0x4b9: {  	s3 =	sand.u32 $0x7D, s3;
	s19 =	sadd.s32 s19, s31;
	s20 =	sadd.s32 s20, s31;
	v38 =	vadd.s32 $0x1, v30;
	v39 =	vadd.s32 $0x2, v30;
	v40 =	vmul.u32 $0x3, v17;
	v17 =	vld.idx.msk [tilespmem:v27+s1+$0x0], $0xffff  }
0x4ba: {  	s21 =	sand.u32 $0x7C, s14;
	s2 =	sand.u32 $0x7E, s2;
	s3 =	sadd.s32 s3, s20;
	v41 =	vadd.s32 $0x2, v16;
	v27 =	vadd.s32 $0x1, v33;
	v28 =	vld.idx.msk [tilespmem:v28+s1+$0x0], $0xffff;
	v37 =	vmul.f32 v29, v37  }
0x4bb: {  	s0 =	sadd.s32 s21, s0;
	s2 =	sadd.s32 s2, s19;
	v42 =	vadd.s32 $0x2, v33;
	v43 =	vadd.s32 $0x1, v40;
	v44 =	vadd.s32 $0x2, v40;
	v45 =	vld [tilespmem:s3+$0x0]  }
0x4bc: {  	v46 =	vbroadcast v25, $0x0;
	v11 =	vsub.f32 v26, v11;
	v47 =	vld.idx.msk [tilespmem:v16+s1+$0x0], $0xffff;
	v16 =	vsub.f32 $1.500000000e+00, v37  }
0x4bd: {  	v10 =	vsub.f32 v24, v10;
	v26 =	vld.idx.msk [tilespmem:v15+s1+$0x0], $0xffff;
	v15 =	vsub.f32 v31, v2;
	v2 =	vbroadcast v25, $0x1  }
0x4be: {  	v11 =	vmul.f32 v11, v11;
	v9 =	vsub.f32 v32, v9;
	v25 =	vld [tilespmem:s2+$0x0];
	v29 =	vmul.f32 v29, v16  }
0x4bf: {  	v10 =	vmul.f32 v10, v10;
	v17 =	vsub.f32 v17, v1;
	v31 =	vld.idx.msk [tilespmem:v41+s1+$0x0], $0xffff;
	v32 =	vmul.f32 v15, v15  }
0x4c0: {  	v1 =	vmovc v46;
	v28 =	vsub.f32 v28, v8;
	v41 =	vmul.f32 v9, v9;
	v37 =	vld [tilespmem:s0+$0x0];
	v8 =	vmul.f32 v29, v36  }
0x4c1: {  	v24 =	vadd.f32 v11, v10;
	v15 =	vbroadcast v45, $0x0;
	v16 =	vbroadcast v45, $0x1;
	v36 =	vld.idx.msk [tilespmem:v38+s1+$0x0], $0xffff  }
0x4c2: {  	v35 =	vsub.f32 $1.500000000e+00, v35;
	v11 =	vmul.f32 v17, v17;
	v27 =	vld.idx.msk [tilespmem:v27+s1+$0x0], $0xffff;
	v10 =	vmul.f32 v8, v29  }
0x4c3: {  	v17 =	vbroadcast v45, $0x2;
	v26 =	vsub.f32 v26, v16;
	v38 =	vld.idx.msk [tilespmem:v43+s1+$0x0], $0xffff;
	v43 =	vsub.f32 v47, v15  }
0x4c4: {  	v8 =	vbroadcast v25, $0x0;
	v9 =	vbroadcast v25, $0x1;
	v30 =	vld.idx.msk [tilespmem:v30+s1+$0x0], $0xffff;
	v45 =	vsub.f32 $1.500000000e+00, v10  }
0x4c5: {  	v31 =	vsub.f32 v31, v17;
	v26 =	vmul.f32 v26, v26;
	v33 =	vld.idx.msk [tilespmem:v33+s1+$0x0], $0xffff;
	v43 =	vmul.f32 v43, v43  }
0x4c6: {  	v32 =	vadd.f32 v32, v11;
	v10 =	vbroadcast v37, $0x0;
	v40 =	vld.idx.msk [tilespmem:v40+s1+$0x0], $0xffff;
	v29 =	vmul.f32 v45, v29  }
0x4c7: {  	v11 =	vbroadcast v37, $0x1;
	v31 =	vmul.f32 v31, v31;
	v39 =	vld.idx.msk [tilespmem:v39+s1+$0x0], $0xffff;
	v26 =	vadd.f32 v26, v43  }
0x4c8: {  	v25 =	vbroadcast v25, $0x2;
	v27 =	vsub.f32 v27, v2;
	v42 =	vld.idx.msk [tilespmem:v42+s1+$0x0], $0xffff;
	v29 =	vmul.f32 v29, v34  }
0x4c9: {  	v34 =	vsub.f32 v36, v11;
	v36 =	vbroadcast v37, $0x2;
	v37 =	vld.idx.msk [tilespmem:v44+s1+$0x0], $0xffff;
	v26 =	vadd.f32 v31, v26  }
0x4ca: {  	v30 =	vsub.f32 v30, v10;
	v27 =	vmul.f32 v27, v27;
	v31 =	vsub.f32 v38, v9;
	[tilespmem:s15+$0x90] =	vst v29  }
0x4cb: {  	v29 =	vmul.f32 v34, v34;
	v33 =	vsub.f32 v33, v1;
	v34 =	vmax.f32 v26, $1.000000000e-30;
	v21 =	vld.idx.msk [tilespmem:v21+s1+$0x0], $0xffff  }
0x4cc: {  	v38 =	vsub.f32 v40, v8;
	v40 =	vshrl.u32 v34, $0x1;
	v34 =	vmul.f32 $5.000000000e-01, v34;
	v23 =	vld.idx.msk [tilespmem:v23+s1+$0x0], $0xffff  }
0x4cd: {  	v30 =	vmul.f32 v30, v30;
	v31 =	vmul.f32 v31, v31;
	v40 =	vsub.s32 $0x5F3759DF, v40;
	v22 =	vld.idx.msk [tilespmem:v22+s1+$0x0], $0xffff  }
0x4ce: {  	v39 =	vsub.f32 v39, v36;
	v33 =	vmul.f32 v33, v33;
	v43 =	vmul.f32 v40, v34  }
0x4cf: {  	v42 =	vsub.f32 v42, v20;
	v38 =	vmul.f32 v38, v38;
	v37 =	vsub.f32 v37, v25  }
0x4d0: {  	v29 =	vadd.f32 v29, v30;
	v27 =	vadd.f32 v27, v33;
	v30 =	vmul.f32 v40, v43  }
0x4d1: {  	v33 =	vmul.f32 v39, v39;
	v39 =	vmul.f32 v42, v42;
	v31 =	vadd.f32 v31, v38  }
0x4d2: {  	v28 =	vmul.f32 v28, v28;
	v37 =	vmul.f32 v37, v37;
	v30 =	vsub.f32 $1.500000000e+00, v30  }
0x4d3: {  	v14 =	vmul.f32 v35, v14;
	v29 =	vadd.f32 v33, v29;
	v27 =	vadd.f32 v39, v27  }
0x4d4: {  	v21 =	vsub.f32 v21, v5;
	v5 =	vmovc v36;
	v31 =	vadd.f32 v37, v31;
	v30 =	vmul.f32 v40, v30  }
0x4d5: {  	v23 =	vsub.f32 v23, v0;
	v0 =	vmovc v20;
	v33 =	vmax.f32 v29, $1.000000000e-30;
	v35 =	vmax.f32 v27, $1.000000000e-30  }
0x4d6: {  	v20 =	vshrl.u32 v33, $0x1;
	v36 =	vmax.f32 v31, $1.000000000e-30;
	v34 =	vmul.f32 v30, v34  }
0x4d7: {  	v33 =	vmul.f32 $5.000000000e-01, v33;
	v37 =	vshrl.u32 v35, $0x1;
	v35 =	vmul.f32 $5.000000000e-01, v35  }
0x4d8: {  	v38 =	vshrl.u32 v36, $0x1;
	v36 =	vmul.f32 $5.000000000e-01, v36;
	v34 =	vmul.f32 v34, v30  }
0x4d9: {  	v20 =	vsub.s32 $0x5F3759DF, v20;
	v37 =	vsub.s32 $0x5F3759DF, v37;
	v38 =	vsub.s32 $0x5F3759DF, v38  }
0x4da: {  	v39 =	vmul.f32 v20, v33;
	v40 =	vmul.f32 v37, v35;
	v34 =	vsub.f32 $1.500000000e+00, v34  }
0x4db: {  	v28 =	vadd.f32 v41, v28;
	v22 =	vsub.f32 v22, v3;
	v3 =	vmovc v25;
	v42 =	vmul.f32 v38, v36  }
0x4dc: {  	v25 =	vmul.f32 v20, v39;
	v30 =	vmul.f32 v34, v30;
	v34 =	vsub.f32 $1.500000000e+00, v18  }
0x4dd: {  	v39 =	vmul.f32 v38, v42;
	v18 =	vmul.f32 v37, v40;
	v40 =	vsub.f32 $1.500000000e+00, v19  }
0x4de: {  	v21 =	vmul.f32 v21, v21;
	v19 =	vsub.f32 $1.500000000e+00, v25;
	v25 =	vmul.f32 v30, v26  }
0x4df: {  	s15 =	sadd.s32 $0x200, s15;
	v23 =	vmul.f32 v23, v23;
	v18 =	vsub.f32 $1.500000000e+00, v18;
	v26 =	vsub.f32 $1.500000000e+00, v39  }
0x4e0: {  	v21 =	vadd.f32 v21, v24;
	v20 =	vmul.f32 v20, v19;
	v19 =	vmul.f32 v22, v22;
	[tilespmem:s15+$0x80] =	vst v25  }
0x4e1: {  	v23 =	vadd.f32 v23, v32;
	v18 =	vmul.f32 v37, v18;
	v22 =	vmul.f32 v38, v26;
	v24 =	vld [tilespmem:s13+$0x90]  }
0x4e2: {  	v25 =	vmul.f32 v20, v33;
	v26 =	vmax.f32 v21, $1.000000000e-30;
	v28 =	vadd.f32 v19, v28  }
0x4e3: {  	v32 =	vmax.f32 v23, $1.000000000e-30;
	v19 =	vmul.f32 v18, v35;
	v30 =	vmul.f32 v22, v36  }
0x4e4: {  	v33 =	vshrl.u32 v26, $0x1;
	v25 =	vmul.f32 v25, v20;
	v35 =	vmax.f32 v28, $1.000000000e-30  }
0x4e5: {  	v36 =	vshrl.u32 v32, $0x1;
	v19 =	vmul.f32 v19, v18;
	v30 =	vmul.f32 v30, v22  }
0x4e6: {  	v26 =	vmul.f32 $5.000000000e-01, v26;
	v25 =	vsub.f32 $1.500000000e+00, v25;
	v24 =	vmul.u32 $0x3, v24  }
0x4e7: {  	v37 =	vsub.f32 $1.500000000e+00, v19;
	v30 =	vsub.f32 $1.500000000e+00, v30;
	v19 =	vmul.f32 $5.000000000e-01, v32  }
0x4e8: {  	v20 =	vmul.f32 v25, v20;
	v32 =	vshrl.u32 v35, $0x1;
	v25 =	vadd.s32 $0x1, v24  }
0x4e9: {  	v37 =	vmul.f32 v37, v18;
	v22 =	vmul.f32 v30, v22;
	v30 =	vsub.s32 $0x5F3759DF, v33  }
0x4ea: {  	v20 =	vmul.f32 v20, v29;
	v29 =	vadd.s32 $0x2, v24;
	v18 =	vmul.f32 $5.000000000e-01, v35  }
0x4eb: {  	v27 =	vmul.f32 v37, v27;
	v22 =	vmul.f32 v22, v31;
	v31 =	vsub.s32 $0x5F3759DF, v36  }
0x4ec: {  	v32 =	vsub.s32 $0x5F3759DF, v32;
	[tilespmem:s15+$0xFFFFFF00] =	vst v20;
	v33 =	vld.idx.msk [tilespmem:v24+s1+$0x0], $0xffff;
	v20 =	vmul.f32 v30, v26;
	v24 =	vmul.f32 v31, v19  }
0x4ed: {  	v12 =	vmul.f32 v34, v12;
	[tilespmem:s15+$0xFFFFFF80] =	vst v27;
	v25 =	vld.idx.msk [tilespmem:v25+s1+$0x0], $0xffff;
	v27 =	vmul.f32 v32, v18  }
0x4ee: {  	v34 =	vld [tilespmem:s13+$0xFFFFFF10];
	[tilespmem:s15+$0x0] =	vst v22;
	v22 =	vmul.f32 v30, v20;
	v24 =	vmul.f32 v31, v24  }
0x4ef: {  	v13 =	vmul.f32 v40, v13;
	v29 =	vld.idx.msk [tilespmem:v29+s1+$0x0], $0xffff;
	v27 =	vmul.f32 v32, v27  }
0x4f0: {  	v35 =	vmul.f32 v14, v4;
	v4 =	vmovc v21;
	v20 =	vld [tilespmem:s13+$0xFFFFFF90];
	v22 =	vsub.f32 $1.500000000e+00, v22;
	v24 =	vsub.f32 $1.500000000e+00, v24  }
.Ltmp4:
0x4f1: {  	v36 =	vmul.f32 v12, v7;
	v37 =	vmul.f32 v13, v6;
	v7 =	vmovc v23;
	v6 =	vmovc v28;
	v21 =	vld [tilespmem:s13+$0x10];
	v27 =	vsub.f32 $1.500000000e+00, v27;
	(pc) =	sbr.rel @p0 .LBB2_10-.Ltmp4, $4  }
0x4f2: {  	v14 =	vmul.f32 v30, v22;
	v12 =	vmul.f32 v31, v24;
	[tilespmem:s12+$0xFFFFFF10] =	vst v35  }
0x4f3: {  	v22 =	vsub.f32 v33, v15;
	v23 =	vsub.f32 v25, v16;
	v24 =	vmul.u32 $0x3, v34;
	[tilespmem:s12+$0xFFFFFF90] =	vst v36  }
0x4f4: {  	v13 =	vmul.f32 v32, v27;
	v15 =	vmul.f32 v14, v26;
	[tilespmem:s12+$0x10] =	vst v37;
	s12 =	smov.u32 s16;
	s16 =	smov.u32 s15  }
0x4f5: {  	s18 =	sadd.s32 $0xC, s18;
	v16 =	vsub.f32 v29, v17;
	v17 =	vmul.f32 v22, v22;
	v22 =	vmul.f32 v23, v23  }
0x4f6: {  	v23 =	vadd.s32 $0x1, v24  }
0x4f7: {  	v20 =	vmul.u32 $0x3, v20;
	v27 =	vadd.s32 $0x2, v24  }
0x4f8: {  	v21 =	vmul.u32 $0x3, v21;
	_ =	sdelay $0x1  }
0x4f9: {  	v24 =	vld.idx.msk [tilespmem:v24+s1+$0x0], $0xffff;
	v25 =	vadd.s32 $0x1, v20  }
0x4fa: {  	v17 =	vadd.f32 v22, v17;
	v16 =	vmul.f32 v16, v16;
	v26 =	vadd.s32 $0x1, v21;
	v23 =	vld.idx.msk [tilespmem:v23+s1+$0x0], $0xffff  }
0x4fb: {  	v22 =	vadd.s32 $0x2, v20;
	v27 =	vld.idx.msk [tilespmem:v27+s1+$0x0], $0xffff  }
0x4fc: {  	v28 =	vadd.s32 $0x2, v21;
	v16 =	vadd.f32 v16, v17;
	v17 =	vld.idx.msk [tilespmem:v20+s1+$0x0], $0xffff  }
0x4fd: {  	v20 =	vld.idx.msk [tilespmem:v21+s1+$0x0], $0xffff  }
0x4fe: {  	v25 =	vld.idx.msk [tilespmem:v25+s1+$0x0], $0xffff  }
0x4ff: {  	v26 =	vld.idx.msk [tilespmem:v26+s1+$0x0], $0xffff  }
0x500: {  	v10 =	vsub.f32 v24, v10;
	v21 =	vmax.f32 v16, $1.000000000e-30;
	v22 =	vld.idx.msk [tilespmem:v22+s1+$0x0], $0xffff  }
0x501: {  	v29 =	vshrl.u32 v21, $0x1;
	v21 =	vmul.f32 $5.000000000e-01, v21;
	v24 =	vld.idx.msk [tilespmem:v28+s1+$0x0], $0xffff  }
0x502: {  	v10 =	vmul.f32 v10, v10;
	v11 =	vsub.f32 v23, v11;
	v5 =	vsub.f32 v27, v5  }
0x503: {  	v23 =	vsub.s32 $0x5F3759DF, v29;
	v1 =	vsub.f32 v17, v1;
	v8 =	vsub.f32 v20, v8  }
0x504: {  	v2 =	vsub.f32 v25, v2;
	v25 =	vmul.f32 v23, v21;
	v11 =	vmul.f32 v11, v11  }
0x505: {  	v9 =	vsub.f32 v26, v9;
	v0 =	vsub.f32 v22, v0;
	v5 =	vmul.f32 v5, v5  }
0x506: {  	v3 =	vsub.f32 v24, v3;
	v1 =	vmul.f32 v1, v1;
	v2 =	vmul.f32 v2, v2  }
0x507: {  	v8 =	vmul.f32 v8, v8;
	v9 =	vmul.f32 v9, v9;
	v10 =	vadd.f32 v11, v10  }
0x508: {  	v11 =	vmul.f32 v23, v25;
	v0 =	vmul.f32 v0, v0;
	v1 =	vadd.f32 v2, v1  }
0x509: {  	v3 =	vmul.f32 v3, v3;
	v2 =	vadd.f32 v9, v8;
	v5 =	vadd.f32 v5, v10  }
0x50a: {  	v8 =	vmul.f32 v12, v19;
	v9 =	vsub.f32 $1.500000000e+00, v11;
	v0 =	vadd.f32 v0, v1  }
0x50b: {  	v1 =	vmul.f32 v15, v14;
	v10 =	vmax.f32 v5, $1.000000000e-30;
	v2 =	vadd.f32 v3, v2  }
0x50c: {  	v3 =	vmul.f32 v23, v9;
	v11 =	vshrl.u32 v10, $0x1;
	v10 =	vmul.f32 $5.000000000e-01, v10  }
0x50d: {  	v9 =	vmax.f32 v0, $1.000000000e-30;
	v15 =	vmax.f32 v2, $1.000000000e-30;
	v11 =	vsub.s32 $0x5F3759DF, v11  }
0x50e: {  	v17 =	vshrl.u32 v9, $0x1;
	v9 =	vmul.f32 $5.000000000e-01, v9;
	v19 =	vshrl.u32 v15, $0x1  }
0x50f: {  	v15 =	vmul.f32 $5.000000000e-01, v15;
	v20 =	vmul.f32 v11, v10;
	v17 =	vsub.s32 $0x5F3759DF, v17  }
0x510: {  	v18 =	vmul.f32 v13, v18;
	v19 =	vsub.s32 $0x5F3759DF, v19;
	v22 =	vmul.f32 v17, v9  }
0x511: {  	v23 =	vmul.f32 v19, v15;
	v20 =	vmul.f32 v11, v20  }
0x512: {  	v21 =	vmul.f32 v3, v21;
	v22 =	vmul.f32 v17, v22  }
0x513: {  	v18 =	vmul.f32 v18, v13;
	v23 =	vmul.f32 v19, v23;
	v20 =	vsub.f32 $1.500000000e+00, v20  }
0x514: {  	v1 =	vsub.f32 $1.500000000e+00, v1;
	v21 =	vmul.f32 v21, v3;
	v22 =	vsub.f32 $1.500000000e+00, v22  }
0x515: {  	v8 =	vmul.f32 v8, v12;
	v23 =	vsub.f32 $1.500000000e+00, v23;
	v11 =	vmul.f32 v11, v20  }
0x516: {  	v1 =	vmul.f32 v1, v14;
	v21 =	vsub.f32 $1.500000000e+00, v21;
	v17 =	vmul.f32 v17, v22  }
0x517: {  	v10 =	vmul.f32 v11, v10;
	v19 =	vmul.f32 v19, v23  }
0x518: {  	v8 =	vsub.f32 $1.500000000e+00, v8;
	v3 =	vmul.f32 v21, v3;
	v9 =	vmul.f32 v17, v9  }
0x519: {  	v10 =	vmul.f32 v10, v11;
	v15 =	vmul.f32 v19, v15  }
0x51a: {  	v14 =	vsub.f32 $1.500000000e+00, v18;
	v8 =	vmul.f32 v8, v12;
	v9 =	vmul.f32 v9, v17  }
0x51b: {  	v3 =	vmul.f32 v3, v16;
	v12 =	vmul.f32 v15, v19;
	v10 =	vsub.f32 $1.500000000e+00, v10  }
0x51c: {  	v13 =	vmul.f32 v14, v13;
	v1 =	vmul.f32 v1, v4;
	v4 =	vsub.f32 $1.500000000e+00, v9  }
0x51d: {  	[tilespmem:s15+$0x90] =	vst v3;
	v3 =	vmul.f32 v8, v7;
	v7 =	vmul.f32 v10, v11;
	v8 =	vsub.f32 $1.500000000e+00, v12  }
0x51e: {  	v6 =	vmul.f32 v13, v6;
	[tilespmem:s12+$0xFFFFFF10] =	vst v1;
	v1 =	vmul.f32 v4, v17  }
0x51f: {  	[tilespmem:s12+$0xFFFFFF90] =	vst v3;
	v3 =	vmul.f32 v8, v19;
	v4 =	vmul.f32 v7, v5  }
0x520: {  	[tilespmem:s12+$0x10] =	vst v6;
	v0 =	vmul.f32 v1, v0  }
0x521: {  	v1 =	vmul.f32 v3, v2;
	[tilespmem:s16+$0xFFFFFF10] =	vst v4  }
0x522: {  	[tilespmem:s16+$0xFFFFFF90] =	vst v0  }
0x523: {  	[tilespmem:s16+$0x10] =	vst v1  }
0x524: {  	s0 =	simm.s32 $0x0;
	s2 =	rddreg [dreg:$0xe]  }
0x525: {  	[hbm4b:s2+s0] =	stream.linear.scatter [tilespmem:s5], [sflag:$0x4], $0x4000, $0x38;
	[tilespmem:$0x13080] =	vst v63  }
0x526: {  	s3 =	simm.s32 $0x3080;
	s14 =	rddreg [dreg:$0xf]  }
0x527: {  	[tilespmem:s3], [sflag:$0x2] =	stream.linear.gather [hbm4b:s14+s0], $0x4000, $0x38;
	[tilespmem:$0x13080] =	vst v63  }
0x528: {  	_ =	swait.ge [sflag:s7], $0x4000  }
0x529: {  	[sflag:s7] =	ssyncset.done $0x0  }
0x52a: {  	[sflag:s7] =	ssyncadd.s32 $0xFFFFC000  }
0x52b: {  	_ =	swait.ge [sflag:s10], $0x4000  }
0x52c: {  	[sflag:s10] =	ssyncset.done $0x0  }
0x52d: {  	s13 =	simm.s32 $0x7180;
	[sflag:s10] =	ssyncadd.s32 $0xFFFFC000  }
0x52e: {  	v0 =	vld [tilespmem:s13+$0x80];
	_ =	sdelay $0x4  }
0x52f: {  	v0 =	vmul.u32 $0x3, v0  }
0x530: {  	s15 =	sadd.s32 $0x0, s6  }
0x531: {  	s17 =	sadd.s32 $0x789, s15;
	s16 =	simm.s32 $0x9;
	v1 =	vld [tilespmem:s13+$0xFFFFFF00];
	v2 =	vadd.s32 $0x1, v0  }
0x532: {  	s12 =	sand.u32 $0xFF80, s17;
	s3 =	sand.u32 $0x7D, s16;
	v3 =	vld [tilespmem:s13+$0xFFFFFF80]  }
0x533: {  	s3 =	sor.u32 s3, s12;
	v4 =	vld [tilespmem:s13+$0x0];
	v5 =	vadd.s32 $0x2, v0  }
0x534: {  	v6 =	vld [tilespmem:s3+$0x0]  }
0x535: {  	v7 =	vld.idx.msk [tilespmem:v0+s1+$0x0], $0xffff  }
0x536: {  	v8 =	vmul.u32 $0x3, v1;
	v2 =	vld.idx.msk [tilespmem:v2+s1+$0x0], $0xffff  }
0x537: {  	s19 =	simm.s32 $0x6;
	s2 =	sadd.s32 $0x786, s15;
	v9 =	vmul.u32 $0x3, v3  }
0x538: {  	s20 =	sand.u32 $0x7E, s19;
	s18 =	sadd.s32 $0x780, s15;
	s2 =	sand.u32 $0xFF80, s2;
	v4 =	vmul.u32 $0x3, v4;
	v3 =	vadd.s32 $0x1, v8;
	v5 =	vld.idx.msk [tilespmem:v5+s1+$0x0], $0xffff  }
0x539: {  	s0 =	sand.u32 $0x7C, s0;
	s2 =	sor.u32 s20, s2;
	s3 =	sand.u32 $0xFF80, s18;
	v11 =	vld [tilespmem:s28+$0x0];
	v1 =	vbroadcast v6, $0x0;
	v10 =	vadd.s32 $0x1, v9;
	v0 =	vbroadcast v6, $0x1  }
0x53a: {  	v15 =	vld [tilespmem:s2+$0x0];
	s0 =	sor.u32 s0, s3;
	v12 =	vadd.s32 $0x1, v4  }
0x53b: {  	v13 =	vld [tilespmem:s0+$0x0];
	v14 =	vbroadcast v6, $0x2;
	v7 =	vsub.f32 v7, v1;
	v2 =	vsub.f32 v2, v0  }
0x53c: {  	v20 =	vld.idx.msk [tilespmem:v8+s1+$0x0], $0xffff  }
0x53d: {  	v6 =	vld.idx.msk [tilespmem:v3+s1+$0x0], $0xffff;
	v3 =	vsub.f32 v5, v14;
	v5 =	vmul.f32 v7, v7;
	v2 =	vmul.f32 v2, v2  }
0x53e: {  	v16 =	vld.idx.msk [tilespmem:v10+s1+$0x0], $0xffff;
	v7 =	vadd.s32 $0x2, v8  }
0x53f: {  	v17 =	vadd.s32 $0x2, v9;
	v12 =	vld.idx.msk [tilespmem:v12+s1+$0x0], $0xffff;
	v18 =	vmul.f32 v3, v3;
	v10 =	vadd.f32 v2, v5  }
0x540: {  	v19 =	vadd.s32 $0x2, v4;
	v21 =	vld.idx.msk [tilespmem:v4+s1+$0x0], $0xffff;
	v4 =	vbroadcast v15, $0x0;
	v8 =	vbroadcast v11, $0x1  }
0x541: {  	v3 =	vbroadcast v11, $0x0;
	v2 =	vbroadcast v13, $0x1;
	v18 =	vadd.f32 v18, v10  }
0x542: {  	v5 =	vbroadcast v11, $0x2;
	v11 =	vld.idx.msk [tilespmem:v9+s1+$0x0], $0xffff;
	v9 =	vbroadcast v15, $0x1  }
0x543: {  	v10 =	vbroadcast v13, $0x0;
	v22 =	vld.idx.msk [tilespmem:v7+s1+$0x0], $0xffff;
	v7 =	vsub.f32 v6, v2;
	v6 =	vmax.f32 v18, $1.000000000e-30  }
0x544: {  	v17 =	vld.idx.msk [tilespmem:v17+s1+$0x0], $0xffff;
	v12 =	vsub.f32 v12, v9;
	v23 =	vshrl.u32 v6, $0x1;
	v24 =	vmul.f32 $5.000000000e-01, v6  }
0x545: {  	v16 =	vsub.f32 v16, v8;
	v6 =	vbroadcast v13, $0x2;
	v13 =	vld.idx.msk [tilespmem:v19+s1+$0x0], $0xffff;
	v19 =	vsub.s32 $0x5F3759DF, v23  }
0x546: {  	v20 =	vsub.f32 v20, v10;
	v12 =	vmul.f32 v12, v12;
	v25 =	vmul.f32 v19, v24  }
0x547: {  	v11 =	vsub.f32 v11, v3;
	v23 =	vmul.f32 v7, v7;
	v7 =	vbroadcast v15, $0x2  }
0x548: {  	v15 =	vmul.f32 v16, v16;
	v16 =	vsub.f32 v21, v4;
	v21 =	vmul.f32 v19, v25  }
0x549: {  	v17 =	vsub.f32 v17, v5;
	v20 =	vmul.f32 v20, v20;
	v11 =	vmul.f32 v11, v11  }
0x54a: {  	v22 =	vsub.f32 v22, v6;
	v16 =	vmul.f32 v16, v16;
	v21 =	vsub.f32 $1.500000000e+00, v21  }
0x54b: {  	v20 =	vadd.f32 v23, v20;
	v11 =	vadd.f32 v15, v11;
	v15 =	vmul.f32 v17, v17  }
0x54c: {  	v22 =	vmul.f32 v22, v22;
	v13 =	vsub.f32 v13, v7;
	v17 =	vmul.f32 v19, v21  }
0x54d: {  	v12 =	vadd.f32 v12, v16;
	v11 =	vadd.f32 v15, v11  }
0x54e: {  	v16 =	vadd.f32 v22, v20;
	v13 =	vmul.f32 v13, v13;
	v15 =	vmul.f32 v17, v24  }
0x54f: {  	v19 =	vmax.f32 v11, $1.000000000e-30  }
0x550: {  	v12 =	vadd.f32 v13, v12;
	v13 =	vmax.f32 v16, $1.000000000e-30;
	v15 =	vmul.f32 v15, v17  }
0x551: {  	v22 =	vshrl.u32 v19, $0x1;
	v20 =	vshrl.u32 v13, $0x1;
	v13 =	vmul.f32 $5.000000000e-01, v13  }
0x552: {  	v19 =	vmul.f32 $5.000000000e-01, v19;
	v20 =	vsub.s32 $0x5F3759DF, v20;
	v15 =	vsub.f32 $1.500000000e+00, v15  }
0x553: {  	v22 =	vsub.s32 $0x5F3759DF, v22;
	v21 =	vmax.f32 v12, $1.000000000e-30;
	v24 =	vmul.f32 v20, v13  }
0x554: {  	v23 =	vshrl.u32 v21, $0x1;
	v21 =	vmul.f32 $5.000000000e-01, v21;
	v15 =	vmul.f32 v15, v17  }
0x555: {  	v24 =	vmul.f32 v20, v24;
	v17 =	vsub.s32 $0x5F3759DF, v23;
	v23 =	vmul.f32 v22, v19  }
0x556: {  	v25 =	vmul.f32 v17, v21;
	v15 =	vmul.f32 v15, v18  }
0x557: {  	s12 =	simm.s32 $0xF180;
	v18 =	vmul.f32 v22, v23;
	v23 =	vsub.f32 $1.500000000e+00, v24  }
0x558: {  	v24 =	vmul.f32 v17, v25;
	[tilespmem:s12+$0x80] =	vst v15  }
0x559: {  	v15 =	vsub.f32 $1.500000000e+00, v18;
	v18 =	vmul.f32 v20, v23;
	v20 =	vld [tilespmem:s13+$0x90]  }
0x55a: {  	v23 =	vsub.f32 $1.500000000e+00, v24  }
0x55b: {  	v15 =	vmul.f32 v22, v15;
	v13 =	vmul.f32 v18, v13  }
0x55c: {  	v17 =	vmul.f32 v17, v23  }
0x55d: {  	v19 =	vmul.f32 v15, v19;
	v13 =	vmul.f32 v13, v18  }
0x55e: {  	v21 =	vmul.f32 v17, v21;
	v20 =	vmul.u32 $0x3, v20  }
0x55f: {  	v19 =	vmul.f32 v19, v15;
	v13 =	vsub.f32 $1.500000000e+00, v13  }
0x560: {  	v21 =	vmul.f32 v21, v17;
	v22 =	vadd.s32 $0x1, v20  }
0x561: {  	v19 =	vsub.f32 $1.500000000e+00, v19;
	v13 =	vmul.f32 v13, v18  }
0x562: {  	v18 =	vsub.f32 $1.500000000e+00, v21;
	v21 =	vadd.s32 $0x2, v20  }
0x563: {  	v15 =	vmul.f32 v19, v15;
	v13 =	vmul.f32 v13, v16  }
0x564: {  	v16 =	vmul.f32 v18, v17;
	v17 =	vld.idx.msk [tilespmem:v20+s1+$0x0], $0xffff  }
0x565: {  	v11 =	vmul.f32 v15, v11;
	[tilespmem:s12+$0xFFFFFF00] =	vst v13;
	v13 =	vld.idx.msk [tilespmem:v22+s1+$0x0], $0xffff  }
0x566: {  	v12 =	vmul.f32 v16, v12;
	v15 =	vld [tilespmem:s13+$0xFFFFFF10]  }
0x567: {  	[tilespmem:s12+$0xFFFFFF80] =	vst v11;
	v11 =	vld.idx.msk [tilespmem:v21+s1+$0x0], $0xffff  }
0x568: {  	[tilespmem:s12+$0x0] =	vst v12;
	v12 =	vld [tilespmem:s13+$0xFFFFFF90]  }
0x569: {  	s21 =	sadd.s32 $0xC, s6  }
0x56a: {  	s17 =	sadd.s32 $0x789, s21;
	s15 =	simm.s32 $0x15;
	v16 =	vld [tilespmem:s13+$0x10];
	s13 =	simm.s32 $0x7380;
	v1 =	vsub.f32 v17, v1;
	v0 =	vsub.f32 v13, v0  }
0x56b: {  	s2 =	sand.u32 $0x7D, s15;
	s3 =	sand.u32 $0xFF80, s17;
	v23 =	vld [tilespmem:s13+$0xFFFFFF80];
	v15 =	vmul.u32 $0x3, v15  }
0x56c: {  	s2 =	sor.u32 s2, s3;
	v13 =	vld [tilespmem:s13+$0x80];
	v11 =	vsub.f32 v11, v14;
	v1 =	vmul.f32 v1, v1;
	v0 =	vmul.f32 v0, v0  }
0x56d: {  	s16 =	sadd.s32 $0xC, s28;
	v31 =	vld [tilespmem:s2+$0x0];
	v14 =	vadd.s32 $0x1, v15;
	v19 =	vmul.u32 $0x3, v12  }
0x56e: {  	v20 =	vld [tilespmem:s16+$0x0];
	v18 =	vadd.s32 $0x2, v15;
	v0 =	vadd.f32 v0, v1;
	v1 =	vmul.f32 v11, v11  }
0x56f: {  	v16 =	vmul.u32 $0x3, v16;
	v11 =	vld [tilespmem:s13+$0xFFFFFF00]  }
0x570: {  	v21 =	vadd.s32 $0x1, v19;
	v23 =	vmul.u32 $0x3, v23;
	v12 =	vadd.f32 v1, v0;
	v1 =	vld [tilespmem:s13+$0x0]  }
0x571: {  	v13 =	vmul.u32 $0x3, v13;
	v15 =	vld.idx.msk [tilespmem:v15+s1+$0x0], $0xffff  }
0x572: {  	v17 =	vadd.s32 $0x2, v19;
	v22 =	vadd.s32 $0x1, v16;
	v34 =	vadd.s32 $0x1, v23;
	v24 =	vld.idx.msk [tilespmem:v14+s1+$0x0], $0xffff  }
0x573: {  	v55 =	vadd.s32 $0x2, v23;
	v25 =	vadd.s32 $0x1, v13;
	v18 =	vld.idx.msk [tilespmem:v18+s1+$0x0], $0xffff;
	v0 =	vmax.f32 v12, $1.000000000e-30  }
0x574: {  	v53 =	vadd.s32 $0x2, v13;
	v19 =	vld.idx.msk [tilespmem:v19+s1+$0x0], $0xffff;
	v26 =	vshrl.u32 v0, $0x1;
	v27 =	vmul.f32 $5.000000000e-01, v0  }
0x575: {  	v11 =	vmul.u32 $0x3, v11;
	v21 =	vld.idx.msk [tilespmem:v21+s1+$0x0], $0xffff;
	v0 =	vbroadcast v20, $0x2;
	v26 =	vsub.s32 $0x5F3759DF, v26  }
0x576: {  	v14 =	vadd.s32 $0x2, v16;
	v56 =	vld.idx.msk [tilespmem:v16+s1+$0x0], $0xffff;
	v16 =	vbroadcast v31, $0x2;
	v54 =	vmul.f32 v26, v27  }
0x577: {  	v30 =	vmul.u32 $0x3, v1;
	v32 =	vadd.s32 $0x1, v11;
	v33 =	vadd.s32 $0x2, v11;
	v35 =	vld.idx.msk [tilespmem:v13+s1+$0x0], $0xffff  }
0x578: {  	v1 =	vbroadcast v20, $0x0;
	v10 =	vsub.f32 v15, v10;
	v15 =	vbroadcast v31, $0x1;
	v25 =	vld.idx.msk [tilespmem:v25+s1+$0x0], $0xffff  }
0x579: {  	s19 =	sadd.s32 $0x780, s21;
	s14 =	simm.s32 $0xC;
	v22 =	vld.idx.msk [tilespmem:v22+s1+$0x0], $0xffff;
	v24 =	vsub.f32 v24, v2;
	v2 =	vbroadcast v20, $0x1;
	v13 =	vmul.f32 v26, v54  }
0x57a: {  	s18 =	sand.u32 $0x7C, s14;
	s3 =	sand.u32 $0xFF80, s19;
	v20 =	vld.idx.msk [tilespmem:v53+s1+$0x0], $0xffff;
	v6 =	vsub.f32 v18, v6;
	v36 =	vadd.s32 $0x1, v30;
	v57 =	vmul.f32 v10, v10  }
0x57b: {  	s2 =	sor.u32 s18, s3;
	v23 =	vld.idx.msk [tilespmem:v23+s1+$0x0], $0xffff;
	v3 =	vsub.f32 v19, v3;
	v38 =	vsub.f32 $1.500000000e+00, v13;
	v13 =	vbroadcast v31, $0x0  }
0x57c: {  	s20 =	simm.s32 $0x12;
	s0 =	sadd.s32 $0x786, s21;
	v8 =	vsub.f32 v21, v8;
	v21 =	vld [tilespmem:s2+$0x0];
	v24 =	vmul.f32 v24, v24;
	v28 =	vsub.f32 v56, v4  }
0x57d: {  	s21 =	sand.u32 $0x7E, s20;
	s0 =	sand.u32 $0xFF80, s0;
	v11 =	vld.idx.msk [tilespmem:v11+s1+$0x0], $0xffff;
	v61 =	vmul.f32 v3, v3;
	v35 =	vsub.f32 v35, v13;
	v25 =	vsub.f32 v25, v15  }
0x57e: {  	s0 =	sor.u32 s21, s0;
	v9 =	vsub.f32 v22, v9;
	v19 =	vmul.f32 v8, v8;
	v8 =	vld.idx.msk [tilespmem:v32+s1+$0x0], $0xffff;
	v22 =	vmul.f32 v26, v38  }
0x57f: {  	v26 =	vld [tilespmem:s0+$0x0];
	v20 =	vsub.f32 v20, v16;
	v58 =	vmul.f32 v35, v35;
	v25 =	vmul.f32 v25, v25  }
0x580: {  	v29 =	vld.idx.msk [tilespmem:v55+s1+$0x0], $0xffff;
	v23 =	vsub.f32 v23, v1;
	v59 =	vmul.f32 v9, v9;
	v4 =	vmul.f32 v22, v27  }
0x581: {  	v27 =	vld.idx.msk [tilespmem:v34+s1+$0x0], $0xffff;
	v10 =	vbroadcast v21, $0x1;
	v20 =	vmul.f32 v20, v20;
	v25 =	vadd.f32 v25, v58  }
0x582: {  	v37 =	vadd.s32 $0x2, v30;
	v9 =	vbroadcast v21, $0x0;
	v4 =	vmul.f32 v4, v22  }
0x583: {  	v33 =	vld.idx.msk [tilespmem:v33+s1+$0x0], $0xffff;
	v23 =	vmul.f32 v23, v23;
	v3 =	vsub.f32 v8, v10;
	v20 =	vadd.f32 v20, v25  }
0x584: {  	v60 =	vld.idx.msk [tilespmem:v36+s1+$0x0], $0xffff;
	v8 =	vbroadcast v26, $0x0;
	v25 =	vsub.f32 $1.500000000e+00, v4;
	v4 =	vsub.f32 v11, v9  }
0x585: {  	v29 =	vsub.f32 v29, v0;
	v30 =	vld.idx.msk [tilespmem:v30+s1+$0x0], $0xffff;
	v11 =	vbroadcast v26, $0x1;
	v62 =	vmul.f32 v3, v3  }
0x586: {  	v27 =	vsub.f32 v27, v2;
	v3 =	vmax.f32 v20, $1.000000000e-30;
	v4 =	vmul.f32 v4, v4  }
0x587: {  	v63 =	vshrl.u32 v3, $0x1;
	v40 =	vmul.f32 $5.000000000e-01, v3;
	v3 =	vbroadcast v21, $0x2;
	v21 =	vld.idx.msk [tilespmem:v37+s1+$0x0], $0xffff  }
0x588: {  	v36 =	vsub.s32 $0x5F3759DF, v63;
	v34 =	vadd.f32 v62, v4;
	v4 =	vbroadcast v26, $0x2  }
0x589: {  	v31 =	vsub.f32 v60, v11;
	v26 =	vmul.f32 v27, v27;
	v41 =	vmul.f32 v36, v40  }
0x58a: {  	v29 =	vmul.f32 v29, v29;
	v27 =	vsub.f32 v30, v8;
	v33 =	vsub.f32 v33, v3  }
0x58b: {  	v14 =	vld.idx.msk [tilespmem:v14+s1+$0x0], $0xffff;
	v42 =	vmul.f32 v31, v31;
	v23 =	vadd.f32 v26, v23;
	v43 =	vmul.f32 v36, v41  }
0x58c: {  	v27 =	vmul.f32 v27, v27;
	v26 =	vmul.f32 v33, v33;
	v21 =	vsub.f32 v21, v4  }
0x58d: {  	v6 =	vmul.f32 v6, v6;
	v23 =	vadd.f32 v29, v23;
	v31 =	vsub.f32 $1.500000000e+00, v43  }
0x58e: {  	v22 =	vmul.f32 v25, v22;
	v25 =	vadd.f32 v42, v27;
	v26 =	vadd.f32 v26, v34  }
0x58f: {  	v21 =	vmul.f32 v21, v21;
	v45 =	vmax.f32 v23, $1.000000000e-30;
	v27 =	vmul.f32 v36, v31  }
0x590: {  	v28 =	vmul.f32 v28, v28;
	v7 =	vsub.f32 v14, v7;
	v48 =	vshrl.u32 v45, $0x1  }
0x591: {  	v21 =	vadd.f32 v21, v25;
	v25 =	vmax.f32 v26, $1.000000000e-30;
	v44 =	vmul.f32 v27, v40  }
0x592: {  	v17 =	vld.idx.msk [tilespmem:v17+s1+$0x0], $0xffff;
	v30 =	vmul.f32 $5.000000000e-01, v45;
	v46 =	vshrl.u32 v25, $0x1;
	v25 =	vmul.f32 $5.000000000e-01, v25  }
0x593: {  	v33 =	vsub.s32 $0x5F3759DF, v48;
	v31 =	vsub.s32 $0x5F3759DF, v46;
	v29 =	vmul.f32 v44, v27  }
0x594: {  	v18 =	vmul.f32 v33, v30;
	v47 =	vmax.f32 v21, $1.000000000e-30;
	v49 =	vmul.f32 v31, v25  }
0x595: {  	v50 =	vshrl.u32 v47, $0x1;
	v32 =	vmul.f32 $5.000000000e-01, v47;
	v29 =	vsub.f32 $1.500000000e+00, v29  }
0x596: {  	v14 =	vmul.f32 v33, v18;
	v36 =	vsub.s32 $0x5F3759DF, v50;
	v34 =	vmul.f32 v31, v49  }
0x597: {  	v5 =	vsub.f32 v17, v5;
	v51 =	vmul.f32 v36, v32;
	v27 =	vmul.f32 v29, v27  }
0x598: {  	v22 =	vmul.f32 v22, v12;
	v14 =	vsub.f32 $1.500000000e+00, v14;
	v17 =	vsub.f32 $1.500000000e+00, v34  }
0x599: {  	v24 =	vadd.f32 v24, v57;
	v18 =	vmul.f32 v36, v51;
	v20 =	vmul.f32 v27, v20  }
0x59a: {  	s15 =	simm.s32 $0xF380;
	v19 =	vadd.f32 v19, v61;
	v14 =	vmul.f32 v33, v14;
	v17 =	vmul.f32 v31, v17  }
0x59b: {  	v18 =	vsub.f32 $1.500000000e+00, v18;
	[tilespmem:s15+$0x80] =	vst v20;
	v20 =	vmul.f32 v5, v5;
	v5 =	vadd.f32 v6, v24  }
0x59c: {  	v27 =	vadd.f32 v59, v28;
	v6 =	vmul.f32 v7, v7;
	v24 =	vmul.f32 v17, v25  }
0x59d: {  	v25 =	vmul.f32 v36, v18;
	v52 =	vld [tilespmem:s13+$0x90];
	v7 =	vadd.f32 v20, v19;
	v18 =	vmax.f32 v5, $1.000000000e-30  }
0x59e: {  	v6 =	vadd.f32 v6, v27;
	v19 =	vmul.f32 v24, v17;
	v20 =	vmul.f32 v14, v30  }
0x59f: {  	v24 =	vmul.f32 v25, v32;
	v53 =	vshrl.u32 v18, $0x1;
	v57 =	vmul.f32 $5.000000000e-01, v18  }
0x5a0: {  	v27 =	vmax.f32 v7, $1.000000000e-30;
	v19 =	vsub.f32 $1.500000000e+00, v19;
	v54 =	vmax.f32 v6, $1.000000000e-30  }
0x5a1: {  	v20 =	vmul.f32 v20, v14;
	v24 =	vmul.f32 v24, v25;
	v29 =	vsub.s32 $0x5F3759DF, v53  }
0x5a2: {  	v18 =	vmul.f32 $5.000000000e-01, v54;
	v28 =	vmul.u32 $0x3, v52;
	v17 =	vmul.f32 v19, v17  }
0x5a3: {  	v55 =	vshrl.u32 v27, $0x1;
	v59 =	vmul.f32 v29, v57;
	v19 =	vmul.f32 $5.000000000e-01, v27  }
0x5a4: {  	v24 =	vsub.f32 $1.500000000e+00, v24;
	v56 =	vadd.s32 $0x1, v28;
	v17 =	vmul.f32 v17, v26  }
0x5a5: {  	v58 =	vsub.s32 $0x5F3759DF, v55;
	v20 =	vsub.f32 $1.500000000e+00, v20;
	v26 =	vadd.s32 $0x2, v28  }
0x5a6: {  	v60 =	vmul.f32 v58, v19;
	v24 =	vmul.f32 v24, v25;
	[tilespmem:s15+$0xFFFFFF00] =	vst v17  }
0x5a7: {  	v27 =	vshrl.u32 v54, $0x1;
	v31 =	vmul.f32 v29, v59;
	v14 =	vmul.f32 v20, v14;
	v62 =	vld [tilespmem:s13+$0xFFFFFF10]  }
0x5a8: {  	v27 =	vsub.s32 $0x5F3759DF, v27;
	v20 =	vmul.f32 v58, v60;
	v21 =	vmul.f32 v24, v21;
	v28 =	vld.idx.msk [tilespmem:v28+s1+$0x0], $0xffff  }
0x5a9: {  	v61 =	vmul.f32 v27, v18;
	v12 =	vmul.f32 v14, v23;
	v17 =	vld.idx.msk [tilespmem:v56+s1+$0x0], $0xffff  }
0x5aa: {  	v20 =	vsub.f32 $1.500000000e+00, v20;
	[tilespmem:s15+$0x0] =	vst v21;
	v25 =	vld.idx.msk [tilespmem:v26+s1+$0x0], $0xffff  }
0x5ab: {  	v31 =	vsub.f32 $1.500000000e+00, v31;
	[tilespmem:s15+$0xFFFFFF80] =	vst v12;
	v26 =	vmul.f32 v27, v61;
	v21 =	vld [tilespmem:s13+$0x10]  }
0x5ac: {  	v12 =	vmul.f32 v58, v20;
	v20 =	vld [tilespmem:s13+$0xFFFFFF90]  }
0x5ad: {  	v14 =	vmul.f32 v29, v31;
	v23 =	vsub.f32 $1.500000000e+00, v26  }
0x5ae: {  	v26 =	vsub.f32 v28, v13;
	v63 =	vsub.f32 v17, v15  }
0x5af: {  	v24 =	vmul.u32 $0x3, v62;
	v13 =	vmul.f32 v27, v23;
	v15 =	vmul.f32 v14, v57  }
0x5b0: {  	s17 =	simm.s32 $0x4;
	s18 =	sadd.s32 $0xC, s16;
	s16 =	simm.s32 $0xF380;
	[tilespmem:s12+$0x90] =	vst v22;
	v16 =	vsub.f32 v25, v16;
	v17 =	vmul.f32 v26, v26;
	v22 =	vmul.f32 v63, v63  }
.LBB2_12:
0x5b1: {  	v25 =	vld [tilespmem:s18+$0x0];
	v26 =	vadd.s32 $0x1, v24;
	v27 =	vmul.u32 $0x3, v20;
	v28 =	vmul.u32 $0x3, v21;
	s13 =	sadd.s32 $0x200, s13  }
0x5b2: {  	s17 =	sadd.s32 $0x4, s17;
	v21 =	vadd.s32 $0x2, v24;
	v29 =	vld [tilespmem:s13+$0x80];
	v17 =	vadd.f32 v22, v17;
	v16 =	vmul.f32 v16, v16  }
0x5b3: {  	p0 =	slt.u32 s17, $0x7C;
	v30 =	vld [tilespmem:s13+$0xFFFFFF00];
	v31 =	vadd.s32 $0x1, v27;
	v23 =	vadd.s32 $0x2, v27;
	v32 =	vadd.s32 $0x1, v28  }
0x5b4: {  	v22 =	vadd.s32 $0x2, v28;
	v33 =	vld [tilespmem:s13+$0xFFFFFF80];
	v34 =	vadd.f32 v16, v17;
	v16 =	vmul.f32 v12, v19  }
0x5b5: {  	v35 =	vmul.f32 v15, v14;
	v15 =	vmul.f32 v13, v18;
	v17 =	vld [tilespmem:s13+$0x0]  }
0x5b6: {  	v20 =	vbroadcast v25, $0x2;
	v26 =	vld.idx.msk [tilespmem:v26+s1+$0x0], $0xffff;
	v19 =	vmax.f32 v34, $1.000000000e-30;
	v18 =	vmul.f32 v16, v12  }
0x5b7: {  	s14 =	sadd.s32 $0xC, s14;
	v16 =	vmul.u32 $0x3, v29;
	v24 =	vld.idx.msk [tilespmem:v24+s1+$0x0], $0xffff;
	v29 =	vshrl.u32 v19, $0x1;
	v36 =	vmul.f32 $5.000000000e-01, v19  }
0x5b8: {  	s0 =	sadd.s32 s14, s6;
	s2 =	sand.u32 $0x7C, s14;
	s3 =	sadd.s32 $0x6, s14;
	v19 =	vmul.f32 v15, v13;
	v30 =	vmul.u32 $0x3, v30;
	v31 =	vld.idx.msk [tilespmem:v31+s1+$0x0], $0xffff;
	v29 =	vsub.s32 $0x5F3759DF, v29  }
0x5b9: {  	s20 =	sadd.s32 $0x9, s14;
	s19 =	sadd.s32 $0x780, s0;
	s21 =	sadd.s32 $0x789, s0;
	v33 =	vmul.u32 $0x3, v33;
	v15 =	vadd.s32 $0x1, v16;
	v32 =	vld.idx.msk [tilespmem:v32+s1+$0x0], $0xffff;
	v37 =	vmul.f32 v29, v36  }
0x5ba: {  	s0 =	sadd.s32 $0x786, s0;
	s20 =	sand.u32 $0x7D, s20;
	s21 =	sand.u32 $0xFF80, s21;
	v38 =	vadd.s32 $0x1, v30;
	v39 =	vadd.s32 $0x2, v30;
	v40 =	vmul.u32 $0x3, v17;
	v17 =	vld.idx.msk [tilespmem:v27+s1+$0x0], $0xffff  }
0x5bb: {  	s19 =	sand.u32 $0xFF80, s19;
	s0 =	sand.u32 $0xFF80, s0;
	s20 =	sor.u32 s20, s21;
	v41 =	vadd.s32 $0x2, v16;
	v27 =	vadd.s32 $0x1, v33;
	v28 =	vld.idx.msk [tilespmem:v28+s1+$0x0], $0xffff;
	v37 =	vmul.f32 v29, v37  }
0x5bc: {  	s3 =	sand.u32 $0x7E, s3;
	s2 =	sor.u32 s2, s19;
	v42 =	vadd.s32 $0x2, v33;
	v43 =	vadd.s32 $0x1, v40;
	v44 =	vadd.s32 $0x2, v40;
	v45 =	vld [tilespmem:s20+$0x0]  }
0x5bd: {  	s0 =	sor.u32 s3, s0;
	v46 =	vbroadcast v25, $0x0;
	v10 =	vsub.f32 v26, v10;
	v47 =	vld.idx.msk [tilespmem:v16+s1+$0x0], $0xffff;
	v16 =	vsub.f32 $1.500000000e+00, v37  }
0x5be: {  	v9 =	vsub.f32 v24, v9;
	v26 =	vld.idx.msk [tilespmem:v15+s1+$0x0], $0xffff;
	v15 =	vsub.f32 v31, v2;
	v2 =	vbroadcast v25, $0x1  }
0x5bf: {  	v10 =	vmul.f32 v10, v10;
	v11 =	vsub.f32 v32, v11;
	v25 =	vld [tilespmem:s2+$0x0];
	v29 =	vmul.f32 v29, v16  }
0x5c0: {  	v9 =	vmul.f32 v9, v9;
	v17 =	vsub.f32 v17, v1;
	v31 =	vld.idx.msk [tilespmem:v41+s1+$0x0], $0xffff;
	v32 =	vmul.f32 v15, v15  }
0x5c1: {  	v1 =	vmovc v46;
	v28 =	vsub.f32 v28, v8;
	v41 =	vmul.f32 v11, v11;
	v37 =	vld [tilespmem:s0+$0x0];
	v8 =	vmul.f32 v29, v36  }
0x5c2: {  	v24 =	vadd.f32 v10, v9;
	v15 =	vbroadcast v45, $0x0;
	v16 =	vbroadcast v45, $0x1;
	v36 =	vld.idx.msk [tilespmem:v38+s1+$0x0], $0xffff  }
0x5c3: {  	v35 =	vsub.f32 $1.500000000e+00, v35;
	v11 =	vmul.f32 v17, v17;
	v27 =	vld.idx.msk [tilespmem:v27+s1+$0x0], $0xffff;
	v8 =	vmul.f32 v8, v29  }
0x5c4: {  	v17 =	vbroadcast v45, $0x2;
	v26 =	vsub.f32 v26, v16;
	v38 =	vld.idx.msk [tilespmem:v43+s1+$0x0], $0xffff;
	v43 =	vsub.f32 v47, v15  }
0x5c5: {  	v9 =	vbroadcast v25, $0x0;
	v10 =	vbroadcast v25, $0x1;
	v30 =	vld.idx.msk [tilespmem:v30+s1+$0x0], $0xffff;
	v45 =	vsub.f32 $1.500000000e+00, v8  }
0x5c6: {  	v31 =	vsub.f32 v31, v17;
	v26 =	vmul.f32 v26, v26;
	v33 =	vld.idx.msk [tilespmem:v33+s1+$0x0], $0xffff;
	v43 =	vmul.f32 v43, v43  }
0x5c7: {  	v32 =	vadd.f32 v32, v11;
	v8 =	vbroadcast v37, $0x0;
	v40 =	vld.idx.msk [tilespmem:v40+s1+$0x0], $0xffff;
	v29 =	vmul.f32 v45, v29  }
0x5c8: {  	v11 =	vbroadcast v37, $0x1;
	v31 =	vmul.f32 v31, v31;
	v39 =	vld.idx.msk [tilespmem:v39+s1+$0x0], $0xffff;
	v26 =	vadd.f32 v26, v43  }
0x5c9: {  	v36 =	vsub.f32 v36, v10;
	v27 =	vsub.f32 v27, v2;
	v42 =	vld.idx.msk [tilespmem:v42+s1+$0x0], $0xffff;
	v29 =	vmul.f32 v29, v34  }
0x5ca: {  	v25 =	vbroadcast v25, $0x2;
	v38 =	vsub.f32 v38, v11;
	v34 =	vld.idx.msk [tilespmem:v44+s1+$0x0], $0xffff;
	v26 =	vadd.f32 v31, v26  }
0x5cb: {  	v30 =	vsub.f32 v30, v9;
	v31 =	vmul.f32 v36, v36;
	v36 =	vbroadcast v37, $0x2;
	v21 =	vld.idx.msk [tilespmem:v21+s1+$0x0], $0xffff;
	[tilespmem:s15+$0x90] =	vst v29  }
0x5cc: {  	v27 =	vmul.f32 v27, v27;
	v29 =	vsub.f32 v33, v1;
	v33 =	vmax.f32 v26, $1.000000000e-30;
	v23 =	vld.idx.msk [tilespmem:v23+s1+$0x0], $0xffff  }
0x5cd: {  	v37 =	vsub.f32 v40, v8;
	v40 =	vshrl.u32 v33, $0x1;
	v33 =	vmul.f32 $5.000000000e-01, v33;
	v22 =	vld.idx.msk [tilespmem:v22+s1+$0x0], $0xffff  }
0x5ce: {  	v38 =	vmul.f32 v38, v38;
	v30 =	vmul.f32 v30, v30;
	v40 =	vsub.s32 $0x5F3759DF, v40  }
0x5cf: {  	v39 =	vsub.f32 v39, v25;
	v29 =	vmul.f32 v29, v29;
	v43 =	vmul.f32 v40, v33  }
0x5d0: {  	v42 =	vsub.f32 v42, v20;
	v37 =	vmul.f32 v37, v37;
	v34 =	vsub.f32 v34, v36  }
0x5d1: {  	v30 =	vadd.f32 v31, v30;
	v27 =	vadd.f32 v27, v29;
	v29 =	vmul.f32 v40, v43  }
0x5d2: {  	v31 =	vmul.f32 v39, v39;
	v39 =	vmul.f32 v42, v42;
	v37 =	vadd.f32 v38, v37  }
0x5d3: {  	v28 =	vmul.f32 v28, v28;
	v34 =	vmul.f32 v34, v34;
	v29 =	vsub.f32 $1.500000000e+00, v29  }
0x5d4: {  	v14 =	vmul.f32 v35, v14;
	v30 =	vadd.f32 v31, v30;
	v27 =	vadd.f32 v39, v27  }
0x5d5: {  	v21 =	vsub.f32 v21, v3;
	v3 =	vmovc v25;
	v31 =	vadd.f32 v34, v37;
	v29 =	vmul.f32 v40, v29  }
0x5d6: {  	v23 =	vsub.f32 v23, v0;
	v0 =	vmovc v20;
	v25 =	vmax.f32 v30, $1.000000000e-30;
	v34 =	vmax.f32 v27, $1.000000000e-30  }
0x5d7: {  	v20 =	vshrl.u32 v25, $0x1;
	v35 =	vmax.f32 v31, $1.000000000e-30;
	v33 =	vmul.f32 v29, v33  }
0x5d8: {  	v25 =	vmul.f32 $5.000000000e-01, v25;
	v37 =	vshrl.u32 v34, $0x1;
	v34 =	vmul.f32 $5.000000000e-01, v34  }
0x5d9: {  	v38 =	vshrl.u32 v35, $0x1;
	v35 =	vmul.f32 $5.000000000e-01, v35;
	v33 =	vmul.f32 v33, v29  }
0x5da: {  	v20 =	vsub.s32 $0x5F3759DF, v20;
	v37 =	vsub.s32 $0x5F3759DF, v37;
	v38 =	vsub.s32 $0x5F3759DF, v38  }
0x5db: {  	v39 =	vmul.f32 v20, v25;
	v40 =	vmul.f32 v37, v34;
	v33 =	vsub.f32 $1.500000000e+00, v33  }
0x5dc: {  	v28 =	vadd.f32 v41, v28;
	v22 =	vsub.f32 v22, v4;
	v4 =	vmovc v36;
	v42 =	vmul.f32 v38, v35  }
0x5dd: {  	v36 =	vmul.f32 v20, v39;
	v29 =	vmul.f32 v33, v29;
	v33 =	vsub.f32 $1.500000000e+00, v18  }
0x5de: {  	v39 =	vmul.f32 v38, v42;
	v18 =	vmul.f32 v37, v40;
	v40 =	vsub.f32 $1.500000000e+00, v19  }
0x5df: {  	v21 =	vmul.f32 v21, v21;
	v19 =	vsub.f32 $1.500000000e+00, v36;
	v26 =	vmul.f32 v29, v26  }
0x5e0: {  	s15 =	sadd.s32 $0x200, s15;
	v23 =	vmul.f32 v23, v23;
	v18 =	vsub.f32 $1.500000000e+00, v18;
	v29 =	vsub.f32 $1.500000000e+00, v39  }
0x5e1: {  	v21 =	vadd.f32 v21, v24;
	v20 =	vmul.f32 v20, v19;
	v19 =	vmul.f32 v22, v22;
	[tilespmem:s15+$0x80] =	vst v26  }
0x5e2: {  	v23 =	vadd.f32 v23, v32;
	v18 =	vmul.f32 v37, v18;
	v22 =	vmul.f32 v38, v29;
	v24 =	vld [tilespmem:s13+$0x90]  }
0x5e3: {  	v25 =	vmul.f32 v20, v25;
	v26 =	vmax.f32 v21, $1.000000000e-30;
	v28 =	vadd.f32 v19, v28  }
0x5e4: {  	v32 =	vmax.f32 v23, $1.000000000e-30;
	v19 =	vmul.f32 v18, v34;
	v29 =	vmul.f32 v22, v35  }
0x5e5: {  	v25 =	vmul.f32 v25, v20;
	v34 =	vshrl.u32 v26, $0x1;
	v35 =	vmax.f32 v28, $1.000000000e-30  }
0x5e6: {  	v36 =	vshrl.u32 v32, $0x1;
	v19 =	vmul.f32 v19, v18;
	v29 =	vmul.f32 v29, v22  }
0x5e7: {  	v26 =	vmul.f32 $5.000000000e-01, v26;
	v25 =	vsub.f32 $1.500000000e+00, v25;
	v24 =	vmul.u32 $0x3, v24  }
0x5e8: {  	v37 =	vsub.f32 $1.500000000e+00, v19;
	v29 =	vsub.f32 $1.500000000e+00, v29;
	v19 =	vmul.f32 $5.000000000e-01, v32  }
0x5e9: {  	v20 =	vmul.f32 v25, v20;
	v32 =	vshrl.u32 v35, $0x1;
	v25 =	vadd.s32 $0x1, v24  }
0x5ea: {  	v37 =	vmul.f32 v37, v18;
	v22 =	vmul.f32 v29, v22;
	v29 =	vsub.s32 $0x5F3759DF, v34  }
0x5eb: {  	v20 =	vmul.f32 v20, v30;
	v30 =	vadd.s32 $0x2, v24;
	v18 =	vmul.f32 $5.000000000e-01, v35  }
0x5ec: {  	v27 =	vmul.f32 v37, v27;
	v22 =	vmul.f32 v22, v31;
	v31 =	vsub.s32 $0x5F3759DF, v36  }
0x5ed: {  	v32 =	vsub.s32 $0x5F3759DF, v32;
	[tilespmem:s15+$0xFFFFFF00] =	vst v20;
	v34 =	vld.idx.msk [tilespmem:v24+s1+$0x0], $0xffff;
	v20 =	vmul.f32 v29, v26;
	v24 =	vmul.f32 v31, v19  }
0x5ee: {  	v12 =	vmul.f32 v33, v12;
	[tilespmem:s15+$0xFFFFFF80] =	vst v27;
	v25 =	vld.idx.msk [tilespmem:v25+s1+$0x0], $0xffff;
	v27 =	vmul.f32 v32, v18  }
0x5ef: {  	v33 =	vld [tilespmem:s13+$0xFFFFFF10];
	[tilespmem:s15+$0x0] =	vst v22;
	v22 =	vmul.f32 v29, v20;
	v24 =	vmul.f32 v31, v24  }
0x5f0: {  	v13 =	vmul.f32 v40, v13;
	v30 =	vld.idx.msk [tilespmem:v30+s1+$0x0], $0xffff;
	v27 =	vmul.f32 v32, v27  }
0x5f1: {  	v35 =	vmul.f32 v14, v5;
	v5 =	vmovc v21;
	v20 =	vld [tilespmem:s13+$0xFFFFFF90];
	v22 =	vsub.f32 $1.500000000e+00, v22;
	v24 =	vsub.f32 $1.500000000e+00, v24  }
.Ltmp5:
0x5f2: {  	v36 =	vmul.f32 v12, v7;
	v37 =	vmul.f32 v13, v6;
	v7 =	vmovc v23;
	v6 =	vmovc v28;
	v21 =	vld [tilespmem:s13+$0x10];
	v27 =	vsub.f32 $1.500000000e+00, v27;
	(pc) =	sbr.rel @p0 .LBB2_12-.Ltmp5, $4  }
0x5f3: {  	v14 =	vmul.f32 v29, v22;
	v12 =	vmul.f32 v31, v24;
	[tilespmem:s12+$0xFFFFFF10] =	vst v35  }
0x5f4: {  	v22 =	vsub.f32 v34, v15;
	v23 =	vsub.f32 v25, v16;
	v24 =	vmul.u32 $0x3, v33;
	[tilespmem:s12+$0xFFFFFF90] =	vst v36  }
0x5f5: {  	v13 =	vmul.f32 v32, v27;
	v15 =	vmul.f32 v14, v26;
	[tilespmem:s12+$0x10] =	vst v37;
	s12 =	smov.u32 s16;
	s16 =	smov.u32 s15  }
0x5f6: {  	s18 =	sadd.s32 $0xC, s18;
	v16 =	vsub.f32 v30, v17;
	v17 =	vmul.f32 v22, v22;
	v22 =	vmul.f32 v23, v23  }
0x5f7: {  	v23 =	vadd.s32 $0x1, v24  }
0x5f8: {  	v20 =	vmul.u32 $0x3, v20;
	v27 =	vadd.s32 $0x2, v24  }
0x5f9: {  	v21 =	vmul.u32 $0x3, v21;
	_ =	sdelay $0x1  }
0x5fa: {  	v24 =	vld.idx.msk [tilespmem:v24+s1+$0x0], $0xffff;
	v25 =	vadd.s32 $0x1, v20  }
0x5fb: {  	v17 =	vadd.f32 v22, v17;
	v16 =	vmul.f32 v16, v16;
	v26 =	vadd.s32 $0x1, v21;
	v23 =	vld.idx.msk [tilespmem:v23+s1+$0x0], $0xffff  }
0x5fc: {  	v22 =	vadd.s32 $0x2, v20;
	v27 =	vld.idx.msk [tilespmem:v27+s1+$0x0], $0xffff  }
0x5fd: {  	v28 =	vadd.s32 $0x2, v21;
	v16 =	vadd.f32 v16, v17;
	v17 =	vld.idx.msk [tilespmem:v20+s1+$0x0], $0xffff  }
0x5fe: {  	v20 =	vld.idx.msk [tilespmem:v21+s1+$0x0], $0xffff  }
0x5ff: {  	v25 =	vld.idx.msk [tilespmem:v25+s1+$0x0], $0xffff  }
0x600: {  	v26 =	vld.idx.msk [tilespmem:v26+s1+$0x0], $0xffff  }
0x601: {  	v9 =	vsub.f32 v24, v9;
	v21 =	vmax.f32 v16, $1.000000000e-30;
	v22 =	vld.idx.msk [tilespmem:v22+s1+$0x0], $0xffff  }
0x602: {  	v29 =	vshrl.u32 v21, $0x1;
	v21 =	vmul.f32 $5.000000000e-01, v21;
	v24 =	vld.idx.msk [tilespmem:v28+s1+$0x0], $0xffff  }
0x603: {  	v9 =	vmul.f32 v9, v9;
	v10 =	vsub.f32 v23, v10;
	v3 =	vsub.f32 v27, v3  }
0x604: {  	v23 =	vsub.s32 $0x5F3759DF, v29;
	v1 =	vsub.f32 v17, v1;
	v8 =	vsub.f32 v20, v8  }
0x605: {  	v2 =	vsub.f32 v25, v2;
	v25 =	vmul.f32 v23, v21;
	v10 =	vmul.f32 v10, v10  }
0x606: {  	v11 =	vsub.f32 v26, v11;
	v0 =	vsub.f32 v22, v0;
	v3 =	vmul.f32 v3, v3  }
0x607: {  	v4 =	vsub.f32 v24, v4;
	v1 =	vmul.f32 v1, v1;
	v2 =	vmul.f32 v2, v2  }
0x608: {  	v8 =	vmul.f32 v8, v8;
	v11 =	vmul.f32 v11, v11;
	v9 =	vadd.f32 v10, v9  }
0x609: {  	v10 =	vmul.f32 v23, v25;
	v0 =	vmul.f32 v0, v0;
	v1 =	vadd.f32 v2, v1  }
0x60a: {  	v4 =	vmul.f32 v4, v4;
	v2 =	vadd.f32 v11, v8;
	v3 =	vadd.f32 v3, v9  }
0x60b: {  	v8 =	vmul.f32 v12, v19;
	v9 =	vsub.f32 $1.500000000e+00, v10;
	v0 =	vadd.f32 v0, v1  }
0x60c: {  	v1 =	vmul.f32 v15, v14;
	v10 =	vmax.f32 v3, $1.000000000e-30;
	v2 =	vadd.f32 v4, v2  }
0x60d: {  	v4 =	vmul.f32 v23, v9;
	v11 =	vshrl.u32 v10, $0x1;
	v10 =	vmul.f32 $5.000000000e-01, v10  }
0x60e: {  	v9 =	vmax.f32 v0, $1.000000000e-30;
	v15 =	vmax.f32 v2, $1.000000000e-30;
	v11 =	vsub.s32 $0x5F3759DF, v11  }
0x60f: {  	v17 =	vshrl.u32 v9, $0x1;
	v9 =	vmul.f32 $5.000000000e-01, v9;
	v19 =	vshrl.u32 v15, $0x1  }
0x610: {  	v15 =	vmul.f32 $5.000000000e-01, v15;
	v20 =	vmul.f32 v11, v10;
	v17 =	vsub.s32 $0x5F3759DF, v17  }
0x611: {  	v18 =	vmul.f32 v13, v18;
	v19 =	vsub.s32 $0x5F3759DF, v19;
	v22 =	vmul.f32 v17, v9  }
0x612: {  	v23 =	vmul.f32 v19, v15;
	v20 =	vmul.f32 v11, v20  }
0x613: {  	v21 =	vmul.f32 v4, v21;
	v22 =	vmul.f32 v17, v22  }
0x614: {  	v18 =	vmul.f32 v18, v13;
	v23 =	vmul.f32 v19, v23;
	v20 =	vsub.f32 $1.500000000e+00, v20  }
0x615: {  	v1 =	vsub.f32 $1.500000000e+00, v1;
	v21 =	vmul.f32 v21, v4;
	v22 =	vsub.f32 $1.500000000e+00, v22  }
0x616: {  	v8 =	vmul.f32 v8, v12;
	v23 =	vsub.f32 $1.500000000e+00, v23;
	v11 =	vmul.f32 v11, v20  }
0x617: {  	v1 =	vmul.f32 v1, v14;
	v21 =	vsub.f32 $1.500000000e+00, v21;
	v17 =	vmul.f32 v17, v22  }
0x618: {  	v10 =	vmul.f32 v11, v10;
	v19 =	vmul.f32 v19, v23  }
0x619: {  	v8 =	vsub.f32 $1.500000000e+00, v8;
	v4 =	vmul.f32 v21, v4;
	v9 =	vmul.f32 v17, v9  }
0x61a: {  	v10 =	vmul.f32 v10, v11;
	v15 =	vmul.f32 v19, v15  }
0x61b: {  	v14 =	vsub.f32 $1.500000000e+00, v18;
	v8 =	vmul.f32 v8, v12;
	v9 =	vmul.f32 v9, v17  }
0x61c: {  	v4 =	vmul.f32 v4, v16;
	v12 =	vmul.f32 v15, v19;
	v10 =	vsub.f32 $1.500000000e+00, v10  }
0x61d: {  	v13 =	vmul.f32 v14, v13;
	v1 =	vmul.f32 v1, v5;
	v5 =	vsub.f32 $1.500000000e+00, v9  }
0x61e: {  	[tilespmem:s15+$0x90] =	vst v4;
	v4 =	vmul.f32 v8, v7;
	v7 =	vmul.f32 v10, v11;
	v8 =	vsub.f32 $1.500000000e+00, v12  }
0x61f: {  	v6 =	vmul.f32 v13, v6;
	[tilespmem:s12+$0xFFFFFF10] =	vst v1;
	v1 =	vmul.f32 v5, v17  }
0x620: {  	[tilespmem:s12+$0xFFFFFF90] =	vst v4;
	v4 =	vmul.f32 v8, v19;
	v3 =	vmul.f32 v7, v3  }
0x621: {  	[tilespmem:s12+$0x10] =	vst v6;
	v0 =	vmul.f32 v1, v0  }
0x622: {  	v1 =	vmul.f32 v4, v2;
	[tilespmem:s16+$0xFFFFFF10] =	vst v3  }
0x623: {  	[tilespmem:s16+$0xFFFFFF90] =	vst v0  }
0x624: {  	[tilespmem:s16+$0x10] =	vst v1  }
0x625: {  	s0 =	simm.s32 $0x0;
	s2 =	rddreg [dreg:$0x10]  }
0x626: {  	[hbm4b:s2+s0] =	stream.linear.scatter [tilespmem:s8], [sflag:$0x5], $0x4000, $0x38;
	[tilespmem:$0x13080] =	vst v63  }
0x627: {  	s3 =	simm.s32 $0x7080;
	s14 =	rddreg [dreg:$0x11]  }
0x628: {  	[tilespmem:s3], [sflag:$0x3] =	stream.linear.gather [hbm4b:s14+s0], $0x4000, $0x38;
	[tilespmem:$0x13080] =	vst v63  }
0x629: {  	_ =	swait.ge [sflag:s4], $0x4000  }
0x62a: {  	[sflag:s4] =	ssyncset.done $0x0  }
0x62b: {  	[sflag:s4] =	ssyncadd.s32 $0xFFFFC000  }
0x62c: {  	_ =	swait.ge [sflag:s9], $0x4000  }
0x62d: {  	[sflag:s9] =	ssyncset.done $0x0  }
0x62e: {  	s13 =	simm.s32 $0x3180;
	[sflag:s9] =	ssyncadd.s32 $0xFFFFC000  }
0x62f: {  	v0 =	vld [tilespmem:s13+$0x80];
	_ =	sdelay $0x4  }
0x630: {  	v0 =	vmul.u32 $0x3, v0  }
0x631: {  	s15 =	sadd.s32 $0x0, s6  }
0x632: {  	s17 =	sadd.s32 $0x909, s15;
	s16 =	simm.s32 $0x9;
	v1 =	vld [tilespmem:s13+$0xFFFFFF00];
	v2 =	vadd.s32 $0x1, v0  }
0x633: {  	s12 =	sand.u32 $0x7F80, s17;
	s3 =	sand.u32 $0x7D, s16;
	v3 =	vld [tilespmem:s13+$0xFFFFFF80]  }
0x634: {  	s3 =	sor.u32 s3, s12;
	v4 =	vld [tilespmem:s13+$0x0];
	v5 =	vadd.s32 $0x2, v0  }
0x635: {  	v6 =	vld [tilespmem:s3+$0x0]  }
0x636: {  	v7 =	vld.idx.msk [tilespmem:v0+s1+$0x0], $0xffff  }
0x637: {  	v8 =	vmul.u32 $0x3, v1;
	v2 =	vld.idx.msk [tilespmem:v2+s1+$0x0], $0xffff  }
0x638: {  	s19 =	simm.s32 $0x6;
	s2 =	sadd.s32 $0x906, s15;
	v9 =	vmul.u32 $0x3, v3  }
0x639: {  	s20 =	sand.u32 $0x7E, s19;
	s18 =	sadd.s32 $0x900, s15;
	s2 =	sand.u32 $0x7F80, s2;
	v4 =	vmul.u32 $0x3, v4;
	v3 =	vadd.s32 $0x1, v8;
	v5 =	vld.idx.msk [tilespmem:v5+s1+$0x0], $0xffff  }
0x63a: {  	s0 =	sand.u32 $0x7C, s0;
	s2 =	sor.u32 s20, s2;
	s3 =	sand.u32 $0x7F80, s18;
	v11 =	vld [tilespmem:s29+$0x0];
	v1 =	vbroadcast v6, $0x0;
	v10 =	vadd.s32 $0x1, v9;
	v0 =	vbroadcast v6, $0x1  }
0x63b: {  	v15 =	vld [tilespmem:s2+$0x0];
	s0 =	sor.u32 s0, s3;
	v12 =	vadd.s32 $0x1, v4  }
0x63c: {  	v13 =	vld [tilespmem:s0+$0x0];
	v14 =	vbroadcast v6, $0x2;
	v7 =	vsub.f32 v7, v1;
	v2 =	vsub.f32 v2, v0  }
0x63d: {  	v20 =	vld.idx.msk [tilespmem:v8+s1+$0x0], $0xffff  }
0x63e: {  	v6 =	vld.idx.msk [tilespmem:v3+s1+$0x0], $0xffff;
	v3 =	vsub.f32 v5, v14;
	v5 =	vmul.f32 v7, v7;
	v2 =	vmul.f32 v2, v2  }
0x63f: {  	v16 =	vld.idx.msk [tilespmem:v10+s1+$0x0], $0xffff;
	v7 =	vadd.s32 $0x2, v8  }
0x640: {  	v17 =	vadd.s32 $0x2, v9;
	v12 =	vld.idx.msk [tilespmem:v12+s1+$0x0], $0xffff;
	v18 =	vmul.f32 v3, v3;
	v10 =	vadd.f32 v2, v5  }
0x641: {  	v19 =	vadd.s32 $0x2, v4;
	v21 =	vld.idx.msk [tilespmem:v4+s1+$0x0], $0xffff;
	v4 =	vbroadcast v15, $0x0;
	v8 =	vbroadcast v11, $0x1  }
0x642: {  	v3 =	vbroadcast v11, $0x0;
	v2 =	vbroadcast v13, $0x1;
	v18 =	vadd.f32 v18, v10  }
0x643: {  	v5 =	vbroadcast v11, $0x2;
	v11 =	vld.idx.msk [tilespmem:v9+s1+$0x0], $0xffff;
	v9 =	vbroadcast v15, $0x1  }
0x644: {  	v10 =	vbroadcast v13, $0x0;
	v22 =	vld.idx.msk [tilespmem:v7+s1+$0x0], $0xffff;
	v7 =	vsub.f32 v6, v2;
	v6 =	vmax.f32 v18, $1.000000000e-30  }
0x645: {  	v17 =	vld.idx.msk [tilespmem:v17+s1+$0x0], $0xffff;
	v12 =	vsub.f32 v12, v9;
	v23 =	vshrl.u32 v6, $0x1;
	v24 =	vmul.f32 $5.000000000e-01, v6  }
0x646: {  	v16 =	vsub.f32 v16, v8;
	v6 =	vbroadcast v13, $0x2;
	v13 =	vld.idx.msk [tilespmem:v19+s1+$0x0], $0xffff;
	v19 =	vsub.s32 $0x5F3759DF, v23  }
0x647: {  	v20 =	vsub.f32 v20, v10;
	v12 =	vmul.f32 v12, v12;
	v25 =	vmul.f32 v19, v24  }
0x648: {  	v11 =	vsub.f32 v11, v3;
	v23 =	vmul.f32 v7, v7;
	v7 =	vbroadcast v15, $0x2  }
0x649: {  	v15 =	vmul.f32 v16, v16;
	v16 =	vsub.f32 v21, v4;
	v21 =	vmul.f32 v19, v25  }
0x64a: {  	v17 =	vsub.f32 v17, v5;
	v20 =	vmul.f32 v20, v20;
	v11 =	vmul.f32 v11, v11  }
0x64b: {  	v22 =	vsub.f32 v22, v6;
	v16 =	vmul.f32 v16, v16;
	v21 =	vsub.f32 $1.500000000e+00, v21  }
0x64c: {  	v20 =	vadd.f32 v23, v20;
	v11 =	vadd.f32 v15, v11;
	v15 =	vmul.f32 v17, v17  }
0x64d: {  	v22 =	vmul.f32 v22, v22;
	v13 =	vsub.f32 v13, v7;
	v17 =	vmul.f32 v19, v21  }
0x64e: {  	v12 =	vadd.f32 v12, v16;
	v11 =	vadd.f32 v15, v11  }
0x64f: {  	v16 =	vadd.f32 v22, v20;
	v13 =	vmul.f32 v13, v13;
	v15 =	vmul.f32 v17, v24  }
0x650: {  	v19 =	vmax.f32 v11, $1.000000000e-30  }
0x651: {  	v12 =	vadd.f32 v13, v12;
	v13 =	vmax.f32 v16, $1.000000000e-30;
	v15 =	vmul.f32 v15, v17  }
0x652: {  	v22 =	vshrl.u32 v19, $0x1;
	v20 =	vshrl.u32 v13, $0x1;
	v13 =	vmul.f32 $5.000000000e-01, v13  }
0x653: {  	v19 =	vmul.f32 $5.000000000e-01, v19;
	v20 =	vsub.s32 $0x5F3759DF, v20;
	v15 =	vsub.f32 $1.500000000e+00, v15  }
0x654: {  	v22 =	vsub.s32 $0x5F3759DF, v22;
	v21 =	vmax.f32 v12, $1.000000000e-30;
	v24 =	vmul.f32 v20, v13  }
0x655: {  	v23 =	vshrl.u32 v21, $0x1;
	v21 =	vmul.f32 $5.000000000e-01, v21;
	v15 =	vmul.f32 v15, v17  }
0x656: {  	v24 =	vmul.f32 v20, v24;
	v17 =	vsub.s32 $0x5F3759DF, v23;
	v23 =	vmul.f32 v22, v19  }
0x657: {  	v25 =	vmul.f32 v17, v21;
	v15 =	vmul.f32 v15, v18  }
0x658: {  	s12 =	simm.s32 $0xB180;
	v18 =	vmul.f32 v22, v23;
	v23 =	vsub.f32 $1.500000000e+00, v24  }
0x659: {  	v24 =	vmul.f32 v17, v25;
	[tilespmem:s12+$0x80] =	vst v15  }
0x65a: {  	v15 =	vsub.f32 $1.500000000e+00, v18;
	v18 =	vmul.f32 v20, v23;
	v20 =	vld [tilespmem:s13+$0x90]  }
0x65b: {  	v23 =	vsub.f32 $1.500000000e+00, v24  }
0x65c: {  	v15 =	vmul.f32 v22, v15;
	v13 =	vmul.f32 v18, v13  }
0x65d: {  	v17 =	vmul.f32 v17, v23  }
0x65e: {  	v19 =	vmul.f32 v15, v19;
	v13 =	vmul.f32 v13, v18  }
0x65f: {  	v21 =	vmul.f32 v17, v21;
	v20 =	vmul.u32 $0x3, v20  }
0x660: {  	v19 =	vmul.f32 v19, v15;
	v13 =	vsub.f32 $1.500000000e+00, v13  }
0x661: {  	v21 =	vmul.f32 v21, v17;
	v22 =	vadd.s32 $0x1, v20  }
0x662: {  	v19 =	vsub.f32 $1.500000000e+00, v19;
	v13 =	vmul.f32 v13, v18  }
0x663: {  	v18 =	vsub.f32 $1.500000000e+00, v21;
	v21 =	vadd.s32 $0x2, v20  }
0x664: {  	v15 =	vmul.f32 v19, v15;
	v13 =	vmul.f32 v13, v16  }
0x665: {  	v16 =	vmul.f32 v18, v17;
	v17 =	vld.idx.msk [tilespmem:v20+s1+$0x0], $0xffff  }
0x666: {  	v11 =	vmul.f32 v15, v11;
	[tilespmem:s12+$0xFFFFFF00] =	vst v13;
	v13 =	vld.idx.msk [tilespmem:v22+s1+$0x0], $0xffff  }
0x667: {  	v12 =	vmul.f32 v16, v12;
	v15 =	vld [tilespmem:s13+$0xFFFFFF10]  }
0x668: {  	[tilespmem:s12+$0xFFFFFF80] =	vst v11;
	v11 =	vld.idx.msk [tilespmem:v21+s1+$0x0], $0xffff  }
0x669: {  	[tilespmem:s12+$0x0] =	vst v12;
	v12 =	vld [tilespmem:s13+$0xFFFFFF90]  }
0x66a: {  	s21 =	sadd.s32 $0xC, s6  }
0x66b: {  	s17 =	sadd.s32 $0x909, s21;
	s15 =	simm.s32 $0x15;
	v16 =	vld [tilespmem:s13+$0x10];
	s13 =	simm.s32 $0x3380;
	v1 =	vsub.f32 v17, v1;
	v0 =	vsub.f32 v13, v0  }
0x66c: {  	s2 =	sand.u32 $0x7D, s15;
	s3 =	sand.u32 $0x7F80, s17;
	v23 =	vld [tilespmem:s13+$0xFFFFFF80];
	v15 =	vmul.u32 $0x3, v15  }
0x66d: {  	s2 =	sor.u32 s2, s3;
	v13 =	vld [tilespmem:s13+$0x80];
	v11 =	vsub.f32 v11, v14;
	v1 =	vmul.f32 v1, v1;
	v0 =	vmul.f32 v0, v0  }
0x66e: {  	s16 =	sadd.s32 $0xC, s29;
	v31 =	vld [tilespmem:s2+$0x0];
	v14 =	vadd.s32 $0x1, v15;
	v19 =	vmul.u32 $0x3, v12  }
0x66f: {  	v20 =	vld [tilespmem:s16+$0x0];
	v18 =	vadd.s32 $0x2, v15;
	v0 =	vadd.f32 v0, v1;
	v1 =	vmul.f32 v11, v11  }
0x670: {  	v16 =	vmul.u32 $0x3, v16;
	v11 =	vld [tilespmem:s13+$0xFFFFFF00]  }
0x671: {  	v21 =	vadd.s32 $0x1, v19;
	v23 =	vmul.u32 $0x3, v23;
	v12 =	vadd.f32 v1, v0;
	v1 =	vld [tilespmem:s13+$0x0]  }
0x672: {  	v13 =	vmul.u32 $0x3, v13;
	v15 =	vld.idx.msk [tilespmem:v15+s1+$0x0], $0xffff  }
0x673: {  	v17 =	vadd.s32 $0x2, v19;
	v22 =	vadd.s32 $0x1, v16;
	v34 =	vadd.s32 $0x1, v23;
	v24 =	vld.idx.msk [tilespmem:v14+s1+$0x0], $0xffff  }
0x674: {  	v55 =	vadd.s32 $0x2, v23;
	v25 =	vadd.s32 $0x1, v13;
	v18 =	vld.idx.msk [tilespmem:v18+s1+$0x0], $0xffff;
	v0 =	vmax.f32 v12, $1.000000000e-30  }
0x675: {  	v53 =	vadd.s32 $0x2, v13;
	v19 =	vld.idx.msk [tilespmem:v19+s1+$0x0], $0xffff;
	v26 =	vshrl.u32 v0, $0x1;
	v27 =	vmul.f32 $5.000000000e-01, v0  }
0x676: {  	v11 =	vmul.u32 $0x3, v11;
	v21 =	vld.idx.msk [tilespmem:v21+s1+$0x0], $0xffff;
	v0 =	vbroadcast v20, $0x2;
	v26 =	vsub.s32 $0x5F3759DF, v26  }
0x677: {  	v14 =	vadd.s32 $0x2, v16;
	v56 =	vld.idx.msk [tilespmem:v16+s1+$0x0], $0xffff;
	v16 =	vbroadcast v31, $0x2;
	v54 =	vmul.f32 v26, v27  }
0x678: {  	v30 =	vmul.u32 $0x3, v1;
	v32 =	vadd.s32 $0x1, v11;
	v33 =	vadd.s32 $0x2, v11;
	v35 =	vld.idx.msk [tilespmem:v13+s1+$0x0], $0xffff  }
0x679: {  	v1 =	vbroadcast v20, $0x0;
	v10 =	vsub.f32 v15, v10;
	v15 =	vbroadcast v31, $0x1;
	v25 =	vld.idx.msk [tilespmem:v25+s1+$0x0], $0xffff  }
0x67a: {  	s19 =	sadd.s32 $0x900, s21;
	s14 =	simm.s32 $0xC;
	v22 =	vld.idx.msk [tilespmem:v22+s1+$0x0], $0xffff;
	v24 =	vsub.f32 v24, v2;
	v2 =	vbroadcast v20, $0x1;
	v13 =	vmul.f32 v26, v54  }
0x67b: {  	s18 =	sand.u32 $0x7C, s14;
	s3 =	sand.u32 $0x7F80, s19;
	v20 =	vld.idx.msk [tilespmem:v53+s1+$0x0], $0xffff;
	v6 =	vsub.f32 v18, v6;
	v36 =	vadd.s32 $0x1, v30;
	v57 =	vmul.f32 v10, v10  }
0x67c: {  	s2 =	sor.u32 s18, s3;
	v23 =	vld.idx.msk [tilespmem:v23+s1+$0x0], $0xffff;
	v3 =	vsub.f32 v19, v3;
	v38 =	vsub.f32 $1.500000000e+00, v13;
	v13 =	vbroadcast v31, $0x0  }
0x67d: {  	s20 =	simm.s32 $0x12;
	s0 =	sadd.s32 $0x906, s21;
	v8 =	vsub.f32 v21, v8;
	v21 =	vld [tilespmem:s2+$0x0];
	v24 =	vmul.f32 v24, v24;
	v28 =	vsub.f32 v56, v4  }
0x67e: {  	s21 =	sand.u32 $0x7E, s20;
	s0 =	sand.u32 $0x7F80, s0;
	v11 =	vld.idx.msk [tilespmem:v11+s1+$0x0], $0xffff;
	v61 =	vmul.f32 v3, v3;
	v35 =	vsub.f32 v35, v13;
	v25 =	vsub.f32 v25, v15  }
0x67f: {  	s0 =	sor.u32 s21, s0;
	v9 =	vsub.f32 v22, v9;
	v19 =	vmul.f32 v8, v8;
	v8 =	vld.idx.msk [tilespmem:v32+s1+$0x0], $0xffff;
	v22 =	vmul.f32 v26, v38  }
0x680: {  	v26 =	vld [tilespmem:s0+$0x0];
	v20 =	vsub.f32 v20, v16;
	v58 =	vmul.f32 v35, v35;
	v25 =	vmul.f32 v25, v25  }
0x681: {  	v29 =	vld.idx.msk [tilespmem:v55+s1+$0x0], $0xffff;
	v23 =	vsub.f32 v23, v1;
	v59 =	vmul.f32 v9, v9;
	v4 =	vmul.f32 v22, v27  }
0x682: {  	v27 =	vld.idx.msk [tilespmem:v34+s1+$0x0], $0xffff;
	v10 =	vbroadcast v21, $0x1;
	v20 =	vmul.f32 v20, v20;
	v25 =	vadd.f32 v25, v58  }
0x683: {  	v37 =	vadd.s32 $0x2, v30;
	v9 =	vbroadcast v21, $0x0;
	v4 =	vmul.f32 v4, v22  }
0x684: {  	v33 =	vld.idx.msk [tilespmem:v33+s1+$0x0], $0xffff;
	v23 =	vmul.f32 v23, v23;
	v3 =	vsub.f32 v8, v10;
	v20 =	vadd.f32 v20, v25  }
0x685: {  	v60 =	vld.idx.msk [tilespmem:v36+s1+$0x0], $0xffff;
	v8 =	vbroadcast v26, $0x0;
	v25 =	vsub.f32 $1.500000000e+00, v4;
	v4 =	vsub.f32 v11, v9  }
0x686: {  	v29 =	vsub.f32 v29, v0;
	v30 =	vld.idx.msk [tilespmem:v30+s1+$0x0], $0xffff;
	v11 =	vbroadcast v26, $0x1;
	v62 =	vmul.f32 v3, v3  }
0x687: {  	v27 =	vsub.f32 v27, v2;
	v3 =	vmax.f32 v20, $1.000000000e-30;
	v4 =	vmul.f32 v4, v4  }
0x688: {  	v63 =	vshrl.u32 v3, $0x1;
	v40 =	vmul.f32 $5.000000000e-01, v3;
	v3 =	vbroadcast v21, $0x2;
	v21 =	vld.idx.msk [tilespmem:v37+s1+$0x0], $0xffff  }
0x689: {  	v36 =	vsub.s32 $0x5F3759DF, v63;
	v34 =	vadd.f32 v62, v4;
	v4 =	vbroadcast v26, $0x2  }
0x68a: {  	v31 =	vsub.f32 v60, v11;
	v26 =	vmul.f32 v27, v27;
	v41 =	vmul.f32 v36, v40  }
0x68b: {  	v29 =	vmul.f32 v29, v29;
	v27 =	vsub.f32 v30, v8;
	v33 =	vsub.f32 v33, v3  }
0x68c: {  	v14 =	vld.idx.msk [tilespmem:v14+s1+$0x0], $0xffff;
	v42 =	vmul.f32 v31, v31;
	v23 =	vadd.f32 v26, v23;
	v43 =	vmul.f32 v36, v41  }
0x68d: {  	v27 =	vmul.f32 v27, v27;
	v26 =	vmul.f32 v33, v33;
	v21 =	vsub.f32 v21, v4  }
0x68e: {  	v6 =	vmul.f32 v6, v6;
	v23 =	vadd.f32 v29, v23;
	v31 =	vsub.f32 $1.500000000e+00, v43  }
0x68f: {  	v22 =	vmul.f32 v25, v22;
	v25 =	vadd.f32 v42, v27;
	v26 =	vadd.f32 v26, v34  }
0x690: {  	v21 =	vmul.f32 v21, v21;
	v45 =	vmax.f32 v23, $1.000000000e-30;
	v27 =	vmul.f32 v36, v31  }
0x691: {  	v28 =	vmul.f32 v28, v28;
	v7 =	vsub.f32 v14, v7;
	v48 =	vshrl.u32 v45, $0x1  }
0x692: {  	v21 =	vadd.f32 v21, v25;
	v25 =	vmax.f32 v26, $1.000000000e-30;
	v44 =	vmul.f32 v27, v40  }
0x693: {  	v17 =	vld.idx.msk [tilespmem:v17+s1+$0x0], $0xffff;
	v30 =	vmul.f32 $5.000000000e-01, v45;
	v46 =	vshrl.u32 v25, $0x1;
	v25 =	vmul.f32 $5.000000000e-01, v25  }
0x694: {  	v33 =	vsub.s32 $0x5F3759DF, v48;
	v31 =	vsub.s32 $0x5F3759DF, v46;
	v29 =	vmul.f32 v44, v27  }
0x695: {  	v18 =	vmul.f32 v33, v30;
	v47 =	vmax.f32 v21, $1.000000000e-30;
	v49 =	vmul.f32 v31, v25  }
0x696: {  	v50 =	vshrl.u32 v47, $0x1;
	v32 =	vmul.f32 $5.000000000e-01, v47;
	v29 =	vsub.f32 $1.500000000e+00, v29  }
0x697: {  	v14 =	vmul.f32 v33, v18;
	v36 =	vsub.s32 $0x5F3759DF, v50;
	v34 =	vmul.f32 v31, v49  }
0x698: {  	v5 =	vsub.f32 v17, v5;
	v51 =	vmul.f32 v36, v32;
	v27 =	vmul.f32 v29, v27  }
0x699: {  	v22 =	vmul.f32 v22, v12;
	v14 =	vsub.f32 $1.500000000e+00, v14;
	v17 =	vsub.f32 $1.500000000e+00, v34  }
0x69a: {  	v24 =	vadd.f32 v24, v57;
	v18 =	vmul.f32 v36, v51;
	v20 =	vmul.f32 v27, v20  }
0x69b: {  	s15 =	simm.s32 $0xB380;
	v19 =	vadd.f32 v19, v61;
	v14 =	vmul.f32 v33, v14;
	v17 =	vmul.f32 v31, v17  }
0x69c: {  	v18 =	vsub.f32 $1.500000000e+00, v18;
	[tilespmem:s15+$0x80] =	vst v20;
	v20 =	vmul.f32 v5, v5;
	v5 =	vadd.f32 v6, v24  }
0x69d: {  	v27 =	vadd.f32 v59, v28;
	v6 =	vmul.f32 v7, v7;
	v24 =	vmul.f32 v17, v25  }
0x69e: {  	v25 =	vmul.f32 v36, v18;
	v52 =	vld [tilespmem:s13+$0x90];
	v7 =	vadd.f32 v20, v19;
	v18 =	vmax.f32 v5, $1.000000000e-30  }
0x69f: {  	v6 =	vadd.f32 v6, v27;
	v19 =	vmul.f32 v24, v17;
	v20 =	vmul.f32 v14, v30  }
0x6a0: {  	v24 =	vmul.f32 v25, v32;
	v53 =	vshrl.u32 v18, $0x1;
	v57 =	vmul.f32 $5.000000000e-01, v18  }
0x6a1: {  	v27 =	vmax.f32 v7, $1.000000000e-30;
	v19 =	vsub.f32 $1.500000000e+00, v19;
	v54 =	vmax.f32 v6, $1.000000000e-30  }
0x6a2: {  	v20 =	vmul.f32 v20, v14;
	v24 =	vmul.f32 v24, v25;
	v29 =	vsub.s32 $0x5F3759DF, v53  }
0x6a3: {  	v18 =	vmul.f32 $5.000000000e-01, v54;
	v28 =	vmul.u32 $0x3, v52;
	v17 =	vmul.f32 v19, v17  }
0x6a4: {  	v55 =	vshrl.u32 v27, $0x1;
	v59 =	vmul.f32 v29, v57;
	v19 =	vmul.f32 $5.000000000e-01, v27  }
0x6a5: {  	v24 =	vsub.f32 $1.500000000e+00, v24;
	v56 =	vadd.s32 $0x1, v28;
	v17 =	vmul.f32 v17, v26  }
0x6a6: {  	v58 =	vsub.s32 $0x5F3759DF, v55;
	v20 =	vsub.f32 $1.500000000e+00, v20;
	v26 =	vadd.s32 $0x2, v28  }
0x6a7: {  	v60 =	vmul.f32 v58, v19;
	v24 =	vmul.f32 v24, v25;
	[tilespmem:s15+$0xFFFFFF00] =	vst v17  }
0x6a8: {  	v27 =	vshrl.u32 v54, $0x1;
	v31 =	vmul.f32 v29, v59;
	v14 =	vmul.f32 v20, v14;
	v62 =	vld [tilespmem:s13+$0xFFFFFF10]  }
0x6a9: {  	v27 =	vsub.s32 $0x5F3759DF, v27;
	v20 =	vmul.f32 v58, v60;
	v21 =	vmul.f32 v24, v21;
	v28 =	vld.idx.msk [tilespmem:v28+s1+$0x0], $0xffff  }
0x6aa: {  	v61 =	vmul.f32 v27, v18;
	v12 =	vmul.f32 v14, v23;
	v17 =	vld.idx.msk [tilespmem:v56+s1+$0x0], $0xffff  }
0x6ab: {  	v20 =	vsub.f32 $1.500000000e+00, v20;
	[tilespmem:s15+$0x0] =	vst v21;
	v25 =	vld.idx.msk [tilespmem:v26+s1+$0x0], $0xffff  }
0x6ac: {  	v31 =	vsub.f32 $1.500000000e+00, v31;
	[tilespmem:s15+$0xFFFFFF80] =	vst v12;
	v26 =	vmul.f32 v27, v61;
	v21 =	vld [tilespmem:s13+$0x10]  }
0x6ad: {  	v12 =	vmul.f32 v58, v20;
	v20 =	vld [tilespmem:s13+$0xFFFFFF90]  }
0x6ae: {  	v14 =	vmul.f32 v29, v31;
	v23 =	vsub.f32 $1.500000000e+00, v26  }
0x6af: {  	v26 =	vsub.f32 v28, v13;
	v63 =	vsub.f32 v17, v15  }
0x6b0: {  	v24 =	vmul.u32 $0x3, v62;
	v13 =	vmul.f32 v27, v23;
	v15 =	vmul.f32 v14, v57  }
0x6b1: {  	s17 =	simm.s32 $0x4;
	s18 =	sadd.s32 $0xC, s16;
	s16 =	simm.s32 $0xB380;
	[tilespmem:s12+$0x90] =	vst v22;
	v16 =	vsub.f32 v25, v16;
	v17 =	vmul.f32 v26, v26;
	v22 =	vmul.f32 v63, v63  }
.LBB2_14:
0x6b2: {  	v25 =	vld [tilespmem:s18+$0x0];
	v26 =	vadd.s32 $0x1, v24;
	v27 =	vmul.u32 $0x3, v20;
	v28 =	vmul.u32 $0x3, v21;
	s13 =	sadd.s32 $0x200, s13  }
0x6b3: {  	s17 =	sadd.s32 $0x4, s17;
	v21 =	vadd.s32 $0x2, v24;
	v29 =	vld [tilespmem:s13+$0x80];
	v17 =	vadd.f32 v22, v17;
	v16 =	vmul.f32 v16, v16  }
0x6b4: {  	p0 =	slt.u32 s17, $0x7C;
	v30 =	vld [tilespmem:s13+$0xFFFFFF00];
	v31 =	vadd.s32 $0x1, v27;
	v23 =	vadd.s32 $0x2, v27;
	v32 =	vadd.s32 $0x1, v28  }
0x6b5: {  	v22 =	vadd.s32 $0x2, v28;
	v33 =	vld [tilespmem:s13+$0xFFFFFF80];
	v34 =	vadd.f32 v16, v17;
	v16 =	vmul.f32 v12, v19  }
0x6b6: {  	v35 =	vmul.f32 v15, v14;
	v15 =	vmul.f32 v13, v18;
	v17 =	vld [tilespmem:s13+$0x0]  }
0x6b7: {  	v20 =	vbroadcast v25, $0x2;
	v26 =	vld.idx.msk [tilespmem:v26+s1+$0x0], $0xffff;
	v19 =	vmax.f32 v34, $1.000000000e-30;
	v18 =	vmul.f32 v16, v12  }
0x6b8: {  	s14 =	sadd.s32 $0xC, s14;
	v16 =	vmul.u32 $0x3, v29;
	v24 =	vld.idx.msk [tilespmem:v24+s1+$0x0], $0xffff;
	v29 =	vshrl.u32 v19, $0x1;
	v36 =	vmul.f32 $5.000000000e-01, v19  }
0x6b9: {  	s0 =	sadd.s32 s14, s6;
	s2 =	sand.u32 $0x7C, s14;
	s3 =	sadd.s32 $0x6, s14;
	v19 =	vmul.f32 v15, v13;
	v30 =	vmul.u32 $0x3, v30;
	v31 =	vld.idx.msk [tilespmem:v31+s1+$0x0], $0xffff;
	v29 =	vsub.s32 $0x5F3759DF, v29  }
0x6ba: {  	s20 =	sadd.s32 $0x9, s14;
	s19 =	sadd.s32 $0x900, s0;
	s21 =	sadd.s32 $0x909, s0;
	v33 =	vmul.u32 $0x3, v33;
	v15 =	vadd.s32 $0x1, v16;
	v32 =	vld.idx.msk [tilespmem:v32+s1+$0x0], $0xffff;
	v37 =	vmul.f32 v29, v36  }
0x6bb: {  	s0 =	sadd.s32 $0x906, s0;
	s20 =	sand.u32 $0x7D, s20;
	s21 =	sand.u32 $0x7F80, s21;
	v38 =	vadd.s32 $0x1, v30;
	v39 =	vadd.s32 $0x2, v30;
	v40 =	vmul.u32 $0x3, v17;
	v17 =	vld.idx.msk [tilespmem:v27+s1+$0x0], $0xffff  }
0x6bc: {  	s19 =	sand.u32 $0x7F80, s19;
	s0 =	sand.u32 $0x7F80, s0;
	s20 =	sor.u32 s20, s21;
	v41 =	vadd.s32 $0x2, v16;
	v27 =	vadd.s32 $0x1, v33;
	v28 =	vld.idx.msk [tilespmem:v28+s1+$0x0], $0xffff;
	v37 =	vmul.f32 v29, v37  }
0x6bd: {  	s3 =	sand.u32 $0x7E, s3;
	s2 =	sor.u32 s2, s19;
	v42 =	vadd.s32 $0x2, v33;
	v43 =	vadd.s32 $0x1, v40;
	v44 =	vadd.s32 $0x2, v40;
	v45 =	vld [tilespmem:s20+$0x0]  }
0x6be: {  	s0 =	sor.u32 s3, s0;
	v46 =	vbroadcast v25, $0x0;
	v10 =	vsub.f32 v26, v10;
	v47 =	vld.idx.msk [tilespmem:v16+s1+$0x0], $0xffff;
	v16 =	vsub.f32 $1.500000000e+00, v37  }
0x6bf: {  	v9 =	vsub.f32 v24, v9;
	v26 =	vld.idx.msk [tilespmem:v15+s1+$0x0], $0xffff;
	v15 =	vsub.f32 v31, v2;
	v2 =	vbroadcast v25, $0x1  }
0x6c0: {  	v10 =	vmul.f32 v10, v10;
	v11 =	vsub.f32 v32, v11;
	v25 =	vld [tilespmem:s2+$0x0];
	v29 =	vmul.f32 v29, v16  }
0x6c1: {  	v9 =	vmul.f32 v9, v9;
	v17 =	vsub.f32 v17, v1;
	v31 =	vld.idx.msk [tilespmem:v41+s1+$0x0], $0xffff;
	v32 =	vmul.f32 v15, v15  }
0x6c2: {  	v1 =	vmovc v46;
	v28 =	vsub.f32 v28, v8;
	v41 =	vmul.f32 v11, v11;
	v37 =	vld [tilespmem:s0+$0x0];
	v8 =	vmul.f32 v29, v36  }
0x6c3: {  	v24 =	vadd.f32 v10, v9;
	v15 =	vbroadcast v45, $0x0;
	v16 =	vbroadcast v45, $0x1;
	v36 =	vld.idx.msk [tilespmem:v38+s1+$0x0], $0xffff  }
0x6c4: {  	v35 =	vsub.f32 $1.500000000e+00, v35;
	v11 =	vmul.f32 v17, v17;
	v27 =	vld.idx.msk [tilespmem:v27+s1+$0x0], $0xffff;
	v8 =	vmul.f32 v8, v29  }
0x6c5: {  	v17 =	vbroadcast v45, $0x2;
	v26 =	vsub.f32 v26, v16;
	v38 =	vld.idx.msk [tilespmem:v43+s1+$0x0], $0xffff;
	v43 =	vsub.f32 v47, v15  }
0x6c6: {  	v9 =	vbroadcast v25, $0x0;
	v10 =	vbroadcast v25, $0x1;
	v30 =	vld.idx.msk [tilespmem:v30+s1+$0x0], $0xffff;
	v45 =	vsub.f32 $1.500000000e+00, v8  }
0x6c7: {  	v31 =	vsub.f32 v31, v17;
	v26 =	vmul.f32 v26, v26;
	v33 =	vld.idx.msk [tilespmem:v33+s1+$0x0], $0xffff;
	v43 =	vmul.f32 v43, v43  }
0x6c8: {  	v32 =	vadd.f32 v32, v11;
	v8 =	vbroadcast v37, $0x0;
	v40 =	vld.idx.msk [tilespmem:v40+s1+$0x0], $0xffff;
	v29 =	vmul.f32 v45, v29  }
0x6c9: {  	v11 =	vbroadcast v37, $0x1;
	v31 =	vmul.f32 v31, v31;
	v39 =	vld.idx.msk [tilespmem:v39+s1+$0x0], $0xffff;
	v26 =	vadd.f32 v26, v43  }
0x6ca: {  	v36 =	vsub.f32 v36, v10;
	v27 =	vsub.f32 v27, v2;
	v42 =	vld.idx.msk [tilespmem:v42+s1+$0x0], $0xffff;
	v29 =	vmul.f32 v29, v34  }
0x6cb: {  	v25 =	vbroadcast v25, $0x2;
	v38 =	vsub.f32 v38, v11;
	v34 =	vld.idx.msk [tilespmem:v44+s1+$0x0], $0xffff;
	v26 =	vadd.f32 v31, v26  }
0x6cc: {  	v30 =	vsub.f32 v30, v9;
	v31 =	vmul.f32 v36, v36;
	v36 =	vbroadcast v37, $0x2;
	v21 =	vld.idx.msk [tilespmem:v21+s1+$0x0], $0xffff;
	[tilespmem:s15+$0x90] =	vst v29  }
0x6cd: {  	v27 =	vmul.f32 v27, v27;
	v29 =	vsub.f32 v33, v1;
	v33 =	vmax.f32 v26, $1.000000000e-30;
	v23 =	vld.idx.msk [tilespmem:v23+s1+$0x0], $0xffff  }
0x6ce: {  	v37 =	vsub.f32 v40, v8;
	v40 =	vshrl.u32 v33, $0x1;
	v33 =	vmul.f32 $5.000000000e-01, v33;
	v22 =	vld.idx.msk [tilespmem:v22+s1+$0x0], $0xffff  }
0x6cf: {  	v38 =	vmul.f32 v38, v38;
	v30 =	vmul.f32 v30, v30;
	v40 =	vsub.s32 $0x5F3759DF, v40  }
0x6d0: {  	v39 =	vsub.f32 v39, v25;
	v29 =	vmul.f32 v29, v29;
	v43 =	vmul.f32 v40, v33  }
0x6d1: {  	v42 =	vsub.f32 v42, v20;
	v37 =	vmul.f32 v37, v37;
	v34 =	vsub.f32 v34, v36  }
0x6d2: {  	v30 =	vadd.f32 v31, v30;
	v27 =	vadd.f32 v27, v29;
	v29 =	vmul.f32 v40, v43  }
0x6d3: {  	v31 =	vmul.f32 v39, v39;
	v39 =	vmul.f32 v42, v42;
	v37 =	vadd.f32 v38, v37  }
0x6d4: {  	v28 =	vmul.f32 v28, v28;
	v34 =	vmul.f32 v34, v34;
	v29 =	vsub.f32 $1.500000000e+00, v29  }
0x6d5: {  	v14 =	vmul.f32 v35, v14;
	v30 =	vadd.f32 v31, v30;
	v27 =	vadd.f32 v39, v27  }
0x6d6: {  	v21 =	vsub.f32 v21, v3;
	v3 =	vmovc v25;
	v31 =	vadd.f32 v34, v37;
	v29 =	vmul.f32 v40, v29  }
0x6d7: {  	v23 =	vsub.f32 v23, v0;
	v0 =	vmovc v20;
	v25 =	vmax.f32 v30, $1.000000000e-30;
	v34 =	vmax.f32 v27, $1.000000000e-30  }
0x6d8: {  	v20 =	vshrl.u32 v25, $0x1;
	v35 =	vmax.f32 v31, $1.000000000e-30;
	v33 =	vmul.f32 v29, v33  }
0x6d9: {  	v25 =	vmul.f32 $5.000000000e-01, v25;
	v37 =	vshrl.u32 v34, $0x1;
	v34 =	vmul.f32 $5.000000000e-01, v34  }
0x6da: {  	v38 =	vshrl.u32 v35, $0x1;
	v35 =	vmul.f32 $5.000000000e-01, v35;
	v33 =	vmul.f32 v33, v29  }
0x6db: {  	v20 =	vsub.s32 $0x5F3759DF, v20;
	v37 =	vsub.s32 $0x5F3759DF, v37;
	v38 =	vsub.s32 $0x5F3759DF, v38  }
0x6dc: {  	v39 =	vmul.f32 v20, v25;
	v40 =	vmul.f32 v37, v34;
	v33 =	vsub.f32 $1.500000000e+00, v33  }
0x6dd: {  	v28 =	vadd.f32 v41, v28;
	v22 =	vsub.f32 v22, v4;
	v4 =	vmovc v36;
	v42 =	vmul.f32 v38, v35  }
0x6de: {  	v36 =	vmul.f32 v20, v39;
	v29 =	vmul.f32 v33, v29;
	v33 =	vsub.f32 $1.500000000e+00, v18  }
0x6df: {  	v39 =	vmul.f32 v38, v42;
	v18 =	vmul.f32 v37, v40;
	v40 =	vsub.f32 $1.500000000e+00, v19  }
0x6e0: {  	v21 =	vmul.f32 v21, v21;
	v19 =	vsub.f32 $1.500000000e+00, v36;
	v26 =	vmul.f32 v29, v26  }
0x6e1: {  	s15 =	sadd.s32 $0x200, s15;
	v23 =	vmul.f32 v23, v23;
	v18 =	vsub.f32 $1.500000000e+00, v18;
	v29 =	vsub.f32 $1.500000000e+00, v39  }
0x6e2: {  	v21 =	vadd.f32 v21, v24;
	v20 =	vmul.f32 v20, v19;
	v19 =	vmul.f32 v22, v22;
	[tilespmem:s15+$0x80] =	vst v26  }
0x6e3: {  	v23 =	vadd.f32 v23, v32;
	v18 =	vmul.f32 v37, v18;
	v22 =	vmul.f32 v38, v29;
	v24 =	vld [tilespmem:s13+$0x90]  }
0x6e4: {  	v25 =	vmul.f32 v20, v25;
	v26 =	vmax.f32 v21, $1.000000000e-30;
	v28 =	vadd.f32 v19, v28  }
0x6e5: {  	v32 =	vmax.f32 v23, $1.000000000e-30;
	v19 =	vmul.f32 v18, v34;
	v29 =	vmul.f32 v22, v35  }
0x6e6: {  	v25 =	vmul.f32 v25, v20;
	v34 =	vshrl.u32 v26, $0x1;
	v35 =	vmax.f32 v28, $1.000000000e-30  }
0x6e7: {  	v36 =	vshrl.u32 v32, $0x1;
	v19 =	vmul.f32 v19, v18;
	v29 =	vmul.f32 v29, v22  }
0x6e8: {  	v26 =	vmul.f32 $5.000000000e-01, v26;
	v25 =	vsub.f32 $1.500000000e+00, v25;
	v24 =	vmul.u32 $0x3, v24  }
0x6e9: {  	v37 =	vsub.f32 $1.500000000e+00, v19;
	v29 =	vsub.f32 $1.500000000e+00, v29;
	v19 =	vmul.f32 $5.000000000e-01, v32  }
0x6ea: {  	v20 =	vmul.f32 v25, v20;
	v32 =	vshrl.u32 v35, $0x1;
	v25 =	vadd.s32 $0x1, v24  }
0x6eb: {  	v37 =	vmul.f32 v37, v18;
	v22 =	vmul.f32 v29, v22;
	v29 =	vsub.s32 $0x5F3759DF, v34  }
0x6ec: {  	v20 =	vmul.f32 v20, v30;
	v30 =	vadd.s32 $0x2, v24;
	v18 =	vmul.f32 $5.000000000e-01, v35  }
0x6ed: {  	v27 =	vmul.f32 v37, v27;
	v22 =	vmul.f32 v22, v31;
	v31 =	vsub.s32 $0x5F3759DF, v36  }
0x6ee: {  	v32 =	vsub.s32 $0x5F3759DF, v32;
	[tilespmem:s15+$0xFFFFFF00] =	vst v20;
	v34 =	vld.idx.msk [tilespmem:v24+s1+$0x0], $0xffff;
	v20 =	vmul.f32 v29, v26;
	v24 =	vmul.f32 v31, v19  }
0x6ef: {  	v12 =	vmul.f32 v33, v12;
	[tilespmem:s15+$0xFFFFFF80] =	vst v27;
	v25 =	vld.idx.msk [tilespmem:v25+s1+$0x0], $0xffff;
	v27 =	vmul.f32 v32, v18  }
0x6f0: {  	v33 =	vld [tilespmem:s13+$0xFFFFFF10];
	[tilespmem:s15+$0x0] =	vst v22;
	v22 =	vmul.f32 v29, v20;
	v24 =	vmul.f32 v31, v24  }
0x6f1: {  	v13 =	vmul.f32 v40, v13;
	v30 =	vld.idx.msk [tilespmem:v30+s1+$0x0], $0xffff;
	v27 =	vmul.f32 v32, v27  }
0x6f2: {  	v35 =	vmul.f32 v14, v5;
	v5 =	vmovc v21;
	v20 =	vld [tilespmem:s13+$0xFFFFFF90];
	v22 =	vsub.f32 $1.500000000e+00, v22;
	v24 =	vsub.f32 $1.500000000e+00, v24  }
.Ltmp6:
0x6f3: {  	v36 =	vmul.f32 v12, v7;
	v37 =	vmul.f32 v13, v6;
	v7 =	vmovc v23;
	v6 =	vmovc v28;
	v21 =	vld [tilespmem:s13+$0x10];
	v27 =	vsub.f32 $1.500000000e+00, v27;
	(pc) =	sbr.rel @p0 .LBB2_14-.Ltmp6, $4  }
0x6f4: {  	v14 =	vmul.f32 v29, v22;
	v12 =	vmul.f32 v31, v24;
	[tilespmem:s12+$0xFFFFFF10] =	vst v35  }
0x6f5: {  	v22 =	vsub.f32 v34, v15;
	v23 =	vsub.f32 v25, v16;
	v24 =	vmul.u32 $0x3, v33;
	[tilespmem:s12+$0xFFFFFF90] =	vst v36  }
0x6f6: {  	v13 =	vmul.f32 v32, v27;
	v15 =	vmul.f32 v14, v26;
	[tilespmem:s12+$0x10] =	vst v37;
	s12 =	smov.u32 s16;
	s16 =	smov.u32 s15  }
0x6f7: {  	s18 =	sadd.s32 $0xC, s18;
	v16 =	vsub.f32 v30, v17;
	v17 =	vmul.f32 v22, v22;
	v22 =	vmul.f32 v23, v23  }
0x6f8: {  	v23 =	vadd.s32 $0x1, v24  }
0x6f9: {  	v20 =	vmul.u32 $0x3, v20;
	v27 =	vadd.s32 $0x2, v24  }
0x6fa: {  	v21 =	vmul.u32 $0x3, v21;
	_ =	sdelay $0x1  }
0x6fb: {  	v24 =	vld.idx.msk [tilespmem:v24+s1+$0x0], $0xffff;
	v25 =	vadd.s32 $0x1, v20  }
0x6fc: {  	v17 =	vadd.f32 v22, v17;
	v16 =	vmul.f32 v16, v16;
	v26 =	vadd.s32 $0x1, v21;
	v23 =	vld.idx.msk [tilespmem:v23+s1+$0x0], $0xffff  }
0x6fd: {  	v22 =	vadd.s32 $0x2, v20;
	v27 =	vld.idx.msk [tilespmem:v27+s1+$0x0], $0xffff  }
0x6fe: {  	v28 =	vadd.s32 $0x2, v21;
	v16 =	vadd.f32 v16, v17;
	v17 =	vld.idx.msk [tilespmem:v20+s1+$0x0], $0xffff  }
0x6ff: {  	v20 =	vld.idx.msk [tilespmem:v21+s1+$0x0], $0xffff  }
0x700: {  	v25 =	vld.idx.msk [tilespmem:v25+s1+$0x0], $0xffff  }
0x701: {  	v26 =	vld.idx.msk [tilespmem:v26+s1+$0x0], $0xffff  }
0x702: {  	v9 =	vsub.f32 v24, v9;
	v21 =	vmax.f32 v16, $1.000000000e-30;
	v22 =	vld.idx.msk [tilespmem:v22+s1+$0x0], $0xffff  }
0x703: {  	v29 =	vshrl.u32 v21, $0x1;
	v21 =	vmul.f32 $5.000000000e-01, v21;
	v24 =	vld.idx.msk [tilespmem:v28+s1+$0x0], $0xffff  }
0x704: {  	v9 =	vmul.f32 v9, v9;
	v10 =	vsub.f32 v23, v10;
	v3 =	vsub.f32 v27, v3  }
0x705: {  	v23 =	vsub.s32 $0x5F3759DF, v29;
	v1 =	vsub.f32 v17, v1;
	v8 =	vsub.f32 v20, v8  }
0x706: {  	v2 =	vsub.f32 v25, v2;
	v25 =	vmul.f32 v23, v21;
	v10 =	vmul.f32 v10, v10  }
0x707: {  	v11 =	vsub.f32 v26, v11;
	v0 =	vsub.f32 v22, v0;
	v3 =	vmul.f32 v3, v3  }
0x708: {  	v4 =	vsub.f32 v24, v4;
	v1 =	vmul.f32 v1, v1;
	v2 =	vmul.f32 v2, v2  }
0x709: {  	v8 =	vmul.f32 v8, v8;
	v11 =	vmul.f32 v11, v11;
	v9 =	vadd.f32 v10, v9  }
0x70a: {  	v10 =	vmul.f32 v23, v25;
	v0 =	vmul.f32 v0, v0;
	v1 =	vadd.f32 v2, v1  }
0x70b: {  	v4 =	vmul.f32 v4, v4;
	v2 =	vadd.f32 v11, v8;
	v3 =	vadd.f32 v3, v9  }
0x70c: {  	v8 =	vmul.f32 v12, v19;
	v9 =	vsub.f32 $1.500000000e+00, v10;
	v0 =	vadd.f32 v0, v1  }
0x70d: {  	v1 =	vmul.f32 v15, v14;
	v10 =	vmax.f32 v3, $1.000000000e-30;
	v2 =	vadd.f32 v4, v2  }
0x70e: {  	v4 =	vmul.f32 v23, v9;
	v11 =	vshrl.u32 v10, $0x1;
	v10 =	vmul.f32 $5.000000000e-01, v10  }
0x70f: {  	v9 =	vmax.f32 v0, $1.000000000e-30;
	v15 =	vmax.f32 v2, $1.000000000e-30;
	v11 =	vsub.s32 $0x5F3759DF, v11  }
0x710: {  	v17 =	vshrl.u32 v9, $0x1;
	v9 =	vmul.f32 $5.000000000e-01, v9;
	v19 =	vshrl.u32 v15, $0x1  }
0x711: {  	v15 =	vmul.f32 $5.000000000e-01, v15;
	v20 =	vmul.f32 v11, v10;
	v17 =	vsub.s32 $0x5F3759DF, v17  }
0x712: {  	v18 =	vmul.f32 v13, v18;
	v19 =	vsub.s32 $0x5F3759DF, v19;
	v22 =	vmul.f32 v17, v9  }
0x713: {  	v23 =	vmul.f32 v19, v15;
	v20 =	vmul.f32 v11, v20  }
0x714: {  	v21 =	vmul.f32 v4, v21;
	v22 =	vmul.f32 v17, v22  }
0x715: {  	v18 =	vmul.f32 v18, v13;
	v23 =	vmul.f32 v19, v23;
	v20 =	vsub.f32 $1.500000000e+00, v20  }
0x716: {  	v1 =	vsub.f32 $1.500000000e+00, v1;
	v21 =	vmul.f32 v21, v4;
	v22 =	vsub.f32 $1.500000000e+00, v22  }
0x717: {  	v8 =	vmul.f32 v8, v12;
	v23 =	vsub.f32 $1.500000000e+00, v23;
	v11 =	vmul.f32 v11, v20  }
0x718: {  	v1 =	vmul.f32 v1, v14;
	v21 =	vsub.f32 $1.500000000e+00, v21;
	v17 =	vmul.f32 v17, v22  }
0x719: {  	v10 =	vmul.f32 v11, v10;
	v19 =	vmul.f32 v19, v23  }
0x71a: {  	v8 =	vsub.f32 $1.500000000e+00, v8;
	v4 =	vmul.f32 v21, v4;
	v9 =	vmul.f32 v17, v9  }
0x71b: {  	v10 =	vmul.f32 v10, v11;
	v15 =	vmul.f32 v19, v15  }
0x71c: {  	v14 =	vsub.f32 $1.500000000e+00, v18;
	v8 =	vmul.f32 v8, v12;
	v9 =	vmul.f32 v9, v17  }
0x71d: {  	v4 =	vmul.f32 v4, v16;
	v12 =	vmul.f32 v15, v19;
	v10 =	vsub.f32 $1.500000000e+00, v10  }
0x71e: {  	v13 =	vmul.f32 v14, v13;
	v1 =	vmul.f32 v1, v5;
	v5 =	vsub.f32 $1.500000000e+00, v9  }
0x71f: {  	[tilespmem:s15+$0x90] =	vst v4;
	v4 =	vmul.f32 v8, v7;
	v7 =	vmul.f32 v10, v11;
	v8 =	vsub.f32 $1.500000000e+00, v12  }
0x720: {  	v6 =	vmul.f32 v13, v6;
	[tilespmem:s12+$0xFFFFFF10] =	vst v1;
	v1 =	vmul.f32 v5, v17  }
0x721: {  	[tilespmem:s12+$0xFFFFFF90] =	vst v4;
	v4 =	vmul.f32 v8, v19;
	v3 =	vmul.f32 v7, v3  }
0x722: {  	[tilespmem:s12+$0x10] =	vst v6;
	v0 =	vmul.f32 v1, v0  }
0x723: {  	v1 =	vmul.f32 v4, v2;
	[tilespmem:s16+$0xFFFFFF10] =	vst v3  }
0x724: {  	[tilespmem:s16+$0xFFFFFF90] =	vst v0  }
0x725: {  	[tilespmem:s16+$0x10] =	vst v1  }
0x726: {  	s0 =	simm.s32 $0x0;
	s2 =	rddreg [dreg:$0x12]  }
0x727: {  	[hbm4b:s2+s0] =	stream.linear.scatter [tilespmem:s5], [sflag:$0x4], $0x4000, $0x38;
	[tilespmem:$0x13080] =	vst v63  }
0x728: {  	_ =	swait.ge [sflag:s7], $0x4000  }
0x729: {  	[sflag:s7] =	ssyncset.done $0x0  }
0x72a: {  	[sflag:s7] =	ssyncadd.s32 $0xFFFFC000  }
0x72b: {  	_ =	swait.ge [sflag:s10], $0x4000  }
0x72c: {  	[sflag:s10] =	ssyncset.done $0x0  }
0x72d: {  	s13 =	simm.s32 $0x7180;
	[sflag:s10] =	ssyncadd.s32 $0xFFFFC000  }
0x72e: {  	v0 =	vld [tilespmem:s13+$0x80];
	_ =	sdelay $0x4  }
0x72f: {  	v0 =	vmul.u32 $0x3, v0  }
0x730: {  	s16 =	sadd.s32 $0x0, s6  }
0x731: {  	s3 =	simm.s32 $0x9;
	s17 =	sadd.s32 $0xA89, s16;
	v1 =	vld [tilespmem:s13+$0xFFFFFF00];
	v2 =	vadd.s32 $0x1, v0  }
0x732: {  	s3 =	sand.u32 $0x7D, s3;
	s12 =	sand.u32 $0xFF80, s17;
	v3 =	vld [tilespmem:s13+$0xFFFFFF80]  }
0x733: {  	s3 =	sor.u32 s3, s12;
	v4 =	vld [tilespmem:s13+$0x0];
	v5 =	vadd.s32 $0x2, v0  }
0x734: {  	v6 =	vld [tilespmem:s3+$0x0]  }
0x735: {  	v7 =	vld.idx.msk [tilespmem:v0+s1+$0x0], $0xffff  }
0x736: {  	v8 =	vmul.u32 $0x3, v1;
	v2 =	vld.idx.msk [tilespmem:v2+s1+$0x0], $0xffff  }
0x737: {  	s19 =	simm.s32 $0x6;
	s2 =	sadd.s32 $0xA86, s16;
	v9 =	vmul.u32 $0x3, v3  }
0x738: {  	s20 =	sand.u32 $0x7E, s19;
	s18 =	sadd.s32 $0xA80, s16;
	s2 =	sand.u32 $0xFF80, s2;
	v4 =	vmul.u32 $0x3, v4;
	v3 =	vadd.s32 $0x1, v8;
	v5 =	vld.idx.msk [tilespmem:v5+s1+$0x0], $0xffff  }
0x739: {  	s0 =	sand.u32 $0x7C, s0;
	s2 =	sor.u32 s20, s2;
	s3 =	sand.u32 $0xFF80, s18;
	v11 =	vld [tilespmem:s30+$0x0];
	v1 =	vbroadcast v6, $0x0;
	v10 =	vadd.s32 $0x1, v9;
	v0 =	vbroadcast v6, $0x1  }
0x73a: {  	v15 =	vld [tilespmem:s2+$0x0];
	s0 =	sor.u32 s0, s3;
	v12 =	vadd.s32 $0x1, v4  }
0x73b: {  	v13 =	vld [tilespmem:s0+$0x0];
	v14 =	vbroadcast v6, $0x2;
	v7 =	vsub.f32 v7, v1;
	v2 =	vsub.f32 v2, v0  }
0x73c: {  	v20 =	vld.idx.msk [tilespmem:v8+s1+$0x0], $0xffff  }
0x73d: {  	v6 =	vld.idx.msk [tilespmem:v3+s1+$0x0], $0xffff;
	v3 =	vsub.f32 v5, v14;
	v5 =	vmul.f32 v7, v7;
	v2 =	vmul.f32 v2, v2  }
0x73e: {  	v16 =	vld.idx.msk [tilespmem:v10+s1+$0x0], $0xffff;
	v7 =	vadd.s32 $0x2, v8  }
0x73f: {  	v17 =	vadd.s32 $0x2, v9;
	v12 =	vld.idx.msk [tilespmem:v12+s1+$0x0], $0xffff;
	v18 =	vmul.f32 v3, v3;
	v10 =	vadd.f32 v2, v5  }
0x740: {  	v19 =	vadd.s32 $0x2, v4;
	v21 =	vld.idx.msk [tilespmem:v4+s1+$0x0], $0xffff;
	v4 =	vbroadcast v15, $0x0;
	v8 =	vbroadcast v11, $0x1  }
0x741: {  	v3 =	vbroadcast v11, $0x0;
	v2 =	vbroadcast v13, $0x1;
	v18 =	vadd.f32 v18, v10  }
0x742: {  	v5 =	vbroadcast v11, $0x2;
	v11 =	vld.idx.msk [tilespmem:v9+s1+$0x0], $0xffff;
	v9 =	vbroadcast v15, $0x1  }
0x743: {  	v10 =	vbroadcast v13, $0x0;
	v22 =	vld.idx.msk [tilespmem:v7+s1+$0x0], $0xffff;
	v7 =	vsub.f32 v6, v2;
	v6 =	vmax.f32 v18, $1.000000000e-30  }
0x744: {  	v17 =	vld.idx.msk [tilespmem:v17+s1+$0x0], $0xffff;
	v12 =	vsub.f32 v12, v9;
	v23 =	vshrl.u32 v6, $0x1;
	v24 =	vmul.f32 $5.000000000e-01, v6  }
0x745: {  	v16 =	vsub.f32 v16, v8;
	v6 =	vbroadcast v13, $0x2;
	v13 =	vld.idx.msk [tilespmem:v19+s1+$0x0], $0xffff;
	v19 =	vsub.s32 $0x5F3759DF, v23  }
0x746: {  	v20 =	vsub.f32 v20, v10;
	v12 =	vmul.f32 v12, v12;
	v25 =	vmul.f32 v19, v24  }
0x747: {  	v11 =	vsub.f32 v11, v3;
	v23 =	vmul.f32 v7, v7;
	v7 =	vbroadcast v15, $0x2  }
0x748: {  	v15 =	vmul.f32 v16, v16;
	v16 =	vsub.f32 v21, v4;
	v21 =	vmul.f32 v19, v25  }
0x749: {  	v17 =	vsub.f32 v17, v5;
	v20 =	vmul.f32 v20, v20;
	v11 =	vmul.f32 v11, v11  }
0x74a: {  	v22 =	vsub.f32 v22, v6;
	v16 =	vmul.f32 v16, v16;
	v21 =	vsub.f32 $1.500000000e+00, v21  }
0x74b: {  	v20 =	vadd.f32 v23, v20;
	v11 =	vadd.f32 v15, v11;
	v15 =	vmul.f32 v17, v17  }
0x74c: {  	v22 =	vmul.f32 v22, v22;
	v13 =	vsub.f32 v13, v7;
	v17 =	vmul.f32 v19, v21  }
0x74d: {  	v12 =	vadd.f32 v12, v16;
	v11 =	vadd.f32 v15, v11  }
0x74e: {  	v16 =	vadd.f32 v22, v20;
	v13 =	vmul.f32 v13, v13;
	v15 =	vmul.f32 v17, v24  }
0x74f: {  	v19 =	vmax.f32 v11, $1.000000000e-30  }
0x750: {  	v12 =	vadd.f32 v13, v12;
	v13 =	vmax.f32 v16, $1.000000000e-30;
	v15 =	vmul.f32 v15, v17  }
0x751: {  	v22 =	vshrl.u32 v19, $0x1;
	v20 =	vshrl.u32 v13, $0x1;
	v13 =	vmul.f32 $5.000000000e-01, v13  }
0x752: {  	v19 =	vmul.f32 $5.000000000e-01, v19;
	v20 =	vsub.s32 $0x5F3759DF, v20;
	v15 =	vsub.f32 $1.500000000e+00, v15  }
0x753: {  	v22 =	vsub.s32 $0x5F3759DF, v22;
	v21 =	vmax.f32 v12, $1.000000000e-30;
	v24 =	vmul.f32 v20, v13  }
0x754: {  	v23 =	vshrl.u32 v21, $0x1;
	v21 =	vmul.f32 $5.000000000e-01, v21;
	v15 =	vmul.f32 v15, v17  }
0x755: {  	v24 =	vmul.f32 v20, v24;
	v17 =	vsub.s32 $0x5F3759DF, v23;
	v23 =	vmul.f32 v22, v19  }
0x756: {  	v25 =	vmul.f32 v17, v21;
	v15 =	vmul.f32 v15, v18  }
0x757: {  	s12 =	simm.s32 $0xF180;
	v18 =	vmul.f32 v22, v23;
	v23 =	vsub.f32 $1.500000000e+00, v24  }
0x758: {  	v24 =	vmul.f32 v17, v25;
	[tilespmem:s12+$0x80] =	vst v15  }
0x759: {  	v15 =	vsub.f32 $1.500000000e+00, v18;
	v18 =	vmul.f32 v20, v23;
	v20 =	vld [tilespmem:s13+$0x90]  }
0x75a: {  	v23 =	vsub.f32 $1.500000000e+00, v24  }
0x75b: {  	v15 =	vmul.f32 v22, v15;
	v13 =	vmul.f32 v18, v13  }
0x75c: {  	v17 =	vmul.f32 v17, v23  }
0x75d: {  	v19 =	vmul.f32 v15, v19;
	v13 =	vmul.f32 v13, v18  }
0x75e: {  	v21 =	vmul.f32 v17, v21;
	v20 =	vmul.u32 $0x3, v20  }
0x75f: {  	v19 =	vmul.f32 v19, v15;
	v13 =	vsub.f32 $1.500000000e+00, v13  }
0x760: {  	v21 =	vmul.f32 v21, v17;
	v22 =	vadd.s32 $0x1, v20  }
0x761: {  	v19 =	vsub.f32 $1.500000000e+00, v19;
	v13 =	vmul.f32 v13, v18  }
0x762: {  	v18 =	vsub.f32 $1.500000000e+00, v21;
	v21 =	vadd.s32 $0x2, v20  }
0x763: {  	v15 =	vmul.f32 v19, v15;
	v13 =	vmul.f32 v13, v16  }
0x764: {  	v16 =	vmul.f32 v18, v17;
	v17 =	vld.idx.msk [tilespmem:v20+s1+$0x0], $0xffff  }
0x765: {  	v11 =	vmul.f32 v15, v11;
	[tilespmem:s12+$0xFFFFFF00] =	vst v13;
	v13 =	vld.idx.msk [tilespmem:v22+s1+$0x0], $0xffff  }
0x766: {  	v12 =	vmul.f32 v16, v12;
	v15 =	vld [tilespmem:s13+$0xFFFFFF10]  }
0x767: {  	[tilespmem:s12+$0xFFFFFF80] =	vst v11;
	v11 =	vld.idx.msk [tilespmem:v21+s1+$0x0], $0xffff  }
0x768: {  	[tilespmem:s12+$0x0] =	vst v12;
	v12 =	vld [tilespmem:s13+$0xFFFFFF90]  }
0x769: {  	s21 =	sadd.s32 $0xC, s6  }
0x76a: {  	s15 =	simm.s32 $0x15;
	s17 =	sadd.s32 $0xA89, s21;
	v16 =	vld [tilespmem:s13+$0x10];
	s13 =	simm.s32 $0x7380;
	v1 =	vsub.f32 v17, v1;
	v0 =	vsub.f32 v13, v0  }
0x76b: {  	s2 =	sand.u32 $0x7D, s15;
	s3 =	sand.u32 $0xFF80, s17;
	v23 =	vld [tilespmem:s13+$0xFFFFFF80];
	v15 =	vmul.u32 $0x3, v15  }
0x76c: {  	s2 =	sor.u32 s2, s3;
	v13 =	vld [tilespmem:s13+$0x80];
	v11 =	vsub.f32 v11, v14;
	v1 =	vmul.f32 v1, v1;
	v0 =	vmul.f32 v0, v0  }
0x76d: {  	s16 =	sadd.s32 $0xC, s30;
	v31 =	vld [tilespmem:s2+$0x0];
	v14 =	vadd.s32 $0x1, v15;
	v19 =	vmul.u32 $0x3, v12  }
0x76e: {  	v20 =	vld [tilespmem:s16+$0x0];
	v18 =	vadd.s32 $0x2, v15;
	v0 =	vadd.f32 v0, v1;
	v1 =	vmul.f32 v11, v11  }
0x76f: {  	v16 =	vmul.u32 $0x3, v16;
	v11 =	vld [tilespmem:s13+$0xFFFFFF00]  }
0x770: {  	v21 =	vadd.s32 $0x1, v19;
	v23 =	vmul.u32 $0x3, v23;
	v12 =	vadd.f32 v1, v0;
	v1 =	vld [tilespmem:s13+$0x0]  }
0x771: {  	v13 =	vmul.u32 $0x3, v13;
	v15 =	vld.idx.msk [tilespmem:v15+s1+$0x0], $0xffff  }
0x772: {  	v17 =	vadd.s32 $0x2, v19;
	v22 =	vadd.s32 $0x1, v16;
	v34 =	vadd.s32 $0x1, v23;
	v24 =	vld.idx.msk [tilespmem:v14+s1+$0x0], $0xffff  }
0x773: {  	v55 =	vadd.s32 $0x2, v23;
	v25 =	vadd.s32 $0x1, v13;
	v18 =	vld.idx.msk [tilespmem:v18+s1+$0x0], $0xffff;
	v0 =	vmax.f32 v12, $1.000000000e-30  }
0x774: {  	v53 =	vadd.s32 $0x2, v13;
	v19 =	vld.idx.msk [tilespmem:v19+s1+$0x0], $0xffff;
	v26 =	vshrl.u32 v0, $0x1;
	v27 =	vmul.f32 $5.000000000e-01, v0  }
0x775: {  	v11 =	vmul.u32 $0x3, v11;
	v21 =	vld.idx.msk [tilespmem:v21+s1+$0x0], $0xffff;
	v0 =	vbroadcast v20, $0x2;
	v26 =	vsub.s32 $0x5F3759DF, v26  }
0x776: {  	v14 =	vadd.s32 $0x2, v16;
	v56 =	vld.idx.msk [tilespmem:v16+s1+$0x0], $0xffff;
	v16 =	vbroadcast v31, $0x2;
	v54 =	vmul.f32 v26, v27  }
0x777: {  	v30 =	vmul.u32 $0x3, v1;
	v32 =	vadd.s32 $0x1, v11;
	v33 =	vadd.s32 $0x2, v11;
	v35 =	vld.idx.msk [tilespmem:v13+s1+$0x0], $0xffff  }
0x778: {  	v1 =	vbroadcast v20, $0x0;
	v10 =	vsub.f32 v15, v10;
	v15 =	vbroadcast v31, $0x1;
	v25 =	vld.idx.msk [tilespmem:v25+s1+$0x0], $0xffff  }
0x779: {  	s14 =	simm.s32 $0xC;
	s19 =	sadd.s32 $0xA80, s21;
	v22 =	vld.idx.msk [tilespmem:v22+s1+$0x0], $0xffff;
	v24 =	vsub.f32 v24, v2;
	v2 =	vbroadcast v20, $0x1;
	v13 =	vmul.f32 v26, v54  }
0x77a: {  	s18 =	sand.u32 $0x7C, s14;
	s3 =	sand.u32 $0xFF80, s19;
	v20 =	vld.idx.msk [tilespmem:v53+s1+$0x0], $0xffff;
	v6 =	vsub.f32 v18, v6;
	v36 =	vadd.s32 $0x1, v30;
	v57 =	vmul.f32 v10, v10  }
0x77b: {  	s2 =	sor.u32 s18, s3;
	v23 =	vld.idx.msk [tilespmem:v23+s1+$0x0], $0xffff;
	v3 =	vsub.f32 v19, v3;
	v38 =	vsub.f32 $1.500000000e+00, v13;
	v13 =	vbroadcast v31, $0x0  }
0x77c: {  	s20 =	simm.s32 $0x12;
	s0 =	sadd.s32 $0xA86, s21;
	v8 =	vsub.f32 v21, v8;
	v21 =	vld [tilespmem:s2+$0x0];
	v24 =	vmul.f32 v24, v24;
	v28 =	vsub.f32 v56, v4  }
0x77d: {  	s21 =	sand.u32 $0x7E, s20;
	s0 =	sand.u32 $0xFF80, s0;
	v11 =	vld.idx.msk [tilespmem:v11+s1+$0x0], $0xffff;
	v61 =	vmul.f32 v3, v3;
	v35 =	vsub.f32 v35, v13;
	v25 =	vsub.f32 v25, v15  }
0x77e: {  	s0 =	sor.u32 s21, s0;
	v9 =	vsub.f32 v22, v9;
	v19 =	vmul.f32 v8, v8;
	v8 =	vld.idx.msk [tilespmem:v32+s1+$0x0], $0xffff;
	v22 =	vmul.f32 v26, v38  }
0x77f: {  	v26 =	vld [tilespmem:s0+$0x0];
	v20 =	vsub.f32 v20, v16;
	v58 =	vmul.f32 v35, v35;
	v25 =	vmul.f32 v25, v25  }
0x780: {  	v29 =	vld.idx.msk [tilespmem:v55+s1+$0x0], $0xffff;
	v23 =	vsub.f32 v23, v1;
	v59 =	vmul.f32 v9, v9;
	v4 =	vmul.f32 v22, v27  }
0x781: {  	v27 =	vld.idx.msk [tilespmem:v34+s1+$0x0], $0xffff;
	v10 =	vbroadcast v21, $0x1;
	v20 =	vmul.f32 v20, v20;
	v25 =	vadd.f32 v25, v58  }
0x782: {  	v37 =	vadd.s32 $0x2, v30;
	v9 =	vbroadcast v21, $0x0;
	v4 =	vmul.f32 v4, v22  }
0x783: {  	v33 =	vld.idx.msk [tilespmem:v33+s1+$0x0], $0xffff;
	v23 =	vmul.f32 v23, v23;
	v3 =	vsub.f32 v8, v10;
	v20 =	vadd.f32 v20, v25  }
0x784: {  	v60 =	vld.idx.msk [tilespmem:v36+s1+$0x0], $0xffff;
	v8 =	vbroadcast v26, $0x0;
	v25 =	vsub.f32 $1.500000000e+00, v4;
	v4 =	vsub.f32 v11, v9  }
0x785: {  	v29 =	vsub.f32 v29, v0;
	v30 =	vld.idx.msk [tilespmem:v30+s1+$0x0], $0xffff;
	v11 =	vbroadcast v26, $0x1;
	v62 =	vmul.f32 v3, v3  }
0x786: {  	v27 =	vsub.f32 v27, v2;
	v3 =	vmax.f32 v20, $1.000000000e-30;
	v4 =	vmul.f32 v4, v4  }
0x787: {  	v63 =	vshrl.u32 v3, $0x1;
	v40 =	vmul.f32 $5.000000000e-01, v3;
	v3 =	vbroadcast v21, $0x2;
	v21 =	vld.idx.msk [tilespmem:v37+s1+$0x0], $0xffff  }
0x788: {  	v36 =	vsub.s32 $0x5F3759DF, v63;
	v34 =	vadd.f32 v62, v4;
	v4 =	vbroadcast v26, $0x2  }
0x789: {  	v31 =	vsub.f32 v60, v11;
	v26 =	vmul.f32 v27, v27;
	v41 =	vmul.f32 v36, v40  }
0x78a: {  	v29 =	vmul.f32 v29, v29;
	v27 =	vsub.f32 v30, v8;
	v33 =	vsub.f32 v33, v3  }
0x78b: {  	v14 =	vld.idx.msk [tilespmem:v14+s1+$0x0], $0xffff;
	v42 =	vmul.f32 v31, v31;
	v23 =	vadd.f32 v26, v23;
	v43 =	vmul.f32 v36, v41  }
0x78c: {  	v27 =	vmul.f32 v27, v27;
	v26 =	vmul.f32 v33, v33;
	v21 =	vsub.f32 v21, v4  }
0x78d: {  	v6 =	vmul.f32 v6, v6;
	v23 =	vadd.f32 v29, v23;
	v31 =	vsub.f32 $1.500000000e+00, v43  }
0x78e: {  	v22 =	vmul.f32 v25, v22;
	v25 =	vadd.f32 v42, v27;
	v26 =	vadd.f32 v26, v34  }
0x78f: {  	v21 =	vmul.f32 v21, v21;
	v45 =	vmax.f32 v23, $1.000000000e-30;
	v27 =	vmul.f32 v36, v31  }
0x790: {  	v28 =	vmul.f32 v28, v28;
	v7 =	vsub.f32 v14, v7;
	v48 =	vshrl.u32 v45, $0x1  }
0x791: {  	v21 =	vadd.f32 v21, v25;
	v25 =	vmax.f32 v26, $1.000000000e-30;
	v44 =	vmul.f32 v27, v40  }
0x792: {  	v17 =	vld.idx.msk [tilespmem:v17+s1+$0x0], $0xffff;
	v30 =	vmul.f32 $5.000000000e-01, v45;
	v46 =	vshrl.u32 v25, $0x1;
	v25 =	vmul.f32 $5.000000000e-01, v25  }
0x793: {  	v33 =	vsub.s32 $0x5F3759DF, v48;
	v31 =	vsub.s32 $0x5F3759DF, v46;
	v29 =	vmul.f32 v44, v27  }
0x794: {  	v18 =	vmul.f32 v33, v30;
	v47 =	vmax.f32 v21, $1.000000000e-30;
	v49 =	vmul.f32 v31, v25  }
0x795: {  	v50 =	vshrl.u32 v47, $0x1;
	v32 =	vmul.f32 $5.000000000e-01, v47;
	v29 =	vsub.f32 $1.500000000e+00, v29  }
0x796: {  	v14 =	vmul.f32 v33, v18;
	v36 =	vsub.s32 $0x5F3759DF, v50;
	v34 =	vmul.f32 v31, v49  }
0x797: {  	v5 =	vsub.f32 v17, v5;
	v51 =	vmul.f32 v36, v32;
	v27 =	vmul.f32 v29, v27  }
0x798: {  	v22 =	vmul.f32 v22, v12;
	v14 =	vsub.f32 $1.500000000e+00, v14;
	v17 =	vsub.f32 $1.500000000e+00, v34  }
0x799: {  	v24 =	vadd.f32 v24, v57;
	v18 =	vmul.f32 v36, v51;
	v20 =	vmul.f32 v27, v20  }
0x79a: {  	s15 =	simm.s32 $0xF380;
	v19 =	vadd.f32 v19, v61;
	v14 =	vmul.f32 v33, v14;
	v17 =	vmul.f32 v31, v17  }
0x79b: {  	v18 =	vsub.f32 $1.500000000e+00, v18;
	[tilespmem:s15+$0x80] =	vst v20;
	v20 =	vmul.f32 v5, v5;
	v5 =	vadd.f32 v6, v24  }
0x79c: {  	v27 =	vadd.f32 v59, v28;
	v6 =	vmul.f32 v7, v7;
	v24 =	vmul.f32 v17, v25  }
0x79d: {  	v25 =	vmul.f32 v36, v18;
	v52 =	vld [tilespmem:s13+$0x90];
	v7 =	vadd.f32 v20, v19;
	v18 =	vmax.f32 v5, $1.000000000e-30  }
0x79e: {  	v6 =	vadd.f32 v6, v27;
	v19 =	vmul.f32 v24, v17;
	v20 =	vmul.f32 v14, v30  }
0x79f: {  	v24 =	vmul.f32 v25, v32;
	v53 =	vshrl.u32 v18, $0x1;
	v57 =	vmul.f32 $5.000000000e-01, v18  }
0x7a0: {  	v27 =	vmax.f32 v7, $1.000000000e-30;
	v19 =	vsub.f32 $1.500000000e+00, v19;
	v54 =	vmax.f32 v6, $1.000000000e-30  }
0x7a1: {  	v20 =	vmul.f32 v20, v14;
	v24 =	vmul.f32 v24, v25;
	v29 =	vsub.s32 $0x5F3759DF, v53  }
0x7a2: {  	v18 =	vmul.f32 $5.000000000e-01, v54;
	v28 =	vmul.u32 $0x3, v52;
	v17 =	vmul.f32 v19, v17  }
0x7a3: {  	v55 =	vshrl.u32 v27, $0x1;
	v59 =	vmul.f32 v29, v57;
	v19 =	vmul.f32 $5.000000000e-01, v27  }
0x7a4: {  	v24 =	vsub.f32 $1.500000000e+00, v24;
	v56 =	vadd.s32 $0x1, v28;
	v17 =	vmul.f32 v17, v26  }
0x7a5: {  	v58 =	vsub.s32 $0x5F3759DF, v55;
	v20 =	vsub.f32 $1.500000000e+00, v20;
	v26 =	vadd.s32 $0x2, v28  }
0x7a6: {  	v60 =	vmul.f32 v58, v19;
	v24 =	vmul.f32 v24, v25;
	[tilespmem:s15+$0xFFFFFF00] =	vst v17  }
0x7a7: {  	v27 =	vshrl.u32 v54, $0x1;
	v31 =	vmul.f32 v29, v59;
	v14 =	vmul.f32 v20, v14;
	v62 =	vld [tilespmem:s13+$0xFFFFFF10]  }
0x7a8: {  	v27 =	vsub.s32 $0x5F3759DF, v27;
	v20 =	vmul.f32 v58, v60;
	v21 =	vmul.f32 v24, v21;
	v28 =	vld.idx.msk [tilespmem:v28+s1+$0x0], $0xffff  }
0x7a9: {  	v61 =	vmul.f32 v27, v18;
	v12 =	vmul.f32 v14, v23;
	v17 =	vld.idx.msk [tilespmem:v56+s1+$0x0], $0xffff  }
0x7aa: {  	v20 =	vsub.f32 $1.500000000e+00, v20;
	[tilespmem:s15+$0x0] =	vst v21;
	v25 =	vld.idx.msk [tilespmem:v26+s1+$0x0], $0xffff  }
0x7ab: {  	v31 =	vsub.f32 $1.500000000e+00, v31;
	[tilespmem:s15+$0xFFFFFF80] =	vst v12;
	v26 =	vmul.f32 v27, v61;
	v21 =	vld [tilespmem:s13+$0x10]  }
0x7ac: {  	v12 =	vmul.f32 v58, v20;
	v20 =	vld [tilespmem:s13+$0xFFFFFF90]  }
0x7ad: {  	v14 =	vmul.f32 v29, v31;
	v23 =	vsub.f32 $1.500000000e+00, v26  }
0x7ae: {  	v26 =	vsub.f32 v28, v13;
	v63 =	vsub.f32 v17, v15  }
0x7af: {  	v24 =	vmul.u32 $0x3, v62;
	v13 =	vmul.f32 v27, v23;
	v15 =	vmul.f32 v14, v57  }
0x7b0: {  	s17 =	simm.s32 $0x4;
	s18 =	sadd.s32 $0xC, s16;
	s16 =	simm.s32 $0xF380;
	[tilespmem:s12+$0x90] =	vst v22;
	v16 =	vsub.f32 v25, v16;
	v17 =	vmul.f32 v26, v26;
	v22 =	vmul.f32 v63, v63  }
.LBB2_16:
0x7b1: {  	v25 =	vld [tilespmem:s18+$0x0];
	v26 =	vadd.s32 $0x1, v24;
	v27 =	vmul.u32 $0x3, v20;
	v28 =	vmul.u32 $0x3, v21;
	s13 =	sadd.s32 $0x200, s13  }
0x7b2: {  	s17 =	sadd.s32 $0x4, s17;
	v21 =	vadd.s32 $0x2, v24;
	v29 =	vld [tilespmem:s13+$0x80];
	v17 =	vadd.f32 v22, v17;
	v16 =	vmul.f32 v16, v16  }
0x7b3: {  	p0 =	slt.u32 s17, $0x7C;
	v30 =	vld [tilespmem:s13+$0xFFFFFF00];
	v31 =	vadd.s32 $0x1, v27;
	v23 =	vadd.s32 $0x2, v27;
	v32 =	vadd.s32 $0x1, v28  }
0x7b4: {  	v22 =	vadd.s32 $0x2, v28;
	v33 =	vld [tilespmem:s13+$0xFFFFFF80];
	v34 =	vadd.f32 v16, v17;
	v16 =	vmul.f32 v12, v19  }
0x7b5: {  	v35 =	vmul.f32 v15, v14;
	v15 =	vmul.f32 v13, v18;
	v17 =	vld [tilespmem:s13+$0x0]  }
0x7b6: {  	v20 =	vbroadcast v25, $0x2;
	v26 =	vld.idx.msk [tilespmem:v26+s1+$0x0], $0xffff;
	v19 =	vmax.f32 v34, $1.000000000e-30;
	v18 =	vmul.f32 v16, v12  }
0x7b7: {  	s14 =	sadd.s32 $0xC, s14;
	v16 =	vmul.u32 $0x3, v29;
	v24 =	vld.idx.msk [tilespmem:v24+s1+$0x0], $0xffff;
	v29 =	vshrl.u32 v19, $0x1;
	v36 =	vmul.f32 $5.000000000e-01, v19  }
0x7b8: {  	s0 =	sadd.s32 s14, s6;
	s2 =	sand.u32 $0x7C, s14;
	s3 =	sadd.s32 $0x6, s14;
	v19 =	vmul.f32 v15, v13;
	v30 =	vmul.u32 $0x3, v30;
	v31 =	vld.idx.msk [tilespmem:v31+s1+$0x0], $0xffff;
	v29 =	vsub.s32 $0x5F3759DF, v29  }
0x7b9: {  	s20 =	sadd.s32 $0x9, s14;
	s19 =	sadd.s32 $0xA80, s0;
	s21 =	sadd.s32 $0xA89, s0;
	v33 =	vmul.u32 $0x3, v33;
	v15 =	vadd.s32 $0x1, v16;
	v32 =	vld.idx.msk [tilespmem:v32+s1+$0x0], $0xffff;
	v37 =	vmul.f32 v29, v36  }
0x7ba: {  	s0 =	sadd.s32 $0xA86, s0;
	s20 =	sand.u32 $0x7D, s20;
	s21 =	sand.u32 $0xFF80, s21;
	v38 =	vadd.s32 $0x1, v30;
	v39 =	vadd.s32 $0x2, v30;
	v40 =	vmul.u32 $0x3, v17;
	v17 =	vld.idx.msk [tilespmem:v27+s1+$0x0], $0xffff  }
0x7bb: {  	s19 =	sand.u32 $0xFF80, s19;
	s0 =	sand.u32 $0xFF80, s0;
	s20 =	sor.u32 s20, s21;
	v41 =	vadd.s32 $0x2, v16;
	v27 =	vadd.s32 $0x1, v33;
	v28 =	vld.idx.msk [tilespmem:v28+s1+$0x0], $0xffff;
	v37 =	vmul.f32 v29, v37  }
0x7bc: {  	s3 =	sand.u32 $0x7E, s3;
	s2 =	sor.u32 s2, s19;
	v42 =	vadd.s32 $0x2, v33;
	v43 =	vadd.s32 $0x1, v40;
	v44 =	vadd.s32 $0x2, v40;
	v45 =	vld [tilespmem:s20+$0x0]  }
0x7bd: {  	s0 =	sor.u32 s3, s0;
	v46 =	vbroadcast v25, $0x0;
	v10 =	vsub.f32 v26, v10;
	v47 =	vld.idx.msk [tilespmem:v16+s1+$0x0], $0xffff;
	v16 =	vsub.f32 $1.500000000e+00, v37  }
0x7be: {  	v9 =	vsub.f32 v24, v9;
	v26 =	vld.idx.msk [tilespmem:v15+s1+$0x0], $0xffff;
	v15 =	vsub.f32 v31, v2;
	v2 =	vbroadcast v25, $0x1  }
0x7bf: {  	v10 =	vmul.f32 v10, v10;
	v11 =	vsub.f32 v32, v11;
	v25 =	vld [tilespmem:s2+$0x0];
	v29 =	vmul.f32 v29, v16  }
0x7c0: {  	v9 =	vmul.f32 v9, v9;
	v17 =	vsub.f32 v17, v1;
	v31 =	vld.idx.msk [tilespmem:v41+s1+$0x0], $0xffff;
	v32 =	vmul.f32 v15, v15  }
0x7c1: {  	v1 =	vmovc v46;
	v28 =	vsub.f32 v28, v8;
	v41 =	vmul.f32 v11, v11;
	v37 =	vld [tilespmem:s0+$0x0];
	v8 =	vmul.f32 v29, v36  }
0x7c2: {  	v24 =	vadd.f32 v10, v9;
	v15 =	vbroadcast v45, $0x0;
	v16 =	vbroadcast v45, $0x1;
	v36 =	vld.idx.msk [tilespmem:v38+s1+$0x0], $0xffff  }
0x7c3: {  	v35 =	vsub.f32 $1.500000000e+00, v35;
	v11 =	vmul.f32 v17, v17;
	v27 =	vld.idx.msk [tilespmem:v27+s1+$0x0], $0xffff;
	v8 =	vmul.f32 v8, v29  }
0x7c4: {  	v17 =	vbroadcast v45, $0x2;
	v26 =	vsub.f32 v26, v16;
	v38 =	vld.idx.msk [tilespmem:v43+s1+$0x0], $0xffff;
	v43 =	vsub.f32 v47, v15  }
0x7c5: {  	v9 =	vbroadcast v25, $0x0;
	v10 =	vbroadcast v25, $0x1;
	v30 =	vld.idx.msk [tilespmem:v30+s1+$0x0], $0xffff;
	v45 =	vsub.f32 $1.500000000e+00, v8  }
0x7c6: {  	v31 =	vsub.f32 v31, v17;
	v26 =	vmul.f32 v26, v26;
	v33 =	vld.idx.msk [tilespmem:v33+s1+$0x0], $0xffff;
	v43 =	vmul.f32 v43, v43  }
0x7c7: {  	v32 =	vadd.f32 v32, v11;
	v8 =	vbroadcast v37, $0x0;
	v40 =	vld.idx.msk [tilespmem:v40+s1+$0x0], $0xffff;
	v29 =	vmul.f32 v45, v29  }
0x7c8: {  	v11 =	vbroadcast v37, $0x1;
	v31 =	vmul.f32 v31, v31;
	v39 =	vld.idx.msk [tilespmem:v39+s1+$0x0], $0xffff;
	v26 =	vadd.f32 v26, v43  }
0x7c9: {  	v36 =	vsub.f32 v36, v10;
	v27 =	vsub.f32 v27, v2;
	v42 =	vld.idx.msk [tilespmem:v42+s1+$0x0], $0xffff;
	v29 =	vmul.f32 v29, v34  }
0x7ca: {  	v25 =	vbroadcast v25, $0x2;
	v38 =	vsub.f32 v38, v11;
	v34 =	vld.idx.msk [tilespmem:v44+s1+$0x0], $0xffff;
	v26 =	vadd.f32 v31, v26  }
0x7cb: {  	v30 =	vsub.f32 v30, v9;
	v31 =	vmul.f32 v36, v36;
	v36 =	vbroadcast v37, $0x2;
	v21 =	vld.idx.msk [tilespmem:v21+s1+$0x0], $0xffff;
	[tilespmem:s15+$0x90] =	vst v29  }
0x7cc: {  	v27 =	vmul.f32 v27, v27;
	v29 =	vsub.f32 v33, v1;
	v33 =	vmax.f32 v26, $1.000000000e-30;
	v23 =	vld.idx.msk [tilespmem:v23+s1+$0x0], $0xffff  }
0x7cd: {  	v37 =	vsub.f32 v40, v8;
	v40 =	vshrl.u32 v33, $0x1;
	v33 =	vmul.f32 $5.000000000e-01, v33;
	v22 =	vld.idx.msk [tilespmem:v22+s1+$0x0], $0xffff  }
0x7ce: {  	v38 =	vmul.f32 v38, v38;
	v30 =	vmul.f32 v30, v30;
	v40 =	vsub.s32 $0x5F3759DF, v40  }
0x7cf: {  	v39 =	vsub.f32 v39, v25;
	v29 =	vmul.f32 v29, v29;
	v43 =	vmul.f32 v40, v33  }
0x7d0: {  	v42 =	vsub.f32 v42, v20;
	v37 =	vmul.f32 v37, v37;
	v34 =	vsub.f32 v34, v36  }
0x7d1: {  	v30 =	vadd.f32 v31, v30;
	v27 =	vadd.f32 v27, v29;
	v29 =	vmul.f32 v40, v43  }
0x7d2: {  	v31 =	vmul.f32 v39, v39;
	v39 =	vmul.f32 v42, v42;
	v37 =	vadd.f32 v38, v37  }
0x7d3: {  	v28 =	vmul.f32 v28, v28;
	v34 =	vmul.f32 v34, v34;
	v29 =	vsub.f32 $1.500000000e+00, v29  }
0x7d4: {  	v14 =	vmul.f32 v35, v14;
	v30 =	vadd.f32 v31, v30;
	v27 =	vadd.f32 v39, v27  }
0x7d5: {  	v21 =	vsub.f32 v21, v3;
	v3 =	vmovc v25;
	v31 =	vadd.f32 v34, v37;
	v29 =	vmul.f32 v40, v29  }
0x7d6: {  	v23 =	vsub.f32 v23, v0;
	v0 =	vmovc v20;
	v25 =	vmax.f32 v30, $1.000000000e-30;
	v34 =	vmax.f32 v27, $1.000000000e-30  }
0x7d7: {  	v20 =	vshrl.u32 v25, $0x1;
	v35 =	vmax.f32 v31, $1.000000000e-30;
	v33 =	vmul.f32 v29, v33  }
0x7d8: {  	v25 =	vmul.f32 $5.000000000e-01, v25;
	v37 =	vshrl.u32 v34, $0x1;
	v34 =	vmul.f32 $5.000000000e-01, v34  }
0x7d9: {  	v38 =	vshrl.u32 v35, $0x1;
	v35 =	vmul.f32 $5.000000000e-01, v35;
	v33 =	vmul.f32 v33, v29  }
0x7da: {  	v20 =	vsub.s32 $0x5F3759DF, v20;
	v37 =	vsub.s32 $0x5F3759DF, v37;
	v38 =	vsub.s32 $0x5F3759DF, v38  }
0x7db: {  	v39 =	vmul.f32 v20, v25;
	v40 =	vmul.f32 v37, v34;
	v33 =	vsub.f32 $1.500000000e+00, v33  }
0x7dc: {  	v28 =	vadd.f32 v41, v28;
	v22 =	vsub.f32 v22, v4;
	v4 =	vmovc v36;
	v42 =	vmul.f32 v38, v35  }
0x7dd: {  	v36 =	vmul.f32 v20, v39;
	v29 =	vmul.f32 v33, v29;
	v33 =	vsub.f32 $1.500000000e+00, v18  }
0x7de: {  	v39 =	vmul.f32 v38, v42;
	v18 =	vmul.f32 v37, v40;
	v40 =	vsub.f32 $1.500000000e+00, v19  }
0x7df: {  	v21 =	vmul.f32 v21, v21;
	v19 =	vsub.f32 $1.500000000e+00, v36;
	v26 =	vmul.f32 v29, v26  }
0x7e0: {  	s15 =	sadd.s32 $0x200, s15;
	v23 =	vmul.f32 v23, v23;
	v18 =	vsub.f32 $1.500000000e+00, v18;
	v29 =	vsub.f32 $1.500000000e+00, v39  }
0x7e1: {  	v21 =	vadd.f32 v21, v24;
	v20 =	vmul.f32 v20, v19;
	v19 =	vmul.f32 v22, v22;
	[tilespmem:s15+$0x80] =	vst v26  }
0x7e2: {  	v23 =	vadd.f32 v23, v32;
	v18 =	vmul.f32 v37, v18;
	v22 =	vmul.f32 v38, v29;
	v24 =	vld [tilespmem:s13+$0x90]  }
0x7e3: {  	v25 =	vmul.f32 v20, v25;
	v26 =	vmax.f32 v21, $1.000000000e-30;
	v28 =	vadd.f32 v19, v28  }
0x7e4: {  	v32 =	vmax.f32 v23, $1.000000000e-30;
	v19 =	vmul.f32 v18, v34;
	v29 =	vmul.f32 v22, v35  }
0x7e5: {  	v25 =	vmul.f32 v25, v20;
	v34 =	vshrl.u32 v26, $0x1;
	v35 =	vmax.f32 v28, $1.000000000e-30  }
0x7e6: {  	v36 =	vshrl.u32 v32, $0x1;
	v19 =	vmul.f32 v19, v18;
	v29 =	vmul.f32 v29, v22  }
0x7e7: {  	v26 =	vmul.f32 $5.000000000e-01, v26;
	v25 =	vsub.f32 $1.500000000e+00, v25;
	v24 =	vmul.u32 $0x3, v24  }
0x7e8: {  	v37 =	vsub.f32 $1.500000000e+00, v19;
	v29 =	vsub.f32 $1.500000000e+00, v29;
	v19 =	vmul.f32 $5.000000000e-01, v32  }
0x7e9: {  	v20 =	vmul.f32 v25, v20;
	v32 =	vshrl.u32 v35, $0x1;
	v25 =	vadd.s32 $0x1, v24  }
0x7ea: {  	v37 =	vmul.f32 v37, v18;
	v22 =	vmul.f32 v29, v22;
	v29 =	vsub.s32 $0x5F3759DF, v34  }
0x7eb: {  	v20 =	vmul.f32 v20, v30;
	v30 =	vadd.s32 $0x2, v24;
	v18 =	vmul.f32 $5.000000000e-01, v35  }
0x7ec: {  	v27 =	vmul.f32 v37, v27;
	v22 =	vmul.f32 v22, v31;
	v31 =	vsub.s32 $0x5F3759DF, v36  }
0x7ed: {  	v32 =	vsub.s32 $0x5F3759DF, v32;
	[tilespmem:s15+$0xFFFFFF00] =	vst v20;
	v34 =	vld.idx.msk [tilespmem:v24+s1+$0x0], $0xffff;
	v20 =	vmul.f32 v29, v26;
	v24 =	vmul.f32 v31, v19  }
0x7ee: {  	v12 =	vmul.f32 v33, v12;
	[tilespmem:s15+$0xFFFFFF80] =	vst v27;
	v25 =	vld.idx.msk [tilespmem:v25+s1+$0x0], $0xffff;
	v27 =	vmul.f32 v32, v18  }
0x7ef: {  	v33 =	vld [tilespmem:s13+$0xFFFFFF10];
	[tilespmem:s15+$0x0] =	vst v22;
	v22 =	vmul.f32 v29, v20;
	v24 =	vmul.f32 v31, v24  }
0x7f0: {  	v13 =	vmul.f32 v40, v13;
	v30 =	vld.idx.msk [tilespmem:v30+s1+$0x0], $0xffff;
	v27 =	vmul.f32 v32, v27  }
0x7f1: {  	v35 =	vmul.f32 v14, v5;
	v5 =	vmovc v21;
	v20 =	vld [tilespmem:s13+$0xFFFFFF90];
	v22 =	vsub.f32 $1.500000000e+00, v22;
	v24 =	vsub.f32 $1.500000000e+00, v24  }
.Ltmp7:
0x7f2: {  	v36 =	vmul.f32 v12, v7;
	v37 =	vmul.f32 v13, v6;
	v7 =	vmovc v23;
	v6 =	vmovc v28;
	v21 =	vld [tilespmem:s13+$0x10];
	v27 =	vsub.f32 $1.500000000e+00, v27;
	(pc) =	sbr.rel @p0 .LBB2_16-.Ltmp7, $4  }
0x7f3: {  	v14 =	vmul.f32 v29, v22;
	v12 =	vmul.f32 v31, v24;
	[tilespmem:s12+$0xFFFFFF10] =	vst v35  }
0x7f4: {  	v22 =	vsub.f32 v34, v15;
	v23 =	vsub.f32 v25, v16;
	v24 =	vmul.u32 $0x3, v33;
	[tilespmem:s12+$0xFFFFFF90] =	vst v36  }
0x7f5: {  	v13 =	vmul.f32 v32, v27;
	v15 =	vmul.f32 v14, v26;
	[tilespmem:s12+$0x10] =	vst v37;
	s12 =	smov.u32 s16;
	s16 =	smov.u32 s15  }
0x7f6: {  	s18 =	sadd.s32 $0xC, s18;
	v16 =	vsub.f32 v30, v17;
	v17 =	vmul.f32 v22, v22;
	v22 =	vmul.f32 v23, v23  }
0x7f7: {  	v23 =	vadd.s32 $0x1, v24  }
0x7f8: {  	v20 =	vmul.u32 $0x3, v20;
	v27 =	vadd.s32 $0x2, v24  }
0x7f9: {  	v21 =	vmul.u32 $0x3, v21;
	_ =	sdelay $0x1  }
0x7fa: {  	v63 =	vld.idx.msk [tilespmem:v24+s1+$0x0], $0xffff;
	v25 =	vadd.s32 $0x1, v20  }
0x7fb: {  	v26 =	vadd.s32 $0x1, v21;
	v23 =	vld.idx.msk [tilespmem:v23+s1+$0x0], $0xffff  }
0x7fc: {  	v32 =	vadd.s32 $0x2, v20;
	v27 =	vld.idx.msk [tilespmem:v27+s1+$0x0], $0xffff  }
0x7fd: {  	v28 =	vadd.s32 $0x2, v21;
	v33 =	vld.idx.msk [tilespmem:v20+s1+$0x0], $0xffff  }
0x7fe: {  	v17 =	vadd.f32 v22, v17;
	v16 =	vmul.f32 v16, v16;
	v34 =	vld.idx.msk [tilespmem:v21+s1+$0x0], $0xffff  }
0x7ff: {  	v25 =	vld.idx.msk [tilespmem:v25+s1+$0x0], $0xffff  }
0x800: {  	v16 =	vadd.f32 v16, v17;
	v26 =	vld.idx.msk [tilespmem:v26+s1+$0x0], $0xffff  }
0x801: {  	v41 =	vmul.f32 v12, v19;
	v43 =	vmul.f32 v15, v14;
	v22 =	vld.idx.msk [tilespmem:v32+s1+$0x0], $0xffff  }
0x802: {  	v18 =	vmul.f32 v13, v18;
	v35 =	vmax.f32 v16, $1.000000000e-30;
	v9 =	vsub.f32 v63, v9;
	v37 =	vld.idx.msk [tilespmem:v28+s1+$0x0], $0xffff  }
0x803: {  	v29 =	vshrl.u32 v35, $0x1;
	v21 =	vmul.f32 $5.000000000e-01, v35;
	v10 =	vsub.f32 v23, v10  }
0x804: {  	v9 =	vmul.f32 v9, v9;
	v3 =	vsub.f32 v27, v3;
	v1 =	vsub.f32 v33, v1  }
0x805: {  	v8 =	vsub.f32 v34, v8;
	v2 =	vsub.f32 v25, v2;
	v10 =	vmul.f32 v10, v10  }
0x806: {  	v11 =	vsub.f32 v26, v11;
	v0 =	vsub.f32 v22, v0;
	v3 =	vmul.f32 v3, v3  }
0x807: {  	v4 =	vsub.f32 v37, v4;
	v1 =	vmul.f32 v1, v1;
	v2 =	vmul.f32 v2, v2  }
0x808: {  	v8 =	vmul.f32 v8, v8;
	v11 =	vmul.f32 v11, v11;
	v9 =	vadd.f32 v10, v9  }
0x809: {  	v36 =	vsub.s32 $0x5F3759DF, v29;
	v0 =	vmul.f32 v0, v0;
	v1 =	vadd.f32 v2, v1  }
0x80a: {  	v4 =	vmul.f32 v4, v4;
	v40 =	vadd.f32 v11, v8;
	v3 =	vadd.f32 v3, v9  }
0x80b: {  	v18 =	vmul.f32 v18, v13;
	v38 =	vmul.f32 v36, v21  }
0x80c: {  	v0 =	vadd.f32 v0, v1;
	v44 =	vmax.f32 v3, $1.000000000e-30;
	v2 =	vadd.f32 v4, v40  }
0x80d: {  	v39 =	vmul.f32 v36, v38;
	v47 =	vshrl.u32 v44, $0x1;
	v10 =	vmul.f32 $5.000000000e-01, v44  }
0x80e: {  	v46 =	vmax.f32 v0, $1.000000000e-30;
	v48 =	vmax.f32 v2, $1.000000000e-30;
	v11 =	vsub.s32 $0x5F3759DF, v47  }
0x80f: {  	v49 =	vshrl.u32 v46, $0x1;
	v9 =	vmul.f32 $5.000000000e-01, v46;
	v50 =	vshrl.u32 v48, $0x1  }
0x810: {  	v15 =	vmul.f32 $5.000000000e-01, v48;
	v51 =	vmul.f32 v11, v10;
	v17 =	vsub.s32 $0x5F3759DF, v49  }
0x811: {  	v54 =	vsub.f32 $1.500000000e+00, v18;
	v19 =	vsub.s32 $0x5F3759DF, v50;
	v52 =	vmul.f32 v17, v9  }
0x812: {  	v42 =	vsub.f32 $1.500000000e+00, v39;
	v53 =	vmul.f32 v19, v15;
	v20 =	vmul.f32 v11, v51  }
0x813: {  	v56 =	vmul.f32 v54, v13;
	v22 =	vmul.f32 v17, v52  }
0x814: {  	v45 =	vmul.f32 v36, v42;
	v23 =	vmul.f32 v19, v53;
	v20 =	vsub.f32 $1.500000000e+00, v20  }
0x815: {  	v6 =	vmul.f32 v56, v6;
	v22 =	vsub.f32 $1.500000000e+00, v22  }
0x816: {  	v21 =	vmul.f32 v45, v21;
	v23 =	vsub.f32 $1.500000000e+00, v23;
	v11 =	vmul.f32 v11, v20  }
0x817: {  	v8 =	vmul.f32 v41, v12;
	v17 =	vmul.f32 v17, v22  }
0x818: {  	v10 =	vmul.f32 v11, v10;
	v19 =	vmul.f32 v19, v23  }
0x819: {  	v21 =	vmul.f32 v21, v45;
	v1 =	vsub.f32 $1.500000000e+00, v43;
	v9 =	vmul.f32 v17, v9  }
0x81a: {  	v8 =	vsub.f32 $1.500000000e+00, v8;
	v10 =	vmul.f32 v10, v11;
	v15 =	vmul.f32 v19, v15  }
0x81b: {  	v21 =	vsub.f32 $1.500000000e+00, v21;
	v1 =	vmul.f32 v1, v14;
	v9 =	vmul.f32 v9, v17  }
0x81c: {  	v8 =	vmul.f32 v8, v12;
	v55 =	vmul.f32 v15, v19;
	v10 =	vsub.f32 $1.500000000e+00, v10  }
0x81d: {  	v4 =	vmul.f32 v21, v45;
	v1 =	vmul.f32 v1, v5;
	v57 =	vsub.f32 $1.500000000e+00, v9  }
0x81e: {  	[tilespmem:s12+$0x10] =	vst v6;
	v58 =	vmul.f32 v8, v7;
	v59 =	vmul.f32 v10, v11;
	v60 =	vsub.f32 $1.500000000e+00, v55  }
0x81f: {  	v4 =	vmul.f32 v4, v16;
	[tilespmem:s12+$0xFFFFFF10] =	vst v1;
	v61 =	vmul.f32 v57, v17  }
0x820: {  	[tilespmem:s12+$0xFFFFFF90] =	vst v58;
	v62 =	vmul.f32 v60, v19;
	v3 =	vmul.f32 v59, v3  }
0x821: {  	[tilespmem:s15+$0x90] =	vst v4;
	v0 =	vmul.f32 v61, v0  }
0x822: {  	v63 =	vmul.f32 v62, v2;
	[tilespmem:s16+$0xFFFFFF10] =	vst v3  }
0x823: {  	[tilespmem:s16+$0xFFFFFF90] =	vst v0  }
0x824: {  	[tilespmem:s16+$0x10] =	vst v63  }
0x825: {  	s0 =	rddreg [dreg:$0x13]  }
0x826: {  	[hbm4b:s0+s1] =	stream.linear.scatter [tilespmem:s8], [sflag:$0x5], $0x4000, $0x38;
	[tilespmem:$0x13080] =	vst v63  }
0x827: {  	_ =	swait.ge [sflag:s9], $0x4000  }
0x828: {  	[sflag:s9] =	ssyncset.done $0x0  }
0x829: {  	[sflag:s9] =	ssyncadd.s32 $0xFFFFC000  }
0x82a: {  	_ =	swait.ge [sflag:s10], $0x4000  }
0x82b: {  	s11 =	sadd.s32 $0x1, s11;
	s21 =	rddreg [dreg:$0x14]  }
0x82c: {  	p0 =	sne.s32 s11, s21  }
.Ltmp8:
0x82d: {  	_ = 	snop;
	(pc) =	sbr.rel @p0 .LBB2_1-.Ltmp8, $3  }
0x82e: {  	_ =	sdelay $0x1  }
0x82f: {  	[sflag:s10] =	ssyncset.done $0x0  }
0x830: {  	[sflag:s10] =	ssyncadd.s32 $0xFFFFC000  }
0x831: {  	_ =	sfence.sel $0x180000  }
0x832: {  	[bflag:$0x0] =	sbarrier.arrive $0xFFFF  }
0x833: {  	_ =	strace $0x90000047  }
0x834: {  	s0 =	stileid.u32;
	[bflag:$0x2] =	sbarrier.arrive $0xFFFF  }
0x835: {  	p0 =	sne.s32 s0, $0x0;
	s0 =	rddreg [dreg:$0x2]  }
0x836: {  	s0 =	sadd.s32 @!p0 $0x100000, s0  }
0x837: {  	[sflag:s0] =	ssyncadd.tile.s32 @!p0 $0x1;
	_ =	shalt  }
.Lfunc_end2:
_tile_overlayer_lowered:
.L_overlay_start_2:
0x838: {  	(tag) =	ssettag $0x2  }
0x839: {  	s0 =	rddreg [dreg:$0x0];
	s2 =	stileid.u32  }
0x83a: {  	s1 =	rddreg [dreg:$0x1];
	p0 =	sne.s32 s2, $0x0  }
0x83b: {  	s3 =	rddreg [dreg:$0x2];
	[bflag:$0x3] =	sbarrier.arrive $0xFFFF;
	s2 =	simm.s32 @!p0 $0x1C06  }
0x83c: {  	[timem:s3], [sflag:s2] =	dma.local @!p0 [hbm:s0], s1  }
0x83d: {  	s0 =	simm.s32 @!p0 $0x6  }
0x83e: {  	_ =	swait.ge @!p0 [sflag:s0], s1  }
0x83f: {  	s1 =	ssub.s32 @!p0 $0x0, s1;
	[sflag:s0] =	ssyncset.done @!p0 $0x0  }
0x840: {  	[sflag:s0] =	ssyncadd.s32 @!p0 s1  }
0x841: {  	[bflag:$0x3] =	sbarrier.arrive $0xFFFF  }
0x842: {  	_ =	shalt  }

</sc_bundles>
